<compile_context>
chip_gen: v7x
topology: tpu7x:2x2x1
jax: 0.10.2.dev20260603
libtpu: 0.0.44.dev20260713+nightly
codegen_flags: <defaults>
</compile_context>

<pallas_src>
import functools

import jax
import jax.numpy as jnp
from jax import lax
from jax.experimental import pallas as pl
from jax.experimental.pallas import tpu as pltpu
from jax.experimental.pallas import tpu_sc as plsc

NUM_GRAPHS = 256
NC = 2
NS = 16
NW = NC * NS
L = 16

ACCW = 385
REDW = 384
RED = 3 * REDW

EB = 10000
EU = 5

NR = 3200


def _sc_body(pxf, txf, n2g, pq, tq, e2g,
             out,
             p_buf, t_buf, g_buf,
             np_buf, nt_buf, ng_buf,
             acc_x, acc_c, acc_q,
             red_buf, big_buf, res_buf,
             shared,
             sem0, sem1,
             *, e_per_w, n_last, n_total):
    c = lax.axis_index("c")
    s = lax.axis_index("s")
    wid = c * NS + s
    iota = lax.iota(jnp.int32, L)
    lane_base = iota * ACCW
    zeros = jnp.zeros((L,), jnp.float32)
    ones = jnp.ones((L,), jnp.float32)
    n_blk = e_per_w // EB
    sems = (sem0, sem1)

    eb_base = wid * e_per_w

    def start_block(b):
        slot = b % 2
        base = eb_base + b * EB
        return (
            pltpu.async_copy(pq.at[pl.ds(base, EB)],
                             p_buf.at[pl.ds(slot * EB, EB)], sems[slot]),
            pltpu.async_copy(tq.at[pl.ds(base, EB)],
                             t_buf.at[pl.ds(slot * EB, EB)], sems[slot]),
            pltpu.async_copy(e2g.at[pl.ds(base, EB)],
                             g_buf.at[pl.ds(slot * EB, EB)], sems[slot]),
        )

    inflight = {0: start_block(0)}

    def zbody(j, _):
        acc_x[pl.ds(j * L, L)] = zeros
        acc_c[pl.ds(j * L, L)] = zeros
        acc_q[pl.ds(j * L, L)] = zeros
        return 0
    lax.fori_loop(0, (L * ACCW) // L, zbody, 0)

    def node_part(nrows):
        rbase = wid * NR
        for plane in range(3):
            pltpu.sync_copy(pxf.at[pl.ds(plane * n_total + rbase, nrows)],
                            np_buf.at[pl.ds(plane * NR, nrows)])
            pltpu.sync_copy(txf.at[pl.ds(plane * n_total + rbase, nrows)],
                            nt_buf.at[pl.ds(plane * NR, nrows)])
        pltpu.sync_copy(n2g.at[pl.ds(rbase, nrows)],
                        ng_buf.at[pl.ds(0, nrows)])

        def nbody(v, _):
            o = v * L
            d0 = np_buf[pl.ds(o, L)] - nt_buf[pl.ds(o, L)]
            d1 = np_buf[pl.ds(NR + o, L)] - nt_buf[pl.ds(NR + o, L)]
            d2 = np_buf[pl.ds(2 * NR + o, L)] - nt_buf[pl.ds(2 * NR + o, L)]
            e2 = d0 * d0 + d1 * d1 + d2 * d2
            idx = lane_base + ng_buf[pl.ds(o, L)]
            plsc.addupdate_scatter(acc_x, [idx], e2)
            plsc.addupdate_scatter(acc_c, [idx], ones)
            return 0
        lax.fori_loop(0, nrows // L, nbody, 0)

    @pl.when(wid < NW - 1)
    def _():
        node_part(NR)

    @pl.when(wid == NW - 1)
    def _():
        node_part(n_last)

    for b in range(n_blk):
        slot = b % 2
        if b + 1 < n_blk:
            inflight[b + 1] = start_block(b + 1)
        for h in inflight.pop(b):
            h.wait()
        sbase = slot * EB

        def ebody(v, _):
            off = sbase + v * (EU * L)
            ps = [p_buf[pl.ds(off + u * L, L)] for u in range(EU)]
            ts = [t_buf[pl.ds(off + u * L, L)] for u in range(EU)]
            gs = [g_buf[pl.ds(off + u * L, L)] for u in range(EU)]
            idxs = [lane_base + g for g in gs]
            sqs = [(p - t) * (p - t) for p, t in zip(ps, ts)]
            for u in range(EU):
                plsc.addupdate_scatter(acc_q, [idxs[u]], sqs[u])
            return 0
        lax.fori_loop(0, EB // (EU * L), ebody, 0)

    def rbody(j, _):
        col = j * L
        sx = zeros
        sc = zeros
        sq = zeros
        for i in range(L):
            gidx = i * ACCW + col + iota
            sx = sx + plsc.load_gather(acc_x, [gidx])
            sc = sc + plsc.load_gather(acc_c, [gidx])
            sq = sq + plsc.load_gather(acc_q, [gidx])
        red_buf[pl.ds(col, L)] = sx
        red_buf[pl.ds(REDW + col, L)] = sc
        red_buf[pl.ds(2 * REDW + col, L)] = sq
        return 0
    lax.fori_loop(0, REDW // L, rbody, 0)

    pltpu.sync_copy(red_buf, shared.at[pl.ds(s * RED, RED)])
    plsc.subcore_barrier()

    @pl.when(s == 0)
    def _():
        pltpu.sync_copy(shared, big_buf)

        def fbody(j, _):
            col = j * L
            acc = zeros
            for i in range(NS):
                acc = acc + big_buf[pl.ds(i * RED + col, L)]
            res_buf[pl.ds(col, L)] = acc
            return 0
        lax.fori_loop(0, RED // L, fbody, 0)
        pltpu.sync_copy(res_buf, out.at[pl.ds(c * RED, RED)])


def _fin_body(p_ref, o1_ref, o2_ref):
    p = p_ref[...]
    t = p[0] + p[1]
    sx = t[0:1, :]
    cnt = t[1:2, :]
    sq = t[2:3, :]
    rmsd = jnp.sqrt(sx / jnp.maximum(cnt, 1.0))
    o1_ref[0, 0] = jnp.sum(rmsd) * (1.0 / NUM_GRAPHS)
    o2_ref[0, 0] = jnp.sum(jnp.sqrt(sq)) * (1.0 / NUM_GRAPHS)


def kernel(pred_x, pred_q, target_x, target_q, edge2graph, node2graph,
           atom_type, edge_r, edge_p):
    n = node2graph.shape[0]
    e = edge2graph.shape[0]
    assert e % (NW * L) == 0 and (e // NW) % EB == 0
    e_per_w = e // NW

    n_last = n - (NW - 1) * NR
    assert 0 < n_last <= NR and n_last % L == 0

    pxf = pred_x.T.reshape(3 * n)
    txf = target_x.T.reshape(3 * n)

    sc_call = pl.kernel(
        functools.partial(_sc_body, e_per_w=e_per_w, n_last=n_last,
                          n_total=n),
        out_type=jax.ShapeDtypeStruct((NC * RED,), jnp.float32),
        mesh=plsc.VectorSubcoreMesh(core_axis_name="c", subcore_axis_name="s"),
        compiler_params=pltpu.CompilerParams(needs_layout_passes=False,
                                             use_tc_tiling_on_sc=False),
        scratch_types=[
            pltpu.VMEM((2 * EB,), jnp.float32),
            pltpu.VMEM((2 * EB,), jnp.float32),
            pltpu.VMEM((2 * EB,), jnp.int32),
            pltpu.VMEM((3 * NR,), jnp.float32),
            pltpu.VMEM((3 * NR,), jnp.float32),
            pltpu.VMEM((NR,), jnp.int32),
            pltpu.VMEM((L * ACCW,), jnp.float32),
            pltpu.VMEM((L * ACCW,), jnp.float32),
            pltpu.VMEM((L * ACCW,), jnp.float32),
            pltpu.VMEM((RED,), jnp.float32),
            pltpu.VMEM((NS * RED,), jnp.float32),
            pltpu.VMEM((RED,), jnp.float32),
            pltpu.VMEM_SHARED((NS * RED,), jnp.float32),
            pltpu.SemaphoreType.DMA,
            pltpu.SemaphoreType.DMA,
        ],
    )
    partials = sc_call(pxf, txf, node2graph, pred_q, target_q, edge2graph)
    partials = partials.reshape(NC, 3, REDW)

    r1, r2 = pl.pallas_call(
        _fin_body,
        out_shape=(jax.ShapeDtypeStruct((1, 1), jnp.float32),
                   jax.ShapeDtypeStruct((1, 1), jnp.float32)),
        in_specs=[pl.BlockSpec(memory_space=pltpu.VMEM)],
        out_specs=(pl.BlockSpec(memory_space=pltpu.SMEM),
                   pl.BlockSpec(memory_space=pltpu.SMEM)),
    )(partials)
    return (r1[0, 0], r2[0, 0])

# --- scband reference (transcript-rebuilt; emitter-appended) ---
"""Pipeline reference for scband-train-metrics-45157286150870 (READ-ONLY COPY).

The authoritative reference and input builder live on the scoring server;
editing this copy changes nothing except your own understanding.
"""

import jax, jax.numpy as jnp
import numpy as np

NUM_GRAPHS = 256
N_NODES = 100000
N_EDGES = 3200000


def setup_inputs(seed: int = 0) -> dict:
    key = jax.random.key(seed)
    ks = jax.random.split(key, 9)
    pred_x = jax.random.normal(ks[0], (N_NODES, 3), dtype=jnp.float32)
    target_x = jax.random.normal(ks[1], (N_NODES, 3), dtype=jnp.float32)
    pred_q = jax.random.normal(ks[2], (N_EDGES,), dtype=jnp.float32)
    target_q = jax.random.normal(ks[3], (N_EDGES,), dtype=jnp.float32)
    node2graph = jnp.sort(jax.random.randint(ks[4], (N_NODES,), 0, NUM_GRAPHS, dtype=jnp.int32))
    edge2graph = jnp.sort(jax.random.randint(ks[5], (N_EDGES,), 0, NUM_GRAPHS, dtype=jnp.int32))
    atom_type = jax.random.randint(ks[6], (N_NODES,), 0, 100, dtype=jnp.int32)
    edge_r = jax.random.randint(ks[7], (N_EDGES,), 0, N_NODES, dtype=jnp.int32)
    edge_p = jax.random.randint(ks[8], (N_EDGES,), 0, N_NODES, dtype=jnp.int32)
    return {
        'pred_x': pred_x,
        'pred_q': pred_q,
        'target_x': target_x,
        'target_q': target_q,
        'edge2graph': edge2graph,
        'node2graph': node2graph,
        'atom_type': atom_type,
        'edge_r': edge_r,
        'edge_p': edge_p,
    }


def reference(pred_x, pred_q, target_x, target_q, edge2graph, node2graph, atom_type, edge_r, edge_p):
    # MetricRMSD.update: per-node squared error, scatter_mean over graphs, sqrt, batch-mean
    square_err_x = jnp.sum((pred_x - target_x) ** 2, axis=-1)  # (n,)
    seg_sum_x = jax.ops.segment_sum(square_err_x, node2graph, num_segments=NUM_GRAPHS)
    counts = jax.ops.segment_sum(jnp.ones_like(square_err_x), node2graph, num_segments=NUM_GRAPHS)
    rmsd = jnp.sqrt(seg_sum_x / jnp.maximum(counts, 1.0))  # scatter_mean semantics (count clamped at 1)
    rmsd_metric = jnp.sum(rmsd) / rmsd.size

    # MetricNorm.update: per-edge squared error, scatter_sum over graphs, sqrt, batch-mean
    square_err_q = (pred_q - target_q) ** 2  # (E,)
    seg_sum_q = jax.ops.segment_sum(square_err_q, edge2graph, num_segments=NUM_GRAPHS)
    norm = jnp.sqrt(seg_sum_q)
    norm_metric = jnp.sum(norm) / norm.size

    return (rmsd_metric, norm_metric)

if __name__ == "__main__":
    import jax
    _d = setup_inputs()
    print(jax.jit(kernel)(*tuple(_d.values())))

</pallas_src>

<mosaic_0001>
#map = affine_map<(d0, d1) -> (0)>
module attributes {stable_mosaic.version = 14 : i64} {
  func.func @_sc_body(%arg0: i32, %arg1: i32, %arg2: memref<300000xf32, #tpu.memory_space<hbm>>, %arg3: memref<300000xf32, #tpu.memory_space<hbm>>, %arg4: memref<100000xi32, #tpu.memory_space<hbm>>, %arg5: memref<3200000xf32, #tpu.memory_space<hbm>>, %arg6: memref<3200000xf32, #tpu.memory_space<hbm>>, %arg7: memref<3200000xi32, #tpu.memory_space<hbm>>, %arg8: memref<2304xf32, #tpu.memory_space<hbm>>, %arg9: memref<20000xf32, #tpu.memory_space<vmem>>, %arg10: memref<20000xf32, #tpu.memory_space<vmem>>, %arg11: memref<20000xi32, #tpu.memory_space<vmem>>, %arg12: memref<9600xf32, #tpu.memory_space<vmem>>, %arg13: memref<9600xf32, #tpu.memory_space<vmem>>, %arg14: memref<3200xi32, #tpu.memory_space<vmem>>, %arg15: memref<6160xf32, #tpu.memory_space<vmem>>, %arg16: memref<6160xf32, #tpu.memory_space<vmem>>, %arg17: memref<6160xf32, #tpu.memory_space<vmem>>, %arg18: memref<1152xf32, #tpu.memory_space<vmem>>, %arg19: memref<18432xf32, #tpu.memory_space<vmem>>, %arg20: memref<1152xf32, #tpu.memory_space<vmem>>, %arg21: memref<18432xf32, #tpu.memory_space<vmem_shared>>, %arg22: memref<!tpu.dma_semaphore, #tpu.memory_space<semaphore_mem>>, %arg23: memref<!tpu.dma_semaphore, #tpu.memory_space<semaphore_mem>>) attributes {dimension_semantics = [#tpu.dimension_semantics<core_parallel>, #tpu.dimension_semantics<subcore_parallel>], iteration_bounds = array<i64: 2, 16>, scalar_prefetch = 0 : i64, scratch_operands = 15 : i64, tpu.core_type = #tpu.core_type<sc_vector_subcore>, window_params = [{transform_indices = #map}, {transform_indices = #map}, {transform_indices = #map}, {transform_indices = #map}, {transform_indices = #map}, {transform_indices = #map}, {transform_indices = #map}]} {
    %mul3A = arith.constant 16 : i32
    %mul3A_0 = arith.muli %arg0, %mul3A : i32
    %add3A = arith.addi %mul3A_0, %arg1 : i32
    %iota3A = tpu.iota {dimensions = array<i32: 0>} : vector<16xi32>
    %mul3A_1 = arith.constant 385 : i32
    %mul3A_2 = vector.broadcast %mul3A_1 : i32 to vector<16xi32>
    %mul3A_3 = arith.muli %iota3A, %mul3A_2 : vector<16xi32>
    %broadcast_in_dim3A = arith.constant 0.000000e+00 : f32
    %broadcast_in_dim3A_4 = vector.broadcast %broadcast_in_dim3A : f32 to vector<16xf32>
    %broadcast_in_dim3A_5 = arith.constant 1.000000e+00 : f32
    %broadcast_in_dim3A_6 = vector.broadcast %broadcast_in_dim3A_5 : f32 to vector<16xf32>
    %mul3A_7 = arith.constant 100000 : i32
    %mul3A_8 = arith.muli %add3A, %mul3A_7 : i32
    %add3A_9 = arith.constant 0 : i32
    %add3A_10 = arith.addi %mul3A_8, %add3A_9 : i32
    %dma_start3A = arith.constant 0 : i32
    %dma_start3A_11 = tpu.memref_slice %arg9[%dma_start3A] : memref<20000xf32, #tpu.memory_space<vmem>> -> memref<10000xf32, #tpu.memory_space<vmem>>
    %dma_start3A_12 = tpu.memref_slice %arg5[%add3A_10] : memref<3200000xf32, #tpu.memory_space<hbm>> -> memref<10000xf32, #tpu.memory_space<hbm>>
    %dma_start3A_13 = arith.constant 0 : i32
    %dma_start3A_14 = tpu.memref_slice %arg9[%dma_start3A_13] : memref<20000xf32, #tpu.memory_space<vmem>> -> memref<10000xf32, #tpu.memory_space<vmem>>
    %dma_start3A_15 = tpu.memref_slice %arg5[%add3A_10] : memref<3200000xf32, #tpu.memory_space<hbm>> -> memref<10000xf32, #tpu.memory_space<hbm>>
    tpu.enqueue_dma source(%dma_start3A_15 : memref<10000xf32, #tpu.memory_space<hbm>>) target(%dma_start3A_14 : memref<10000xf32, #tpu.memory_space<vmem>>) target_semaphore(%arg22 : memref<!tpu.dma_semaphore, #tpu.memory_space<semaphore_mem>>)
    %dma_start3A_16 = arith.constant 0 : i32
    %dma_start3A_17 = tpu.memref_slice %arg10[%dma_start3A_16] : memref<20000xf32, #tpu.memory_space<vmem>> -> memref<10000xf32, #tpu.memory_space<vmem>>
    %dma_start3A_18 = tpu.memref_slice %arg6[%add3A_10] : memref<3200000xf32, #tpu.memory_space<hbm>> -> memref<10000xf32, #tpu.memory_space<hbm>>
    %dma_start3A_19 = arith.constant 0 : i32
    %dma_start3A_20 = tpu.memref_slice %arg10[%dma_start3A_19] : memref<20000xf32, #tpu.memory_space<vmem>> -> memref<10000xf32, #tpu.memory_space<vmem>>
    %dma_start3A_21 = tpu.memref_slice %arg6[%add3A_10] : memref<3200000xf32, #tpu.memory_space<hbm>> -> memref<10000xf32, #tpu.memory_space<hbm>>
    tpu.enqueue_dma source(%dma_start3A_21 : memref<10000xf32, #tpu.memory_space<hbm>>) target(%dma_start3A_20 : memref<10000xf32, #tpu.memory_space<vmem>>) target_semaphore(%arg22 : memref<!tpu.dma_semaphore, #tpu.memory_space<semaphore_mem>>)
    %dma_start3A_22 = arith.constant 0 : i32
    %dma_start3A_23 = tpu.memref_slice %arg11[%dma_start3A_22] : memref<20000xi32, #tpu.memory_space<vmem>> -> memref<10000xi32, #tpu.memory_space<vmem>>
    %dma_start3A_24 = tpu.memref_slice %arg7[%add3A_10] : memref<3200000xi32, #tpu.memory_space<hbm>> -> memref<10000xi32, #tpu.memory_space<hbm>>
    %dma_start3A_25 = arith.constant 0 : i32
    %dma_start3A_26 = tpu.memref_slice %arg11[%dma_start3A_25] : memref<20000xi32, #tpu.memory_space<vmem>> -> memref<10000xi32, #tpu.memory_space<vmem>>
    %dma_start3A_27 = tpu.memref_slice %arg7[%add3A_10] : memref<3200000xi32, #tpu.memory_space<hbm>> -> memref<10000xi32, #tpu.memory_space<hbm>>
    tpu.enqueue_dma source(%dma_start3A_27 : memref<10000xi32, #tpu.memory_space<hbm>>) target(%dma_start3A_26 : memref<10000xi32, #tpu.memory_space<vmem>>) target_semaphore(%arg22 : memref<!tpu.dma_semaphore, #tpu.memory_space<semaphore_mem>>)
    %scan3A = arith.constant 0 : i32
    %scan3A_28 = arith.constant 0 : i32
    %scan3A_29 = arith.constant 385 : i32
    %scan3A_30 = arith.addi %scan3A_28, %scan3A_29 : i32
    %scan3A_31 = arith.constant 1 : i32
    %scan3A_32 = scf.for %scan3A_483 = %scan3A_28 to %scan3A_30 step %scan3A_31 iter_args(%scan3A_484 = %scan3A) -> (i32)  : i32 {
      %mul3A_485 = arith.constant 16 : i32
      %mul3A_486 = arith.muli %scan3A_483, %mul3A_485 : i32
      %swap3A = arith.index_cast %mul3A_486 : i32 to index
      %swap3A_487 = tpu.vector_load %arg15[%swap3A] {strides = array<i32>} : memref<6160xf32, #tpu.memory_space<vmem>>, vector<16xf32>,
      tpu.vector_store %arg15[%swap3A], %broadcast_in_dim3A_4 {strides = array<i32>} : memref<6160xf32, #tpu.memory_space<vmem>>, vector<16xf32>,
      %mul3A_488 = arith.constant 16 : i32
      %mul3A_489 = arith.muli %scan3A_483, %mul3A_488 : i32
      %swap3A_490 = arith.index_cast %mul3A_489 : i32 to index
      %swap3A_491 = tpu.vector_load %arg16[%swap3A_490] {strides = array<i32>} : memref<6160xf32, #tpu.memory_space<vmem>>, vector<16xf32>,
      tpu.vector_store %arg16[%swap3A_490], %broadcast_in_dim3A_4 {strides = array<i32>} : memref<6160xf32, #tpu.memory_space<vmem>>, vector<16xf32>,
      %mul3A_492 = arith.constant 16 : i32
      %mul3A_493 = arith.muli %scan3A_483, %mul3A_492 : i32
      %swap3A_494 = arith.index_cast %mul3A_493 : i32 to index
      %swap3A_495 = tpu.vector_load %arg17[%swap3A_494] {strides = array<i32>} : memref<6160xf32, #tpu.memory_space<vmem>>, vector<16xf32>,
      tpu.vector_store %arg17[%swap3A_494], %broadcast_in_dim3A_4 {strides = array<i32>} : memref<6160xf32, #tpu.memory_space<vmem>>, vector<16xf32>,
      %scan3A_496 = arith.constant 0 : i32
      scf.yield %scan3A_496 : i32
    }
    %scan3A_33 = arith.constant 385 : i32
    %lt3A = arith.constant 31 : i32
    %lt3A_34 = arith.cmpi slt, %add3A, %lt3A : i32
    %convert_element_type3A = arith.extui %lt3A_34 : i1 to i32
    %cond3A = arith.constant 0 : i32
    %cond3A_35 = arith.cmpi ne, %convert_element_type3A, %cond3A : i32
    scf.if %cond3A_35 {
      %mul3A_483 = arith.constant 3200 : i32
      %mul3A_484 = arith.muli %add3A, %mul3A_483 : i32
      %add3A_485 = arith.constant 0 : i32
      %add3A_486 = arith.addi %add3A_485, %mul3A_484 : i32
      "tpu.region"() ({
        %run_scoped3A = tpu.sem_alloc : memref<!tpu.dma_semaphore, #tpu.memory_space<semaphore_mem>>
        %dma_start3A_504 = arith.constant 0 : i32
        %dma_start3A_505 = tpu.memref_slice %arg12[%dma_start3A_504] : memref<9600xf32, #tpu.memory_space<vmem>> -> memref<3200xf32, #tpu.memory_space<vmem>>
        %dma_start3A_506 = tpu.memref_slice %arg2[%add3A_486] : memref<300000xf32, #tpu.memory_space<hbm>> -> memref<3200xf32, #tpu.memory_space<hbm>>
        %dma_start3A_507 = arith.constant 0 : i32
        %dma_start3A_508 = tpu.memref_slice %arg12[%dma_start3A_507] : memref<9600xf32, #tpu.memory_space<vmem>> -> memref<3200xf32, #tpu.memory_space<vmem>>
        %dma_start3A_509 = tpu.memref_slice %arg2[%add3A_486] : memref<300000xf32, #tpu.memory_space<hbm>> -> memref<3200xf32, #tpu.memory_space<hbm>>
        tpu.enqueue_dma source(%dma_start3A_509 : memref<3200xf32, #tpu.memory_space<hbm>>) target(%dma_start3A_508 : memref<3200xf32, #tpu.memory_space<vmem>>) target_semaphore(%run_scoped3A : memref<!tpu.dma_semaphore, #tpu.memory_space<semaphore_mem>>)
        %dma_wait3A_510 = arith.constant 0 : i32
        %dma_wait3A_511 = tpu.memref_slice %arg12[%dma_wait3A_510] : memref<9600xf32, #tpu.memory_space<vmem>> -> memref<3200xf32, #tpu.memory_space<vmem>>
        %dma_wait3A_512 = tpu.memref_slice %arg2[%add3A_486] : memref<300000xf32, #tpu.memory_space<hbm>> -> memref<3200xf32, #tpu.memory_space<hbm>>
        %dma_wait3A_513 = arith.constant 0 : i32
        %dma_wait3A_514 = tpu.memref_slice %arg12[%dma_wait3A_513] : memref<9600xf32, #tpu.memory_space<vmem>> -> memref<3200xf32, #tpu.memory_space<vmem>>
        %dma_wait3A_515 = tpu.memref_slice %arg2[%add3A_486] : memref<300000xf32, #tpu.memory_space<hbm>> -> memref<3200xf32, #tpu.memory_space<hbm>>
        tpu.wait_dma2 semaphore(%run_scoped3A : memref<!tpu.dma_semaphore, #tpu.memory_space<semaphore_mem>>) src(%dma_wait3A_515 : memref<3200xf32, #tpu.memory_space<hbm>>) dst(%dma_wait3A_514 : memref<3200xf32, #tpu.memory_space<vmem>>)
        tpu.yield
      }) : () -> ()
      %add3A_487 = arith.constant 0 : i32
      %add3A_488 = arith.addi %add3A_487, %mul3A_484 : i32
      "tpu.region"() ({
        %run_scoped3A = tpu.sem_alloc : memref<!tpu.dma_semaphore, #tpu.memory_space<semaphore_mem>>
        %dma_start3A_504 = arith.constant 0 : i32
        %dma_start3A_505 = tpu.memref_slice %arg13[%dma_start3A_504] : memref<9600xf32, #tpu.memory_space<vmem>> -> memref<3200xf32, #tpu.memory_space<vmem>>
        %dma_start3A_506 = tpu.memref_slice %arg3[%add3A_488] : memref<300000xf32, #tpu.memory_space<hbm>> -> memref<3200xf32, #tpu.memory_space<hbm>>
        %dma_start3A_507 = arith.constant 0 : i32
        %dma_start3A_508 = tpu.memref_slice %arg13[%dma_start3A_507] : memref<9600xf32, #tpu.memory_space<vmem>> -> memref<3200xf32, #tpu.memory_space<vmem>>
        %dma_start3A_509 = tpu.memref_slice %arg3[%add3A_488] : memref<300000xf32, #tpu.memory_space<hbm>> -> memref<3200xf32, #tpu.memory_space<hbm>>
        tpu.enqueue_dma source(%dma_start3A_509 : memref<3200xf32, #tpu.memory_space<hbm>>) target(%dma_start3A_508 : memref<3200xf32, #tpu.memory_space<vmem>>) target_semaphore(%run_scoped3A : memref<!tpu.dma_semaphore, #tpu.memory_space<semaphore_mem>>)
        %dma_wait3A_510 = arith.constant 0 : i32
        %dma_wait3A_511 = tpu.memref_slice %arg13[%dma_wait3A_510] : memref<9600xf32, #tpu.memory_space<vmem>> -> memref<3200xf32, #tpu.memory_space<vmem>>
        %dma_wait3A_512 = tpu.memref_slice %arg3[%add3A_488] : memref<300000xf32, #tpu.memory_space<hbm>> -> memref<3200xf32, #tpu.memory_space<hbm>>
        %dma_wait3A_513 = arith.constant 0 : i32
        %dma_wait3A_514 = tpu.memref_slice %arg13[%dma_wait3A_513] : memref<9600xf32, #tpu.memory_space<vmem>> -> memref<3200xf32, #tpu.memory_space<vmem>>
        %dma_wait3A_515 = tpu.memref_slice %arg3[%add3A_488] : memref<300000xf32, #tpu.memory_space<hbm>> -> memref<3200xf32, #tpu.memory_space<hbm>>
        tpu.wait_dma2 semaphore(%run_scoped3A : memref<!tpu.dma_semaphore, #tpu.memory_space<semaphore_mem>>) src(%dma_wait3A_515 : memref<3200xf32, #tpu.memory_space<hbm>>) dst(%dma_wait3A_514 : memref<3200xf32, #tpu.memory_space<vmem>>)
        tpu.yield
      }) : () -> ()
      %add3A_489 = arith.constant 100000 : i32
      %add3A_490 = arith.addi %add3A_489, %mul3A_484 : i32
      "tpu.region"() ({
        %run_scoped3A = tpu.sem_alloc : memref<!tpu.dma_semaphore, #tpu.memory_space<semaphore_mem>>
        %dma_start3A_504 = arith.constant 3200 : i32
        %dma_start3A_505 = tpu.memref_slice %arg12[%dma_start3A_504] : memref<9600xf32, #tpu.memory_space<vmem>> -> memref<3200xf32, #tpu.memory_space<vmem>>
        %dma_start3A_506 = tpu.memref_slice %arg2[%add3A_490] : memref<300000xf32, #tpu.memory_space<hbm>> -> memref<3200xf32, #tpu.memory_space<hbm>>
        %dma_start3A_507 = arith.constant 3200 : i32
        %dma_start3A_508 = tpu.memref_slice %arg12[%dma_start3A_507] : memref<9600xf32, #tpu.memory_space<vmem>> -> memref<3200xf32, #tpu.memory_space<vmem>>
        %dma_start3A_509 = tpu.memref_slice %arg2[%add3A_490] : memref<300000xf32, #tpu.memory_space<hbm>> -> memref<3200xf32, #tpu.memory_space<hbm>>
        tpu.enqueue_dma source(%dma_start3A_509 : memref<3200xf32, #tpu.memory_space<hbm>>) target(%dma_start3A_508 : memref<3200xf32, #tpu.memory_space<vmem>>) target_semaphore(%run_scoped3A : memref<!tpu.dma_semaphore, #tpu.memory_space<semaphore_mem>>)
        %dma_wait3A_510 = arith.constant 3200 : i32
        %dma_wait3A_511 = tpu.memref_slice %arg12[%dma_wait3A_510] : memref<9600xf32, #tpu.memory_space<vmem>> -> memref<3200xf32, #tpu.memory_space<vmem>>
        %dma_wait3A_512 = tpu.memref_slice %arg2[%add3A_490] : memref<300000xf32, #tpu.memory_space<hbm>> -> memref<3200xf32, #tpu.memory_space<hbm>>
        %dma_wait3A_513 = arith.constant 3200 : i32
        %dma_wait3A_514 = tpu.memref_slice %arg12[%dma_wait3A_513] : memref<9600xf32, #tpu.memory_space<vmem>> -> memref<3200xf32, #tpu.memory_space<vmem>>
        %dma_wait3A_515 = tpu.memref_slice %arg2[%add3A_490] : memref<300000xf32, #tpu.memory_space<hbm>> -> memref<3200xf32, #tpu.memory_space<hbm>>
        tpu.wait_dma2 semaphore(%run_scoped3A : memref<!tpu.dma_semaphore, #tpu.memory_space<semaphore_mem>>) src(%dma_wait3A_515 : memref<3200xf32, #tpu.memory_space<hbm>>) dst(%dma_wait3A_514 : memref<3200xf32, #tpu.memory_space<vmem>>)
        tpu.yield
      }) : () -> ()
      %add3A_491 = arith.constant 100000 : i32
      %add3A_492 = arith.addi %add3A_491, %mul3A_484 : i32
      "tpu.region"() ({
        %run_scoped3A = tpu.sem_alloc : memref<!tpu.dma_semaphore, #tpu.memory_space<semaphore_mem>>
        %dma_start3A_504 = arith.constant 3200 : i32
        %dma_start3A_505 = tpu.memref_slice %arg13[%dma_start3A_504] : memref<9600xf32, #tpu.memory_space<vmem>> -> memref<3200xf32, #tpu.memory_space<vmem>>
        %dma_start3A_506 = tpu.memref_slice %arg3[%add3A_492] : memref<300000xf32, #tpu.memory_space<hbm>> -> memref<3200xf32, #tpu.memory_space<hbm>>
        %dma_start3A_507 = arith.constant 3200 : i32
        %dma_start3A_508 = tpu.memref_slice %arg13[%dma_start3A_507] : memref<9600xf32, #tpu.memory_space<vmem>> -> memref<3200xf32, #tpu.memory_space<vmem>>
        %dma_start3A_509 = tpu.memref_slice %arg3[%add3A_492] : memref<300000xf32, #tpu.memory_space<hbm>> -> memref<3200xf32, #tpu.memory_space<hbm>>
        tpu.enqueue_dma source(%dma_start3A_509 : memref<3200xf32, #tpu.memory_space<hbm>>) target(%dma_start3A_508 : memref<3200xf32, #tpu.memory_space<vmem>>) target_semaphore(%run_scoped3A : memref<!tpu.dma_semaphore, #tpu.memory_space<semaphore_mem>>)
        %dma_wait3A_510 = arith.constant 3200 : i32
        %dma_wait3A_511 = tpu.memref_slice %arg13[%dma_wait3A_510] : memref<9600xf32, #tpu.memory_space<vmem>> -> memref<3200xf32, #tpu.memory_space<vmem>>
        %dma_wait3A_512 = tpu.memref_slice %arg3[%add3A_492] : memref<300000xf32, #tpu.memory_space<hbm>> -> memref<3200xf32, #tpu.memory_space<hbm>>
        %dma_wait3A_513 = arith.constant 3200 : i32
        %dma_wait3A_514 = tpu.memref_slice %arg13[%dma_wait3A_513] : memref<9600xf32, #tpu.memory_space<vmem>> -> memref<3200xf32, #tpu.memory_space<vmem>>
        %dma_wait3A_515 = tpu.memref_slice %arg3[%add3A_492] : memref<300000xf32, #tpu.memory_space<hbm>> -> memref<3200xf32, #tpu.memory_space<hbm>>
        tpu.wait_dma2 semaphore(%run_scoped3A : memref<!tpu.dma_semaphore, #tpu.memory_space<semaphore_mem>>) src(%dma_wait3A_515 : memref<3200xf32, #tpu.memory_space<hbm>>) dst(%dma_wait3A_514 : memref<3200xf32, #tpu.memory_space<vmem>>)
        tpu.yield
      }) : () -> ()
      %add3A_493 = arith.constant 200000 : i32
      %add3A_494 = arith.addi %add3A_493, %mul3A_484 : i32
      "tpu.region"() ({
        %run_scoped3A = tpu.sem_alloc : memref<!tpu.dma_semaphore, #tpu.memory_space<semaphore_mem>>
        %dma_start3A_504 = arith.constant 6400 : i32
        %dma_start3A_505 = tpu.memref_slice %arg12[%dma_start3A_504] : memref<9600xf32, #tpu.memory_space<vmem>> -> memref<3200xf32, #tpu.memory_space<vmem>>
        %dma_start3A_506 = tpu.memref_slice %arg2[%add3A_494] : memref<300000xf32, #tpu.memory_space<hbm>> -> memref<3200xf32, #tpu.memory_space<hbm>>
        %dma_start3A_507 = arith.constant 6400 : i32
        %dma_start3A_508 = tpu.memref_slice %arg12[%dma_start3A_507] : memref<9600xf32, #tpu.memory_space<vmem>> -> memref<3200xf32, #tpu.memory_space<vmem>>
        %dma_start3A_509 = tpu.memref_slice %arg2[%add3A_494] : memref<300000xf32, #tpu.memory_space<hbm>> -> memref<3200xf32, #tpu.memory_space<hbm>>
        tpu.enqueue_dma source(%dma_start3A_509 : memref<3200xf32, #tpu.memory_space<hbm>>) target(%dma_start3A_508 : memref<3200xf32, #tpu.memory_space<vmem>>) target_semaphore(%run_scoped3A : memref<!tpu.dma_semaphore, #tpu.memory_space<semaphore_mem>>)
        %dma_wait3A_510 = arith.constant 6400 : i32
        %dma_wait3A_511 = tpu.memref_slice %arg12[%dma_wait3A_510] : memref<9600xf32, #tpu.memory_space<vmem>> -> memref<3200xf32, #tpu.memory_space<vmem>>
        %dma_wait3A_512 = tpu.memref_slice %arg2[%add3A_494] : memref<300000xf32, #tpu.memory_space<hbm>> -> memref<3200xf32, #tpu.memory_space<hbm>>
        %dma_wait3A_513 = arith.constant 6400 : i32
        %dma_wait3A_514 = tpu.memref_slice %arg12[%dma_wait3A_513] : memref<9600xf32, #tpu.memory_space<vmem>> -> memref<3200xf32, #tpu.memory_space<vmem>>
        %dma_wait3A_515 = tpu.memref_slice %arg2[%add3A_494] : memref<300000xf32, #tpu.memory_space<hbm>> -> memref<3200xf32, #tpu.memory_space<hbm>>
        tpu.wait_dma2 semaphore(%run_scoped3A : memref<!tpu.dma_semaphore, #tpu.memory_space<semaphore_mem>>) src(%dma_wait3A_515 : memref<3200xf32, #tpu.memory_space<hbm>>) dst(%dma_wait3A_514 : memref<3200xf32, #tpu.memory_space<vmem>>)
        tpu.yield
      }) : () -> ()
      %add3A_495 = arith.constant 200000 : i32
      %add3A_496 = arith.addi %add3A_495, %mul3A_484 : i32
      "tpu.region"() ({
        %run_scoped3A = tpu.sem_alloc : memref<!tpu.dma_semaphore, #tpu.memory_space<semaphore_mem>>
        %dma_start3A_504 = arith.constant 6400 : i32
        %dma_start3A_505 = tpu.memref_slice %arg13[%dma_start3A_504] : memref<9600xf32, #tpu.memory_space<vmem>> -> memref<3200xf32, #tpu.memory_space<vmem>>
        %dma_start3A_506 = tpu.memref_slice %arg3[%add3A_496] : memref<300000xf32, #tpu.memory_space<hbm>> -> memref<3200xf32, #tpu.memory_space<hbm>>
        %dma_start3A_507 = arith.constant 6400 : i32
        %dma_start3A_508 = tpu.memref_slice %arg13[%dma_start3A_507] : memref<9600xf32, #tpu.memory_space<vmem>> -> memref<3200xf32, #tpu.memory_space<vmem>>
        %dma_start3A_509 = tpu.memref_slice %arg3[%add3A_496] : memref<300000xf32, #tpu.memory_space<hbm>> -> memref<3200xf32, #tpu.memory_space<hbm>>
        tpu.enqueue_dma source(%dma_start3A_509 : memref<3200xf32, #tpu.memory_space<hbm>>) target(%dma_start3A_508 : memref<3200xf32, #tpu.memory_space<vmem>>) target_semaphore(%run_scoped3A : memref<!tpu.dma_semaphore, #tpu.memory_space<semaphore_mem>>)
        %dma_wait3A_510 = arith.constant 6400 : i32
        %dma_wait3A_511 = tpu.memref_slice %arg13[%dma_wait3A_510] : memref<9600xf32, #tpu.memory_space<vmem>> -> memref<3200xf32, #tpu.memory_space<vmem>>
        %dma_wait3A_512 = tpu.memref_slice %arg3[%add3A_496] : memref<300000xf32, #tpu.memory_space<hbm>> -> memref<3200xf32, #tpu.memory_space<hbm>>
        %dma_wait3A_513 = arith.constant 6400 : i32
        %dma_wait3A_514 = tpu.memref_slice %arg13[%dma_wait3A_513] : memref<9600xf32, #tpu.memory_space<vmem>> -> memref<3200xf32, #tpu.memory_space<vmem>>
        %dma_wait3A_515 = tpu.memref_slice %arg3[%add3A_496] : memref<300000xf32, #tpu.memory_space<hbm>> -> memref<3200xf32, #tpu.memory_space<hbm>>
        tpu.wait_dma2 semaphore(%run_scoped3A : memref<!tpu.dma_semaphore, #tpu.memory_space<semaphore_mem>>) src(%dma_wait3A_515 : memref<3200xf32, #tpu.memory_space<hbm>>) dst(%dma_wait3A_514 : memref<3200xf32, #tpu.memory_space<vmem>>)
        tpu.yield
      }) : () -> ()
      "tpu.region"() ({
        %run_scoped3A = tpu.sem_alloc : memref<!tpu.dma_semaphore, #tpu.memory_space<semaphore_mem>>
        %dma_start3A_504 = arith.constant 0 : i32
        %dma_start3A_505 = tpu.memref_slice %arg14[%dma_start3A_504] : memref<3200xi32, #tpu.memory_space<vmem>> -> memref<3200xi32, #tpu.memory_space<vmem>>
        %dma_start3A_506 = tpu.memref_slice %arg4[%mul3A_484] : memref<100000xi32, #tpu.memory_space<hbm>> -> memref<3200xi32, #tpu.memory_space<hbm>>
        %dma_start3A_507 = arith.constant 0 : i32
        %dma_start3A_508 = tpu.memref_slice %arg14[%dma_start3A_507] : memref<3200xi32, #tpu.memory_space<vmem>> -> memref<3200xi32, #tpu.memory_space<vmem>>
        %dma_start3A_509 = tpu.memref_slice %arg4[%mul3A_484] : memref<100000xi32, #tpu.memory_space<hbm>> -> memref<3200xi32, #tpu.memory_space<hbm>>
        tpu.enqueue_dma source(%dma_start3A_509 : memref<3200xi32, #tpu.memory_space<hbm>>) target(%dma_start3A_508 : memref<3200xi32, #tpu.memory_space<vmem>>) target_semaphore(%run_scoped3A : memref<!tpu.dma_semaphore, #tpu.memory_space<semaphore_mem>>)
        %dma_wait3A_510 = arith.constant 0 : i32
        %dma_wait3A_511 = tpu.memref_slice %arg14[%dma_wait3A_510] : memref<3200xi32, #tpu.memory_space<vmem>> -> memref<3200xi32, #tpu.memory_space<vmem>>
        %dma_wait3A_512 = tpu.memref_slice %arg4[%mul3A_484] : memref<100000xi32, #tpu.memory_space<hbm>> -> memref<3200xi32, #tpu.memory_space<hbm>>
        %dma_wait3A_513 = arith.constant 0 : i32
        %dma_wait3A_514 = tpu.memref_slice %arg14[%dma_wait3A_513] : memref<3200xi32, #tpu.memory_space<vmem>> -> memref<3200xi32, #tpu.memory_space<vmem>>
        %dma_wait3A_515 = tpu.memref_slice %arg4[%mul3A_484] : memref<100000xi32, #tpu.memory_space<hbm>> -> memref<3200xi32, #tpu.memory_space<hbm>>
        tpu.wait_dma2 semaphore(%run_scoped3A : memref<!tpu.dma_semaphore, #tpu.memory_space<semaphore_mem>>) src(%dma_wait3A_515 : memref<3200xi32, #tpu.memory_space<hbm>>) dst(%dma_wait3A_514 : memref<3200xi32, #tpu.memory_space<vmem>>)
        tpu.yield
      }) : () -> ()
      %scan3A_497 = arith.constant 0 : i32
      %scan3A_498 = arith.constant 0 : i32
      %scan3A_499 = arith.constant 200 : i32
      %scan3A_500 = arith.addi %scan3A_498, %scan3A_499 : i32
      %scan3A_501 = arith.constant 1 : i32
      %scan3A_502 = scf.for %scan3A_504 = %scan3A_498 to %scan3A_500 step %scan3A_501 iter_args(%scan3A_505 = %scan3A_497) -> (i32)  : i32 {
        %mul3A_506 = arith.constant 16 : i32
        %mul3A_507 = arith.muli %scan3A_504, %mul3A_506 : i32
        %get3A = arith.index_cast %mul3A_507 : i32 to index
        %get3A_508 = tpu.vector_load %arg12[%get3A] {strides = array<i32>} : memref<9600xf32, #tpu.memory_space<vmem>>, vector<16xf32>,
        %get3A_509 = arith.index_cast %mul3A_507 : i32 to index
        %get3A_510 = tpu.vector_load %arg13[%get3A_509] {strides = array<i32>} : memref<9600xf32, #tpu.memory_space<vmem>>, vector<16xf32>,
        %sub3A = arith.subf %get3A_508, %get3A_510 : vector<16xf32>
        %add3A_511 = arith.constant 3200 : i32
        %add3A_512 = arith.addi %add3A_511, %mul3A_507 : i32
        %get3A_513 = arith.index_cast %add3A_512 : i32 to index
        %get3A_514 = tpu.vector_load %arg12[%get3A_513] {strides = array<i32>} : memref<9600xf32, #tpu.memory_space<vmem>>, vector<16xf32>,
        %add3A_515 = arith.constant 3200 : i32
        %add3A_516 = arith.addi %add3A_515, %mul3A_507 : i32
        %get3A_517 = arith.index_cast %add3A_516 : i32 to index
        %get3A_518 = tpu.vector_load %arg13[%get3A_517] {strides = array<i32>} : memref<9600xf32, #tpu.memory_space<vmem>>, vector<16xf32>,
        %sub3A_519 = arith.subf %get3A_514, %get3A_518 : vector<16xf32>
        %add3A_520 = arith.constant 6400 : i32
        %add3A_521 = arith.addi %add3A_520, %mul3A_507 : i32
        %get3A_522 = arith.index_cast %add3A_521 : i32 to index
        %get3A_523 = tpu.vector_load %arg12[%get3A_522] {strides = array<i32>} : memref<9600xf32, #tpu.memory_space<vmem>>, vector<16xf32>,
        %add3A_524 = arith.constant 6400 : i32
        %add3A_525 = arith.addi %add3A_524, %mul3A_507 : i32
        %get3A_526 = arith.index_cast %add3A_525 : i32 to index
        %get3A_527 = tpu.vector_load %arg13[%get3A_526] {strides = array<i32>} : memref<9600xf32, #tpu.memory_space<vmem>>, vector<16xf32>,
        %sub3A_528 = arith.subf %get3A_523, %get3A_527 : vector<16xf32>
        %mul3A_529 = arith.mulf %sub3A, %sub3A : vector<16xf32>
        %mul3A_530 = arith.mulf %sub3A_519, %sub3A_519 : vector<16xf32>
        %add3A_531 = arith.addf %mul3A_529, %mul3A_530 : vector<16xf32>
        %mul3A_532 = arith.mulf %sub3A_528, %sub3A_528 : vector<16xf32>
        %add3A_533 = arith.addf %add3A_531, %mul3A_532 : vector<16xf32>
        %get3A_534 = arith.index_cast %mul3A_507 : i32 to index
        %get3A_535 = tpu.vector_load %arg14[%get3A_534] {strides = array<i32>} : memref<3200xi32, #tpu.memory_space<vmem>>, vector<16xi32>,
        %add3A_536 = arith.addi %mul3A_3, %get3A_535 : vector<16xi32>
        tpu.vector_store_idx %arg15[%add3A_536], %add3A_533 {add = true} : memref<6160xf32, #tpu.memory_space<vmem>>[vector<16xi32>], vector<16xf32>,
        tpu.vector_store_idx %arg16[%add3A_536], %broadcast_in_dim3A_6 {add = true} : memref<6160xf32, #tpu.memory_space<vmem>>[vector<16xi32>], vector<16xf32>,
        %scan3A_537 = arith.constant 0 : i32
        scf.yield %scan3A_537 : i32
      }
      %scan3A_503 = arith.constant 200 : i32
    } else {
    }
    %eq3A = arith.constant 31 : i32
    %eq3A_36 = arith.cmpi eq, %add3A, %eq3A : i32
    %convert_element_type3A_37 = arith.extui %eq3A_36 : i1 to i32
    %cond3A_38 = arith.constant 0 : i32
    %cond3A_39 = arith.cmpi ne, %convert_element_type3A_37, %cond3A_38 : i32
    scf.if %cond3A_39 {
      %mul3A_483 = arith.constant 3200 : i32
      %mul3A_484 = arith.muli %add3A, %mul3A_483 : i32
      %add3A_485 = arith.constant 0 : i32
      %add3A_486 = arith.addi %add3A_485, %mul3A_484 : i32
      "tpu.region"() ({
        %run_scoped3A = tpu.sem_alloc : memref<!tpu.dma_semaphore, #tpu.memory_space<semaphore_mem>>
        %dma_start3A_504 = arith.constant 0 : i32
        %dma_start3A_505 = tpu.memref_slice %arg12[%dma_start3A_504] : memref<9600xf32, #tpu.memory_space<vmem>> -> memref<800xf32, #tpu.memory_space<vmem>>
        %dma_start3A_506 = tpu.memref_slice %arg2[%add3A_486] : memref<300000xf32, #tpu.memory_space<hbm>> -> memref<800xf32, #tpu.memory_space<hbm>>
        %dma_start3A_507 = arith.constant 0 : i32
        %dma_start3A_508 = tpu.memref_slice %arg12[%dma_start3A_507] : memref<9600xf32, #tpu.memory_space<vmem>> -> memref<800xf32, #tpu.memory_space<vmem>>
        %dma_start3A_509 = tpu.memref_slice %arg2[%add3A_486] : memref<300000xf32, #tpu.memory_space<hbm>> -> memref<800xf32, #tpu.memory_space<hbm>>
        tpu.enqueue_dma source(%dma_start3A_509 : memref<800xf32, #tpu.memory_space<hbm>>) target(%dma_start3A_508 : memref<800xf32, #tpu.memory_space<vmem>>) target_semaphore(%run_scoped3A : memref<!tpu.dma_semaphore, #tpu.memory_space<semaphore_mem>>)
        %dma_wait3A_510 = arith.constant 0 : i32
        %dma_wait3A_511 = tpu.memref_slice %arg12[%dma_wait3A_510] : memref<9600xf32, #tpu.memory_space<vmem>> -> memref<800xf32, #tpu.memory_space<vmem>>
        %dma_wait3A_512 = tpu.memref_slice %arg2[%add3A_486] : memref<300000xf32, #tpu.memory_space<hbm>> -> memref<800xf32, #tpu.memory_space<hbm>>
        %dma_wait3A_513 = arith.constant 0 : i32
        %dma_wait3A_514 = tpu.memref_slice %arg12[%dma_wait3A_513] : memref<9600xf32, #tpu.memory_space<vmem>> -> memref<800xf32, #tpu.memory_space<vmem>>
        %dma_wait3A_515 = tpu.memref_slice %arg2[%add3A_486] : memref<300000xf32, #tpu.memory_space<hbm>> -> memref<800xf32, #tpu.memory_space<hbm>>
        tpu.wait_dma2 semaphore(%run_scoped3A : memref<!tpu.dma_semaphore, #tpu.memory_space<semaphore_mem>>) src(%dma_wait3A_515 : memref<800xf32, #tpu.memory_space<hbm>>) dst(%dma_wait3A_514 : memref<800xf32, #tpu.memory_space<vmem>>)
        tpu.yield
      }) : () -> ()
      %add3A_487 = arith.constant 0 : i32
      %add3A_488 = arith.addi %add3A_487, %mul3A_484 : i32
      "tpu.region"() ({
        %run_scoped3A = tpu.sem_alloc : memref<!tpu.dma_semaphore, #tpu.memory_space<semaphore_mem>>
        %dma_start3A_504 = arith.constant 0 : i32
        %dma_start3A_505 = tpu.memref_slice %arg13[%dma_start3A_504] : memref<9600xf32, #tpu.memory_space<vmem>> -> memref<800xf32, #tpu.memory_space<vmem>>
        %dma_start3A_506 = tpu.memref_slice %arg3[%add3A_488] : memref<300000xf32, #tpu.memory_space<hbm>> -> memref<800xf32, #tpu.memory_space<hbm>>
        %dma_start3A_507 = arith.constant 0 : i32
        %dma_start3A_508 = tpu.memref_slice %arg13[%dma_start3A_507] : memref<9600xf32, #tpu.memory_space<vmem>> -> memref<800xf32, #tpu.memory_space<vmem>>
        %dma_start3A_509 = tpu.memref_slice %arg3[%add3A_488] : memref<300000xf32, #tpu.memory_space<hbm>> -> memref<800xf32, #tpu.memory_space<hbm>>
        tpu.enqueue_dma source(%dma_start3A_509 : memref<800xf32, #tpu.memory_space<hbm>>) target(%dma_start3A_508 : memref<800xf32, #tpu.memory_space<vmem>>) target_semaphore(%run_scoped3A : memref<!tpu.dma_semaphore, #tpu.memory_space<semaphore_mem>>)
        %dma_wait3A_510 = arith.constant 0 : i32
        %dma_wait3A_511 = tpu.memref_slice %arg13[%dma_wait3A_510] : memref<9600xf32, #tpu.memory_space<vmem>> -> memref<800xf32, #tpu.memory_space<vmem>>
        %dma_wait3A_512 = tpu.memref_slice %arg3[%add3A_488] : memref<300000xf32, #tpu.memory_space<hbm>> -> memref<800xf32, #tpu.memory_space<hbm>>
        %dma_wait3A_513 = arith.constant 0 : i32
        %dma_wait3A_514 = tpu.memref_slice %arg13[%dma_wait3A_513] : memref<9600xf32, #tpu.memory_space<vmem>> -> memref<800xf32, #tpu.memory_space<vmem>>
        %dma_wait3A_515 = tpu.memref_slice %arg3[%add3A_488] : memref<300000xf32, #tpu.memory_space<hbm>> -> memref<800xf32, #tpu.memory_space<hbm>>
        tpu.wait_dma2 semaphore(%run_scoped3A : memref<!tpu.dma_semaphore, #tpu.memory_space<semaphore_mem>>) src(%dma_wait3A_515 : memref<800xf32, #tpu.memory_space<hbm>>) dst(%dma_wait3A_514 : memref<800xf32, #tpu.memory_space<vmem>>)
        tpu.yield
      }) : () -> ()
      %add3A_489 = arith.constant 100000 : i32
      %add3A_490 = arith.addi %add3A_489, %mul3A_484 : i32
      "tpu.region"() ({
        %run_scoped3A = tpu.sem_alloc : memref<!tpu.dma_semaphore, #tpu.memory_space<semaphore_mem>>
        %dma_start3A_504 = arith.constant 3200 : i32
        %dma_start3A_505 = tpu.memref_slice %arg12[%dma_start3A_504] : memref<9600xf32, #tpu.memory_space<vmem>> -> memref<800xf32, #tpu.memory_space<vmem>>
        %dma_start3A_506 = tpu.memref_slice %arg2[%add3A_490] : memref<300000xf32, #tpu.memory_space<hbm>> -> memref<800xf32, #tpu.memory_space<hbm>>
        %dma_start3A_507 = arith.constant 3200 : i32
        %dma_start3A_508 = tpu.memref_slice %arg12[%dma_start3A_507] : memref<9600xf32, #tpu.memory_space<vmem>> -> memref<800xf32, #tpu.memory_space<vmem>>
        %dma_start3A_509 = tpu.memref_slice %arg2[%add3A_490] : memref<300000xf32, #tpu.memory_space<hbm>> -> memref<800xf32, #tpu.memory_space<hbm>>
        tpu.enqueue_dma source(%dma_start3A_509 : memref<800xf32, #tpu.memory_space<hbm>>) target(%dma_start3A_508 : memref<800xf32, #tpu.memory_space<vmem>>) target_semaphore(%run_scoped3A : memref<!tpu.dma_semaphore, #tpu.memory_space<semaphore_mem>>)
        %dma_wait3A_510 = arith.constant 3200 : i32
        %dma_wait3A_511 = tpu.memref_slice %arg12[%dma_wait3A_510] : memref<9600xf32, #tpu.memory_space<vmem>> -> memref<800xf32, #tpu.memory_space<vmem>>
        %dma_wait3A_512 = tpu.memref_slice %arg2[%add3A_490] : memref<300000xf32, #tpu.memory_space<hbm>> -> memref<800xf32, #tpu.memory_space<hbm>>
        %dma_wait3A_513 = arith.constant 3200 : i32
        %dma_wait3A_514 = tpu.memref_slice %arg12[%dma_wait3A_513] : memref<9600xf32, #tpu.memory_space<vmem>> -> memref<800xf32, #tpu.memory_space<vmem>>
        %dma_wait3A_515 = tpu.memref_slice %arg2[%add3A_490] : memref<300000xf32, #tpu.memory_space<hbm>> -> memref<800xf32, #tpu.memory_space<hbm>>
        tpu.wait_dma2 semaphore(%run_scoped3A : memref<!tpu.dma_semaphore, #tpu.memory_space<semaphore_mem>>) src(%dma_wait3A_515 : memref<800xf32, #tpu.memory_space<hbm>>) dst(%dma_wait3A_514 : memref<800xf32, #tpu.memory_space<vmem>>)
        tpu.yield
      }) : () -> ()
      %add3A_491 = arith.constant 100000 : i32
      %add3A_492 = arith.addi %add3A_491, %mul3A_484 : i32
      "tpu.region"() ({
        %run_scoped3A = tpu.sem_alloc : memref<!tpu.dma_semaphore, #tpu.memory_space<semaphore_mem>>
        %dma_start3A_504 = arith.constant 3200 : i32
        %dma_start3A_505 = tpu.memref_slice %arg13[%dma_start3A_504] : memref<9600xf32, #tpu.memory_space<vmem>> -> memref<800xf32, #tpu.memory_space<vmem>>
        %dma_start3A_506 = tpu.memref_slice %arg3[%add3A_492] : memref<300000xf32, #tpu.memory_space<hbm>> -> memref<800xf32, #tpu.memory_space<hbm>>
        %dma_start3A_507 = arith.constant 3200 : i32
        %dma_start3A_508 = tpu.memref_slice %arg13[%dma_start3A_507] : memref<9600xf32, #tpu.memory_space<vmem>> -> memref<800xf32, #tpu.memory_space<vmem>>
        %dma_start3A_509 = tpu.memref_slice %arg3[%add3A_492] : memref<300000xf32, #tpu.memory_space<hbm>> -> memref<800xf32, #tpu.memory_space<hbm>>
        tpu.enqueue_dma source(%dma_start3A_509 : memref<800xf32, #tpu.memory_space<hbm>>) target(%dma_start3A_508 : memref<800xf32, #tpu.memory_space<vmem>>) target_semaphore(%run_scoped3A : memref<!tpu.dma_semaphore, #tpu.memory_space<semaphore_mem>>)
        %dma_wait3A_510 = arith.constant 3200 : i32
        %dma_wait3A_511 = tpu.memref_slice %arg13[%dma_wait3A_510] : memref<9600xf32, #tpu.memory_space<vmem>> -> memref<800xf32, #tpu.memory_space<vmem>>
        %dma_wait3A_512 = tpu.memref_slice %arg3[%add3A_492] : memref<300000xf32, #tpu.memory_space<hbm>> -> memref<800xf32, #tpu.memory_space<hbm>>
        %dma_wait3A_513 = arith.constant 3200 : i32
        %dma_wait3A_514 = tpu.memref_slice %arg13[%dma_wait3A_513] : memref<9600xf32, #tpu.memory_space<vmem>> -> memref<800xf32, #tpu.memory_space<vmem>>
        %dma_wait3A_515 = tpu.memref_slice %arg3[%add3A_492] : memref<300000xf32, #tpu.memory_space<hbm>> -> memref<800xf32, #tpu.memory_space<hbm>>
        tpu.wait_dma2 semaphore(%run_scoped3A : memref<!tpu.dma_semaphore, #tpu.memory_space<semaphore_mem>>) src(%dma_wait3A_515 : memref<800xf32, #tpu.memory_space<hbm>>) dst(%dma_wait3A_514 : memref<800xf32, #tpu.memory_space<vmem>>)
        tpu.yield
      }) : () -> ()
      %add3A_493 = arith.constant 200000 : i32
      %add3A_494 = arith.addi %add3A_493, %mul3A_484 : i32
      "tpu.region"() ({
        %run_scoped3A = tpu.sem_alloc : memref<!tpu.dma_semaphore, #tpu.memory_space<semaphore_mem>>
        %dma_start3A_504 = arith.constant 6400 : i32
        %dma_start3A_505 = tpu.memref_slice %arg12[%dma_start3A_504] : memref<9600xf32, #tpu.memory_space<vmem>> -> memref<800xf32, #tpu.memory_space<vmem>>
        %dma_start3A_506 = tpu.memref_slice %arg2[%add3A_494] : memref<300000xf32, #tpu.memory_space<hbm>> -> memref<800xf32, #tpu.memory_space<hbm>>
        %dma_start3A_507 = arith.constant 6400 : i32
        %dma_start3A_508 = tpu.memref_slice %arg12[%dma_start3A_507] : memref<9600xf32, #tpu.memory_space<vmem>> -> memref<800xf32, #tpu.memory_space<vmem>>
        %dma_start3A_509 = tpu.memref_slice %arg2[%add3A_494] : memref<300000xf32, #tpu.memory_space<hbm>> -> memref<800xf32, #tpu.memory_space<hbm>>
        tpu.enqueue_dma source(%dma_start3A_509 : memref<800xf32, #tpu.memory_space<hbm>>) target(%dma_start3A_508 : memref<800xf32, #tpu.memory_space<vmem>>) target_semaphore(%run_scoped3A : memref<!tpu.dma_semaphore, #tpu.memory_space<semaphore_mem>>)
        %dma_wait3A_510 = arith.constant 6400 : i32
        %dma_wait3A_511 = tpu.memref_slice %arg12[%dma_wait3A_510] : memref<9600xf32, #tpu.memory_space<vmem>> -> memref<800xf32, #tpu.memory_space<vmem>>
        %dma_wait3A_512 = tpu.memref_slice %arg2[%add3A_494] : memref<300000xf32, #tpu.memory_space<hbm>> -> memref<800xf32, #tpu.memory_space<hbm>>
        %dma_wait3A_513 = arith.constant 6400 : i32
        %dma_wait3A_514 = tpu.memref_slice %arg12[%dma_wait3A_513] : memref<9600xf32, #tpu.memory_space<vmem>> -> memref<800xf32, #tpu.memory_space<vmem>>
        %dma_wait3A_515 = tpu.memref_slice %arg2[%add3A_494] : memref<300000xf32, #tpu.memory_space<hbm>> -> memref<800xf32, #tpu.memory_space<hbm>>
        tpu.wait_dma2 semaphore(%run_scoped3A : memref<!tpu.dma_semaphore, #tpu.memory_space<semaphore_mem>>) src(%dma_wait3A_515 : memref<800xf32, #tpu.memory_space<hbm>>) dst(%dma_wait3A_514 : memref<800xf32, #tpu.memory_space<vmem>>)
        tpu.yield
      }) : () -> ()
      %add3A_495 = arith.constant 200000 : i32
      %add3A_496 = arith.addi %add3A_495, %mul3A_484 : i32
      "tpu.region"() ({
        %run_scoped3A = tpu.sem_alloc : memref<!tpu.dma_semaphore, #tpu.memory_space<semaphore_mem>>
        %dma_start3A_504 = arith.constant 6400 : i32
        %dma_start3A_505 = tpu.memref_slice %arg13[%dma_start3A_504] : memref<9600xf32, #tpu.memory_space<vmem>> -> memref<800xf32, #tpu.memory_space<vmem>>
        %dma_start3A_506 = tpu.memref_slice %arg3[%add3A_496] : memref<300000xf32, #tpu.memory_space<hbm>> -> memref<800xf32, #tpu.memory_space<hbm>>
        %dma_start3A_507 = arith.constant 6400 : i32
        %dma_start3A_508 = tpu.memref_slice %arg13[%dma_start3A_507] : memref<9600xf32, #tpu.memory_space<vmem>> -> memref<800xf32, #tpu.memory_space<vmem>>
        %dma_start3A_509 = tpu.memref_slice %arg3[%add3A_496] : memref<300000xf32, #tpu.memory_space<hbm>> -> memref<800xf32, #tpu.memory_space<hbm>>
        tpu.enqueue_dma source(%dma_start3A_509 : memref<800xf32, #tpu.memory_space<hbm>>) target(%dma_start3A_508 : memref<800xf32, #tpu.memory_space<vmem>>) target_semaphore(%run_scoped3A : memref<!tpu.dma_semaphore, #tpu.memory_space<semaphore_mem>>)
        %dma_wait3A_510 = arith.constant 6400 : i32
        %dma_wait3A_511 = tpu.memref_slice %arg13[%dma_wait3A_510] : memref<9600xf32, #tpu.memory_space<vmem>> -> memref<800xf32, #tpu.memory_space<vmem>>
        %dma_wait3A_512 = tpu.memref_slice %arg3[%add3A_496] : memref<300000xf32, #tpu.memory_space<hbm>> -> memref<800xf32, #tpu.memory_space<hbm>>
        %dma_wait3A_513 = arith.constant 6400 : i32
        %dma_wait3A_514 = tpu.memref_slice %arg13[%dma_wait3A_513] : memref<9600xf32, #tpu.memory_space<vmem>> -> memref<800xf32, #tpu.memory_space<vmem>>
        %dma_wait3A_515 = tpu.memref_slice %arg3[%add3A_496] : memref<300000xf32, #tpu.memory_space<hbm>> -> memref<800xf32, #tpu.memory_space<hbm>>
        tpu.wait_dma2 semaphore(%run_scoped3A : memref<!tpu.dma_semaphore, #tpu.memory_space<semaphore_mem>>) src(%dma_wait3A_515 : memref<800xf32, #tpu.memory_space<hbm>>) dst(%dma_wait3A_514 : memref<800xf32, #tpu.memory_space<vmem>>)
        tpu.yield
      }) : () -> ()
      "tpu.region"() ({
        %run_scoped3A = tpu.sem_alloc : memref<!tpu.dma_semaphore, #tpu.memory_space<semaphore_mem>>
        %dma_start3A_504 = arith.constant 0 : i32
        %dma_start3A_505 = tpu.memref_slice %arg14[%dma_start3A_504] : memref<3200xi32, #tpu.memory_space<vmem>> -> memref<800xi32, #tpu.memory_space<vmem>>
        %dma_start3A_506 = tpu.memref_slice %arg4[%mul3A_484] : memref<100000xi32, #tpu.memory_space<hbm>> -> memref<800xi32, #tpu.memory_space<hbm>>
        %dma_start3A_507 = arith.constant 0 : i32
        %dma_start3A_508 = tpu.memref_slice %arg14[%dma_start3A_507] : memref<3200xi32, #tpu.memory_space<vmem>> -> memref<800xi32, #tpu.memory_space<vmem>>
        %dma_start3A_509 = tpu.memref_slice %arg4[%mul3A_484] : memref<100000xi32, #tpu.memory_space<hbm>> -> memref<800xi32, #tpu.memory_space<hbm>>
        tpu.enqueue_dma source(%dma_start3A_509 : memref<800xi32, #tpu.memory_space<hbm>>) target(%dma_start3A_508 : memref<800xi32, #tpu.memory_space<vmem>>) target_semaphore(%run_scoped3A : memref<!tpu.dma_semaphore, #tpu.memory_space<semaphore_mem>>)
        %dma_wait3A_510 = arith.constant 0 : i32
        %dma_wait3A_511 = tpu.memref_slice %arg14[%dma_wait3A_510] : memref<3200xi32, #tpu.memory_space<vmem>> -> memref<800xi32, #tpu.memory_space<vmem>>
        %dma_wait3A_512 = tpu.memref_slice %arg4[%mul3A_484] : memref<100000xi32, #tpu.memory_space<hbm>> -> memref<800xi32, #tpu.memory_space<hbm>>
        %dma_wait3A_513 = arith.constant 0 : i32
        %dma_wait3A_514 = tpu.memref_slice %arg14[%dma_wait3A_513] : memref<3200xi32, #tpu.memory_space<vmem>> -> memref<800xi32, #tpu.memory_space<vmem>>
        %dma_wait3A_515 = tpu.memref_slice %arg4[%mul3A_484] : memref<100000xi32, #tpu.memory_space<hbm>> -> memref<800xi32, #tpu.memory_space<hbm>>
        tpu.wait_dma2 semaphore(%run_scoped3A : memref<!tpu.dma_semaphore, #tpu.memory_space<semaphore_mem>>) src(%dma_wait3A_515 : memref<800xi32, #tpu.memory_space<hbm>>) dst(%dma_wait3A_514 : memref<800xi32, #tpu.memory_space<vmem>>)
        tpu.yield
      }) : () -> ()
      %scan3A_497 = arith.constant 0 : i32
      %scan3A_498 = arith.constant 0 : i32
      %scan3A_499 = arith.constant 50 : i32
      %scan3A_500 = arith.addi %scan3A_498, %scan3A_499 : i32
      %scan3A_501 = arith.constant 1 : i32
      %scan3A_502 = scf.for %scan3A_504 = %scan3A_498 to %scan3A_500 step %scan3A_501 iter_args(%scan3A_505 = %scan3A_497) -> (i32)  : i32 {
        %mul3A_506 = arith.constant 16 : i32
        %mul3A_507 = arith.muli %scan3A_504, %mul3A_506 : i32
        %get3A = arith.index_cast %mul3A_507 : i32 to index
        %get3A_508 = tpu.vector_load %arg12[%get3A] {strides = array<i32>} : memref<9600xf32, #tpu.memory_space<vmem>>, vector<16xf32>,
        %get3A_509 = arith.index_cast %mul3A_507 : i32 to index
        %get3A_510 = tpu.vector_load %arg13[%get3A_509] {strides = array<i32>} : memref<9600xf32, #tpu.memory_space<vmem>>, vector<16xf32>,
        %sub3A = arith.subf %get3A_508, %get3A_510 : vector<16xf32>
        %add3A_511 = arith.constant 3200 : i32
        %add3A_512 = arith.addi %add3A_511, %mul3A_507 : i32
        %get3A_513 = arith.index_cast %add3A_512 : i32 to index
        %get3A_514 = tpu.vector_load %arg12[%get3A_513] {strides = array<i32>} : memref<9600xf32, #tpu.memory_space<vmem>>, vector<16xf32>,
        %add3A_515 = arith.constant 3200 : i32
        %add3A_516 = arith.addi %add3A_515, %mul3A_507 : i32
        %get3A_517 = arith.index_cast %add3A_516 : i32 to index
        %get3A_518 = tpu.vector_load %arg13[%get3A_517] {strides = array<i32>} : memref<9600xf32, #tpu.memory_space<vmem>>, vector<16xf32>,
        %sub3A_519 = arith.subf %get3A_514, %get3A_518 : vector<16xf32>
        %add3A_520 = arith.constant 6400 : i32
        %add3A_521 = arith.addi %add3A_520, %mul3A_507 : i32
        %get3A_522 = arith.index_cast %add3A_521 : i32 to index
        %get3A_523 = tpu.vector_load %arg12[%get3A_522] {strides = array<i32>} : memref<9600xf32, #tpu.memory_space<vmem>>, vector<16xf32>,
        %add3A_524 = arith.constant 6400 : i32
        %add3A_525 = arith.addi %add3A_524, %mul3A_507 : i32
        %get3A_526 = arith.index_cast %add3A_525 : i32 to index
        %get3A_527 = tpu.vector_load %arg13[%get3A_526] {strides = array<i32>} : memref<9600xf32, #tpu.memory_space<vmem>>, vector<16xf32>,
        %sub3A_528 = arith.subf %get3A_523, %get3A_527 : vector<16xf32>
        %mul3A_529 = arith.mulf %sub3A, %sub3A : vector<16xf32>
        %mul3A_530 = arith.mulf %sub3A_519, %sub3A_519 : vector<16xf32>
        %add3A_531 = arith.addf %mul3A_529, %mul3A_530 : vector<16xf32>
        %mul3A_532 = arith.mulf %sub3A_528, %sub3A_528 : vector<16xf32>
        %add3A_533 = arith.addf %add3A_531, %mul3A_532 : vector<16xf32>
        %get3A_534 = arith.index_cast %mul3A_507 : i32 to index
        %get3A_535 = tpu.vector_load %arg14[%get3A_534] {strides = array<i32>} : memref<3200xi32, #tpu.memory_space<vmem>>, vector<16xi32>,
        %add3A_536 = arith.addi %mul3A_3, %get3A_535 : vector<16xi32>
        tpu.vector_store_idx %arg15[%add3A_536], %add3A_533 {add = true} : memref<6160xf32, #tpu.memory_space<vmem>>[vector<16xi32>], vector<16xf32>,
        tpu.vector_store_idx %arg16[%add3A_536], %broadcast_in_dim3A_6 {add = true} : memref<6160xf32, #tpu.memory_space<vmem>>[vector<16xi32>], vector<16xf32>,
        %scan3A_537 = arith.constant 0 : i32
        scf.yield %scan3A_537 : i32
      }
      %scan3A_503 = arith.constant 50 : i32
    } else {
    }
    %add3A_40 = arith.constant 10000 : i32
    %add3A_41 = arith.addi %mul3A_8, %add3A_40 : i32
    %dma_start3A_42 = arith.constant 10000 : i32
    %dma_start3A_43 = tpu.memref_slice %arg9[%dma_start3A_42] : memref<20000xf32, #tpu.memory_space<vmem>> -> memref<10000xf32, #tpu.memory_space<vmem>>
    %dma_start3A_44 = tpu.memref_slice %arg5[%add3A_41] : memref<3200000xf32, #tpu.memory_space<hbm>> -> memref<10000xf32, #tpu.memory_space<hbm>>
    %dma_start3A_45 = arith.constant 10000 : i32
    %dma_start3A_46 = tpu.memref_slice %arg9[%dma_start3A_45] : memref<20000xf32, #tpu.memory_space<vmem>> -> memref<10000xf32, #tpu.memory_space<vmem>>
    %dma_start3A_47 = tpu.memref_slice %arg5[%add3A_41] : memref<3200000xf32, #tpu.memory_space<hbm>> -> memref<10000xf32, #tpu.memory_space<hbm>>
    tpu.enqueue_dma source(%dma_start3A_47 : memref<10000xf32, #tpu.memory_space<hbm>>) target(%dma_start3A_46 : memref<10000xf32, #tpu.memory_space<vmem>>) target_semaphore(%arg23 : memref<!tpu.dma_semaphore, #tpu.memory_space<semaphore_mem>>)
    %dma_start3A_48 = arith.constant 10000 : i32
    %dma_start3A_49 = tpu.memref_slice %arg10[%dma_start3A_48] : memref<20000xf32, #tpu.memory_space<vmem>> -> memref<10000xf32, #tpu.memory_space<vmem>>
    %dma_start3A_50 = tpu.memref_slice %arg6[%add3A_41] : memref<3200000xf32, #tpu.memory_space<hbm>> -> memref<10000xf32, #tpu.memory_space<hbm>>
    %dma_start3A_51 = arith.constant 10000 : i32
    %dma_start3A_52 = tpu.memref_slice %arg10[%dma_start3A_51] : memref<20000xf32, #tpu.memory_space<vmem>> -> memref<10000xf32, #tpu.memory_space<vmem>>
    %dma_start3A_53 = tpu.memref_slice %arg6[%add3A_41] : memref<3200000xf32, #tpu.memory_space<hbm>> -> memref<10000xf32, #tpu.memory_space<hbm>>
    tpu.enqueue_dma source(%dma_start3A_53 : memref<10000xf32, #tpu.memory_space<hbm>>) target(%dma_start3A_52 : memref<10000xf32, #tpu.memory_space<vmem>>) target_semaphore(%arg23 : memref<!tpu.dma_semaphore, #tpu.memory_space<semaphore_mem>>)
    %dma_start3A_54 = arith.constant 10000 : i32
    %dma_start3A_55 = tpu.memref_slice %arg11[%dma_start3A_54] : memref<20000xi32, #tpu.memory_space<vmem>> -> memref<10000xi32, #tpu.memory_space<vmem>>
    %dma_start3A_56 = tpu.memref_slice %arg7[%add3A_41] : memref<3200000xi32, #tpu.memory_space<hbm>> -> memref<10000xi32, #tpu.memory_space<hbm>>
    %dma_start3A_57 = arith.constant 10000 : i32
    %dma_start3A_58 = tpu.memref_slice %arg11[%dma_start3A_57] : memref<20000xi32, #tpu.memory_space<vmem>> -> memref<10000xi32, #tpu.memory_space<vmem>>
    %dma_start3A_59 = tpu.memref_slice %arg7[%add3A_41] : memref<3200000xi32, #tpu.memory_space<hbm>> -> memref<10000xi32, #tpu.memory_space<hbm>>
    tpu.enqueue_dma source(%dma_start3A_59 : memref<10000xi32, #tpu.memory_space<hbm>>) target(%dma_start3A_58 : memref<10000xi32, #tpu.memory_space<vmem>>) target_semaphore(%arg23 : memref<!tpu.dma_semaphore, #tpu.memory_space<semaphore_mem>>)
    %dma_wait3A = arith.constant 0 : i32
    %dma_wait3A_60 = tpu.memref_slice %arg9[%dma_wait3A] : memref<20000xf32, #tpu.memory_space<vmem>> -> memref<10000xf32, #tpu.memory_space<vmem>>
    %dma_wait3A_61 = tpu.memref_slice %arg5[%add3A_10] : memref<3200000xf32, #tpu.memory_space<hbm>> -> memref<10000xf32, #tpu.memory_space<hbm>>
    %dma_wait3A_62 = arith.constant 0 : i32
    %dma_wait3A_63 = tpu.memref_slice %arg9[%dma_wait3A_62] : memref<20000xf32, #tpu.memory_space<vmem>> -> memref<10000xf32, #tpu.memory_space<vmem>>
    %dma_wait3A_64 = tpu.memref_slice %arg5[%add3A_10] : memref<3200000xf32, #tpu.memory_space<hbm>> -> memref<10000xf32, #tpu.memory_space<hbm>>
    tpu.wait_dma2 semaphore(%arg22 : memref<!tpu.dma_semaphore, #tpu.memory_space<semaphore_mem>>) src(%dma_wait3A_64 : memref<10000xf32, #tpu.memory_space<hbm>>) dst(%dma_wait3A_63 : memref<10000xf32, #tpu.memory_space<vmem>>)
    %dma_wait3A_65 = arith.constant 0 : i32
    %dma_wait3A_66 = tpu.memref_slice %arg10[%dma_wait3A_65] : memref<20000xf32, #tpu.memory_space<vmem>> -> memref<10000xf32, #tpu.memory_space<vmem>>
    %dma_wait3A_67 = tpu.memref_slice %arg6[%add3A_10] : memref<3200000xf32, #tpu.memory_space<hbm>> -> memref<10000xf32, #tpu.memory_space<hbm>>
    %dma_wait3A_68 = arith.constant 0 : i32
    %dma_wait3A_69 = tpu.memref_slice %arg10[%dma_wait3A_68] : memref<20000xf32, #tpu.memory_space<vmem>> -> memref<10000xf32, #tpu.memory_space<vmem>>
    %dma_wait3A_70 = tpu.memref_slice %arg6[%add3A_10] : memref<3200000xf32, #tpu.memory_space<hbm>> -> memref<10000xf32, #tpu.memory_space<hbm>>
    tpu.wait_dma2 semaphore(%arg22 : memref<!tpu.dma_semaphore, #tpu.memory_space<semaphore_mem>>) src(%dma_wait3A_70 : memref<10000xf32, #tpu.memory_space<hbm>>) dst(%dma_wait3A_69 : memref<10000xf32, #tpu.memory_space<vmem>>)
    %dma_wait3A_71 = arith.constant 0 : i32
    %dma_wait3A_72 = tpu.memref_slice %arg11[%dma_wait3A_71] : memref<20000xi32, #tpu.memory_space<vmem>> -> memref<10000xi32, #tpu.memory_space<vmem>>
    %dma_wait3A_73 = tpu.memref_slice %arg7[%add3A_10] : memref<3200000xi32, #tpu.memory_space<hbm>> -> memref<10000xi32, #tpu.memory_space<hbm>>
    %dma_wait3A_74 = arith.constant 0 : i32
    %dma_wait3A_75 = tpu.memref_slice %arg11[%dma_wait3A_74] : memref<20000xi32, #tpu.memory_space<vmem>> -> memref<10000xi32, #tpu.memory_space<vmem>>
    %dma_wait3A_76 = tpu.memref_slice %arg7[%add3A_10] : memref<3200000xi32, #tpu.memory_space<hbm>> -> memref<10000xi32, #tpu.memory_space<hbm>>
    tpu.wait_dma2 semaphore(%arg22 : memref<!tpu.dma_semaphore, #tpu.memory_space<semaphore_mem>>) src(%dma_wait3A_76 : memref<10000xi32, #tpu.memory_space<hbm>>) dst(%dma_wait3A_75 : memref<10000xi32, #tpu.memory_space<vmem>>)
    %scan3A_77 = arith.constant 0 : i32
    %scan3A_78 = arith.constant 0 : i32
    %scan3A_79 = arith.constant 125 : i32
    %scan3A_80 = arith.addi %scan3A_78, %scan3A_79 : i32
    %scan3A_81 = arith.constant 1 : i32
    %scan3A_82 = scf.for %scan3A_483 = %scan3A_78 to %scan3A_80 step %scan3A_81 iter_args(%scan3A_484 = %scan3A_77) -> (i32)  : i32 {
      %mul3A_485 = arith.constant 80 : i32
      %mul3A_486 = arith.muli %scan3A_483, %mul3A_485 : i32
      %add3A_487 = arith.constant 0 : i32
      %add3A_488 = arith.addi %add3A_487, %mul3A_486 : i32
      %add3A_489 = arith.constant 0 : i32
      %add3A_490 = arith.addi %add3A_488, %add3A_489 : i32
      %get3A = arith.index_cast %add3A_490 : i32 to index
      %get3A_491 = tpu.vector_load %arg9[%get3A] {strides = array<i32>} : memref<20000xf32, #tpu.memory_space<vmem>>, vector<16xf32>,
      %add3A_492 = arith.constant 16 : i32
      %add3A_493 = arith.addi %add3A_488, %add3A_492 : i32
      %get3A_494 = arith.index_cast %add3A_493 : i32 to index
      %get3A_495 = tpu.vector_load %arg9[%get3A_494] {strides = array<i32>} : memref<20000xf32, #tpu.memory_space<vmem>>, vector<16xf32>,
      %add3A_496 = arith.constant 32 : i32
      %add3A_497 = arith.addi %add3A_488, %add3A_496 : i32
      %get3A_498 = arith.index_cast %add3A_497 : i32 to index
      %get3A_499 = tpu.vector_load %arg9[%get3A_498] {strides = array<i32>} : memref<20000xf32, #tpu.memory_space<vmem>>, vector<16xf32>,
      %add3A_500 = arith.constant 48 : i32
      %add3A_501 = arith.addi %add3A_488, %add3A_500 : i32
      %get3A_502 = arith.index_cast %add3A_501 : i32 to index
      %get3A_503 = tpu.vector_load %arg9[%get3A_502] {strides = array<i32>} : memref<20000xf32, #tpu.memory_space<vmem>>, vector<16xf32>,
      %add3A_504 = arith.constant 64 : i32
      %add3A_505 = arith.addi %add3A_488, %add3A_504 : i32
      %get3A_506 = arith.index_cast %add3A_505 : i32 to index
      %get3A_507 = tpu.vector_load %arg9[%get3A_506] {strides = array<i32>} : memref<20000xf32, #tpu.memory_space<vmem>>, vector<16xf32>,
      %add3A_508 = arith.constant 0 : i32
      %add3A_509 = arith.addi %add3A_488, %add3A_508 : i32
      %get3A_510 = arith.index_cast %add3A_509 : i32 to index
      %get3A_511 = tpu.vector_load %arg10[%get3A_510] {strides = array<i32>} : memref<20000xf32, #tpu.memory_space<vmem>>, vector<16xf32>,
      %add3A_512 = arith.constant 16 : i32
      %add3A_513 = arith.addi %add3A_488, %add3A_512 : i32
      %get3A_514 = arith.index_cast %add3A_513 : i32 to index
      %get3A_515 = tpu.vector_load %arg10[%get3A_514] {strides = array<i32>} : memref<20000xf32, #tpu.memory_space<vmem>>, vector<16xf32>,
      %add3A_516 = arith.constant 32 : i32
      %add3A_517 = arith.addi %add3A_488, %add3A_516 : i32
      %get3A_518 = arith.index_cast %add3A_517 : i32 to index
      %get3A_519 = tpu.vector_load %arg10[%get3A_518] {strides = array<i32>} : memref<20000xf32, #tpu.memory_space<vmem>>, vector<16xf32>,
      %add3A_520 = arith.constant 48 : i32
      %add3A_521 = arith.addi %add3A_488, %add3A_520 : i32
      %get3A_522 = arith.index_cast %add3A_521 : i32 to index
      %get3A_523 = tpu.vector_load %arg10[%get3A_522] {strides = array<i32>} : memref<20000xf32, #tpu.memory_space<vmem>>, vector<16xf32>,
      %add3A_524 = arith.constant 64 : i32
      %add3A_525 = arith.addi %add3A_488, %add3A_524 : i32
      %get3A_526 = arith.index_cast %add3A_525 : i32 to index
      %get3A_527 = tpu.vector_load %arg10[%get3A_526] {strides = array<i32>} : memref<20000xf32, #tpu.memory_space<vmem>>, vector<16xf32>,
      %add3A_528 = arith.constant 0 : i32
      %add3A_529 = arith.addi %add3A_488, %add3A_528 : i32
      %get3A_530 = arith.index_cast %add3A_529 : i32 to index
      %get3A_531 = tpu.vector_load %arg11[%get3A_530] {strides = array<i32>} : memref<20000xi32, #tpu.memory_space<vmem>>, vector<16xi32>,
      %add3A_532 = arith.constant 16 : i32
      %add3A_533 = arith.addi %add3A_488, %add3A_532 : i32
      %get3A_534 = arith.index_cast %add3A_533 : i32 to index
      %get3A_535 = tpu.vector_load %arg11[%get3A_534] {strides = array<i32>} : memref<20000xi32, #tpu.memory_space<vmem>>, vector<16xi32>,
      %add3A_536 = arith.constant 32 : i32
      %add3A_537 = arith.addi %add3A_488, %add3A_536 : i32
      %get3A_538 = arith.index_cast %add3A_537 : i32 to index
      %get3A_539 = tpu.vector_load %arg11[%get3A_538] {strides = array<i32>} : memref<20000xi32, #tpu.memory_space<vmem>>, vector<16xi32>,
      %add3A_540 = arith.constant 48 : i32
      %add3A_541 = arith.addi %add3A_488, %add3A_540 : i32
      %get3A_542 = arith.index_cast %add3A_541 : i32 to index
      %get3A_543 = tpu.vector_load %arg11[%get3A_542] {strides = array<i32>} : memref<20000xi32, #tpu.memory_space<vmem>>, vector<16xi32>,
      %add3A_544 = arith.constant 64 : i32
      %add3A_545 = arith.addi %add3A_488, %add3A_544 : i32
      %get3A_546 = arith.index_cast %add3A_545 : i32 to index
      %get3A_547 = tpu.vector_load %arg11[%get3A_546] {strides = array<i32>} : memref<20000xi32, #tpu.memory_space<vmem>>, vector<16xi32>,
      %add3A_548 = arith.addi %mul3A_3, %get3A_531 : vector<16xi32>
      %add3A_549 = arith.addi %mul3A_3, %get3A_535 : vector<16xi32>
      %add3A_550 = arith.addi %mul3A_3, %get3A_539 : vector<16xi32>
      %add3A_551 = arith.addi %mul3A_3, %get3A_543 : vector<16xi32>
      %add3A_552 = arith.addi %mul3A_3, %get3A_547 : vector<16xi32>
      %sub3A = arith.subf %get3A_491, %get3A_511 : vector<16xf32>
      %sub3A_553 = arith.subf %get3A_491, %get3A_511 : vector<16xf32>
      %mul3A_554 = arith.mulf %sub3A, %sub3A_553 : vector<16xf32>
      %sub3A_555 = arith.subf %get3A_495, %get3A_515 : vector<16xf32>
      %sub3A_556 = arith.subf %get3A_495, %get3A_515 : vector<16xf32>
      %mul3A_557 = arith.mulf %sub3A_555, %sub3A_556 : vector<16xf32>
      %sub3A_558 = arith.subf %get3A_499, %get3A_519 : vector<16xf32>
      %sub3A_559 = arith.subf %get3A_499, %get3A_519 : vector<16xf32>
      %mul3A_560 = arith.mulf %sub3A_558, %sub3A_559 : vector<16xf32>
      %sub3A_561 = arith.subf %get3A_503, %get3A_523 : vector<16xf32>
      %sub3A_562 = arith.subf %get3A_503, %get3A_523 : vector<16xf32>
      %mul3A_563 = arith.mulf %sub3A_561, %sub3A_562 : vector<16xf32>
      %sub3A_564 = arith.subf %get3A_507, %get3A_527 : vector<16xf32>
      %sub3A_565 = arith.subf %get3A_507, %get3A_527 : vector<16xf32>
      %mul3A_566 = arith.mulf %sub3A_564, %sub3A_565 : vector<16xf32>
      tpu.vector_store_idx %arg17[%add3A_548], %mul3A_554 {add = true} : memref<6160xf32, #tpu.memory_space<vmem>>[vector<16xi32>], vector<16xf32>,
      tpu.vector_store_idx %arg17[%add3A_549], %mul3A_557 {add = true} : memref<6160xf32, #tpu.memory_space<vmem>>[vector<16xi32>], vector<16xf32>,
      tpu.vector_store_idx %arg17[%add3A_550], %mul3A_560 {add = true} : memref<6160xf32, #tpu.memory_space<vmem>>[vector<16xi32>], vector<16xf32>,
      tpu.vector_store_idx %arg17[%add3A_551], %mul3A_563 {add = true} : memref<6160xf32, #tpu.memory_space<vmem>>[vector<16xi32>], vector<16xf32>,
      tpu.vector_store_idx %arg17[%add3A_552], %mul3A_566 {add = true} : memref<6160xf32, #tpu.memory_space<vmem>>[vector<16xi32>], vector<16xf32>,
      %scan3A_567 = arith.constant 0 : i32
      scf.yield %scan3A_567 : i32
    }
    %scan3A_83 = arith.constant 125 : i32
    %add3A_84 = arith.constant 20000 : i32
    %add3A_85 = arith.addi %mul3A_8, %add3A_84 : i32
    %dma_start3A_86 = arith.constant 0 : i32
    %dma_start3A_87 = tpu.memref_slice %arg9[%dma_start3A_86] : memref<20000xf32, #tpu.memory_space<vmem>> -> memref<10000xf32, #tpu.memory_space<vmem>>
    %dma_start3A_88 = tpu.memref_slice %arg5[%add3A_85] : memref<3200000xf32, #tpu.memory_space<hbm>> -> memref<10000xf32, #tpu.memory_space<hbm>>
    %dma_start3A_89 = arith.constant 0 : i32
    %dma_start3A_90 = tpu.memref_slice %arg9[%dma_start3A_89] : memref<20000xf32, #tpu.memory_space<vmem>> -> memref<10000xf32, #tpu.memory_space<vmem>>
    %dma_start3A_91 = tpu.memref_slice %arg5[%add3A_85] : memref<3200000xf32, #tpu.memory_space<hbm>> -> memref<10000xf32, #tpu.memory_space<hbm>>
    tpu.enqueue_dma source(%dma_start3A_91 : memref<10000xf32, #tpu.memory_space<hbm>>) target(%dma_start3A_90 : memref<10000xf32, #tpu.memory_space<vmem>>) target_semaphore(%arg22 : memref<!tpu.dma_semaphore, #tpu.memory_space<semaphore_mem>>)
    %dma_start3A_92 = arith.constant 0 : i32
    %dma_start3A_93 = tpu.memref_slice %arg10[%dma_start3A_92] : memref<20000xf32, #tpu.memory_space<vmem>> -> memref<10000xf32, #tpu.memory_space<vmem>>
    %dma_start3A_94 = tpu.memref_slice %arg6[%add3A_85] : memref<3200000xf32, #tpu.memory_space<hbm>> -> memref<10000xf32, #tpu.memory_space<hbm>>
    %dma_start3A_95 = arith.constant 0 : i32
    %dma_start3A_96 = tpu.memref_slice %arg10[%dma_start3A_95] : memref<20000xf32, #tpu.memory_space<vmem>> -> memref<10000xf32, #tpu.memory_space<vmem>>
    %dma_start3A_97 = tpu.memref_slice %arg6[%add3A_85] : memref<3200000xf32, #tpu.memory_space<hbm>> -> memref<10000xf32, #tpu.memory_space<hbm>>
    tpu.enqueue_dma source(%dma_start3A_97 : memref<10000xf32, #tpu.memory_space<hbm>>) target(%dma_start3A_96 : memref<10000xf32, #tpu.memory_space<vmem>>) target_semaphore(%arg22 : memref<!tpu.dma_semaphore, #tpu.memory_space<semaphore_mem>>)
    %dma_start3A_98 = arith.constant 0 : i32
    %dma_start3A_99 = tpu.memref_slice %arg11[%dma_start3A_98] : memref<20000xi32, #tpu.memory_space<vmem>> -> memref<10000xi32, #tpu.memory_space<vmem>>
    %dma_start3A_100 = tpu.memref_slice %arg7[%add3A_85] : memref<3200000xi32, #tpu.memory_space<hbm>> -> memref<10000xi32, #tpu.memory_space<hbm>>
    %dma_start3A_101 = arith.constant 0 : i32
    %dma_start3A_102 = tpu.memref_slice %arg11[%dma_start3A_101] : memref<20000xi32, #tpu.memory_space<vmem>> -> memref<10000xi32, #tpu.memory_space<vmem>>
    %dma_start3A_103 = tpu.memref_slice %arg7[%add3A_85] : memref<3200000xi32, #tpu.memory_space<hbm>> -> memref<10000xi32, #tpu.memory_space<hbm>>
    tpu.enqueue_dma source(%dma_start3A_103 : memref<10000xi32, #tpu.memory_space<hbm>>) target(%dma_start3A_102 : memref<10000xi32, #tpu.memory_space<vmem>>) target_semaphore(%arg22 : memref<!tpu.dma_semaphore, #tpu.memory_space<semaphore_mem>>)
    %dma_wait3A_104 = arith.constant 10000 : i32
    %dma_wait3A_105 = tpu.memref_slice %arg9[%dma_wait3A_104] : memref<20000xf32, #tpu.memory_space<vmem>> -> memref<10000xf32, #tpu.memory_space<vmem>>
    %dma_wait3A_106 = tpu.memref_slice %arg5[%add3A_41] : memref<3200000xf32, #tpu.memory_space<hbm>> -> memref<10000xf32, #tpu.memory_space<hbm>>
    %dma_wait3A_107 = arith.constant 10000 : i32
    %dma_wait3A_108 = tpu.memref_slice %arg9[%dma_wait3A_107] : memref<20000xf32, #tpu.memory_space<vmem>> -> memref<10000xf32, #tpu.memory_space<vmem>>
    %dma_wait3A_109 = tpu.memref_slice %arg5[%add3A_41] : memref<3200000xf32, #tpu.memory_space<hbm>> -> memref<10000xf32, #tpu.memory_space<hbm>>
    tpu.wait_dma2 semaphore(%arg23 : memref<!tpu.dma_semaphore, #tpu.memory_space<semaphore_mem>>) src(%dma_wait3A_109 : memref<10000xf32, #tpu.memory_space<hbm>>) dst(%dma_wait3A_108 : memref<10000xf32, #tpu.memory_space<vmem>>)
    %dma_wait3A_110 = arith.constant 10000 : i32
    %dma_wait3A_111 = tpu.memref_slice %arg10[%dma_wait3A_110] : memref<20000xf32, #tpu.memory_space<vmem>> -> memref<10000xf32, #tpu.memory_space<vmem>>
    %dma_wait3A_112 = tpu.memref_slice %arg6[%add3A_41] : memref<3200000xf32, #tpu.memory_space<hbm>> -> memref<10000xf32, #tpu.memory_space<hbm>>
    %dma_wait3A_113 = arith.constant 10000 : i32
    %dma_wait3A_114 = tpu.memref_slice %arg10[%dma_wait3A_113] : memref<20000xf32, #tpu.memory_space<vmem>> -> memref<10000xf32, #tpu.memory_space<vmem>>
    %dma_wait3A_115 = tpu.memref_slice %arg6[%add3A_41] : memref<3200000xf32, #tpu.memory_space<hbm>> -> memref<10000xf32, #tpu.memory_space<hbm>>
    tpu.wait_dma2 semaphore(%arg23 : memref<!tpu.dma_semaphore, #tpu.memory_space<semaphore_mem>>) src(%dma_wait3A_115 : memref<10000xf32, #tpu.memory_space<hbm>>) dst(%dma_wait3A_114 : memref<10000xf32, #tpu.memory_space<vmem>>)
    %dma_wait3A_116 = arith.constant 10000 : i32
    %dma_wait3A_117 = tpu.memref_slice %arg11[%dma_wait3A_116] : memref<20000xi32, #tpu.memory_space<vmem>> -> memref<10000xi32, #tpu.memory_space<vmem>>
    %dma_wait3A_118 = tpu.memref_slice %arg7[%add3A_41] : memref<3200000xi32, #tpu.memory_space<hbm>> -> memref<10000xi32, #tpu.memory_space<hbm>>
    %dma_wait3A_119 = arith.constant 10000 : i32
    %dma_wait3A_120 = tpu.memref_slice %arg11[%dma_wait3A_119] : memref<20000xi32, #tpu.memory_space<vmem>> -> memref<10000xi32, #tpu.memory_space<vmem>>
    %dma_wait3A_121 = tpu.memref_slice %arg7[%add3A_41] : memref<3200000xi32, #tpu.memory_space<hbm>> -> memref<10000xi32, #tpu.memory_space<hbm>>
    tpu.wait_dma2 semaphore(%arg23 : memref<!tpu.dma_semaphore, #tpu.memory_space<semaphore_mem>>) src(%dma_wait3A_121 : memref<10000xi32, #tpu.memory_space<hbm>>) dst(%dma_wait3A_120 : memref<10000xi32, #tpu.memory_space<vmem>>)
    %scan3A_122 = arith.constant 0 : i32
    %scan3A_123 = arith.constant 0 : i32
    %scan3A_124 = arith.constant 125 : i32
    %scan3A_125 = arith.addi %scan3A_123, %scan3A_124 : i32
    %scan3A_126 = arith.constant 1 : i32
    %scan3A_127 = scf.for %scan3A_483 = %scan3A_123 to %scan3A_125 step %scan3A_126 iter_args(%scan3A_484 = %scan3A_122) -> (i32)  : i32 {
      %mul3A_485 = arith.constant 80 : i32
      %mul3A_486 = arith.muli %scan3A_483, %mul3A_485 : i32
      %add3A_487 = arith.constant 10000 : i32
      %add3A_488 = arith.addi %add3A_487, %mul3A_486 : i32
      %add3A_489 = arith.constant 0 : i32
      %add3A_490 = arith.addi %add3A_488, %add3A_489 : i32
      %get3A = arith.index_cast %add3A_490 : i32 to index
      %get3A_491 = tpu.vector_load %arg9[%get3A] {strides = array<i32>} : memref<20000xf32, #tpu.memory_space<vmem>>, vector<16xf32>,
      %add3A_492 = arith.constant 16 : i32
      %add3A_493 = arith.addi %add3A_488, %add3A_492 : i32
      %get3A_494 = arith.index_cast %add3A_493 : i32 to index
      %get3A_495 = tpu.vector_load %arg9[%get3A_494] {strides = array<i32>} : memref<20000xf32, #tpu.memory_space<vmem>>, vector<16xf32>,
      %add3A_496 = arith.constant 32 : i32
      %add3A_497 = arith.addi %add3A_488, %add3A_496 : i32
      %get3A_498 = arith.index_cast %add3A_497 : i32 to index
      %get3A_499 = tpu.vector_load %arg9[%get3A_498] {strides = array<i32>} : memref<20000xf32, #tpu.memory_space<vmem>>, vector<16xf32>,
      %add3A_500 = arith.constant 48 : i32
      %add3A_501 = arith.addi %add3A_488, %add3A_500 : i32
      %get3A_502 = arith.index_cast %add3A_501 : i32 to index
      %get3A_503 = tpu.vector_load %arg9[%get3A_502] {strides = array<i32>} : memref<20000xf32, #tpu.memory_space<vmem>>, vector<16xf32>,
      %add3A_504 = arith.constant 64 : i32
      %add3A_505 = arith.addi %add3A_488, %add3A_504 : i32
      %get3A_506 = arith.index_cast %add3A_505 : i32 to index
      %get3A_507 = tpu.vector_load %arg9[%get3A_506] {strides = array<i32>} : memref<20000xf32, #tpu.memory_space<vmem>>, vector<16xf32>,
      %add3A_508 = arith.constant 0 : i32
      %add3A_509 = arith.addi %add3A_488, %add3A_508 : i32
      %get3A_510 = arith.index_cast %add3A_509 : i32 to index
      %get3A_511 = tpu.vector_load %arg10[%get3A_510] {strides = array<i32>} : memref<20000xf32, #tpu.memory_space<vmem>>, vector<16xf32>,
      %add3A_512 = arith.constant 16 : i32
      %add3A_513 = arith.addi %add3A_488, %add3A_512 : i32
      %get3A_514 = arith.index_cast %add3A_513 : i32 to index
      %get3A_515 = tpu.vector_load %arg10[%get3A_514] {strides = array<i32>} : memref<20000xf32, #tpu.memory_space<vmem>>, vector<16xf32>,
      %add3A_516 = arith.constant 32 : i32
      %add3A_517 = arith.addi %add3A_488, %add3A_516 : i32
      %get3A_518 = arith.index_cast %add3A_517 : i32 to index
      %get3A_519 = tpu.vector_load %arg10[%get3A_518] {strides = array<i32>} : memref<20000xf32, #tpu.memory_space<vmem>>, vector<16xf32>,
      %add3A_520 = arith.constant 48 : i32
      %add3A_521 = arith.addi %add3A_488, %add3A_520 : i32
      %get3A_522 = arith.index_cast %add3A_521 : i32 to index
      %get3A_523 = tpu.vector_load %arg10[%get3A_522] {strides = array<i32>} : memref<20000xf32, #tpu.memory_space<vmem>>, vector<16xf32>,
      %add3A_524 = arith.constant 64 : i32
      %add3A_525 = arith.addi %add3A_488, %add3A_524 : i32
      %get3A_526 = arith.index_cast %add3A_525 : i32 to index
      %get3A_527 = tpu.vector_load %arg10[%get3A_526] {strides = array<i32>} : memref<20000xf32, #tpu.memory_space<vmem>>, vector<16xf32>,
      %add3A_528 = arith.constant 0 : i32
      %add3A_529 = arith.addi %add3A_488, %add3A_528 : i32
      %get3A_530 = arith.index_cast %add3A_529 : i32 to index
      %get3A_531 = tpu.vector_load %arg11[%get3A_530] {strides = array<i32>} : memref<20000xi32, #tpu.memory_space<vmem>>, vector<16xi32>,
      %add3A_532 = arith.constant 16 : i32
      %add3A_533 = arith.addi %add3A_488, %add3A_532 : i32
      %get3A_534 = arith.index_cast %add3A_533 : i32 to index
      %get3A_535 = tpu.vector_load %arg11[%get3A_534] {strides = array<i32>} : memref<20000xi32, #tpu.memory_space<vmem>>, vector<16xi32>,
      %add3A_536 = arith.constant 32 : i32
      %add3A_537 = arith.addi %add3A_488, %add3A_536 : i32
      %get3A_538 = arith.index_cast %add3A_537 : i32 to index
      %get3A_539 = tpu.vector_load %arg11[%get3A_538] {strides = array<i32>} : memref<20000xi32, #tpu.memory_space<vmem>>, vector<16xi32>,
      %add3A_540 = arith.constant 48 : i32
      %add3A_541 = arith.addi %add3A_488, %add3A_540 : i32
      %get3A_542 = arith.index_cast %add3A_541 : i32 to index
      %get3A_543 = tpu.vector_load %arg11[%get3A_542] {strides = array<i32>} : memref<20000xi32, #tpu.memory_space<vmem>>, vector<16xi32>,
      %add3A_544 = arith.constant 64 : i32
      %add3A_545 = arith.addi %add3A_488, %add3A_544 : i32
      %get3A_546 = arith.index_cast %add3A_545 : i32 to index
      %get3A_547 = tpu.vector_load %arg11[%get3A_546] {strides = array<i32>} : memref<20000xi32, #tpu.memory_space<vmem>>, vector<16xi32>,
      %add3A_548 = arith.addi %mul3A_3, %get3A_531 : vector<16xi32>
      %add3A_549 = arith.addi %mul3A_3, %get3A_535 : vector<16xi32>
      %add3A_550 = arith.addi %mul3A_3, %get3A_539 : vector<16xi32>
      %add3A_551 = arith.addi %mul3A_3, %get3A_543 : vector<16xi32>
      %add3A_552 = arith.addi %mul3A_3, %get3A_547 : vector<16xi32>
      %sub3A = arith.subf %get3A_491, %get3A_511 : vector<16xf32>
      %sub3A_553 = arith.subf %get3A_491, %get3A_511 : vector<16xf32>
      %mul3A_554 = arith.mulf %sub3A, %sub3A_553 : vector<16xf32>
      %sub3A_555 = arith.subf %get3A_495, %get3A_515 : vector<16xf32>
      %sub3A_556 = arith.subf %get3A_495, %get3A_515 : vector<16xf32>
      %mul3A_557 = arith.mulf %sub3A_555, %sub3A_556 : vector<16xf32>
      %sub3A_558 = arith.subf %get3A_499, %get3A_519 : vector<16xf32>
      %sub3A_559 = arith.subf %get3A_499, %get3A_519 : vector<16xf32>
      %mul3A_560 = arith.mulf %sub3A_558, %sub3A_559 : vector<16xf32>
      %sub3A_561 = arith.subf %get3A_503, %get3A_523 : vector<16xf32>
      %sub3A_562 = arith.subf %get3A_503, %get3A_523 : vector<16xf32>
      %mul3A_563 = arith.mulf %sub3A_561, %sub3A_562 : vector<16xf32>
      %sub3A_564 = arith.subf %get3A_507, %get3A_527 : vector<16xf32>
      %sub3A_565 = arith.subf %get3A_507, %get3A_527 : vector<16xf32>
      %mul3A_566 = arith.mulf %sub3A_564, %sub3A_565 : vector<16xf32>
      tpu.vector_store_idx %arg17[%add3A_548], %mul3A_554 {add = true} : memref<6160xf32, #tpu.memory_space<vmem>>[vector<16xi32>], vector<16xf32>,
      tpu.vector_store_idx %arg17[%add3A_549], %mul3A_557 {add = true} : memref<6160xf32, #tpu.memory_space<vmem>>[vector<16xi32>], vector<16xf32>,
      tpu.vector_store_idx %arg17[%add3A_550], %mul3A_560 {add = true} : memref<6160xf32, #tpu.memory_space<vmem>>[vector<16xi32>], vector<16xf32>,
      tpu.vector_store_idx %arg17[%add3A_551], %mul3A_563 {add = true} : memref<6160xf32, #tpu.memory_space<vmem>>[vector<16xi32>], vector<16xf32>,
      tpu.vector_store_idx %arg17[%add3A_552], %mul3A_566 {add = true} : memref<6160xf32, #tpu.memory_space<vmem>>[vector<16xi32>], vector<16xf32>,
      %scan3A_567 = arith.constant 0 : i32
      scf.yield %scan3A_567 : i32
    }
    %scan3A_128 = arith.constant 125 : i32
    %add3A_129 = arith.constant 30000 : i32
    %add3A_130 = arith.addi %mul3A_8, %add3A_129 : i32
    %dma_start3A_131 = arith.constant 10000 : i32
    %dma_start3A_132 = tpu.memref_slice %arg9[%dma_start3A_131] : memref<20000xf32, #tpu.memory_space<vmem>> -> memref<10000xf32, #tpu.memory_space<vmem>>
    %dma_start3A_133 = tpu.memref_slice %arg5[%add3A_130] : memref<3200000xf32, #tpu.memory_space<hbm>> -> memref<10000xf32, #tpu.memory_space<hbm>>
    %dma_start3A_134 = arith.constant 10000 : i32
    %dma_start3A_135 = tpu.memref_slice %arg9[%dma_start3A_134] : memref<20000xf32, #tpu.memory_space<vmem>> -> memref<10000xf32, #tpu.memory_space<vmem>>
    %dma_start3A_136 = tpu.memref_slice %arg5[%add3A_130] : memref<3200000xf32, #tpu.memory_space<hbm>> -> memref<10000xf32, #tpu.memory_space<hbm>>
    tpu.enqueue_dma source(%dma_start3A_136 : memref<10000xf32, #tpu.memory_space<hbm>>) target(%dma_start3A_135 : memref<10000xf32, #tpu.memory_space<vmem>>) target_semaphore(%arg23 : memref<!tpu.dma_semaphore, #tpu.memory_space<semaphore_mem>>)
    %dma_start3A_137 = arith.constant 10000 : i32
    %dma_start3A_138 = tpu.memref_slice %arg10[%dma_start3A_137] : memref<20000xf32, #tpu.memory_space<vmem>> -> memref<10000xf32, #tpu.memory_space<vmem>>
    %dma_start3A_139 = tpu.memref_slice %arg6[%add3A_130] : memref<3200000xf32, #tpu.memory_space<hbm>> -> memref<10000xf32, #tpu.memory_space<hbm>>
    %dma_start3A_140 = arith.constant 10000 : i32
    %dma_start3A_141 = tpu.memref_slice %arg10[%dma_start3A_140] : memref<20000xf32, #tpu.memory_space<vmem>> -> memref<10000xf32, #tpu.memory_space<vmem>>
    %dma_start3A_142 = tpu.memref_slice %arg6[%add3A_130] : memref<3200000xf32, #tpu.memory_space<hbm>> -> memref<10000xf32, #tpu.memory_space<hbm>>
    tpu.enqueue_dma source(%dma_start3A_142 : memref<10000xf32, #tpu.memory_space<hbm>>) target(%dma_start3A_141 : memref<10000xf32, #tpu.memory_space<vmem>>) target_semaphore(%arg23 : memref<!tpu.dma_semaphore, #tpu.memory_space<semaphore_mem>>)
    %dma_start3A_143 = arith.constant 10000 : i32
    %dma_start3A_144 = tpu.memref_slice %arg11[%dma_start3A_143] : memref<20000xi32, #tpu.memory_space<vmem>> -> memref<10000xi32, #tpu.memory_space<vmem>>
    %dma_start3A_145 = tpu.memref_slice %arg7[%add3A_130] : memref<3200000xi32, #tpu.memory_space<hbm>> -> memref<10000xi32, #tpu.memory_space<hbm>>
    %dma_start3A_146 = arith.constant 10000 : i32
    %dma_start3A_147 = tpu.memref_slice %arg11[%dma_start3A_146] : memref<20000xi32, #tpu.memory_space<vmem>> -> memref<10000xi32, #tpu.memory_space<vmem>>
    %dma_start3A_148 = tpu.memref_slice %arg7[%add3A_130] : memref<3200000xi32, #tpu.memory_space<hbm>> -> memref<10000xi32, #tpu.memory_space<hbm>>
    tpu.enqueue_dma source(%dma_start3A_148 : memref<10000xi32, #tpu.memory_space<hbm>>) target(%dma_start3A_147 : memref<10000xi32, #tpu.memory_space<vmem>>) target_semaphore(%arg23 : memref<!tpu.dma_semaphore, #tpu.memory_space<semaphore_mem>>)
    %dma_wait3A_149 = arith.constant 0 : i32
    %dma_wait3A_150 = tpu.memref_slice %arg9[%dma_wait3A_149] : memref<20000xf32, #tpu.memory_space<vmem>> -> memref<10000xf32, #tpu.memory_space<vmem>>
    %dma_wait3A_151 = tpu.memref_slice %arg5[%add3A_85] : memref<3200000xf32, #tpu.memory_space<hbm>> -> memref<10000xf32, #tpu.memory_space<hbm>>
    %dma_wait3A_152 = arith.constant 0 : i32
    %dma_wait3A_153 = tpu.memref_slice %arg9[%dma_wait3A_152] : memref<20000xf32, #tpu.memory_space<vmem>> -> memref<10000xf32, #tpu.memory_space<vmem>>
    %dma_wait3A_154 = tpu.memref_slice %arg5[%add3A_85] : memref<3200000xf32, #tpu.memory_space<hbm>> -> memref<10000xf32, #tpu.memory_space<hbm>>
    tpu.wait_dma2 semaphore(%arg22 : memref<!tpu.dma_semaphore, #tpu.memory_space<semaphore_mem>>) src(%dma_wait3A_154 : memref<10000xf32, #tpu.memory_space<hbm>>) dst(%dma_wait3A_153 : memref<10000xf32, #tpu.memory_space<vmem>>)
    %dma_wait3A_155 = arith.constant 0 : i32
    %dma_wait3A_156 = tpu.memref_slice %arg10[%dma_wait3A_155] : memref<20000xf32, #tpu.memory_space<vmem>> -> memref<10000xf32, #tpu.memory_space<vmem>>
    %dma_wait3A_157 = tpu.memref_slice %arg6[%add3A_85] : memref<3200000xf32, #tpu.memory_space<hbm>> -> memref<10000xf32, #tpu.memory_space<hbm>>
    %dma_wait3A_158 = arith.constant 0 : i32
    %dma_wait3A_159 = tpu.memref_slice %arg10[%dma_wait3A_158] : memref<20000xf32, #tpu.memory_space<vmem>> -> memref<10000xf32, #tpu.memory_space<vmem>>
    %dma_wait3A_160 = tpu.memref_slice %arg6[%add3A_85] : memref<3200000xf32, #tpu.memory_space<hbm>> -> memref<10000xf32, #tpu.memory_space<hbm>>
    tpu.wait_dma2 semaphore(%arg22 : memref<!tpu.dma_semaphore, #tpu.memory_space<semaphore_mem>>) src(%dma_wait3A_160 : memref<10000xf32, #tpu.memory_space<hbm>>) dst(%dma_wait3A_159 : memref<10000xf32, #tpu.memory_space<vmem>>)
    %dma_wait3A_161 = arith.constant 0 : i32
    %dma_wait3A_162 = tpu.memref_slice %arg11[%dma_wait3A_161] : memref<20000xi32, #tpu.memory_space<vmem>> -> memref<10000xi32, #tpu.memory_space<vmem>>
    %dma_wait3A_163 = tpu.memref_slice %arg7[%add3A_85] : memref<3200000xi32, #tpu.memory_space<hbm>> -> memref<10000xi32, #tpu.memory_space<hbm>>
    %dma_wait3A_164 = arith.constant 0 : i32
    %dma_wait3A_165 = tpu.memref_slice %arg11[%dma_wait3A_164] : memref<20000xi32, #tpu.memory_space<vmem>> -> memref<10000xi32, #tpu.memory_space<vmem>>
    %dma_wait3A_166 = tpu.memref_slice %arg7[%add3A_85] : memref<3200000xi32, #tpu.memory_space<hbm>> -> memref<10000xi32, #tpu.memory_space<hbm>>
    tpu.wait_dma2 semaphore(%arg22 : memref<!tpu.dma_semaphore, #tpu.memory_space<semaphore_mem>>) src(%dma_wait3A_166 : memref<10000xi32, #tpu.memory_space<hbm>>) dst(%dma_wait3A_165 : memref<10000xi32, #tpu.memory_space<vmem>>)
    %scan3A_167 = arith.constant 0 : i32
    %scan3A_168 = arith.constant 0 : i32
    %scan3A_169 = arith.constant 125 : i32
    %scan3A_170 = arith.addi %scan3A_168, %scan3A_169 : i32
    %scan3A_171 = arith.constant 1 : i32
    %scan3A_172 = scf.for %scan3A_483 = %scan3A_168 to %scan3A_170 step %scan3A_171 iter_args(%scan3A_484 = %scan3A_167) -> (i32)  : i32 {
      %mul3A_485 = arith.constant 80 : i32
      %mul3A_486 = arith.muli %scan3A_483, %mul3A_485 : i32
      %add3A_487 = arith.constant 0 : i32
      %add3A_488 = arith.addi %add3A_487, %mul3A_486 : i32
      %add3A_489 = arith.constant 0 : i32
      %add3A_490 = arith.addi %add3A_488, %add3A_489 : i32
      %get3A = arith.index_cast %add3A_490 : i32 to index
      %get3A_491 = tpu.vector_load %arg9[%get3A] {strides = array<i32>} : memref<20000xf32, #tpu.memory_space<vmem>>, vector<16xf32>,
      %add3A_492 = arith.constant 16 : i32
      %add3A_493 = arith.addi %add3A_488, %add3A_492 : i32
      %get3A_494 = arith.index_cast %add3A_493 : i32 to index
      %get3A_495 = tpu.vector_load %arg9[%get3A_494] {strides = array<i32>} : memref<20000xf32, #tpu.memory_space<vmem>>, vector<16xf32>,
      %add3A_496 = arith.constant 32 : i32
      %add3A_497 = arith.addi %add3A_488, %add3A_496 : i32
      %get3A_498 = arith.index_cast %add3A_497 : i32 to index
      %get3A_499 = tpu.vector_load %arg9[%get3A_498] {strides = array<i32>} : memref<20000xf32, #tpu.memory_space<vmem>>, vector<16xf32>,
      %add3A_500 = arith.constant 48 : i32
      %add3A_501 = arith.addi %add3A_488, %add3A_500 : i32
      %get3A_502 = arith.index_cast %add3A_501 : i32 to index
      %get3A_503 = tpu.vector_load %arg9[%get3A_502] {strides = array<i32>} : memref<20000xf32, #tpu.memory_space<vmem>>, vector<16xf32>,
      %add3A_504 = arith.constant 64 : i32
      %add3A_505 = arith.addi %add3A_488, %add3A_504 : i32
      %get3A_506 = arith.index_cast %add3A_505 : i32 to index
      %get3A_507 = tpu.vector_load %arg9[%get3A_506] {strides = array<i32>} : memref<20000xf32, #tpu.memory_space<vmem>>, vector<16xf32>,
      %add3A_508 = arith.constant 0 : i32
      %add3A_509 = arith.addi %add3A_488, %add3A_508 : i32
      %get3A_510 = arith.index_cast %add3A_509 : i32 to index
      %get3A_511 = tpu.vector_load %arg10[%get3A_510] {strides = array<i32>} : memref<20000xf32, #tpu.memory_space<vmem>>, vector<16xf32>,
      %add3A_512 = arith.constant 16 : i32
      %add3A_513 = arith.addi %add3A_488, %add3A_512 : i32
      %get3A_514 = arith.index_cast %add3A_513 : i32 to index
      %get3A_515 = tpu.vector_load %arg10[%get3A_514] {strides = array<i32>} : memref<20000xf32, #tpu.memory_space<vmem>>, vector<16xf32>,
      %add3A_516 = arith.constant 32 : i32
      %add3A_517 = arith.addi %add3A_488, %add3A_516 : i32
      %get3A_518 = arith.index_cast %add3A_517 : i32 to index
      %get3A_519 = tpu.vector_load %arg10[%get3A_518] {strides = array<i32>} : memref<20000xf32, #tpu.memory_space<vmem>>, vector<16xf32>,
      %add3A_520 = arith.constant 48 : i32
      %add3A_521 = arith.addi %add3A_488, %add3A_520 : i32
      %get3A_522 = arith.index_cast %add3A_521 : i32 to index
      %get3A_523 = tpu.vector_load %arg10[%get3A_522] {strides = array<i32>} : memref<20000xf32, #tpu.memory_space<vmem>>, vector<16xf32>,
      %add3A_524 = arith.constant 64 : i32
      %add3A_525 = arith.addi %add3A_488, %add3A_524 : i32
      %get3A_526 = arith.index_cast %add3A_525 : i32 to index
      %get3A_527 = tpu.vector_load %arg10[%get3A_526] {strides = array<i32>} : memref<20000xf32, #tpu.memory_space<vmem>>, vector<16xf32>,
      %add3A_528 = arith.constant 0 : i32
      %add3A_529 = arith.addi %add3A_488, %add3A_528 : i32
      %get3A_530 = arith.index_cast %add3A_529 : i32 to index
      %get3A_531 = tpu.vector_load %arg11[%get3A_530] {strides = array<i32>} : memref<20000xi32, #tpu.memory_space<vmem>>, vector<16xi32>,
      %add3A_532 = arith.constant 16 : i32
      %add3A_533 = arith.addi %add3A_488, %add3A_532 : i32
      %get3A_534 = arith.index_cast %add3A_533 : i32 to index
      %get3A_535 = tpu.vector_load %arg11[%get3A_534] {strides = array<i32>} : memref<20000xi32, #tpu.memory_space<vmem>>, vector<16xi32>,
      %add3A_536 = arith.constant 32 : i32
      %add3A_537 = arith.addi %add3A_488, %add3A_536 : i32
      %get3A_538 = arith.index_cast %add3A_537 : i32 to index
      %get3A_539 = tpu.vector_load %arg11[%get3A_538] {strides = array<i32>} : memref<20000xi32, #tpu.memory_space<vmem>>, vector<16xi32>,
      %add3A_540 = arith.constant 48 : i32
      %add3A_541 = arith.addi %add3A_488, %add3A_540 : i32
      %get3A_542 = arith.index_cast %add3A_541 : i32 to index
      %get3A_543 = tpu.vector_load %arg11[%get3A_542] {strides = array<i32>} : memref<20000xi32, #tpu.memory_space<vmem>>, vector<16xi32>,
      %add3A_544 = arith.constant 64 : i32
      %add3A_545 = arith.addi %add3A_488, %add3A_544 : i32
      %get3A_546 = arith.index_cast %add3A_545 : i32 to index
      %get3A_547 = tpu.vector_load %arg11[%get3A_546] {strides = array<i32>} : memref<20000xi32, #tpu.memory_space<vmem>>, vector<16xi32>,
      %add3A_548 = arith.addi %mul3A_3, %get3A_531 : vector<16xi32>
      %add3A_549 = arith.addi %mul3A_3, %get3A_535 : vector<16xi32>
      %add3A_550 = arith.addi %mul3A_3, %get3A_539 : vector<16xi32>
      %add3A_551 = arith.addi %mul3A_3, %get3A_543 : vector<16xi32>
      %add3A_552 = arith.addi %mul3A_3, %get3A_547 : vector<16xi32>
      %sub3A = arith.subf %get3A_491, %get3A_511 : vector<16xf32>
      %sub3A_553 = arith.subf %get3A_491, %get3A_511 : vector<16xf32>
      %mul3A_554 = arith.mulf %sub3A, %sub3A_553 : vector<16xf32>
      %sub3A_555 = arith.subf %get3A_495, %get3A_515 : vector<16xf32>
      %sub3A_556 = arith.subf %get3A_495, %get3A_515 : vector<16xf32>
      %mul3A_557 = arith.mulf %sub3A_555, %sub3A_556 : vector<16xf32>
      %sub3A_558 = arith.subf %get3A_499, %get3A_519 : vector<16xf32>
      %sub3A_559 = arith.subf %get3A_499, %get3A_519 : vector<16xf32>
      %mul3A_560 = arith.mulf %sub3A_558, %sub3A_559 : vector<16xf32>
      %sub3A_561 = arith.subf %get3A_503, %get3A_523 : vector<16xf32>
      %sub3A_562 = arith.subf %get3A_503, %get3A_523 : vector<16xf32>
      %mul3A_563 = arith.mulf %sub3A_561, %sub3A_562 : vector<16xf32>
      %sub3A_564 = arith.subf %get3A_507, %get3A_527 : vector<16xf32>
      %sub3A_565 = arith.subf %get3A_507, %get3A_527 : vector<16xf32>
      %mul3A_566 = arith.mulf %sub3A_564, %sub3A_565 : vector<16xf32>
      tpu.vector_store_idx %arg17[%add3A_548], %mul3A_554 {add = true} : memref<6160xf32, #tpu.memory_space<vmem>>[vector<16xi32>], vector<16xf32>,
      tpu.vector_store_idx %arg17[%add3A_549], %mul3A_557 {add = true} : memref<6160xf32, #tpu.memory_space<vmem>>[vector<16xi32>], vector<16xf32>,
      tpu.vector_store_idx %arg17[%add3A_550], %mul3A_560 {add = true} : memref<6160xf32, #tpu.memory_space<vmem>>[vector<16xi32>], vector<16xf32>,
      tpu.vector_store_idx %arg17[%add3A_551], %mul3A_563 {add = true} : memref<6160xf32, #tpu.memory_space<vmem>>[vector<16xi32>], vector<16xf32>,
      tpu.vector_store_idx %arg17[%add3A_552], %mul3A_566 {add = true} : memref<6160xf32, #tpu.memory_space<vmem>>[vector<16xi32>], vector<16xf32>,
      %scan3A_567 = arith.constant 0 : i32
      scf.yield %scan3A_567 : i32
    }
    %scan3A_173 = arith.constant 125 : i32
    %add3A_174 = arith.constant 40000 : i32
    %add3A_175 = arith.addi %mul3A_8, %add3A_174 : i32
    %dma_start3A_176 = arith.constant 0 : i32
    %dma_start3A_177 = tpu.memref_slice %arg9[%dma_start3A_176] : memref<20000xf32, #tpu.memory_space<vmem>> -> memref<10000xf32, #tpu.memory_space<vmem>>
    %dma_start3A_178 = tpu.memref_slice %arg5[%add3A_175] : memref<3200000xf32, #tpu.memory_space<hbm>> -> memref<10000xf32, #tpu.memory_space<hbm>>
    %dma_start3A_179 = arith.constant 0 : i32
    %dma_start3A_180 = tpu.memref_slice %arg9[%dma_start3A_179] : memref<20000xf32, #tpu.memory_space<vmem>> -> memref<10000xf32, #tpu.memory_space<vmem>>
    %dma_start3A_181 = tpu.memref_slice %arg5[%add3A_175] : memref<3200000xf32, #tpu.memory_space<hbm>> -> memref<10000xf32, #tpu.memory_space<hbm>>
    tpu.enqueue_dma source(%dma_start3A_181 : memref<10000xf32, #tpu.memory_space<hbm>>) target(%dma_start3A_180 : memref<10000xf32, #tpu.memory_space<vmem>>) target_semaphore(%arg22 : memref<!tpu.dma_semaphore, #tpu.memory_space<semaphore_mem>>)
    %dma_start3A_182 = arith.constant 0 : i32
    %dma_start3A_183 = tpu.memref_slice %arg10[%dma_start3A_182] : memref<20000xf32, #tpu.memory_space<vmem>> -> memref<10000xf32, #tpu.memory_space<vmem>>
    %dma_start3A_184 = tpu.memref_slice %arg6[%add3A_175] : memref<3200000xf32, #tpu.memory_space<hbm>> -> memref<10000xf32, #tpu.memory_space<hbm>>
    %dma_start3A_185 = arith.constant 0 : i32
    %dma_start3A_186 = tpu.memref_slice %arg10[%dma_start3A_185] : memref<20000xf32, #tpu.memory_space<vmem>> -> memref<10000xf32, #tpu.memory_space<vmem>>
    %dma_start3A_187 = tpu.memref_slice %arg6[%add3A_175] : memref<3200000xf32, #tpu.memory_space<hbm>> -> memref<10000xf32, #tpu.memory_space<hbm>>
    tpu.enqueue_dma source(%dma_start3A_187 : memref<10000xf32, #tpu.memory_space<hbm>>) target(%dma_start3A_186 : memref<10000xf32, #tpu.memory_space<vmem>>) target_semaphore(%arg22 : memref<!tpu.dma_semaphore, #tpu.memory_space<semaphore_mem>>)
    %dma_start3A_188 = arith.constant 0 : i32
    %dma_start3A_189 = tpu.memref_slice %arg11[%dma_start3A_188] : memref<20000xi32, #tpu.memory_space<vmem>> -> memref<10000xi32, #tpu.memory_space<vmem>>
    %dma_start3A_190 = tpu.memref_slice %arg7[%add3A_175] : memref<3200000xi32, #tpu.memory_space<hbm>> -> memref<10000xi32, #tpu.memory_space<hbm>>
    %dma_start3A_191 = arith.constant 0 : i32
    %dma_start3A_192 = tpu.memref_slice %arg11[%dma_start3A_191] : memref<20000xi32, #tpu.memory_space<vmem>> -> memref<10000xi32, #tpu.memory_space<vmem>>
    %dma_start3A_193 = tpu.memref_slice %arg7[%add3A_175] : memref<3200000xi32, #tpu.memory_space<hbm>> -> memref<10000xi32, #tpu.memory_space<hbm>>
    tpu.enqueue_dma source(%dma_start3A_193 : memref<10000xi32, #tpu.memory_space<hbm>>) target(%dma_start3A_192 : memref<10000xi32, #tpu.memory_space<vmem>>) target_semaphore(%arg22 : memref<!tpu.dma_semaphore, #tpu.memory_space<semaphore_mem>>)
    %dma_wait3A_194 = arith.constant 10000 : i32
    %dma_wait3A_195 = tpu.memref_slice %arg9[%dma_wait3A_194] : memref<20000xf32, #tpu.memory_space<vmem>> -> memref<10000xf32, #tpu.memory_space<vmem>>
    %dma_wait3A_196 = tpu.memref_slice %arg5[%add3A_130] : memref<3200000xf32, #tpu.memory_space<hbm>> -> memref<10000xf32, #tpu.memory_space<hbm>>
    %dma_wait3A_197 = arith.constant 10000 : i32
    %dma_wait3A_198 = tpu.memref_slice %arg9[%dma_wait3A_197] : memref<20000xf32, #tpu.memory_space<vmem>> -> memref<10000xf32, #tpu.memory_space<vmem>>
    %dma_wait3A_199 = tpu.memref_slice %arg5[%add3A_130] : memref<3200000xf32, #tpu.memory_space<hbm>> -> memref<10000xf32, #tpu.memory_space<hbm>>
    tpu.wait_dma2 semaphore(%arg23 : memref<!tpu.dma_semaphore, #tpu.memory_space<semaphore_mem>>) src(%dma_wait3A_199 : memref<10000xf32, #tpu.memory_space<hbm>>) dst(%dma_wait3A_198 : memref<10000xf32, #tpu.memory_space<vmem>>)
    %dma_wait3A_200 = arith.constant 10000 : i32
    %dma_wait3A_201 = tpu.memref_slice %arg10[%dma_wait3A_200] : memref<20000xf32, #tpu.memory_space<vmem>> -> memref<10000xf32, #tpu.memory_space<vmem>>
    %dma_wait3A_202 = tpu.memref_slice %arg6[%add3A_130] : memref<3200000xf32, #tpu.memory_space<hbm>> -> memref<10000xf32, #tpu.memory_space<hbm>>
    %dma_wait3A_203 = arith.constant 10000 : i32
    %dma_wait3A_204 = tpu.memref_slice %arg10[%dma_wait3A_203] : memref<20000xf32, #tpu.memory_space<vmem>> -> memref<10000xf32, #tpu.memory_space<vmem>>
    %dma_wait3A_205 = tpu.memref_slice %arg6[%add3A_130] : memref<3200000xf32, #tpu.memory_space<hbm>> -> memref<10000xf32, #tpu.memory_space<hbm>>
    tpu.wait_dma2 semaphore(%arg23 : memref<!tpu.dma_semaphore, #tpu.memory_space<semaphore_mem>>) src(%dma_wait3A_205 : memref<10000xf32, #tpu.memory_space<hbm>>) dst(%dma_wait3A_204 : memref<10000xf32, #tpu.memory_space<vmem>>)
    %dma_wait3A_206 = arith.constant 10000 : i32
    %dma_wait3A_207 = tpu.memref_slice %arg11[%dma_wait3A_206] : memref<20000xi32, #tpu.memory_space<vmem>> -> memref<10000xi32, #tpu.memory_space<vmem>>
    %dma_wait3A_208 = tpu.memref_slice %arg7[%add3A_130] : memref<3200000xi32, #tpu.memory_space<hbm>> -> memref<10000xi32, #tpu.memory_space<hbm>>
    %dma_wait3A_209 = arith.constant 10000 : i32
    %dma_wait3A_210 = tpu.memref_slice %arg11[%dma_wait3A_209] : memref<20000xi32, #tpu.memory_space<vmem>> -> memref<10000xi32, #tpu.memory_space<vmem>>
    %dma_wait3A_211 = tpu.memref_slice %arg7[%add3A_130] : memref<3200000xi32, #tpu.memory_space<hbm>> -> memref<10000xi32, #tpu.memory_space<hbm>>
    tpu.wait_dma2 semaphore(%arg23 : memref<!tpu.dma_semaphore, #tpu.memory_space<semaphore_mem>>) src(%dma_wait3A_211 : memref<10000xi32, #tpu.memory_space<hbm>>) dst(%dma_wait3A_210 : memref<10000xi32, #tpu.memory_space<vmem>>)
    %scan3A_212 = arith.constant 0 : i32
    %scan3A_213 = arith.constant 0 : i32
    %scan3A_214 = arith.constant 125 : i32
    %scan3A_215 = arith.addi %scan3A_213, %scan3A_214 : i32
    %scan3A_216 = arith.constant 1 : i32
    %scan3A_217 = scf.for %scan3A_483 = %scan3A_213 to %scan3A_215 step %scan3A_216 iter_args(%scan3A_484 = %scan3A_212) -> (i32)  : i32 {
      %mul3A_485 = arith.constant 80 : i32
      %mul3A_486 = arith.muli %scan3A_483, %mul3A_485 : i32
      %add3A_487 = arith.constant 10000 : i32
      %add3A_488 = arith.addi %add3A_487, %mul3A_486 : i32
      %add3A_489 = arith.constant 0 : i32
      %add3A_490 = arith.addi %add3A_488, %add3A_489 : i32
      %get3A = arith.index_cast %add3A_490 : i32 to index
      %get3A_491 = tpu.vector_load %arg9[%get3A] {strides = array<i32>} : memref<20000xf32, #tpu.memory_space<vmem>>, vector<16xf32>,
      %add3A_492 = arith.constant 16 : i32
      %add3A_493 = arith.addi %add3A_488, %add3A_492 : i32
      %get3A_494 = arith.index_cast %add3A_493 : i32 to index
      %get3A_495 = tpu.vector_load %arg9[%get3A_494] {strides = array<i32>} : memref<20000xf32, #tpu.memory_space<vmem>>, vector<16xf32>,
      %add3A_496 = arith.constant 32 : i32
      %add3A_497 = arith.addi %add3A_488, %add3A_496 : i32
      %get3A_498 = arith.index_cast %add3A_497 : i32 to index
      %get3A_499 = tpu.vector_load %arg9[%get3A_498] {strides = array<i32>} : memref<20000xf32, #tpu.memory_space<vmem>>, vector<16xf32>,
      %add3A_500 = arith.constant 48 : i32
      %add3A_501 = arith.addi %add3A_488, %add3A_500 : i32
      %get3A_502 = arith.index_cast %add3A_501 : i32 to index
      %get3A_503 = tpu.vector_load %arg9[%get3A_502] {strides = array<i32>} : memref<20000xf32, #tpu.memory_space<vmem>>, vector<16xf32>,
      %add3A_504 = arith.constant 64 : i32
      %add3A_505 = arith.addi %add3A_488, %add3A_504 : i32
      %get3A_506 = arith.index_cast %add3A_505 : i32 to index
      %get3A_507 = tpu.vector_load %arg9[%get3A_506] {strides = array<i32>} : memref<20000xf32, #tpu.memory_space<vmem>>, vector<16xf32>,
      %add3A_508 = arith.constant 0 : i32
      %add3A_509 = arith.addi %add3A_488, %add3A_508 : i32
      %get3A_510 = arith.index_cast %add3A_509 : i32 to index
      %get3A_511 = tpu.vector_load %arg10[%get3A_510] {strides = array<i32>} : memref<20000xf32, #tpu.memory_space<vmem>>, vector<16xf32>,
      %add3A_512 = arith.constant 16 : i32
      %add3A_513 = arith.addi %add3A_488, %add3A_512 : i32
      %get3A_514 = arith.index_cast %add3A_513 : i32 to index
      %get3A_515 = tpu.vector_load %arg10[%get3A_514] {strides = array<i32>} : memref<20000xf32, #tpu.memory_space<vmem>>, vector<16xf32>,
      %add3A_516 = arith.constant 32 : i32
      %add3A_517 = arith.addi %add3A_488, %add3A_516 : i32
      %get3A_518 = arith.index_cast %add3A_517 : i32 to index
      %get3A_519 = tpu.vector_load %arg10[%get3A_518] {strides = array<i32>} : memref<20000xf32, #tpu.memory_space<vmem>>, vector<16xf32>,
      %add3A_520 = arith.constant 48 : i32
      %add3A_521 = arith.addi %add3A_488, %add3A_520 : i32
      %get3A_522 = arith.index_cast %add3A_521 : i32 to index
      %get3A_523 = tpu.vector_load %arg10[%get3A_522] {strides = array<i32>} : memref<20000xf32, #tpu.memory_space<vmem>>, vector<16xf32>,
      %add3A_524 = arith.constant 64 : i32
      %add3A_525 = arith.addi %add3A_488, %add3A_524 : i32
      %get3A_526 = arith.index_cast %add3A_525 : i32 to index
      %get3A_527 = tpu.vector_load %arg10[%get3A_526] {strides = array<i32>} : memref<20000xf32, #tpu.memory_space<vmem>>, vector<16xf32>,
      %add3A_528 = arith.constant 0 : i32
      %add3A_529 = arith.addi %add3A_488, %add3A_528 : i32
      %get3A_530 = arith.index_cast %add3A_529 : i32 to index
      %get3A_531 = tpu.vector_load %arg11[%get3A_530] {strides = array<i32>} : memref<20000xi32, #tpu.memory_space<vmem>>, vector<16xi32>,
      %add3A_532 = arith.constant 16 : i32
      %add3A_533 = arith.addi %add3A_488, %add3A_532 : i32
      %get3A_534 = arith.index_cast %add3A_533 : i32 to index
      %get3A_535 = tpu.vector_load %arg11[%get3A_534] {strides = array<i32>} : memref<20000xi32, #tpu.memory_space<vmem>>, vector<16xi32>,
      %add3A_536 = arith.constant 32 : i32
      %add3A_537 = arith.addi %add3A_488, %add3A_536 : i32
      %get3A_538 = arith.index_cast %add3A_537 : i32 to index
      %get3A_539 = tpu.vector_load %arg11[%get3A_538] {strides = array<i32>} : memref<20000xi32, #tpu.memory_space<vmem>>, vector<16xi32>,
      %add3A_540 = arith.constant 48 : i32
      %add3A_541 = arith.addi %add3A_488, %add3A_540 : i32
      %get3A_542 = arith.index_cast %add3A_541 : i32 to index
      %get3A_543 = tpu.vector_load %arg11[%get3A_542] {strides = array<i32>} : memref<20000xi32, #tpu.memory_space<vmem>>, vector<16xi32>,
      %add3A_544 = arith.constant 64 : i32
      %add3A_545 = arith.addi %add3A_488, %add3A_544 : i32
      %get3A_546 = arith.index_cast %add3A_545 : i32 to index
      %get3A_547 = tpu.vector_load %arg11[%get3A_546] {strides = array<i32>} : memref<20000xi32, #tpu.memory_space<vmem>>, vector<16xi32>,
      %add3A_548 = arith.addi %mul3A_3, %get3A_531 : vector<16xi32>
      %add3A_549 = arith.addi %mul3A_3, %get3A_535 : vector<16xi32>
      %add3A_550 = arith.addi %mul3A_3, %get3A_539 : vector<16xi32>
      %add3A_551 = arith.addi %mul3A_3, %get3A_543 : vector<16xi32>
      %add3A_552 = arith.addi %mul3A_3, %get3A_547 : vector<16xi32>
      %sub3A = arith.subf %get3A_491, %get3A_511 : vector<16xf32>
      %sub3A_553 = arith.subf %get3A_491, %get3A_511 : vector<16xf32>
      %mul3A_554 = arith.mulf %sub3A, %sub3A_553 : vector<16xf32>
      %sub3A_555 = arith.subf %get3A_495, %get3A_515 : vector<16xf32>
      %sub3A_556 = arith.subf %get3A_495, %get3A_515 : vector<16xf32>
      %mul3A_557 = arith.mulf %sub3A_555, %sub3A_556 : vector<16xf32>
      %sub3A_558 = arith.subf %get3A_499, %get3A_519 : vector<16xf32>
      %sub3A_559 = arith.subf %get3A_499, %get3A_519 : vector<16xf32>
      %mul3A_560 = arith.mulf %sub3A_558, %sub3A_559 : vector<16xf32>
      %sub3A_561 = arith.subf %get3A_503, %get3A_523 : vector<16xf32>
      %sub3A_562 = arith.subf %get3A_503, %get3A_523 : vector<16xf32>
      %mul3A_563 = arith.mulf %sub3A_561, %sub3A_562 : vector<16xf32>
      %sub3A_564 = arith.subf %get3A_507, %get3A_527 : vector<16xf32>
      %sub3A_565 = arith.subf %get3A_507, %get3A_527 : vector<16xf32>
      %mul3A_566 = arith.mulf %sub3A_564, %sub3A_565 : vector<16xf32>
      tpu.vector_store_idx %arg17[%add3A_548], %mul3A_554 {add = true} : memref<6160xf32, #tpu.memory_space<vmem>>[vector<16xi32>], vector<16xf32>,
      tpu.vector_store_idx %arg17[%add3A_549], %mul3A_557 {add = true} : memref<6160xf32, #tpu.memory_space<vmem>>[vector<16xi32>], vector<16xf32>,
      tpu.vector_store_idx %arg17[%add3A_550], %mul3A_560 {add = true} : memref<6160xf32, #tpu.memory_space<vmem>>[vector<16xi32>], vector<16xf32>,
      tpu.vector_store_idx %arg17[%add3A_551], %mul3A_563 {add = true} : memref<6160xf32, #tpu.memory_space<vmem>>[vector<16xi32>], vector<16xf32>,
      tpu.vector_store_idx %arg17[%add3A_552], %mul3A_566 {add = true} : memref<6160xf32, #tpu.memory_space<vmem>>[vector<16xi32>], vector<16xf32>,
      %scan3A_567 = arith.constant 0 : i32
      scf.yield %scan3A_567 : i32
    }
    %scan3A_218 = arith.constant 125 : i32
    %add3A_219 = arith.constant 50000 : i32
    %add3A_220 = arith.addi %mul3A_8, %add3A_219 : i32
    %dma_start3A_221 = arith.constant 10000 : i32
    %dma_start3A_222 = tpu.memref_slice %arg9[%dma_start3A_221] : memref<20000xf32, #tpu.memory_space<vmem>> -> memref<10000xf32, #tpu.memory_space<vmem>>
    %dma_start3A_223 = tpu.memref_slice %arg5[%add3A_220] : memref<3200000xf32, #tpu.memory_space<hbm>> -> memref<10000xf32, #tpu.memory_space<hbm>>
    %dma_start3A_224 = arith.constant 10000 : i32
    %dma_start3A_225 = tpu.memref_slice %arg9[%dma_start3A_224] : memref<20000xf32, #tpu.memory_space<vmem>> -> memref<10000xf32, #tpu.memory_space<vmem>>
    %dma_start3A_226 = tpu.memref_slice %arg5[%add3A_220] : memref<3200000xf32, #tpu.memory_space<hbm>> -> memref<10000xf32, #tpu.memory_space<hbm>>
    tpu.enqueue_dma source(%dma_start3A_226 : memref<10000xf32, #tpu.memory_space<hbm>>) target(%dma_start3A_225 : memref<10000xf32, #tpu.memory_space<vmem>>) target_semaphore(%arg23 : memref<!tpu.dma_semaphore, #tpu.memory_space<semaphore_mem>>)
    %dma_start3A_227 = arith.constant 10000 : i32
    %dma_start3A_228 = tpu.memref_slice %arg10[%dma_start3A_227] : memref<20000xf32, #tpu.memory_space<vmem>> -> memref<10000xf32, #tpu.memory_space<vmem>>
    %dma_start3A_229 = tpu.memref_slice %arg6[%add3A_220] : memref<3200000xf32, #tpu.memory_space<hbm>> -> memref<10000xf32, #tpu.memory_space<hbm>>
    %dma_start3A_230 = arith.constant 10000 : i32
    %dma_start3A_231 = tpu.memref_slice %arg10[%dma_start3A_230] : memref<20000xf32, #tpu.memory_space<vmem>> -> memref<10000xf32, #tpu.memory_space<vmem>>
    %dma_start3A_232 = tpu.memref_slice %arg6[%add3A_220] : memref<3200000xf32, #tpu.memory_space<hbm>> -> memref<10000xf32, #tpu.memory_space<hbm>>
    tpu.enqueue_dma source(%dma_start3A_232 : memref<10000xf32, #tpu.memory_space<hbm>>) target(%dma_start3A_231 : memref<10000xf32, #tpu.memory_space<vmem>>) target_semaphore(%arg23 : memref<!tpu.dma_semaphore, #tpu.memory_space<semaphore_mem>>)
    %dma_start3A_233 = arith.constant 10000 : i32
    %dma_start3A_234 = tpu.memref_slice %arg11[%dma_start3A_233] : memref<20000xi32, #tpu.memory_space<vmem>> -> memref<10000xi32, #tpu.memory_space<vmem>>
    %dma_start3A_235 = tpu.memref_slice %arg7[%add3A_220] : memref<3200000xi32, #tpu.memory_space<hbm>> -> memref<10000xi32, #tpu.memory_space<hbm>>
    %dma_start3A_236 = arith.constant 10000 : i32
    %dma_start3A_237 = tpu.memref_slice %arg11[%dma_start3A_236] : memref<20000xi32, #tpu.memory_space<vmem>> -> memref<10000xi32, #tpu.memory_space<vmem>>
    %dma_start3A_238 = tpu.memref_slice %arg7[%add3A_220] : memref<3200000xi32, #tpu.memory_space<hbm>> -> memref<10000xi32, #tpu.memory_space<hbm>>
    tpu.enqueue_dma source(%dma_start3A_238 : memref<10000xi32, #tpu.memory_space<hbm>>) target(%dma_start3A_237 : memref<10000xi32, #tpu.memory_space<vmem>>) target_semaphore(%arg23 : memref<!tpu.dma_semaphore, #tpu.memory_space<semaphore_mem>>)
    %dma_wait3A_239 = arith.constant 0 : i32
    %dma_wait3A_240 = tpu.memref_slice %arg9[%dma_wait3A_239] : memref<20000xf32, #tpu.memory_space<vmem>> -> memref<10000xf32, #tpu.memory_space<vmem>>
    %dma_wait3A_241 = tpu.memref_slice %arg5[%add3A_175] : memref<3200000xf32, #tpu.memory_space<hbm>> -> memref<10000xf32, #tpu.memory_space<hbm>>
    %dma_wait3A_242 = arith.constant 0 : i32
    %dma_wait3A_243 = tpu.memref_slice %arg9[%dma_wait3A_242] : memref<20000xf32, #tpu.memory_space<vmem>> -> memref<10000xf32, #tpu.memory_space<vmem>>
    %dma_wait3A_244 = tpu.memref_slice %arg5[%add3A_175] : memref<3200000xf32, #tpu.memory_space<hbm>> -> memref<10000xf32, #tpu.memory_space<hbm>>
    tpu.wait_dma2 semaphore(%arg22 : memref<!tpu.dma_semaphore, #tpu.memory_space<semaphore_mem>>) src(%dma_wait3A_244 : memref<10000xf32, #tpu.memory_space<hbm>>) dst(%dma_wait3A_243 : memref<10000xf32, #tpu.memory_space<vmem>>)
    %dma_wait3A_245 = arith.constant 0 : i32
    %dma_wait3A_246 = tpu.memref_slice %arg10[%dma_wait3A_245] : memref<20000xf32, #tpu.memory_space<vmem>> -> memref<10000xf32, #tpu.memory_space<vmem>>
    %dma_wait3A_247 = tpu.memref_slice %arg6[%add3A_175] : memref<3200000xf32, #tpu.memory_space<hbm>> -> memref<10000xf32, #tpu.memory_space<hbm>>
    %dma_wait3A_248 = arith.constant 0 : i32
    %dma_wait3A_249 = tpu.memref_slice %arg10[%dma_wait3A_248] : memref<20000xf32, #tpu.memory_space<vmem>> -> memref<10000xf32, #tpu.memory_space<vmem>>
    %dma_wait3A_250 = tpu.memref_slice %arg6[%add3A_175] : memref<3200000xf32, #tpu.memory_space<hbm>> -> memref<10000xf32, #tpu.memory_space<hbm>>
    tpu.wait_dma2 semaphore(%arg22 : memref<!tpu.dma_semaphore, #tpu.memory_space<semaphore_mem>>) src(%dma_wait3A_250 : memref<10000xf32, #tpu.memory_space<hbm>>) dst(%dma_wait3A_249 : memref<10000xf32, #tpu.memory_space<vmem>>)
    %dma_wait3A_251 = arith.constant 0 : i32
    %dma_wait3A_252 = tpu.memref_slice %arg11[%dma_wait3A_251] : memref<20000xi32, #tpu.memory_space<vmem>> -> memref<10000xi32, #tpu.memory_space<vmem>>
    %dma_wait3A_253 = tpu.memref_slice %arg7[%add3A_175] : memref<3200000xi32, #tpu.memory_space<hbm>> -> memref<10000xi32, #tpu.memory_space<hbm>>
    %dma_wait3A_254 = arith.constant 0 : i32
    %dma_wait3A_255 = tpu.memref_slice %arg11[%dma_wait3A_254] : memref<20000xi32, #tpu.memory_space<vmem>> -> memref<10000xi32, #tpu.memory_space<vmem>>
    %dma_wait3A_256 = tpu.memref_slice %arg7[%add3A_175] : memref<3200000xi32, #tpu.memory_space<hbm>> -> memref<10000xi32, #tpu.memory_space<hbm>>
    tpu.wait_dma2 semaphore(%arg22 : memref<!tpu.dma_semaphore, #tpu.memory_space<semaphore_mem>>) src(%dma_wait3A_256 : memref<10000xi32, #tpu.memory_space<hbm>>) dst(%dma_wait3A_255 : memref<10000xi32, #tpu.memory_space<vmem>>)
    %scan3A_257 = arith.constant 0 : i32
    %scan3A_258 = arith.constant 0 : i32
    %scan3A_259 = arith.constant 125 : i32
    %scan3A_260 = arith.addi %scan3A_258, %scan3A_259 : i32
    %scan3A_261 = arith.constant 1 : i32
    %scan3A_262 = scf.for %scan3A_483 = %scan3A_258 to %scan3A_260 step %scan3A_261 iter_args(%scan3A_484 = %scan3A_257) -> (i32)  : i32 {
      %mul3A_485 = arith.constant 80 : i32
      %mul3A_486 = arith.muli %scan3A_483, %mul3A_485 : i32
      %add3A_487 = arith.constant 0 : i32
      %add3A_488 = arith.addi %add3A_487, %mul3A_486 : i32
      %add3A_489 = arith.constant 0 : i32
      %add3A_490 = arith.addi %add3A_488, %add3A_489 : i32
      %get3A = arith.index_cast %add3A_490 : i32 to index
      %get3A_491 = tpu.vector_load %arg9[%get3A] {strides = array<i32>} : memref<20000xf32, #tpu.memory_space<vmem>>, vector<16xf32>,
      %add3A_492 = arith.constant 16 : i32
      %add3A_493 = arith.addi %add3A_488, %add3A_492 : i32
      %get3A_494 = arith.index_cast %add3A_493 : i32 to index
      %get3A_495 = tpu.vector_load %arg9[%get3A_494] {strides = array<i32>} : memref<20000xf32, #tpu.memory_space<vmem>>, vector<16xf32>,
      %add3A_496 = arith.constant 32 : i32
      %add3A_497 = arith.addi %add3A_488, %add3A_496 : i32
      %get3A_498 = arith.index_cast %add3A_497 : i32 to index
      %get3A_499 = tpu.vector_load %arg9[%get3A_498] {strides = array<i32>} : memref<20000xf32, #tpu.memory_space<vmem>>, vector<16xf32>,
      %add3A_500 = arith.constant 48 : i32
      %add3A_501 = arith.addi %add3A_488, %add3A_500 : i32
      %get3A_502 = arith.index_cast %add3A_501 : i32 to index
      %get3A_503 = tpu.vector_load %arg9[%get3A_502] {strides = array<i32>} : memref<20000xf32, #tpu.memory_space<vmem>>, vector<16xf32>,
      %add3A_504 = arith.constant 64 : i32
      %add3A_505 = arith.addi %add3A_488, %add3A_504 : i32
      %get3A_506 = arith.index_cast %add3A_505 : i32 to index
      %get3A_507 = tpu.vector_load %arg9[%get3A_506] {strides = array<i32>} : memref<20000xf32, #tpu.memory_space<vmem>>, vector<16xf32>,
      %add3A_508 = arith.constant 0 : i32
      %add3A_509 = arith.addi %add3A_488, %add3A_508 : i32
      %get3A_510 = arith.index_cast %add3A_509 : i32 to index
      %get3A_511 = tpu.vector_load %arg10[%get3A_510] {strides = array<i32>} : memref<20000xf32, #tpu.memory_space<vmem>>, vector<16xf32>,
      %add3A_512 = arith.constant 16 : i32
      %add3A_513 = arith.addi %add3A_488, %add3A_512 : i32
      %get3A_514 = arith.index_cast %add3A_513 : i32 to index
      %get3A_515 = tpu.vector_load %arg10[%get3A_514] {strides = array<i32>} : memref<20000xf32, #tpu.memory_space<vmem>>, vector<16xf32>,
      %add3A_516 = arith.constant 32 : i32
      %add3A_517 = arith.addi %add3A_488, %add3A_516 : i32
      %get3A_518 = arith.index_cast %add3A_517 : i32 to index
      %get3A_519 = tpu.vector_load %arg10[%get3A_518] {strides = array<i32>} : memref<20000xf32, #tpu.memory_space<vmem>>, vector<16xf32>,
      %add3A_520 = arith.constant 48 : i32
      %add3A_521 = arith.addi %add3A_488, %add3A_520 : i32
      %get3A_522 = arith.index_cast %add3A_521 : i32 to index
      %get3A_523 = tpu.vector_load %arg10[%get3A_522] {strides = array<i32>} : memref<20000xf32, #tpu.memory_space<vmem>>, vector<16xf32>,
      %add3A_524 = arith.constant 64 : i32
      %add3A_525 = arith.addi %add3A_488, %add3A_524 : i32
      %get3A_526 = arith.index_cast %add3A_525 : i32 to index
      %get3A_527 = tpu.vector_load %arg10[%get3A_526] {strides = array<i32>} : memref<20000xf32, #tpu.memory_space<vmem>>, vector<16xf32>,
      %add3A_528 = arith.constant 0 : i32
      %add3A_529 = arith.addi %add3A_488, %add3A_528 : i32
      %get3A_530 = arith.index_cast %add3A_529 : i32 to index
      %get3A_531 = tpu.vector_load %arg11[%get3A_530] {strides = array<i32>} : memref<20000xi32, #tpu.memory_space<vmem>>, vector<16xi32>,
      %add3A_532 = arith.constant 16 : i32
      %add3A_533 = arith.addi %add3A_488, %add3A_532 : i32
      %get3A_534 = arith.index_cast %add3A_533 : i32 to index
      %get3A_535 = tpu.vector_load %arg11[%get3A_534] {strides = array<i32>} : memref<20000xi32, #tpu.memory_space<vmem>>, vector<16xi32>,
      %add3A_536 = arith.constant 32 : i32
      %add3A_537 = arith.addi %add3A_488, %add3A_536 : i32
      %get3A_538 = arith.index_cast %add3A_537 : i32 to index
      %get3A_539 = tpu.vector_load %arg11[%get3A_538] {strides = array<i32>} : memref<20000xi32, #tpu.memory_space<vmem>>, vector<16xi32>,
      %add3A_540 = arith.constant 48 : i32
      %add3A_541 = arith.addi %add3A_488, %add3A_540 : i32
      %get3A_542 = arith.index_cast %add3A_541 : i32 to index
      %get3A_543 = tpu.vector_load %arg11[%get3A_542] {strides = array<i32>} : memref<20000xi32, #tpu.memory_space<vmem>>, vector<16xi32>,
      %add3A_544 = arith.constant 64 : i32
      %add3A_545 = arith.addi %add3A_488, %add3A_544 : i32
      %get3A_546 = arith.index_cast %add3A_545 : i32 to index
      %get3A_547 = tpu.vector_load %arg11[%get3A_546] {strides = array<i32>} : memref<20000xi32, #tpu.memory_space<vmem>>, vector<16xi32>,
      %add3A_548 = arith.addi %mul3A_3, %get3A_531 : vector<16xi32>
      %add3A_549 = arith.addi %mul3A_3, %get3A_535 : vector<16xi32>
      %add3A_550 = arith.addi %mul3A_3, %get3A_539 : vector<16xi32>
      %add3A_551 = arith.addi %mul3A_3, %get3A_543 : vector<16xi32>
      %add3A_552 = arith.addi %mul3A_3, %get3A_547 : vector<16xi32>
      %sub3A = arith.subf %get3A_491, %get3A_511 : vector<16xf32>
      %sub3A_553 = arith.subf %get3A_491, %get3A_511 : vector<16xf32>
      %mul3A_554 = arith.mulf %sub3A, %sub3A_553 : vector<16xf32>
      %sub3A_555 = arith.subf %get3A_495, %get3A_515 : vector<16xf32>
      %sub3A_556 = arith.subf %get3A_495, %get3A_515 : vector<16xf32>
      %mul3A_557 = arith.mulf %sub3A_555, %sub3A_556 : vector<16xf32>
      %sub3A_558 = arith.subf %get3A_499, %get3A_519 : vector<16xf32>
      %sub3A_559 = arith.subf %get3A_499, %get3A_519 : vector<16xf32>
      %mul3A_560 = arith.mulf %sub3A_558, %sub3A_559 : vector<16xf32>
      %sub3A_561 = arith.subf %get3A_503, %get3A_523 : vector<16xf32>
      %sub3A_562 = arith.subf %get3A_503, %get3A_523 : vector<16xf32>
      %mul3A_563 = arith.mulf %sub3A_561, %sub3A_562 : vector<16xf32>
      %sub3A_564 = arith.subf %get3A_507, %get3A_527 : vector<16xf32>
      %sub3A_565 = arith.subf %get3A_507, %get3A_527 : vector<16xf32>
      %mul3A_566 = arith.mulf %sub3A_564, %sub3A_565 : vector<16xf32>
      tpu.vector_store_idx %arg17[%add3A_548], %mul3A_554 {add = true} : memref<6160xf32, #tpu.memory_space<vmem>>[vector<16xi32>], vector<16xf32>,
      tpu.vector_store_idx %arg17[%add3A_549], %mul3A_557 {add = true} : memref<6160xf32, #tpu.memory_space<vmem>>[vector<16xi32>], vector<16xf32>,
      tpu.vector_store_idx %arg17[%add3A_550], %mul3A_560 {add = true} : memref<6160xf32, #tpu.memory_space<vmem>>[vector<16xi32>], vector<16xf32>,
      tpu.vector_store_idx %arg17[%add3A_551], %mul3A_563 {add = true} : memref<6160xf32, #tpu.memory_space<vmem>>[vector<16xi32>], vector<16xf32>,
      tpu.vector_store_idx %arg17[%add3A_552], %mul3A_566 {add = true} : memref<6160xf32, #tpu.memory_space<vmem>>[vector<16xi32>], vector<16xf32>,
      %scan3A_567 = arith.constant 0 : i32
      scf.yield %scan3A_567 : i32
    }
    %scan3A_263 = arith.constant 125 : i32
    %add3A_264 = arith.constant 60000 : i32
    %add3A_265 = arith.addi %mul3A_8, %add3A_264 : i32
    %dma_start3A_266 = arith.constant 0 : i32
    %dma_start3A_267 = tpu.memref_slice %arg9[%dma_start3A_266] : memref<20000xf32, #tpu.memory_space<vmem>> -> memref<10000xf32, #tpu.memory_space<vmem>>
    %dma_start3A_268 = tpu.memref_slice %arg5[%add3A_265] : memref<3200000xf32, #tpu.memory_space<hbm>> -> memref<10000xf32, #tpu.memory_space<hbm>>
    %dma_start3A_269 = arith.constant 0 : i32
    %dma_start3A_270 = tpu.memref_slice %arg9[%dma_start3A_269] : memref<20000xf32, #tpu.memory_space<vmem>> -> memref<10000xf32, #tpu.memory_space<vmem>>
    %dma_start3A_271 = tpu.memref_slice %arg5[%add3A_265] : memref<3200000xf32, #tpu.memory_space<hbm>> -> memref<10000xf32, #tpu.memory_space<hbm>>
    tpu.enqueue_dma source(%dma_start3A_271 : memref<10000xf32, #tpu.memory_space<hbm>>) target(%dma_start3A_270 : memref<10000xf32, #tpu.memory_space<vmem>>) target_semaphore(%arg22 : memref<!tpu.dma_semaphore, #tpu.memory_space<semaphore_mem>>)
    %dma_start3A_272 = arith.constant 0 : i32
    %dma_start3A_273 = tpu.memref_slice %arg10[%dma_start3A_272] : memref<20000xf32, #tpu.memory_space<vmem>> -> memref<10000xf32, #tpu.memory_space<vmem>>
    %dma_start3A_274 = tpu.memref_slice %arg6[%add3A_265] : memref<3200000xf32, #tpu.memory_space<hbm>> -> memref<10000xf32, #tpu.memory_space<hbm>>
    %dma_start3A_275 = arith.constant 0 : i32
    %dma_start3A_276 = tpu.memref_slice %arg10[%dma_start3A_275] : memref<20000xf32, #tpu.memory_space<vmem>> -> memref<10000xf32, #tpu.memory_space<vmem>>
    %dma_start3A_277 = tpu.memref_slice %arg6[%add3A_265] : memref<3200000xf32, #tpu.memory_space<hbm>> -> memref<10000xf32, #tpu.memory_space<hbm>>
    tpu.enqueue_dma source(%dma_start3A_277 : memref<10000xf32, #tpu.memory_space<hbm>>) target(%dma_start3A_276 : memref<10000xf32, #tpu.memory_space<vmem>>) target_semaphore(%arg22 : memref<!tpu.dma_semaphore, #tpu.memory_space<semaphore_mem>>)
    %dma_start3A_278 = arith.constant 0 : i32
    %dma_start3A_279 = tpu.memref_slice %arg11[%dma_start3A_278] : memref<20000xi32, #tpu.memory_space<vmem>> -> memref<10000xi32, #tpu.memory_space<vmem>>
    %dma_start3A_280 = tpu.memref_slice %arg7[%add3A_265] : memref<3200000xi32, #tpu.memory_space<hbm>> -> memref<10000xi32, #tpu.memory_space<hbm>>
    %dma_start3A_281 = arith.constant 0 : i32
    %dma_start3A_282 = tpu.memref_slice %arg11[%dma_start3A_281] : memref<20000xi32, #tpu.memory_space<vmem>> -> memref<10000xi32, #tpu.memory_space<vmem>>
    %dma_start3A_283 = tpu.memref_slice %arg7[%add3A_265] : memref<3200000xi32, #tpu.memory_space<hbm>> -> memref<10000xi32, #tpu.memory_space<hbm>>
    tpu.enqueue_dma source(%dma_start3A_283 : memref<10000xi32, #tpu.memory_space<hbm>>) target(%dma_start3A_282 : memref<10000xi32, #tpu.memory_space<vmem>>) target_semaphore(%arg22 : memref<!tpu.dma_semaphore, #tpu.memory_space<semaphore_mem>>)
    %dma_wait3A_284 = arith.constant 10000 : i32
    %dma_wait3A_285 = tpu.memref_slice %arg9[%dma_wait3A_284] : memref<20000xf32, #tpu.memory_space<vmem>> -> memref<10000xf32, #tpu.memory_space<vmem>>
    %dma_wait3A_286 = tpu.memref_slice %arg5[%add3A_220] : memref<3200000xf32, #tpu.memory_space<hbm>> -> memref<10000xf32, #tpu.memory_space<hbm>>
    %dma_wait3A_287 = arith.constant 10000 : i32
    %dma_wait3A_288 = tpu.memref_slice %arg9[%dma_wait3A_287] : memref<20000xf32, #tpu.memory_space<vmem>> -> memref<10000xf32, #tpu.memory_space<vmem>>
    %dma_wait3A_289 = tpu.memref_slice %arg5[%add3A_220] : memref<3200000xf32, #tpu.memory_space<hbm>> -> memref<10000xf32, #tpu.memory_space<hbm>>
    tpu.wait_dma2 semaphore(%arg23 : memref<!tpu.dma_semaphore, #tpu.memory_space<semaphore_mem>>) src(%dma_wait3A_289 : memref<10000xf32, #tpu.memory_space<hbm>>) dst(%dma_wait3A_288 : memref<10000xf32, #tpu.memory_space<vmem>>)
    %dma_wait3A_290 = arith.constant 10000 : i32
    %dma_wait3A_291 = tpu.memref_slice %arg10[%dma_wait3A_290] : memref<20000xf32, #tpu.memory_space<vmem>> -> memref<10000xf32, #tpu.memory_space<vmem>>
    %dma_wait3A_292 = tpu.memref_slice %arg6[%add3A_220] : memref<3200000xf32, #tpu.memory_space<hbm>> -> memref<10000xf32, #tpu.memory_space<hbm>>
    %dma_wait3A_293 = arith.constant 10000 : i32
    %dma_wait3A_294 = tpu.memref_slice %arg10[%dma_wait3A_293] : memref<20000xf32, #tpu.memory_space<vmem>> -> memref<10000xf32, #tpu.memory_space<vmem>>
    %dma_wait3A_295 = tpu.memref_slice %arg6[%add3A_220] : memref<3200000xf32, #tpu.memory_space<hbm>> -> memref<10000xf32, #tpu.memory_space<hbm>>
    tpu.wait_dma2 semaphore(%arg23 : memref<!tpu.dma_semaphore, #tpu.memory_space<semaphore_mem>>) src(%dma_wait3A_295 : memref<10000xf32, #tpu.memory_space<hbm>>) dst(%dma_wait3A_294 : memref<10000xf32, #tpu.memory_space<vmem>>)
    %dma_wait3A_296 = arith.constant 10000 : i32
    %dma_wait3A_297 = tpu.memref_slice %arg11[%dma_wait3A_296] : memref<20000xi32, #tpu.memory_space<vmem>> -> memref<10000xi32, #tpu.memory_space<vmem>>
    %dma_wait3A_298 = tpu.memref_slice %arg7[%add3A_220] : memref<3200000xi32, #tpu.memory_space<hbm>> -> memref<10000xi32, #tpu.memory_space<hbm>>
    %dma_wait3A_299 = arith.constant 10000 : i32
    %dma_wait3A_300 = tpu.memref_slice %arg11[%dma_wait3A_299] : memref<20000xi32, #tpu.memory_space<vmem>> -> memref<10000xi32, #tpu.memory_space<vmem>>
    %dma_wait3A_301 = tpu.memref_slice %arg7[%add3A_220] : memref<3200000xi32, #tpu.memory_space<hbm>> -> memref<10000xi32, #tpu.memory_space<hbm>>
    tpu.wait_dma2 semaphore(%arg23 : memref<!tpu.dma_semaphore, #tpu.memory_space<semaphore_mem>>) src(%dma_wait3A_301 : memref<10000xi32, #tpu.memory_space<hbm>>) dst(%dma_wait3A_300 : memref<10000xi32, #tpu.memory_space<vmem>>)
    %scan3A_302 = arith.constant 0 : i32
    %scan3A_303 = arith.constant 0 : i32
    %scan3A_304 = arith.constant 125 : i32
    %scan3A_305 = arith.addi %scan3A_303, %scan3A_304 : i32
    %scan3A_306 = arith.constant 1 : i32
    %scan3A_307 = scf.for %scan3A_483 = %scan3A_303 to %scan3A_305 step %scan3A_306 iter_args(%scan3A_484 = %scan3A_302) -> (i32)  : i32 {
      %mul3A_485 = arith.constant 80 : i32
      %mul3A_486 = arith.muli %scan3A_483, %mul3A_485 : i32
      %add3A_487 = arith.constant 10000 : i32
      %add3A_488 = arith.addi %add3A_487, %mul3A_486 : i32
      %add3A_489 = arith.constant 0 : i32
      %add3A_490 = arith.addi %add3A_488, %add3A_489 : i32
      %get3A = arith.index_cast %add3A_490 : i32 to index
      %get3A_491 = tpu.vector_load %arg9[%get3A] {strides = array<i32>} : memref<20000xf32, #tpu.memory_space<vmem>>, vector<16xf32>,
      %add3A_492 = arith.constant 16 : i32
      %add3A_493 = arith.addi %add3A_488, %add3A_492 : i32
      %get3A_494 = arith.index_cast %add3A_493 : i32 to index
      %get3A_495 = tpu.vector_load %arg9[%get3A_494] {strides = array<i32>} : memref<20000xf32, #tpu.memory_space<vmem>>, vector<16xf32>,
      %add3A_496 = arith.constant 32 : i32
      %add3A_497 = arith.addi %add3A_488, %add3A_496 : i32
      %get3A_498 = arith.index_cast %add3A_497 : i32 to index
      %get3A_499 = tpu.vector_load %arg9[%get3A_498] {strides = array<i32>} : memref<20000xf32, #tpu.memory_space<vmem>>, vector<16xf32>,
      %add3A_500 = arith.constant 48 : i32
      %add3A_501 = arith.addi %add3A_488, %add3A_500 : i32
      %get3A_502 = arith.index_cast %add3A_501 : i32 to index
      %get3A_503 = tpu.vector_load %arg9[%get3A_502] {strides = array<i32>} : memref<20000xf32, #tpu.memory_space<vmem>>, vector<16xf32>,
      %add3A_504 = arith.constant 64 : i32
      %add3A_505 = arith.addi %add3A_488, %add3A_504 : i32
      %get3A_506 = arith.index_cast %add3A_505 : i32 to index
      %get3A_507 = tpu.vector_load %arg9[%get3A_506] {strides = array<i32>} : memref<20000xf32, #tpu.memory_space<vmem>>, vector<16xf32>,
      %add3A_508 = arith.constant 0 : i32
      %add3A_509 = arith.addi %add3A_488, %add3A_508 : i32
      %get3A_510 = arith.index_cast %add3A_509 : i32 to index
      %get3A_511 = tpu.vector_load %arg10[%get3A_510] {strides = array<i32>} : memref<20000xf32, #tpu.memory_space<vmem>>, vector<16xf32>,
      %add3A_512 = arith.constant 16 : i32
      %add3A_513 = arith.addi %add3A_488, %add3A_512 : i32
      %get3A_514 = arith.index_cast %add3A_513 : i32 to index
      %get3A_515 = tpu.vector_load %arg10[%get3A_514] {strides = array<i32>} : memref<20000xf32, #tpu.memory_space<vmem>>, vector<16xf32>,
      %add3A_516 = arith.constant 32 : i32
      %add3A_517 = arith.addi %add3A_488, %add3A_516 : i32
      %get3A_518 = arith.index_cast %add3A_517 : i32 to index
      %get3A_519 = tpu.vector_load %arg10[%get3A_518] {strides = array<i32>} : memref<20000xf32, #tpu.memory_space<vmem>>, vector<16xf32>,
      %add3A_520 = arith.constant 48 : i32
      %add3A_521 = arith.addi %add3A_488, %add3A_520 : i32
      %get3A_522 = arith.index_cast %add3A_521 : i32 to index
      %get3A_523 = tpu.vector_load %arg10[%get3A_522] {strides = array<i32>} : memref<20000xf32, #tpu.memory_space<vmem>>, vector<16xf32>,
      %add3A_524 = arith.constant 64 : i32
      %add3A_525 = arith.addi %add3A_488, %add3A_524 : i32
      %get3A_526 = arith.index_cast %add3A_525 : i32 to index
      %get3A_527 = tpu.vector_load %arg10[%get3A_526] {strides = array<i32>} : memref<20000xf32, #tpu.memory_space<vmem>>, vector<16xf32>,
      %add3A_528 = arith.constant 0 : i32
      %add3A_529 = arith.addi %add3A_488, %add3A_528 : i32
      %get3A_530 = arith.index_cast %add3A_529 : i32 to index
      %get3A_531 = tpu.vector_load %arg11[%get3A_530] {strides = array<i32>} : memref<20000xi32, #tpu.memory_space<vmem>>, vector<16xi32>,
      %add3A_532 = arith.constant 16 : i32
      %add3A_533 = arith.addi %add3A_488, %add3A_532 : i32
      %get3A_534 = arith.index_cast %add3A_533 : i32 to index
      %get3A_535 = tpu.vector_load %arg11[%get3A_534] {strides = array<i32>} : memref<20000xi32, #tpu.memory_space<vmem>>, vector<16xi32>,
      %add3A_536 = arith.constant 32 : i32
      %add3A_537 = arith.addi %add3A_488, %add3A_536 : i32
      %get3A_538 = arith.index_cast %add3A_537 : i32 to index
      %get3A_539 = tpu.vector_load %arg11[%get3A_538] {strides = array<i32>} : memref<20000xi32, #tpu.memory_space<vmem>>, vector<16xi32>,
      %add3A_540 = arith.constant 48 : i32
      %add3A_541 = arith.addi %add3A_488, %add3A_540 : i32
      %get3A_542 = arith.index_cast %add3A_541 : i32 to index
      %get3A_543 = tpu.vector_load %arg11[%get3A_542] {strides = array<i32>} : memref<20000xi32, #tpu.memory_space<vmem>>, vector<16xi32>,
      %add3A_544 = arith.constant 64 : i32
      %add3A_545 = arith.addi %add3A_488, %add3A_544 : i32
      %get3A_546 = arith.index_cast %add3A_545 : i32 to index
      %get3A_547 = tpu.vector_load %arg11[%get3A_546] {strides = array<i32>} : memref<20000xi32, #tpu.memory_space<vmem>>, vector<16xi32>,
      %add3A_548 = arith.addi %mul3A_3, %get3A_531 : vector<16xi32>
      %add3A_549 = arith.addi %mul3A_3, %get3A_535 : vector<16xi32>
      %add3A_550 = arith.addi %mul3A_3, %get3A_539 : vector<16xi32>
      %add3A_551 = arith.addi %mul3A_3, %get3A_543 : vector<16xi32>
      %add3A_552 = arith.addi %mul3A_3, %get3A_547 : vector<16xi32>
      %sub3A = arith.subf %get3A_491, %get3A_511 : vector<16xf32>
      %sub3A_553 = arith.subf %get3A_491, %get3A_511 : vector<16xf32>
      %mul3A_554 = arith.mulf %sub3A, %sub3A_553 : vector<16xf32>
      %sub3A_555 = arith.subf %get3A_495, %get3A_515 : vector<16xf32>
      %sub3A_556 = arith.subf %get3A_495, %get3A_515 : vector<16xf32>
      %mul3A_557 = arith.mulf %sub3A_555, %sub3A_556 : vector<16xf32>
      %sub3A_558 = arith.subf %get3A_499, %get3A_519 : vector<16xf32>
      %sub3A_559 = arith.subf %get3A_499, %get3A_519 : vector<16xf32>
      %mul3A_560 = arith.mulf %sub3A_558, %sub3A_559 : vector<16xf32>
      %sub3A_561 = arith.subf %get3A_503, %get3A_523 : vector<16xf32>
      %sub3A_562 = arith.subf %get3A_503, %get3A_523 : vector<16xf32>
      %mul3A_563 = arith.mulf %sub3A_561, %sub3A_562 : vector<16xf32>
      %sub3A_564 = arith.subf %get3A_507, %get3A_527 : vector<16xf32>
      %sub3A_565 = arith.subf %get3A_507, %get3A_527 : vector<16xf32>
      %mul3A_566 = arith.mulf %sub3A_564, %sub3A_565 : vector<16xf32>
      tpu.vector_store_idx %arg17[%add3A_548], %mul3A_554 {add = true} : memref<6160xf32, #tpu.memory_space<vmem>>[vector<16xi32>], vector<16xf32>,
      tpu.vector_store_idx %arg17[%add3A_549], %mul3A_557 {add = true} : memref<6160xf32, #tpu.memory_space<vmem>>[vector<16xi32>], vector<16xf32>,
      tpu.vector_store_idx %arg17[%add3A_550], %mul3A_560 {add = true} : memref<6160xf32, #tpu.memory_space<vmem>>[vector<16xi32>], vector<16xf32>,
      tpu.vector_store_idx %arg17[%add3A_551], %mul3A_563 {add = true} : memref<6160xf32, #tpu.memory_space<vmem>>[vector<16xi32>], vector<16xf32>,
      tpu.vector_store_idx %arg17[%add3A_552], %mul3A_566 {add = true} : memref<6160xf32, #tpu.memory_space<vmem>>[vector<16xi32>], vector<16xf32>,
      %scan3A_567 = arith.constant 0 : i32
      scf.yield %scan3A_567 : i32
    }
    %scan3A_308 = arith.constant 125 : i32
    %add3A_309 = arith.constant 70000 : i32
    %add3A_310 = arith.addi %mul3A_8, %add3A_309 : i32
    %dma_start3A_311 = arith.constant 10000 : i32
    %dma_start3A_312 = tpu.memref_slice %arg9[%dma_start3A_311] : memref<20000xf32, #tpu.memory_space<vmem>> -> memref<10000xf32, #tpu.memory_space<vmem>>
    %dma_start3A_313 = tpu.memref_slice %arg5[%add3A_310] : memref<3200000xf32, #tpu.memory_space<hbm>> -> memref<10000xf32, #tpu.memory_space<hbm>>
    %dma_start3A_314 = arith.constant 10000 : i32
    %dma_start3A_315 = tpu.memref_slice %arg9[%dma_start3A_314] : memref<20000xf32, #tpu.memory_space<vmem>> -> memref<10000xf32, #tpu.memory_space<vmem>>
    %dma_start3A_316 = tpu.memref_slice %arg5[%add3A_310] : memref<3200000xf32, #tpu.memory_space<hbm>> -> memref<10000xf32, #tpu.memory_space<hbm>>
    tpu.enqueue_dma source(%dma_start3A_316 : memref<10000xf32, #tpu.memory_space<hbm>>) target(%dma_start3A_315 : memref<10000xf32, #tpu.memory_space<vmem>>) target_semaphore(%arg23 : memref<!tpu.dma_semaphore, #tpu.memory_space<semaphore_mem>>)
    %dma_start3A_317 = arith.constant 10000 : i32
    %dma_start3A_318 = tpu.memref_slice %arg10[%dma_start3A_317] : memref<20000xf32, #tpu.memory_space<vmem>> -> memref<10000xf32, #tpu.memory_space<vmem>>
    %dma_start3A_319 = tpu.memref_slice %arg6[%add3A_310] : memref<3200000xf32, #tpu.memory_space<hbm>> -> memref<10000xf32, #tpu.memory_space<hbm>>
    %dma_start3A_320 = arith.constant 10000 : i32
    %dma_start3A_321 = tpu.memref_slice %arg10[%dma_start3A_320] : memref<20000xf32, #tpu.memory_space<vmem>> -> memref<10000xf32, #tpu.memory_space<vmem>>
    %dma_start3A_322 = tpu.memref_slice %arg6[%add3A_310] : memref<3200000xf32, #tpu.memory_space<hbm>> -> memref<10000xf32, #tpu.memory_space<hbm>>
    tpu.enqueue_dma source(%dma_start3A_322 : memref<10000xf32, #tpu.memory_space<hbm>>) target(%dma_start3A_321 : memref<10000xf32, #tpu.memory_space<vmem>>) target_semaphore(%arg23 : memref<!tpu.dma_semaphore, #tpu.memory_space<semaphore_mem>>)
    %dma_start3A_323 = arith.constant 10000 : i32
    %dma_start3A_324 = tpu.memref_slice %arg11[%dma_start3A_323] : memref<20000xi32, #tpu.memory_space<vmem>> -> memref<10000xi32, #tpu.memory_space<vmem>>
    %dma_start3A_325 = tpu.memref_slice %arg7[%add3A_310] : memref<3200000xi32, #tpu.memory_space<hbm>> -> memref<10000xi32, #tpu.memory_space<hbm>>
    %dma_start3A_326 = arith.constant 10000 : i32
    %dma_start3A_327 = tpu.memref_slice %arg11[%dma_start3A_326] : memref<20000xi32, #tpu.memory_space<vmem>> -> memref<10000xi32, #tpu.memory_space<vmem>>
    %dma_start3A_328 = tpu.memref_slice %arg7[%add3A_310] : memref<3200000xi32, #tpu.memory_space<hbm>> -> memref<10000xi32, #tpu.memory_space<hbm>>
    tpu.enqueue_dma source(%dma_start3A_328 : memref<10000xi32, #tpu.memory_space<hbm>>) target(%dma_start3A_327 : memref<10000xi32, #tpu.memory_space<vmem>>) target_semaphore(%arg23 : memref<!tpu.dma_semaphore, #tpu.memory_space<semaphore_mem>>)
    %dma_wait3A_329 = arith.constant 0 : i32
    %dma_wait3A_330 = tpu.memref_slice %arg9[%dma_wait3A_329] : memref<20000xf32, #tpu.memory_space<vmem>> -> memref<10000xf32, #tpu.memory_space<vmem>>
    %dma_wait3A_331 = tpu.memref_slice %arg5[%add3A_265] : memref<3200000xf32, #tpu.memory_space<hbm>> -> memref<10000xf32, #tpu.memory_space<hbm>>
    %dma_wait3A_332 = arith.constant 0 : i32
    %dma_wait3A_333 = tpu.memref_slice %arg9[%dma_wait3A_332] : memref<20000xf32, #tpu.memory_space<vmem>> -> memref<10000xf32, #tpu.memory_space<vmem>>
    %dma_wait3A_334 = tpu.memref_slice %arg5[%add3A_265] : memref<3200000xf32, #tpu.memory_space<hbm>> -> memref<10000xf32, #tpu.memory_space<hbm>>
    tpu.wait_dma2 semaphore(%arg22 : memref<!tpu.dma_semaphore, #tpu.memory_space<semaphore_mem>>) src(%dma_wait3A_334 : memref<10000xf32, #tpu.memory_space<hbm>>) dst(%dma_wait3A_333 : memref<10000xf32, #tpu.memory_space<vmem>>)
    %dma_wait3A_335 = arith.constant 0 : i32
    %dma_wait3A_336 = tpu.memref_slice %arg10[%dma_wait3A_335] : memref<20000xf32, #tpu.memory_space<vmem>> -> memref<10000xf32, #tpu.memory_space<vmem>>
    %dma_wait3A_337 = tpu.memref_slice %arg6[%add3A_265] : memref<3200000xf32, #tpu.memory_space<hbm>> -> memref<10000xf32, #tpu.memory_space<hbm>>
    %dma_wait3A_338 = arith.constant 0 : i32
    %dma_wait3A_339 = tpu.memref_slice %arg10[%dma_wait3A_338] : memref<20000xf32, #tpu.memory_space<vmem>> -> memref<10000xf32, #tpu.memory_space<vmem>>
    %dma_wait3A_340 = tpu.memref_slice %arg6[%add3A_265] : memref<3200000xf32, #tpu.memory_space<hbm>> -> memref<10000xf32, #tpu.memory_space<hbm>>
    tpu.wait_dma2 semaphore(%arg22 : memref<!tpu.dma_semaphore, #tpu.memory_space<semaphore_mem>>) src(%dma_wait3A_340 : memref<10000xf32, #tpu.memory_space<hbm>>) dst(%dma_wait3A_339 : memref<10000xf32, #tpu.memory_space<vmem>>)
    %dma_wait3A_341 = arith.constant 0 : i32
    %dma_wait3A_342 = tpu.memref_slice %arg11[%dma_wait3A_341] : memref<20000xi32, #tpu.memory_space<vmem>> -> memref<10000xi32, #tpu.memory_space<vmem>>
    %dma_wait3A_343 = tpu.memref_slice %arg7[%add3A_265] : memref<3200000xi32, #tpu.memory_space<hbm>> -> memref<10000xi32, #tpu.memory_space<hbm>>
    %dma_wait3A_344 = arith.constant 0 : i32
    %dma_wait3A_345 = tpu.memref_slice %arg11[%dma_wait3A_344] : memref<20000xi32, #tpu.memory_space<vmem>> -> memref<10000xi32, #tpu.memory_space<vmem>>
    %dma_wait3A_346 = tpu.memref_slice %arg7[%add3A_265] : memref<3200000xi32, #tpu.memory_space<hbm>> -> memref<10000xi32, #tpu.memory_space<hbm>>
    tpu.wait_dma2 semaphore(%arg22 : memref<!tpu.dma_semaphore, #tpu.memory_space<semaphore_mem>>) src(%dma_wait3A_346 : memref<10000xi32, #tpu.memory_space<hbm>>) dst(%dma_wait3A_345 : memref<10000xi32, #tpu.memory_space<vmem>>)
    %scan3A_347 = arith.constant 0 : i32
    %scan3A_348 = arith.constant 0 : i32
    %scan3A_349 = arith.constant 125 : i32
    %scan3A_350 = arith.addi %scan3A_348, %scan3A_349 : i32
    %scan3A_351 = arith.constant 1 : i32
    %scan3A_352 = scf.for %scan3A_483 = %scan3A_348 to %scan3A_350 step %scan3A_351 iter_args(%scan3A_484 = %scan3A_347) -> (i32)  : i32 {
      %mul3A_485 = arith.constant 80 : i32
      %mul3A_486 = arith.muli %scan3A_483, %mul3A_485 : i32
      %add3A_487 = arith.constant 0 : i32
      %add3A_488 = arith.addi %add3A_487, %mul3A_486 : i32
      %add3A_489 = arith.constant 0 : i32
      %add3A_490 = arith.addi %add3A_488, %add3A_489 : i32
      %get3A = arith.index_cast %add3A_490 : i32 to index
      %get3A_491 = tpu.vector_load %arg9[%get3A] {strides = array<i32>} : memref<20000xf32, #tpu.memory_space<vmem>>, vector<16xf32>,
      %add3A_492 = arith.constant 16 : i32
      %add3A_493 = arith.addi %add3A_488, %add3A_492 : i32
      %get3A_494 = arith.index_cast %add3A_493 : i32 to index
      %get3A_495 = tpu.vector_load %arg9[%get3A_494] {strides = array<i32>} : memref<20000xf32, #tpu.memory_space<vmem>>, vector<16xf32>,
      %add3A_496 = arith.constant 32 : i32
      %add3A_497 = arith.addi %add3A_488, %add3A_496 : i32
      %get3A_498 = arith.index_cast %add3A_497 : i32 to index
      %get3A_499 = tpu.vector_load %arg9[%get3A_498] {strides = array<i32>} : memref<20000xf32, #tpu.memory_space<vmem>>, vector<16xf32>,
      %add3A_500 = arith.constant 48 : i32
      %add3A_501 = arith.addi %add3A_488, %add3A_500 : i32
      %get3A_502 = arith.index_cast %add3A_501 : i32 to index
      %get3A_503 = tpu.vector_load %arg9[%get3A_502] {strides = array<i32>} : memref<20000xf32, #tpu.memory_space<vmem>>, vector<16xf32>,
      %add3A_504 = arith.constant 64 : i32
      %add3A_505 = arith.addi %add3A_488, %add3A_504 : i32
      %get3A_506 = arith.index_cast %add3A_505 : i32 to index
      %get3A_507 = tpu.vector_load %arg9[%get3A_506] {strides = array<i32>} : memref<20000xf32, #tpu.memory_space<vmem>>, vector<16xf32>,
      %add3A_508 = arith.constant 0 : i32
      %add3A_509 = arith.addi %add3A_488, %add3A_508 : i32
      %get3A_510 = arith.index_cast %add3A_509 : i32 to index
      %get3A_511 = tpu.vector_load %arg10[%get3A_510] {strides = array<i32>} : memref<20000xf32, #tpu.memory_space<vmem>>, vector<16xf32>,
      %add3A_512 = arith.constant 16 : i32
      %add3A_513 = arith.addi %add3A_488, %add3A_512 : i32
      %get3A_514 = arith.index_cast %add3A_513 : i32 to index
      %get3A_515 = tpu.vector_load %arg10[%get3A_514] {strides = array<i32>} : memref<20000xf32, #tpu.memory_space<vmem>>, vector<16xf32>,
      %add3A_516 = arith.constant 32 : i32
      %add3A_517 = arith.addi %add3A_488, %add3A_516 : i32
      %get3A_518 = arith.index_cast %add3A_517 : i32 to index
      %get3A_519 = tpu.vector_load %arg10[%get3A_518] {strides = array<i32>} : memref<20000xf32, #tpu.memory_space<vmem>>, vector<16xf32>,
      %add3A_520 = arith.constant 48 : i32
      %add3A_521 = arith.addi %add3A_488, %add3A_520 : i32
      %get3A_522 = arith.index_cast %add3A_521 : i32 to index
      %get3A_523 = tpu.vector_load %arg10[%get3A_522] {strides = array<i32>} : memref<20000xf32, #tpu.memory_space<vmem>>, vector<16xf32>,
      %add3A_524 = arith.constant 64 : i32
      %add3A_525 = arith.addi %add3A_488, %add3A_524 : i32
      %get3A_526 = arith.index_cast %add3A_525 : i32 to index
      %get3A_527 = tpu.vector_load %arg10[%get3A_526] {strides = array<i32>} : memref<20000xf32, #tpu.memory_space<vmem>>, vector<16xf32>,
      %add3A_528 = arith.constant 0 : i32
      %add3A_529 = arith.addi %add3A_488, %add3A_528 : i32
      %get3A_530 = arith.index_cast %add3A_529 : i32 to index
      %get3A_531 = tpu.vector_load %arg11[%get3A_530] {strides = array<i32>} : memref<20000xi32, #tpu.memory_space<vmem>>, vector<16xi32>,
      %add3A_532 = arith.constant 16 : i32
      %add3A_533 = arith.addi %add3A_488, %add3A_532 : i32
      %get3A_534 = arith.index_cast %add3A_533 : i32 to index
      %get3A_535 = tpu.vector_load %arg11[%get3A_534] {strides = array<i32>} : memref<20000xi32, #tpu.memory_space<vmem>>, vector<16xi32>,
      %add3A_536 = arith.constant 32 : i32
      %add3A_537 = arith.addi %add3A_488, %add3A_536 : i32
      %get3A_538 = arith.index_cast %add3A_537 : i32 to index
      %get3A_539 = tpu.vector_load %arg11[%get3A_538] {strides = array<i32>} : memref<20000xi32, #tpu.memory_space<vmem>>, vector<16xi32>,
      %add3A_540 = arith.constant 48 : i32
      %add3A_541 = arith.addi %add3A_488, %add3A_540 : i32
      %get3A_542 = arith.index_cast %add3A_541 : i32 to index
      %get3A_543 = tpu.vector_load %arg11[%get3A_542] {strides = array<i32>} : memref<20000xi32, #tpu.memory_space<vmem>>, vector<16xi32>,
      %add3A_544 = arith.constant 64 : i32
      %add3A_545 = arith.addi %add3A_488, %add3A_544 : i32
      %get3A_546 = arith.index_cast %add3A_545 : i32 to index
      %get3A_547 = tpu.vector_load %arg11[%get3A_546] {strides = array<i32>} : memref<20000xi32, #tpu.memory_space<vmem>>, vector<16xi32>,
      %add3A_548 = arith.addi %mul3A_3, %get3A_531 : vector<16xi32>
      %add3A_549 = arith.addi %mul3A_3, %get3A_535 : vector<16xi32>
      %add3A_550 = arith.addi %mul3A_3, %get3A_539 : vector<16xi32>
      %add3A_551 = arith.addi %mul3A_3, %get3A_543 : vector<16xi32>
      %add3A_552 = arith.addi %mul3A_3, %get3A_547 : vector<16xi32>
      %sub3A = arith.subf %get3A_491, %get3A_511 : vector<16xf32>
      %sub3A_553 = arith.subf %get3A_491, %get3A_511 : vector<16xf32>
      %mul3A_554 = arith.mulf %sub3A, %sub3A_553 : vector<16xf32>
      %sub3A_555 = arith.subf %get3A_495, %get3A_515 : vector<16xf32>
      %sub3A_556 = arith.subf %get3A_495, %get3A_515 : vector<16xf32>
      %mul3A_557 = arith.mulf %sub3A_555, %sub3A_556 : vector<16xf32>
      %sub3A_558 = arith.subf %get3A_499, %get3A_519 : vector<16xf32>
      %sub3A_559 = arith.subf %get3A_499, %get3A_519 : vector<16xf32>
      %mul3A_560 = arith.mulf %sub3A_558, %sub3A_559 : vector<16xf32>
      %sub3A_561 = arith.subf %get3A_503, %get3A_523 : vector<16xf32>
      %sub3A_562 = arith.subf %get3A_503, %get3A_523 : vector<16xf32>
      %mul3A_563 = arith.mulf %sub3A_561, %sub3A_562 : vector<16xf32>
      %sub3A_564 = arith.subf %get3A_507, %get3A_527 : vector<16xf32>
      %sub3A_565 = arith.subf %get3A_507, %get3A_527 : vector<16xf32>
      %mul3A_566 = arith.mulf %sub3A_564, %sub3A_565 : vector<16xf32>
      tpu.vector_store_idx %arg17[%add3A_548], %mul3A_554 {add = true} : memref<6160xf32, #tpu.memory_space<vmem>>[vector<16xi32>], vector<16xf32>,
      tpu.vector_store_idx %arg17[%add3A_549], %mul3A_557 {add = true} : memref<6160xf32, #tpu.memory_space<vmem>>[vector<16xi32>], vector<16xf32>,
      tpu.vector_store_idx %arg17[%add3A_550], %mul3A_560 {add = true} : memref<6160xf32, #tpu.memory_space<vmem>>[vector<16xi32>], vector<16xf32>,
      tpu.vector_store_idx %arg17[%add3A_551], %mul3A_563 {add = true} : memref<6160xf32, #tpu.memory_space<vmem>>[vector<16xi32>], vector<16xf32>,
      tpu.vector_store_idx %arg17[%add3A_552], %mul3A_566 {add = true} : memref<6160xf32, #tpu.memory_space<vmem>>[vector<16xi32>], vector<16xf32>,
      %scan3A_567 = arith.constant 0 : i32
      scf.yield %scan3A_567 : i32
    }
    %scan3A_353 = arith.constant 125 : i32
    %add3A_354 = arith.constant 80000 : i32
    %add3A_355 = arith.addi %mul3A_8, %add3A_354 : i32
    %dma_start3A_356 = arith.constant 0 : i32
    %dma_start3A_357 = tpu.memref_slice %arg9[%dma_start3A_356] : memref<20000xf32, #tpu.memory_space<vmem>> -> memref<10000xf32, #tpu.memory_space<vmem>>
    %dma_start3A_358 = tpu.memref_slice %arg5[%add3A_355] : memref<3200000xf32, #tpu.memory_space<hbm>> -> memref<10000xf32, #tpu.memory_space<hbm>>
    %dma_start3A_359 = arith.constant 0 : i32
    %dma_start3A_360 = tpu.memref_slice %arg9[%dma_start3A_359] : memref<20000xf32, #tpu.memory_space<vmem>> -> memref<10000xf32, #tpu.memory_space<vmem>>
    %dma_start3A_361 = tpu.memref_slice %arg5[%add3A_355] : memref<3200000xf32, #tpu.memory_space<hbm>> -> memref<10000xf32, #tpu.memory_space<hbm>>
    tpu.enqueue_dma source(%dma_start3A_361 : memref<10000xf32, #tpu.memory_space<hbm>>) target(%dma_start3A_360 : memref<10000xf32, #tpu.memory_space<vmem>>) target_semaphore(%arg22 : memref<!tpu.dma_semaphore, #tpu.memory_space<semaphore_mem>>)
    %dma_start3A_362 = arith.constant 0 : i32
    %dma_start3A_363 = tpu.memref_slice %arg10[%dma_start3A_362] : memref<20000xf32, #tpu.memory_space<vmem>> -> memref<10000xf32, #tpu.memory_space<vmem>>
    %dma_start3A_364 = tpu.memref_slice %arg6[%add3A_355] : memref<3200000xf32, #tpu.memory_space<hbm>> -> memref<10000xf32, #tpu.memory_space<hbm>>
    %dma_start3A_365 = arith.constant 0 : i32
    %dma_start3A_366 = tpu.memref_slice %arg10[%dma_start3A_365] : memref<20000xf32, #tpu.memory_space<vmem>> -> memref<10000xf32, #tpu.memory_space<vmem>>
    %dma_start3A_367 = tpu.memref_slice %arg6[%add3A_355] : memref<3200000xf32, #tpu.memory_space<hbm>> -> memref<10000xf32, #tpu.memory_space<hbm>>
    tpu.enqueue_dma source(%dma_start3A_367 : memref<10000xf32, #tpu.memory_space<hbm>>) target(%dma_start3A_366 : memref<10000xf32, #tpu.memory_space<vmem>>) target_semaphore(%arg22 : memref<!tpu.dma_semaphore, #tpu.memory_space<semaphore_mem>>)
    %dma_start3A_368 = arith.constant 0 : i32
    %dma_start3A_369 = tpu.memref_slice %arg11[%dma_start3A_368] : memref<20000xi32, #tpu.memory_space<vmem>> -> memref<10000xi32, #tpu.memory_space<vmem>>
    %dma_start3A_370 = tpu.memref_slice %arg7[%add3A_355] : memref<3200000xi32, #tpu.memory_space<hbm>> -> memref<10000xi32, #tpu.memory_space<hbm>>
    %dma_start3A_371 = arith.constant 0 : i32
    %dma_start3A_372 = tpu.memref_slice %arg11[%dma_start3A_371] : memref<20000xi32, #tpu.memory_space<vmem>> -> memref<10000xi32, #tpu.memory_space<vmem>>
    %dma_start3A_373 = tpu.memref_slice %arg7[%add3A_355] : memref<3200000xi32, #tpu.memory_space<hbm>> -> memref<10000xi32, #tpu.memory_space<hbm>>
    tpu.enqueue_dma source(%dma_start3A_373 : memref<10000xi32, #tpu.memory_space<hbm>>) target(%dma_start3A_372 : memref<10000xi32, #tpu.memory_space<vmem>>) target_semaphore(%arg22 : memref<!tpu.dma_semaphore, #tpu.memory_space<semaphore_mem>>)
    %dma_wait3A_374 = arith.constant 10000 : i32
    %dma_wait3A_375 = tpu.memref_slice %arg9[%dma_wait3A_374] : memref<20000xf32, #tpu.memory_space<vmem>> -> memref<10000xf32, #tpu.memory_space<vmem>>
    %dma_wait3A_376 = tpu.memref_slice %arg5[%add3A_310] : memref<3200000xf32, #tpu.memory_space<hbm>> -> memref<10000xf32, #tpu.memory_space<hbm>>
    %dma_wait3A_377 = arith.constant 10000 : i32
    %dma_wait3A_378 = tpu.memref_slice %arg9[%dma_wait3A_377] : memref<20000xf32, #tpu.memory_space<vmem>> -> memref<10000xf32, #tpu.memory_space<vmem>>
    %dma_wait3A_379 = tpu.memref_slice %arg5[%add3A_310] : memref<3200000xf32, #tpu.memory_space<hbm>> -> memref<10000xf32, #tpu.memory_space<hbm>>
    tpu.wait_dma2 semaphore(%arg23 : memref<!tpu.dma_semaphore, #tpu.memory_space<semaphore_mem>>) src(%dma_wait3A_379 : memref<10000xf32, #tpu.memory_space<hbm>>) dst(%dma_wait3A_378 : memref<10000xf32, #tpu.memory_space<vmem>>)
    %dma_wait3A_380 = arith.constant 10000 : i32
    %dma_wait3A_381 = tpu.memref_slice %arg10[%dma_wait3A_380] : memref<20000xf32, #tpu.memory_space<vmem>> -> memref<10000xf32, #tpu.memory_space<vmem>>
    %dma_wait3A_382 = tpu.memref_slice %arg6[%add3A_310] : memref<3200000xf32, #tpu.memory_space<hbm>> -> memref<10000xf32, #tpu.memory_space<hbm>>
    %dma_wait3A_383 = arith.constant 10000 : i32
    %dma_wait3A_384 = tpu.memref_slice %arg10[%dma_wait3A_383] : memref<20000xf32, #tpu.memory_space<vmem>> -> memref<10000xf32, #tpu.memory_space<vmem>>
    %dma_wait3A_385 = tpu.memref_slice %arg6[%add3A_310] : memref<3200000xf32, #tpu.memory_space<hbm>> -> memref<10000xf32, #tpu.memory_space<hbm>>
    tpu.wait_dma2 semaphore(%arg23 : memref<!tpu.dma_semaphore, #tpu.memory_space<semaphore_mem>>) src(%dma_wait3A_385 : memref<10000xf32, #tpu.memory_space<hbm>>) dst(%dma_wait3A_384 : memref<10000xf32, #tpu.memory_space<vmem>>)
    %dma_wait3A_386 = arith.constant 10000 : i32
    %dma_wait3A_387 = tpu.memref_slice %arg11[%dma_wait3A_386] : memref<20000xi32, #tpu.memory_space<vmem>> -> memref<10000xi32, #tpu.memory_space<vmem>>
    %dma_wait3A_388 = tpu.memref_slice %arg7[%add3A_310] : memref<3200000xi32, #tpu.memory_space<hbm>> -> memref<10000xi32, #tpu.memory_space<hbm>>
    %dma_wait3A_389 = arith.constant 10000 : i32
    %dma_wait3A_390 = tpu.memref_slice %arg11[%dma_wait3A_389] : memref<20000xi32, #tpu.memory_space<vmem>> -> memref<10000xi32, #tpu.memory_space<vmem>>
    %dma_wait3A_391 = tpu.memref_slice %arg7[%add3A_310] : memref<3200000xi32, #tpu.memory_space<hbm>> -> memref<10000xi32, #tpu.memory_space<hbm>>
    tpu.wait_dma2 semaphore(%arg23 : memref<!tpu.dma_semaphore, #tpu.memory_space<semaphore_mem>>) src(%dma_wait3A_391 : memref<10000xi32, #tpu.memory_space<hbm>>) dst(%dma_wait3A_390 : memref<10000xi32, #tpu.memory_space<vmem>>)
    %scan3A_392 = arith.constant 0 : i32
    %scan3A_393 = arith.constant 0 : i32
    %scan3A_394 = arith.constant 125 : i32
    %scan3A_395 = arith.addi %scan3A_393, %scan3A_394 : i32
    %scan3A_396 = arith.constant 1 : i32
    %scan3A_397 = scf.for %scan3A_483 = %scan3A_393 to %scan3A_395 step %scan3A_396 iter_args(%scan3A_484 = %scan3A_392) -> (i32)  : i32 {
      %mul3A_485 = arith.constant 80 : i32
      %mul3A_486 = arith.muli %scan3A_483, %mul3A_485 : i32
      %add3A_487 = arith.constant 10000 : i32
      %add3A_488 = arith.addi %add3A_487, %mul3A_486 : i32
      %add3A_489 = arith.constant 0 : i32
      %add3A_490 = arith.addi %add3A_488, %add3A_489 : i32
      %get3A = arith.index_cast %add3A_490 : i32 to index
      %get3A_491 = tpu.vector_load %arg9[%get3A] {strides = array<i32>} : memref<20000xf32, #tpu.memory_space<vmem>>, vector<16xf32>,
      %add3A_492 = arith.constant 16 : i32
      %add3A_493 = arith.addi %add3A_488, %add3A_492 : i32
      %get3A_494 = arith.index_cast %add3A_493 : i32 to index
      %get3A_495 = tpu.vector_load %arg9[%get3A_494] {strides = array<i32>} : memref<20000xf32, #tpu.memory_space<vmem>>, vector<16xf32>,
      %add3A_496 = arith.constant 32 : i32
      %add3A_497 = arith.addi %add3A_488, %add3A_496 : i32
      %get3A_498 = arith.index_cast %add3A_497 : i32 to index
      %get3A_499 = tpu.vector_load %arg9[%get3A_498] {strides = array<i32>} : memref<20000xf32, #tpu.memory_space<vmem>>, vector<16xf32>,
      %add3A_500 = arith.constant 48 : i32
      %add3A_501 = arith.addi %add3A_488, %add3A_500 : i32
      %get3A_502 = arith.index_cast %add3A_501 : i32 to index
      %get3A_503 = tpu.vector_load %arg9[%get3A_502] {strides = array<i32>} : memref<20000xf32, #tpu.memory_space<vmem>>, vector<16xf32>,
      %add3A_504 = arith.constant 64 : i32
      %add3A_505 = arith.addi %add3A_488, %add3A_504 : i32
      %get3A_506 = arith.index_cast %add3A_505 : i32 to index
      %get3A_507 = tpu.vector_load %arg9[%get3A_506] {strides = array<i32>} : memref<20000xf32, #tpu.memory_space<vmem>>, vector<16xf32>,
      %add3A_508 = arith.constant 0 : i32
      %add3A_509 = arith.addi %add3A_488, %add3A_508 : i32
      %get3A_510 = arith.index_cast %add3A_509 : i32 to index
      %get3A_511 = tpu.vector_load %arg10[%get3A_510] {strides = array<i32>} : memref<20000xf32, #tpu.memory_space<vmem>>, vector<16xf32>,
      %add3A_512 = arith.constant 16 : i32
      %add3A_513 = arith.addi %add3A_488, %add3A_512 : i32
      %get3A_514 = arith.index_cast %add3A_513 : i32 to index
      %get3A_515 = tpu.vector_load %arg10[%get3A_514] {strides = array<i32>} : memref<20000xf32, #tpu.memory_space<vmem>>, vector<16xf32>,
      %add3A_516 = arith.constant 32 : i32
      %add3A_517 = arith.addi %add3A_488, %add3A_516 : i32
      %get3A_518 = arith.index_cast %add3A_517 : i32 to index
      %get3A_519 = tpu.vector_load %arg10[%get3A_518] {strides = array<i32>} : memref<20000xf32, #tpu.memory_space<vmem>>, vector<16xf32>,
      %add3A_520 = arith.constant 48 : i32
      %add3A_521 = arith.addi %add3A_488, %add3A_520 : i32
      %get3A_522 = arith.index_cast %add3A_521 : i32 to index
      %get3A_523 = tpu.vector_load %arg10[%get3A_522] {strides = array<i32>} : memref<20000xf32, #tpu.memory_space<vmem>>, vector<16xf32>,
      %add3A_524 = arith.constant 64 : i32
      %add3A_525 = arith.addi %add3A_488, %add3A_524 : i32
      %get3A_526 = arith.index_cast %add3A_525 : i32 to index
      %get3A_527 = tpu.vector_load %arg10[%get3A_526] {strides = array<i32>} : memref<20000xf32, #tpu.memory_space<vmem>>, vector<16xf32>,
      %add3A_528 = arith.constant 0 : i32
      %add3A_529 = arith.addi %add3A_488, %add3A_528 : i32
      %get3A_530 = arith.index_cast %add3A_529 : i32 to index
      %get3A_531 = tpu.vector_load %arg11[%get3A_530] {strides = array<i32>} : memref<20000xi32, #tpu.memory_space<vmem>>, vector<16xi32>,
      %add3A_532 = arith.constant 16 : i32
      %add3A_533 = arith.addi %add3A_488, %add3A_532 : i32
      %get3A_534 = arith.index_cast %add3A_533 : i32 to index
      %get3A_535 = tpu.vector_load %arg11[%get3A_534] {strides = array<i32>} : memref<20000xi32, #tpu.memory_space<vmem>>, vector<16xi32>,
      %add3A_536 = arith.constant 32 : i32
      %add3A_537 = arith.addi %add3A_488, %add3A_536 : i32
      %get3A_538 = arith.index_cast %add3A_537 : i32 to index
      %get3A_539 = tpu.vector_load %arg11[%get3A_538] {strides = array<i32>} : memref<20000xi32, #tpu.memory_space<vmem>>, vector<16xi32>,
      %add3A_540 = arith.constant 48 : i32
      %add3A_541 = arith.addi %add3A_488, %add3A_540 : i32
      %get3A_542 = arith.index_cast %add3A_541 : i32 to index
      %get3A_543 = tpu.vector_load %arg11[%get3A_542] {strides = array<i32>} : memref<20000xi32, #tpu.memory_space<vmem>>, vector<16xi32>,
      %add3A_544 = arith.constant 64 : i32
      %add3A_545 = arith.addi %add3A_488, %add3A_544 : i32
      %get3A_546 = arith.index_cast %add3A_545 : i32 to index
      %get3A_547 = tpu.vector_load %arg11[%get3A_546] {strides = array<i32>} : memref<20000xi32, #tpu.memory_space<vmem>>, vector<16xi32>,
      %add3A_548 = arith.addi %mul3A_3, %get3A_531 : vector<16xi32>
      %add3A_549 = arith.addi %mul3A_3, %get3A_535 : vector<16xi32>
      %add3A_550 = arith.addi %mul3A_3, %get3A_539 : vector<16xi32>
      %add3A_551 = arith.addi %mul3A_3, %get3A_543 : vector<16xi32>
      %add3A_552 = arith.addi %mul3A_3, %get3A_547 : vector<16xi32>
      %sub3A = arith.subf %get3A_491, %get3A_511 : vector<16xf32>
      %sub3A_553 = arith.subf %get3A_491, %get3A_511 : vector<16xf32>
      %mul3A_554 = arith.mulf %sub3A, %sub3A_553 : vector<16xf32>
      %sub3A_555 = arith.subf %get3A_495, %get3A_515 : vector<16xf32>
      %sub3A_556 = arith.subf %get3A_495, %get3A_515 : vector<16xf32>
      %mul3A_557 = arith.mulf %sub3A_555, %sub3A_556 : vector<16xf32>
      %sub3A_558 = arith.subf %get3A_499, %get3A_519 : vector<16xf32>
      %sub3A_559 = arith.subf %get3A_499, %get3A_519 : vector<16xf32>
      %mul3A_560 = arith.mulf %sub3A_558, %sub3A_559 : vector<16xf32>
      %sub3A_561 = arith.subf %get3A_503, %get3A_523 : vector<16xf32>
      %sub3A_562 = arith.subf %get3A_503, %get3A_523 : vector<16xf32>
      %mul3A_563 = arith.mulf %sub3A_561, %sub3A_562 : vector<16xf32>
      %sub3A_564 = arith.subf %get3A_507, %get3A_527 : vector<16xf32>
      %sub3A_565 = arith.subf %get3A_507, %get3A_527 : vector<16xf32>
      %mul3A_566 = arith.mulf %sub3A_564, %sub3A_565 : vector<16xf32>
      tpu.vector_store_idx %arg17[%add3A_548], %mul3A_554 {add = true} : memref<6160xf32, #tpu.memory_space<vmem>>[vector<16xi32>], vector<16xf32>,
      tpu.vector_store_idx %arg17[%add3A_549], %mul3A_557 {add = true} : memref<6160xf32, #tpu.memory_space<vmem>>[vector<16xi32>], vector<16xf32>,
      tpu.vector_store_idx %arg17[%add3A_550], %mul3A_560 {add = true} : memref<6160xf32, #tpu.memory_space<vmem>>[vector<16xi32>], vector<16xf32>,
      tpu.vector_store_idx %arg17[%add3A_551], %mul3A_563 {add = true} : memref<6160xf32, #tpu.memory_space<vmem>>[vector<16xi32>], vector<16xf32>,
      tpu.vector_store_idx %arg17[%add3A_552], %mul3A_566 {add = true} : memref<6160xf32, #tpu.memory_space<vmem>>[vector<16xi32>], vector<16xf32>,
      %scan3A_567 = arith.constant 0 : i32
      scf.yield %scan3A_567 : i32
    }
    %scan3A_398 = arith.constant 125 : i32
    %add3A_399 = arith.constant 90000 : i32
    %add3A_400 = arith.addi %mul3A_8, %add3A_399 : i32
    %dma_start3A_401 = arith.constant 10000 : i32
    %dma_start3A_402 = tpu.memref_slice %arg9[%dma_start3A_401] : memref<20000xf32, #tpu.memory_space<vmem>> -> memref<10000xf32, #tpu.memory_space<vmem>>
    %dma_start3A_403 = tpu.memref_slice %arg5[%add3A_400] : memref<3200000xf32, #tpu.memory_space<hbm>> -> memref<10000xf32, #tpu.memory_space<hbm>>
    %dma_start3A_404 = arith.constant 10000 : i32
    %dma_start3A_405 = tpu.memref_slice %arg9[%dma_start3A_404] : memref<20000xf32, #tpu.memory_space<vmem>> -> memref<10000xf32, #tpu.memory_space<vmem>>
    %dma_start3A_406 = tpu.memref_slice %arg5[%add3A_400] : memref<3200000xf32, #tpu.memory_space<hbm>> -> memref<10000xf32, #tpu.memory_space<hbm>>
    tpu.enqueue_dma source(%dma_start3A_406 : memref<10000xf32, #tpu.memory_space<hbm>>) target(%dma_start3A_405 : memref<10000xf32, #tpu.memory_space<vmem>>) target_semaphore(%arg23 : memref<!tpu.dma_semaphore, #tpu.memory_space<semaphore_mem>>)
    %dma_start3A_407 = arith.constant 10000 : i32
    %dma_start3A_408 = tpu.memref_slice %arg10[%dma_start3A_407] : memref<20000xf32, #tpu.memory_space<vmem>> -> memref<10000xf32, #tpu.memory_space<vmem>>
    %dma_start3A_409 = tpu.memref_slice %arg6[%add3A_400] : memref<3200000xf32, #tpu.memory_space<hbm>> -> memref<10000xf32, #tpu.memory_space<hbm>>
    %dma_start3A_410 = arith.constant 10000 : i32
    %dma_start3A_411 = tpu.memref_slice %arg10[%dma_start3A_410] : memref<20000xf32, #tpu.memory_space<vmem>> -> memref<10000xf32, #tpu.memory_space<vmem>>
    %dma_start3A_412 = tpu.memref_slice %arg6[%add3A_400] : memref<3200000xf32, #tpu.memory_space<hbm>> -> memref<10000xf32, #tpu.memory_space<hbm>>
    tpu.enqueue_dma source(%dma_start3A_412 : memref<10000xf32, #tpu.memory_space<hbm>>) target(%dma_start3A_411 : memref<10000xf32, #tpu.memory_space<vmem>>) target_semaphore(%arg23 : memref<!tpu.dma_semaphore, #tpu.memory_space<semaphore_mem>>)
    %dma_start3A_413 = arith.constant 10000 : i32
    %dma_start3A_414 = tpu.memref_slice %arg11[%dma_start3A_413] : memref<20000xi32, #tpu.memory_space<vmem>> -> memref<10000xi32, #tpu.memory_space<vmem>>
    %dma_start3A_415 = tpu.memref_slice %arg7[%add3A_400] : memref<3200000xi32, #tpu.memory_space<hbm>> -> memref<10000xi32, #tpu.memory_space<hbm>>
    %dma_start3A_416 = arith.constant 10000 : i32
    %dma_start3A_417 = tpu.memref_slice %arg11[%dma_start3A_416] : memref<20000xi32, #tpu.memory_space<vmem>> -> memref<10000xi32, #tpu.memory_space<vmem>>
    %dma_start3A_418 = tpu.memref_slice %arg7[%add3A_400] : memref<3200000xi32, #tpu.memory_space<hbm>> -> memref<10000xi32, #tpu.memory_space<hbm>>
    tpu.enqueue_dma source(%dma_start3A_418 : memref<10000xi32, #tpu.memory_space<hbm>>) target(%dma_start3A_417 : memref<10000xi32, #tpu.memory_space<vmem>>) target_semaphore(%arg23 : memref<!tpu.dma_semaphore, #tpu.memory_space<semaphore_mem>>)
    %dma_wait3A_419 = arith.constant 0 : i32
    %dma_wait3A_420 = tpu.memref_slice %arg9[%dma_wait3A_419] : memref<20000xf32, #tpu.memory_space<vmem>> -> memref<10000xf32, #tpu.memory_space<vmem>>
    %dma_wait3A_421 = tpu.memref_slice %arg5[%add3A_355] : memref<3200000xf32, #tpu.memory_space<hbm>> -> memref<10000xf32, #tpu.memory_space<hbm>>
    %dma_wait3A_422 = arith.constant 0 : i32
    %dma_wait3A_423 = tpu.memref_slice %arg9[%dma_wait3A_422] : memref<20000xf32, #tpu.memory_space<vmem>> -> memref<10000xf32, #tpu.memory_space<vmem>>
    %dma_wait3A_424 = tpu.memref_slice %arg5[%add3A_355] : memref<3200000xf32, #tpu.memory_space<hbm>> -> memref<10000xf32, #tpu.memory_space<hbm>>
    tpu.wait_dma2 semaphore(%arg22 : memref<!tpu.dma_semaphore, #tpu.memory_space<semaphore_mem>>) src(%dma_wait3A_424 : memref<10000xf32, #tpu.memory_space<hbm>>) dst(%dma_wait3A_423 : memref<10000xf32, #tpu.memory_space<vmem>>)
    %dma_wait3A_425 = arith.constant 0 : i32
    %dma_wait3A_426 = tpu.memref_slice %arg10[%dma_wait3A_425] : memref<20000xf32, #tpu.memory_space<vmem>> -> memref<10000xf32, #tpu.memory_space<vmem>>
    %dma_wait3A_427 = tpu.memref_slice %arg6[%add3A_355] : memref<3200000xf32, #tpu.memory_space<hbm>> -> memref<10000xf32, #tpu.memory_space<hbm>>
    %dma_wait3A_428 = arith.constant 0 : i32
    %dma_wait3A_429 = tpu.memref_slice %arg10[%dma_wait3A_428] : memref<20000xf32, #tpu.memory_space<vmem>> -> memref<10000xf32, #tpu.memory_space<vmem>>
    %dma_wait3A_430 = tpu.memref_slice %arg6[%add3A_355] : memref<3200000xf32, #tpu.memory_space<hbm>> -> memref<10000xf32, #tpu.memory_space<hbm>>
    tpu.wait_dma2 semaphore(%arg22 : memref<!tpu.dma_semaphore, #tpu.memory_space<semaphore_mem>>) src(%dma_wait3A_430 : memref<10000xf32, #tpu.memory_space<hbm>>) dst(%dma_wait3A_429 : memref<10000xf32, #tpu.memory_space<vmem>>)
    %dma_wait3A_431 = arith.constant 0 : i32
    %dma_wait3A_432 = tpu.memref_slice %arg11[%dma_wait3A_431] : memref<20000xi32, #tpu.memory_space<vmem>> -> memref<10000xi32, #tpu.memory_space<vmem>>
    %dma_wait3A_433 = tpu.memref_slice %arg7[%add3A_355] : memref<3200000xi32, #tpu.memory_space<hbm>> -> memref<10000xi32, #tpu.memory_space<hbm>>
    %dma_wait3A_434 = arith.constant 0 : i32
    %dma_wait3A_435 = tpu.memref_slice %arg11[%dma_wait3A_434] : memref<20000xi32, #tpu.memory_space<vmem>> -> memref<10000xi32, #tpu.memory_space<vmem>>
    %dma_wait3A_436 = tpu.memref_slice %arg7[%add3A_355] : memref<3200000xi32, #tpu.memory_space<hbm>> -> memref<10000xi32, #tpu.memory_space<hbm>>
    tpu.wait_dma2 semaphore(%arg22 : memref<!tpu.dma_semaphore, #tpu.memory_space<semaphore_mem>>) src(%dma_wait3A_436 : memref<10000xi32, #tpu.memory_space<hbm>>) dst(%dma_wait3A_435 : memref<10000xi32, #tpu.memory_space<vmem>>)
    %scan3A_437 = arith.constant 0 : i32
    %scan3A_438 = arith.constant 0 : i32
    %scan3A_439 = arith.constant 125 : i32
    %scan3A_440 = arith.addi %scan3A_438, %scan3A_439 : i32
    %scan3A_441 = arith.constant 1 : i32
    %scan3A_442 = scf.for %scan3A_483 = %scan3A_438 to %scan3A_440 step %scan3A_441 iter_args(%scan3A_484 = %scan3A_437) -> (i32)  : i32 {
      %mul3A_485 = arith.constant 80 : i32
      %mul3A_486 = arith.muli %scan3A_483, %mul3A_485 : i32
      %add3A_487 = arith.constant 0 : i32
      %add3A_488 = arith.addi %add3A_487, %mul3A_486 : i32
      %add3A_489 = arith.constant 0 : i32
      %add3A_490 = arith.addi %add3A_488, %add3A_489 : i32
      %get3A = arith.index_cast %add3A_490 : i32 to index
      %get3A_491 = tpu.vector_load %arg9[%get3A] {strides = array<i32>} : memref<20000xf32, #tpu.memory_space<vmem>>, vector<16xf32>,
      %add3A_492 = arith.constant 16 : i32
      %add3A_493 = arith.addi %add3A_488, %add3A_492 : i32
      %get3A_494 = arith.index_cast %add3A_493 : i32 to index
      %get3A_495 = tpu.vector_load %arg9[%get3A_494] {strides = array<i32>} : memref<20000xf32, #tpu.memory_space<vmem>>, vector<16xf32>,
      %add3A_496 = arith.constant 32 : i32
      %add3A_497 = arith.addi %add3A_488, %add3A_496 : i32
      %get3A_498 = arith.index_cast %add3A_497 : i32 to index
      %get3A_499 = tpu.vector_load %arg9[%get3A_498] {strides = array<i32>} : memref<20000xf32, #tpu.memory_space<vmem>>, vector<16xf32>,
      %add3A_500 = arith.constant 48 : i32
      %add3A_501 = arith.addi %add3A_488, %add3A_500 : i32
      %get3A_502 = arith.index_cast %add3A_501 : i32 to index
      %get3A_503 = tpu.vector_load %arg9[%get3A_502] {strides = array<i32>} : memref<20000xf32, #tpu.memory_space<vmem>>, vector<16xf32>,
      %add3A_504 = arith.constant 64 : i32
      %add3A_505 = arith.addi %add3A_488, %add3A_504 : i32
      %get3A_506 = arith.index_cast %add3A_505 : i32 to index
      %get3A_507 = tpu.vector_load %arg9[%get3A_506] {strides = array<i32>} : memref<20000xf32, #tpu.memory_space<vmem>>, vector<16xf32>,
      %add3A_508 = arith.constant 0 : i32
      %add3A_509 = arith.addi %add3A_488, %add3A_508 : i32
      %get3A_510 = arith.index_cast %add3A_509 : i32 to index
      %get3A_511 = tpu.vector_load %arg10[%get3A_510] {strides = array<i32>} : memref<20000xf32, #tpu.memory_space<vmem>>, vector<16xf32>,
      %add3A_512 = arith.constant 16 : i32
      %add3A_513 = arith.addi %add3A_488, %add3A_512 : i32
      %get3A_514 = arith.index_cast %add3A_513 : i32 to index
      %get3A_515 = tpu.vector_load %arg10[%get3A_514] {strides = array<i32>} : memref<20000xf32, #tpu.memory_space<vmem>>, vector<16xf32>,
      %add3A_516 = arith.constant 32 : i32
      %add3A_517 = arith.addi %add3A_488, %add3A_516 : i32
      %get3A_518 = arith.index_cast %add3A_517 : i32 to index
      %get3A_519 = tpu.vector_load %arg10[%get3A_518] {strides = array<i32>} : memref<20000xf32, #tpu.memory_space<vmem>>, vector<16xf32>,
      %add3A_520 = arith.constant 48 : i32
      %add3A_521 = arith.addi %add3A_488, %add3A_520 : i32
      %get3A_522 = arith.index_cast %add3A_521 : i32 to index
      %get3A_523 = tpu.vector_load %arg10[%get3A_522] {strides = array<i32>} : memref<20000xf32, #tpu.memory_space<vmem>>, vector<16xf32>,
      %add3A_524 = arith.constant 64 : i32
      %add3A_525 = arith.addi %add3A_488, %add3A_524 : i32
      %get3A_526 = arith.index_cast %add3A_525 : i32 to index
      %get3A_527 = tpu.vector_load %arg10[%get3A_526] {strides = array<i32>} : memref<20000xf32, #tpu.memory_space<vmem>>, vector<16xf32>,
      %add3A_528 = arith.constant 0 : i32
      %add3A_529 = arith.addi %add3A_488, %add3A_528 : i32
      %get3A_530 = arith.index_cast %add3A_529 : i32 to index
      %get3A_531 = tpu.vector_load %arg11[%get3A_530] {strides = array<i32>} : memref<20000xi32, #tpu.memory_space<vmem>>, vector<16xi32>,
      %add3A_532 = arith.constant 16 : i32
      %add3A_533 = arith.addi %add3A_488, %add3A_532 : i32
      %get3A_534 = arith.index_cast %add3A_533 : i32 to index
      %get3A_535 = tpu.vector_load %arg11[%get3A_534] {strides = array<i32>} : memref<20000xi32, #tpu.memory_space<vmem>>, vector<16xi32>,
      %add3A_536 = arith.constant 32 : i32
      %add3A_537 = arith.addi %add3A_488, %add3A_536 : i32
      %get3A_538 = arith.index_cast %add3A_537 : i32 to index
      %get3A_539 = tpu.vector_load %arg11[%get3A_538] {strides = array<i32>} : memref<20000xi32, #tpu.memory_space<vmem>>, vector<16xi32>,
      %add3A_540 = arith.constant 48 : i32
      %add3A_541 = arith.addi %add3A_488, %add3A_540 : i32
      %get3A_542 = arith.index_cast %add3A_541 : i32 to index
      %get3A_543 = tpu.vector_load %arg11[%get3A_542] {strides = array<i32>} : memref<20000xi32, #tpu.memory_space<vmem>>, vector<16xi32>,
      %add3A_544 = arith.constant 64 : i32
      %add3A_545 = arith.addi %add3A_488, %add3A_544 : i32
      %get3A_546 = arith.index_cast %add3A_545 : i32 to index
      %get3A_547 = tpu.vector_load %arg11[%get3A_546] {strides = array<i32>} : memref<20000xi32, #tpu.memory_space<vmem>>, vector<16xi32>,
      %add3A_548 = arith.addi %mul3A_3, %get3A_531 : vector<16xi32>
      %add3A_549 = arith.addi %mul3A_3, %get3A_535 : vector<16xi32>
      %add3A_550 = arith.addi %mul3A_3, %get3A_539 : vector<16xi32>
      %add3A_551 = arith.addi %mul3A_3, %get3A_543 : vector<16xi32>
      %add3A_552 = arith.addi %mul3A_3, %get3A_547 : vector<16xi32>
      %sub3A = arith.subf %get3A_491, %get3A_511 : vector<16xf32>
      %sub3A_553 = arith.subf %get3A_491, %get3A_511 : vector<16xf32>
      %mul3A_554 = arith.mulf %sub3A, %sub3A_553 : vector<16xf32>
      %sub3A_555 = arith.subf %get3A_495, %get3A_515 : vector<16xf32>
      %sub3A_556 = arith.subf %get3A_495, %get3A_515 : vector<16xf32>
      %mul3A_557 = arith.mulf %sub3A_555, %sub3A_556 : vector<16xf32>
      %sub3A_558 = arith.subf %get3A_499, %get3A_519 : vector<16xf32>
      %sub3A_559 = arith.subf %get3A_499, %get3A_519 : vector<16xf32>
      %mul3A_560 = arith.mulf %sub3A_558, %sub3A_559 : vector<16xf32>
      %sub3A_561 = arith.subf %get3A_503, %get3A_523 : vector<16xf32>
      %sub3A_562 = arith.subf %get3A_503, %get3A_523 : vector<16xf32>
      %mul3A_563 = arith.mulf %sub3A_561, %sub3A_562 : vector<16xf32>
      %sub3A_564 = arith.subf %get3A_507, %get3A_527 : vector<16xf32>
      %sub3A_565 = arith.subf %get3A_507, %get3A_527 : vector<16xf32>
      %mul3A_566 = arith.mulf %sub3A_564, %sub3A_565 : vector<16xf32>
      tpu.vector_store_idx %arg17[%add3A_548], %mul3A_554 {add = true} : memref<6160xf32, #tpu.memory_space<vmem>>[vector<16xi32>], vector<16xf32>,
      tpu.vector_store_idx %arg17[%add3A_549], %mul3A_557 {add = true} : memref<6160xf32, #tpu.memory_space<vmem>>[vector<16xi32>], vector<16xf32>,
      tpu.vector_store_idx %arg17[%add3A_550], %mul3A_560 {add = true} : memref<6160xf32, #tpu.memory_space<vmem>>[vector<16xi32>], vector<16xf32>,
      tpu.vector_store_idx %arg17[%add3A_551], %mul3A_563 {add = true} : memref<6160xf32, #tpu.memory_space<vmem>>[vector<16xi32>], vector<16xf32>,
      tpu.vector_store_idx %arg17[%add3A_552], %mul3A_566 {add = true} : memref<6160xf32, #tpu.memory_space<vmem>>[vector<16xi32>], vector<16xf32>,
      %scan3A_567 = arith.constant 0 : i32
      scf.yield %scan3A_567 : i32
    }
    %scan3A_443 = arith.constant 125 : i32
    %dma_wait3A_444 = arith.constant 10000 : i32
    %dma_wait3A_445 = tpu.memref_slice %arg9[%dma_wait3A_444] : memref<20000xf32, #tpu.memory_space<vmem>> -> memref<10000xf32, #tpu.memory_space<vmem>>
    %dma_wait3A_446 = tpu.memref_slice %arg5[%add3A_400] : memref<3200000xf32, #tpu.memory_space<hbm>> -> memref<10000xf32, #tpu.memory_space<hbm>>
    %dma_wait3A_447 = arith.constant 10000 : i32
    %dma_wait3A_448 = tpu.memref_slice %arg9[%dma_wait3A_447] : memref<20000xf32, #tpu.memory_space<vmem>> -> memref<10000xf32, #tpu.memory_space<vmem>>
    %dma_wait3A_449 = tpu.memref_slice %arg5[%add3A_400] : memref<3200000xf32, #tpu.memory_space<hbm>> -> memref<10000xf32, #tpu.memory_space<hbm>>
    tpu.wait_dma2 semaphore(%arg23 : memref<!tpu.dma_semaphore, #tpu.memory_space<semaphore_mem>>) src(%dma_wait3A_449 : memref<10000xf32, #tpu.memory_space<hbm>>) dst(%dma_wait3A_448 : memref<10000xf32, #tpu.memory_space<vmem>>)
    %dma_wait3A_450 = arith.constant 10000 : i32
    %dma_wait3A_451 = tpu.memref_slice %arg10[%dma_wait3A_450] : memref<20000xf32, #tpu.memory_space<vmem>> -> memref<10000xf32, #tpu.memory_space<vmem>>
    %dma_wait3A_452 = tpu.memref_slice %arg6[%add3A_400] : memref<3200000xf32, #tpu.memory_space<hbm>> -> memref<10000xf32, #tpu.memory_space<hbm>>
    %dma_wait3A_453 = arith.constant 10000 : i32
    %dma_wait3A_454 = tpu.memref_slice %arg10[%dma_wait3A_453] : memref<20000xf32, #tpu.memory_space<vmem>> -> memref<10000xf32, #tpu.memory_space<vmem>>
    %dma_wait3A_455 = tpu.memref_slice %arg6[%add3A_400] : memref<3200000xf32, #tpu.memory_space<hbm>> -> memref<10000xf32, #tpu.memory_space<hbm>>
    tpu.wait_dma2 semaphore(%arg23 : memref<!tpu.dma_semaphore, #tpu.memory_space<semaphore_mem>>) src(%dma_wait3A_455 : memref<10000xf32, #tpu.memory_space<hbm>>) dst(%dma_wait3A_454 : memref<10000xf32, #tpu.memory_space<vmem>>)
    %dma_wait3A_456 = arith.constant 10000 : i32
    %dma_wait3A_457 = tpu.memref_slice %arg11[%dma_wait3A_456] : memref<20000xi32, #tpu.memory_space<vmem>> -> memref<10000xi32, #tpu.memory_space<vmem>>
    %dma_wait3A_458 = tpu.memref_slice %arg7[%add3A_400] : memref<3200000xi32, #tpu.memory_space<hbm>> -> memref<10000xi32, #tpu.memory_space<hbm>>
    %dma_wait3A_459 = arith.constant 10000 : i32
    %dma_wait3A_460 = tpu.memref_slice %arg11[%dma_wait3A_459] : memref<20000xi32, #tpu.memory_space<vmem>> -> memref<10000xi32, #tpu.memory_space<vmem>>
    %dma_wait3A_461 = tpu.memref_slice %arg7[%add3A_400] : memref<3200000xi32, #tpu.memory_space<hbm>> -> memref<10000xi32, #tpu.memory_space<hbm>>
    tpu.wait_dma2 semaphore(%arg23 : memref<!tpu.dma_semaphore, #tpu.memory_space<semaphore_mem>>) src(%dma_wait3A_461 : memref<10000xi32, #tpu.memory_space<hbm>>) dst(%dma_wait3A_460 : memref<10000xi32, #tpu.memory_space<vmem>>)
    %scan3A_462 = arith.constant 0 : i32
    %scan3A_463 = arith.constant 0 : i32
    %scan3A_464 = arith.constant 125 : i32
    %scan3A_465 = arith.addi %scan3A_463, %scan3A_464 : i32
    %scan3A_466 = arith.constant 1 : i32
    %scan3A_467 = scf.for %scan3A_483 = %scan3A_463 to %scan3A_465 step %scan3A_466 iter_args(%scan3A_484 = %scan3A_462) -> (i32)  : i32 {
      %mul3A_485 = arith.constant 80 : i32
      %mul3A_486 = arith.muli %scan3A_483, %mul3A_485 : i32
      %add3A_487 = arith.constant 10000 : i32
      %add3A_488 = arith.addi %add3A_487, %mul3A_486 : i32
      %add3A_489 = arith.constant 0 : i32
      %add3A_490 = arith.addi %add3A_488, %add3A_489 : i32
      %get3A = arith.index_cast %add3A_490 : i32 to index
      %get3A_491 = tpu.vector_load %arg9[%get3A] {strides = array<i32>} : memref<20000xf32, #tpu.memory_space<vmem>>, vector<16xf32>,
      %add3A_492 = arith.constant 16 : i32
      %add3A_493 = arith.addi %add3A_488, %add3A_492 : i32
      %get3A_494 = arith.index_cast %add3A_493 : i32 to index
      %get3A_495 = tpu.vector_load %arg9[%get3A_494] {strides = array<i32>} : memref<20000xf32, #tpu.memory_space<vmem>>, vector<16xf32>,
      %add3A_496 = arith.constant 32 : i32
      %add3A_497 = arith.addi %add3A_488, %add3A_496 : i32
      %get3A_498 = arith.index_cast %add3A_497 : i32 to index
      %get3A_499 = tpu.vector_load %arg9[%get3A_498] {strides = array<i32>} : memref<20000xf32, #tpu.memory_space<vmem>>, vector<16xf32>,
      %add3A_500 = arith.constant 48 : i32
      %add3A_501 = arith.addi %add3A_488, %add3A_500 : i32
      %get3A_502 = arith.index_cast %add3A_501 : i32 to index
      %get3A_503 = tpu.vector_load %arg9[%get3A_502] {strides = array<i32>} : memref<20000xf32, #tpu.memory_space<vmem>>, vector<16xf32>,
      %add3A_504 = arith.constant 64 : i32
      %add3A_505 = arith.addi %add3A_488, %add3A_504 : i32
      %get3A_506 = arith.index_cast %add3A_505 : i32 to index
      %get3A_507 = tpu.vector_load %arg9[%get3A_506] {strides = array<i32>} : memref<20000xf32, #tpu.memory_space<vmem>>, vector<16xf32>,
      %add3A_508 = arith.constant 0 : i32
      %add3A_509 = arith.addi %add3A_488, %add3A_508 : i32
      %get3A_510 = arith.index_cast %add3A_509 : i32 to index
      %get3A_511 = tpu.vector_load %arg10[%get3A_510] {strides = array<i32>} : memref<20000xf32, #tpu.memory_space<vmem>>, vector<16xf32>,
      %add3A_512 = arith.constant 16 : i32
      %add3A_513 = arith.addi %add3A_488, %add3A_512 : i32
      %get3A_514 = arith.index_cast %add3A_513 : i32 to index
      %get3A_515 = tpu.vector_load %arg10[%get3A_514] {strides = array<i32>} : memref<20000xf32, #tpu.memory_space<vmem>>, vector<16xf32>,
      %add3A_516 = arith.constant 32 : i32
      %add3A_517 = arith.addi %add3A_488, %add3A_516 : i32
      %get3A_518 = arith.index_cast %add3A_517 : i32 to index
      %get3A_519 = tpu.vector_load %arg10[%get3A_518] {strides = array<i32>} : memref<20000xf32, #tpu.memory_space<vmem>>, vector<16xf32>,
      %add3A_520 = arith.constant 48 : i32
      %add3A_521 = arith.addi %add3A_488, %add3A_520 : i32
      %get3A_522 = arith.index_cast %add3A_521 : i32 to index
      %get3A_523 = tpu.vector_load %arg10[%get3A_522] {strides = array<i32>} : memref<20000xf32, #tpu.memory_space<vmem>>, vector<16xf32>,
      %add3A_524 = arith.constant 64 : i32
      %add3A_525 = arith.addi %add3A_488, %add3A_524 : i32
      %get3A_526 = arith.index_cast %add3A_525 : i32 to index
      %get3A_527 = tpu.vector_load %arg10[%get3A_526] {strides = array<i32>} : memref<20000xf32, #tpu.memory_space<vmem>>, vector<16xf32>,
      %add3A_528 = arith.constant 0 : i32
      %add3A_529 = arith.addi %add3A_488, %add3A_528 : i32
      %get3A_530 = arith.index_cast %add3A_529 : i32 to index
      %get3A_531 = tpu.vector_load %arg11[%get3A_530] {strides = array<i32>} : memref<20000xi32, #tpu.memory_space<vmem>>, vector<16xi32>,
      %add3A_532 = arith.constant 16 : i32
      %add3A_533 = arith.addi %add3A_488, %add3A_532 : i32
      %get3A_534 = arith.index_cast %add3A_533 : i32 to index
      %get3A_535 = tpu.vector_load %arg11[%get3A_534] {strides = array<i32>} : memref<20000xi32, #tpu.memory_space<vmem>>, vector<16xi32>,
      %add3A_536 = arith.constant 32 : i32
      %add3A_537 = arith.addi %add3A_488, %add3A_536 : i32
      %get3A_538 = arith.index_cast %add3A_537 : i32 to index
      %get3A_539 = tpu.vector_load %arg11[%get3A_538] {strides = array<i32>} : memref<20000xi32, #tpu.memory_space<vmem>>, vector<16xi32>,
      %add3A_540 = arith.constant 48 : i32
      %add3A_541 = arith.addi %add3A_488, %add3A_540 : i32
      %get3A_542 = arith.index_cast %add3A_541 : i32 to index
      %get3A_543 = tpu.vector_load %arg11[%get3A_542] {strides = array<i32>} : memref<20000xi32, #tpu.memory_space<vmem>>, vector<16xi32>,
      %add3A_544 = arith.constant 64 : i32
      %add3A_545 = arith.addi %add3A_488, %add3A_544 : i32
      %get3A_546 = arith.index_cast %add3A_545 : i32 to index
      %get3A_547 = tpu.vector_load %arg11[%get3A_546] {strides = array<i32>} : memref<20000xi32, #tpu.memory_space<vmem>>, vector<16xi32>,
      %add3A_548 = arith.addi %mul3A_3, %get3A_531 : vector<16xi32>
      %add3A_549 = arith.addi %mul3A_3, %get3A_535 : vector<16xi32>
      %add3A_550 = arith.addi %mul3A_3, %get3A_539 : vector<16xi32>
      %add3A_551 = arith.addi %mul3A_3, %get3A_543 : vector<16xi32>
      %add3A_552 = arith.addi %mul3A_3, %get3A_547 : vector<16xi32>
      %sub3A = arith.subf %get3A_491, %get3A_511 : vector<16xf32>
      %sub3A_553 = arith.subf %get3A_491, %get3A_511 : vector<16xf32>
      %mul3A_554 = arith.mulf %sub3A, %sub3A_553 : vector<16xf32>
      %sub3A_555 = arith.subf %get3A_495, %get3A_515 : vector<16xf32>
      %sub3A_556 = arith.subf %get3A_495, %get3A_515 : vector<16xf32>
      %mul3A_557 = arith.mulf %sub3A_555, %sub3A_556 : vector<16xf32>
      %sub3A_558 = arith.subf %get3A_499, %get3A_519 : vector<16xf32>
      %sub3A_559 = arith.subf %get3A_499, %get3A_519 : vector<16xf32>
      %mul3A_560 = arith.mulf %sub3A_558, %sub3A_559 : vector<16xf32>
      %sub3A_561 = arith.subf %get3A_503, %get3A_523 : vector<16xf32>
      %sub3A_562 = arith.subf %get3A_503, %get3A_523 : vector<16xf32>
      %mul3A_563 = arith.mulf %sub3A_561, %sub3A_562 : vector<16xf32>
      %sub3A_564 = arith.subf %get3A_507, %get3A_527 : vector<16xf32>
      %sub3A_565 = arith.subf %get3A_507, %get3A_527 : vector<16xf32>
      %mul3A_566 = arith.mulf %sub3A_564, %sub3A_565 : vector<16xf32>
      tpu.vector_store_idx %arg17[%add3A_548], %mul3A_554 {add = true} : memref<6160xf32, #tpu.memory_space<vmem>>[vector<16xi32>], vector<16xf32>,
      tpu.vector_store_idx %arg17[%add3A_549], %mul3A_557 {add = true} : memref<6160xf32, #tpu.memory_space<vmem>>[vector<16xi32>], vector<16xf32>,
      tpu.vector_store_idx %arg17[%add3A_550], %mul3A_560 {add = true} : memref<6160xf32, #tpu.memory_space<vmem>>[vector<16xi32>], vector<16xf32>,
      tpu.vector_store_idx %arg17[%add3A_551], %mul3A_563 {add = true} : memref<6160xf32, #tpu.memory_space<vmem>>[vector<16xi32>], vector<16xf32>,
      tpu.vector_store_idx %arg17[%add3A_552], %mul3A_566 {add = true} : memref<6160xf32, #tpu.memory_space<vmem>>[vector<16xi32>], vector<16xf32>,
      %scan3A_567 = arith.constant 0 : i32
      scf.yield %scan3A_567 : i32
    }
    %scan3A_468 = arith.constant 125 : i32
    %scan3A_469 = arith.constant 0 : i32
    %scan3A_470 = arith.constant 0 : i32
    %scan3A_471 = arith.constant 24 : i32
    %scan3A_472 = arith.addi %scan3A_470, %scan3A_471 : i32
    %scan3A_473 = arith.constant 1 : i32
    %scan3A_474 = scf.for %scan3A_483 = %scan3A_470 to %scan3A_472 step %scan3A_473 iter_args(%scan3A_484 = %scan3A_469) -> (i32)  : i32 {
      %mul3A_485 = arith.constant 16 : i32
      %mul3A_486 = arith.muli %scan3A_483, %mul3A_485 : i32
      %add3A_487 = arith.constant 0 : i32
      %add3A_488 = arith.addi %add3A_487, %mul3A_486 : i32
      %add3A_489 = vector.broadcast %add3A_488 : i32 to vector<16xi32>
      %add3A_490 = arith.addi %add3A_489, %iota3A : vector<16xi32>
      %gather3A = tpu.vector_load_idx %arg15[%add3A_490] : memref<6160xf32, #tpu.memory_space<vmem>>[vector<16xi32>], vector<16xf32>,
      %add3A_491 = arith.addf %broadcast_in_dim3A_4, %gather3A : vector<16xf32>
      %gather3A_492 = tpu.vector_load_idx %arg16[%add3A_490] : memref<6160xf32, #tpu.memory_space<vmem>>[vector<16xi32>], vector<16xf32>,
      %add3A_493 = arith.addf %broadcast_in_dim3A_4, %gather3A_492 : vector<16xf32>
      %gather3A_494 = tpu.vector_load_idx %arg17[%add3A_490] : memref<6160xf32, #tpu.memory_space<vmem>>[vector<16xi32>], vector<16xf32>,
      %add3A_495 = arith.addf %broadcast_in_dim3A_4, %gather3A_494 : vector<16xf32>
      %add3A_496 = arith.constant 385 : i32
      %add3A_497 = arith.addi %add3A_496, %mul3A_486 : i32
      %add3A_498 = vector.broadcast %add3A_497 : i32 to vector<16xi32>
      %add3A_499 = arith.addi %add3A_498, %iota3A : vector<16xi32>
      %gather3A_500 = tpu.vector_load_idx %arg15[%add3A_499] : memref<6160xf32, #tpu.memory_space<vmem>>[vector<16xi32>], vector<16xf32>,
      %add3A_501 = arith.addf %add3A_491, %gather3A_500 : vector<16xf32>
      %gather3A_502 = tpu.vector_load_idx %arg16[%add3A_499] : memref<6160xf32, #tpu.memory_space<vmem>>[vector<16xi32>], vector<16xf32>,
      %add3A_503 = arith.addf %add3A_493, %gather3A_502 : vector<16xf32>
      %gather3A_504 = tpu.vector_load_idx %arg17[%add3A_499] : memref<6160xf32, #tpu.memory_space<vmem>>[vector<16xi32>], vector<16xf32>,
      %add3A_505 = arith.addf %add3A_495, %gather3A_504 : vector<16xf32>
      %add3A_506 = arith.constant 770 : i32
      %add3A_507 = arith.addi %add3A_506, %mul3A_486 : i32
      %add3A_508 = vector.broadcast %add3A_507 : i32 to vector<16xi32>
      %add3A_509 = arith.addi %add3A_508, %iota3A : vector<16xi32>
      %gather3A_510 = tpu.vector_load_idx %arg15[%add3A_509] : memref<6160xf32, #tpu.memory_space<vmem>>[vector<16xi32>], vector<16xf32>,
      %add3A_511 = arith.addf %add3A_501, %gather3A_510 : vector<16xf32>
      %gather3A_512 = tpu.vector_load_idx %arg16[%add3A_509] : memref<6160xf32, #tpu.memory_space<vmem>>[vector<16xi32>], vector<16xf32>,
      %add3A_513 = arith.addf %add3A_503, %gather3A_512 : vector<16xf32>
      %gather3A_514 = tpu.vector_load_idx %arg17[%add3A_509] : memref<6160xf32, #tpu.memory_space<vmem>>[vector<16xi32>], vector<16xf32>,
      %add3A_515 = arith.addf %add3A_505, %gather3A_514 : vector<16xf32>
      %add3A_516 = arith.constant 1155 : i32
      %add3A_517 = arith.addi %add3A_516, %mul3A_486 : i32
      %add3A_518 = vector.broadcast %add3A_517 : i32 to vector<16xi32>
      %add3A_519 = arith.addi %add3A_518, %iota3A : vector<16xi32>
      %gather3A_520 = tpu.vector_load_idx %arg15[%add3A_519] : memref<6160xf32, #tpu.memory_space<vmem>>[vector<16xi32>], vector<16xf32>,
      %add3A_521 = arith.addf %add3A_511, %gather3A_520 : vector<16xf32>
      %gather3A_522 = tpu.vector_load_idx %arg16[%add3A_519] : memref<6160xf32, #tpu.memory_space<vmem>>[vector<16xi32>], vector<16xf32>,
      %add3A_523 = arith.addf %add3A_513, %gather3A_522 : vector<16xf32>
      %gather3A_524 = tpu.vector_load_idx %arg17[%add3A_519] : memref<6160xf32, #tpu.memory_space<vmem>>[vector<16xi32>], vector<16xf32>,
      %add3A_525 = arith.addf %add3A_515, %gather3A_524 : vector<16xf32>
      %add3A_526 = arith.constant 1540 : i32
      %add3A_527 = arith.addi %add3A_526, %mul3A_486 : i32
      %add3A_528 = vector.broadcast %add3A_527 : i32 to vector<16xi32>
      %add3A_529 = arith.addi %add3A_528, %iota3A : vector<16xi32>
      %gather3A_530 = tpu.vector_load_idx %arg15[%add3A_529] : memref<6160xf32, #tpu.memory_space<vmem>>[vector<16xi32>], vector<16xf32>,
      %add3A_531 = arith.addf %add3A_521, %gather3A_530 : vector<16xf32>
      %gather3A_532 = tpu.vector_load_idx %arg16[%add3A_529] : memref<6160xf32, #tpu.memory_space<vmem>>[vector<16xi32>], vector<16xf32>,
      %add3A_533 = arith.addf %add3A_523, %gather3A_532 : vector<16xf32>
      %gather3A_534 = tpu.vector_load_idx %arg17[%add3A_529] : memref<6160xf32, #tpu.memory_space<vmem>>[vector<16xi32>], vector<16xf32>,
      %add3A_535 = arith.addf %add3A_525, %gather3A_534 : vector<16xf32>
      %add3A_536 = arith.constant 1925 : i32
      %add3A_537 = arith.addi %add3A_536, %mul3A_486 : i32
      %add3A_538 = vector.broadcast %add3A_537 : i32 to vector<16xi32>
      %add3A_539 = arith.addi %add3A_538, %iota3A : vector<16xi32>
      %gather3A_540 = tpu.vector_load_idx %arg15[%add3A_539] : memref<6160xf32, #tpu.memory_space<vmem>>[vector<16xi32>], vector<16xf32>,
      %add3A_541 = arith.addf %add3A_531, %gather3A_540 : vector<16xf32>
      %gather3A_542 = tpu.vector_load_idx %arg16[%add3A_539] : memref<6160xf32, #tpu.memory_space<vmem>>[vector<16xi32>], vector<16xf32>,
      %add3A_543 = arith.addf %add3A_533, %gather3A_542 : vector<16xf32>
      %gather3A_544 = tpu.vector_load_idx %arg17[%add3A_539] : memref<6160xf32, #tpu.memory_space<vmem>>[vector<16xi32>], vector<16xf32>,
      %add3A_545 = arith.addf %add3A_535, %gather3A_544 : vector<16xf32>
      %add3A_546 = arith.constant 2310 : i32
      %add3A_547 = arith.addi %add3A_546, %mul3A_486 : i32
      %add3A_548 = vector.broadcast %add3A_547 : i32 to vector<16xi32>
      %add3A_549 = arith.addi %add3A_548, %iota3A : vector<16xi32>
      %gather3A_550 = tpu.vector_load_idx %arg15[%add3A_549] : memref<6160xf32, #tpu.memory_space<vmem>>[vector<16xi32>], vector<16xf32>,
      %add3A_551 = arith.addf %add3A_541, %gather3A_550 : vector<16xf32>
      %gather3A_552 = tpu.vector_load_idx %arg16[%add3A_549] : memref<6160xf32, #tpu.memory_space<vmem>>[vector<16xi32>], vector<16xf32>,
      %add3A_553 = arith.addf %add3A_543, %gather3A_552 : vector<16xf32>
      %gather3A_554 = tpu.vector_load_idx %arg17[%add3A_549] : memref<6160xf32, #tpu.memory_space<vmem>>[vector<16xi32>], vector<16xf32>,
      %add3A_555 = arith.addf %add3A_545, %gather3A_554 : vector<16xf32>
      %add3A_556 = arith.constant 2695 : i32
      %add3A_557 = arith.addi %add3A_556, %mul3A_486 : i32
      %add3A_558 = vector.broadcast %add3A_557 : i32 to vector<16xi32>
      %add3A_559 = arith.addi %add3A_558, %iota3A : vector<16xi32>
      %gather3A_560 = tpu.vector_load_idx %arg15[%add3A_559] : memref<6160xf32, #tpu.memory_space<vmem>>[vector<16xi32>], vector<16xf32>,
      %add3A_561 = arith.addf %add3A_551, %gather3A_560 : vector<16xf32>
      %gather3A_562 = tpu.vector_load_idx %arg16[%add3A_559] : memref<6160xf32, #tpu.memory_space<vmem>>[vector<16xi32>], vector<16xf32>,
      %add3A_563 = arith.addf %add3A_553, %gather3A_562 : vector<16xf32>
      %gather3A_564 = tpu.vector_load_idx %arg17[%add3A_559] : memref<6160xf32, #tpu.memory_space<vmem>>[vector<16xi32>], vector<16xf32>,
      %add3A_565 = arith.addf %add3A_555, %gather3A_564 : vector<16xf32>
      %add3A_566 = arith.constant 3080 : i32
      %add3A_567 = arith.addi %add3A_566, %mul3A_486 : i32
      %add3A_568 = vector.broadcast %add3A_567 : i32 to vector<16xi32>
      %add3A_569 = arith.addi %add3A_568, %iota3A : vector<16xi32>
      %gather3A_570 = tpu.vector_load_idx %arg15[%add3A_569] : memref<6160xf32, #tpu.memory_space<vmem>>[vector<16xi32>], vector<16xf32>,
      %add3A_571 = arith.addf %add3A_561, %gather3A_570 : vector<16xf32>
      %gather3A_572 = tpu.vector_load_idx %arg16[%add3A_569] : memref<6160xf32, #tpu.memory_space<vmem>>[vector<16xi32>], vector<16xf32>,
      %add3A_573 = arith.addf %add3A_563, %gather3A_572 : vector<16xf32>
      %gather3A_574 = tpu.vector_load_idx %arg17[%add3A_569] : memref<6160xf32, #tpu.memory_space<vmem>>[vector<16xi32>], vector<16xf32>,
      %add3A_575 = arith.addf %add3A_565, %gather3A_574 : vector<16xf32>
      %add3A_576 = arith.constant 3465 : i32
      %add3A_577 = arith.addi %add3A_576, %mul3A_486 : i32
      %add3A_578 = vector.broadcast %add3A_577 : i32 to vector<16xi32>
      %add3A_579 = arith.addi %add3A_578, %iota3A : vector<16xi32>
      %gather3A_580 = tpu.vector_load_idx %arg15[%add3A_579] : memref<6160xf32, #tpu.memory_space<vmem>>[vector<16xi32>], vector<16xf32>,
      %add3A_581 = arith.addf %add3A_571, %gather3A_580 : vector<16xf32>
      %gather3A_582 = tpu.vector_load_idx %arg16[%add3A_579] : memref<6160xf32, #tpu.memory_space<vmem>>[vector<16xi32>], vector<16xf32>,
      %add3A_583 = arith.addf %add3A_573, %gather3A_582 : vector<16xf32>
      %gather3A_584 = tpu.vector_load_idx %arg17[%add3A_579] : memref<6160xf32, #tpu.memory_space<vmem>>[vector<16xi32>], vector<16xf32>,
      %add3A_585 = arith.addf %add3A_575, %gather3A_584 : vector<16xf32>
      %add3A_586 = arith.constant 3850 : i32
      %add3A_587 = arith.addi %add3A_586, %mul3A_486 : i32
      %add3A_588 = vector.broadcast %add3A_587 : i32 to vector<16xi32>
      %add3A_589 = arith.addi %add3A_588, %iota3A : vector<16xi32>
      %gather3A_590 = tpu.vector_load_idx %arg15[%add3A_589] : memref<6160xf32, #tpu.memory_space<vmem>>[vector<16xi32>], vector<16xf32>,
      %add3A_591 = arith.addf %add3A_581, %gather3A_590 : vector<16xf32>
      %gather3A_592 = tpu.vector_load_idx %arg16[%add3A_589] : memref<6160xf32, #tpu.memory_space<vmem>>[vector<16xi32>], vector<16xf32>,
      %add3A_593 = arith.addf %add3A_583, %gather3A_592 : vector<16xf32>
      %gather3A_594 = tpu.vector_load_idx %arg17[%add3A_589] : memref<6160xf32, #tpu.memory_space<vmem>>[vector<16xi32>], vector<16xf32>,
      %add3A_595 = arith.addf %add3A_585, %gather3A_594 : vector<16xf32>
      %add3A_596 = arith.constant 4235 : i32
      %add3A_597 = arith.addi %add3A_596, %mul3A_486 : i32
      %add3A_598 = vector.broadcast %add3A_597 : i32 to vector<16xi32>
      %add3A_599 = arith.addi %add3A_598, %iota3A : vector<16xi32>
      %gather3A_600 = tpu.vector_load_idx %arg15[%add3A_599] : memref<6160xf32, #tpu.memory_space<vmem>>[vector<16xi32>], vector<16xf32>,
      %add3A_601 = arith.addf %add3A_591, %gather3A_600 : vector<16xf32>
      %gather3A_602 = tpu.vector_load_idx %arg16[%add3A_599] : memref<6160xf32, #tpu.memory_space<vmem>>[vector<16xi32>], vector<16xf32>,
      %add3A_603 = arith.addf %add3A_593, %gather3A_602 : vector<16xf32>
      %gather3A_604 = tpu.vector_load_idx %arg17[%add3A_599] : memref<6160xf32, #tpu.memory_space<vmem>>[vector<16xi32>], vector<16xf32>,
      %add3A_605 = arith.addf %add3A_595, %gather3A_604 : vector<16xf32>
      %add3A_606 = arith.constant 4620 : i32
      %add3A_607 = arith.addi %add3A_606, %mul3A_486 : i32
      %add3A_608 = vector.broadcast %add3A_607 : i32 to vector<16xi32>
      %add3A_609 = arith.addi %add3A_608, %iota3A : vector<16xi32>
      %gather3A_610 = tpu.vector_load_idx %arg15[%add3A_609] : memref<6160xf32, #tpu.memory_space<vmem>>[vector<16xi32>], vector<16xf32>,
      %add3A_611 = arith.addf %add3A_601, %gather3A_610 : vector<16xf32>
      %gather3A_612 = tpu.vector_load_idx %arg16[%add3A_609] : memref<6160xf32, #tpu.memory_space<vmem>>[vector<16xi32>], vector<16xf32>,
      %add3A_613 = arith.addf %add3A_603, %gather3A_612 : vector<16xf32>
      %gather3A_614 = tpu.vector_load_idx %arg17[%add3A_609] : memref<6160xf32, #tpu.memory_space<vmem>>[vector<16xi32>], vector<16xf32>,
      %add3A_615 = arith.addf %add3A_605, %gather3A_614 : vector<16xf32>
      %add3A_616 = arith.constant 5005 : i32
      %add3A_617 = arith.addi %add3A_616, %mul3A_486 : i32
      %add3A_618 = vector.broadcast %add3A_617 : i32 to vector<16xi32>
      %add3A_619 = arith.addi %add3A_618, %iota3A : vector<16xi32>
      %gather3A_620 = tpu.vector_load_idx %arg15[%add3A_619] : memref<6160xf32, #tpu.memory_space<vmem>>[vector<16xi32>], vector<16xf32>,
      %add3A_621 = arith.addf %add3A_611, %gather3A_620 : vector<16xf32>
      %gather3A_622 = tpu.vector_load_idx %arg16[%add3A_619] : memref<6160xf32, #tpu.memory_space<vmem>>[vector<16xi32>], vector<16xf32>,
      %add3A_623 = arith.addf %add3A_613, %gather3A_622 : vector<16xf32>
      %gather3A_624 = tpu.vector_load_idx %arg17[%add3A_619] : memref<6160xf32, #tpu.memory_space<vmem>>[vector<16xi32>], vector<16xf32>,
      %add3A_625 = arith.addf %add3A_615, %gather3A_624 : vector<16xf32>
      %add3A_626 = arith.constant 5390 : i32
      %add3A_627 = arith.addi %add3A_626, %mul3A_486 : i32
      %add3A_628 = vector.broadcast %add3A_627 : i32 to vector<16xi32>
      %add3A_629 = arith.addi %add3A_628, %iota3A : vector<16xi32>
      %gather3A_630 = tpu.vector_load_idx %arg15[%add3A_629] : memref<6160xf32, #tpu.memory_space<vmem>>[vector<16xi32>], vector<16xf32>,
      %add3A_631 = arith.addf %add3A_621, %gather3A_630 : vector<16xf32>
      %gather3A_632 = tpu.vector_load_idx %arg16[%add3A_629] : memref<6160xf32, #tpu.memory_space<vmem>>[vector<16xi32>], vector<16xf32>,
      %add3A_633 = arith.addf %add3A_623, %gather3A_632 : vector<16xf32>
      %gather3A_634 = tpu.vector_load_idx %arg17[%add3A_629] : memref<6160xf32, #tpu.memory_space<vmem>>[vector<16xi32>], vector<16xf32>,
      %add3A_635 = arith.addf %add3A_625, %gather3A_634 : vector<16xf32>
      %add3A_636 = arith.constant 5775 : i32
      %add3A_637 = arith.addi %add3A_636, %mul3A_486 : i32
      %add3A_638 = vector.broadcast %add3A_637 : i32 to vector<16xi32>
      %add3A_639 = arith.addi %add3A_638, %iota3A : vector<16xi32>
      %gather3A_640 = tpu.vector_load_idx %arg15[%add3A_639] : memref<6160xf32, #tpu.memory_space<vmem>>[vector<16xi32>], vector<16xf32>,
      %add3A_641 = arith.addf %add3A_631, %gather3A_640 : vector<16xf32>
      %gather3A_642 = tpu.vector_load_idx %arg16[%add3A_639] : memref<6160xf32, #tpu.memory_space<vmem>>[vector<16xi32>], vector<16xf32>,
      %add3A_643 = arith.addf %add3A_633, %gather3A_642 : vector<16xf32>
      %gather3A_644 = tpu.vector_load_idx %arg17[%add3A_639] : memref<6160xf32, #tpu.memory_space<vmem>>[vector<16xi32>], vector<16xf32>,
      %add3A_645 = arith.addf %add3A_635, %gather3A_644 : vector<16xf32>
      %swap3A = arith.index_cast %mul3A_486 : i32 to index
      %swap3A_646 = tpu.vector_load %arg18[%swap3A] {strides = array<i32>} : memref<1152xf32, #tpu.memory_space<vmem>>, vector<16xf32>,
      tpu.vector_store %arg18[%swap3A], %add3A_641 {strides = array<i32>} : memref<1152xf32, #tpu.memory_space<vmem>>, vector<16xf32>,
      %add3A_647 = arith.constant 384 : i32
      %add3A_648 = arith.addi %add3A_647, %mul3A_486 : i32
      %swap3A_649 = arith.index_cast %add3A_648 : i32 to index
      %swap3A_650 = tpu.vector_load %arg18[%swap3A_649] {strides = array<i32>} : memref<1152xf32, #tpu.memory_space<vmem>>, vector<16xf32>,
      tpu.vector_store %arg18[%swap3A_649], %add3A_643 {strides = array<i32>} : memref<1152xf32, #tpu.memory_space<vmem>>, vector<16xf32>,
      %add3A_651 = arith.constant 768 : i32
      %add3A_652 = arith.addi %add3A_651, %mul3A_486 : i32
      %swap3A_653 = arith.index_cast %add3A_652 : i32 to index
      %swap3A_654 = tpu.vector_load %arg18[%swap3A_653] {strides = array<i32>} : memref<1152xf32, #tpu.memory_space<vmem>>, vector<16xf32>,
      tpu.vector_store %arg18[%swap3A_653], %add3A_645 {strides = array<i32>} : memref<1152xf32, #tpu.memory_space<vmem>>, vector<16xf32>,
      %scan3A_655 = arith.constant 0 : i32
      scf.yield %scan3A_655 : i32
    }
    %scan3A_475 = arith.constant 24 : i32
    %mul3A_476 = arith.constant 1152 : i32
    %mul3A_477 = arith.muli %arg1, %mul3A_476 : i32
    "tpu.region"() ({
      %run_scoped3A = tpu.sem_alloc : memref<!tpu.dma_semaphore, #tpu.memory_space<semaphore_mem>>
      %dma_start3A_483 = tpu.memref_slice %arg21[%mul3A_477] : memref<18432xf32, #tpu.memory_space<vmem_shared>> -> memref<1152xf32, #tpu.memory_space<vmem_shared>>
      %dma_start3A_484 = tpu.memref_slice %arg21[%mul3A_477] : memref<18432xf32, #tpu.memory_space<vmem_shared>> -> memref<1152xf32, #tpu.memory_space<vmem_shared>>
      tpu.enqueue_dma source(%arg18 : memref<1152xf32, #tpu.memory_space<vmem>>) target(%dma_start3A_484 : memref<1152xf32, #tpu.memory_space<vmem_shared>>) target_semaphore(%run_scoped3A : memref<!tpu.dma_semaphore, #tpu.memory_space<semaphore_mem>>)
      %dma_wait3A_485 = tpu.memref_slice %arg21[%mul3A_477] : memref<18432xf32, #tpu.memory_space<vmem_shared>> -> memref<1152xf32, #tpu.memory_space<vmem_shared>>
      %dma_wait3A_486 = tpu.memref_slice %arg21[%mul3A_477] : memref<18432xf32, #tpu.memory_space<vmem_shared>> -> memref<1152xf32, #tpu.memory_space<vmem_shared>>
      tpu.wait_dma2 semaphore(%run_scoped3A : memref<!tpu.dma_semaphore, #tpu.memory_space<semaphore_mem>>) src(%arg18 : memref<1152xf32, #tpu.memory_space<vmem>>) dst(%dma_wait3A_486 : memref<1152xf32, #tpu.memory_space<vmem_shared>>)
      tpu.yield
    }) : () -> ()
    %barrier3A = arith.constant 0 : index
    tpu.barrier barrier_id(%barrier3A)
    %eq3A_478 = arith.constant 0 : i32
    %eq3A_479 = arith.cmpi eq, %arg1, %eq3A_478 : i32
    %convert_element_type3A_480 = arith.extui %eq3A_479 : i1 to i32
    %cond3A_481 = arith.constant 0 : i32
    %cond3A_482 = arith.cmpi ne, %convert_element_type3A_480, %cond3A_481 : i32
    scf.if %cond3A_482 {
      "tpu.region"() ({
        %run_scoped3A = tpu.sem_alloc : memref<!tpu.dma_semaphore, #tpu.memory_space<semaphore_mem>>
        tpu.enqueue_dma source(%arg21 : memref<18432xf32, #tpu.memory_space<vmem_shared>>) target(%arg19 : memref<18432xf32, #tpu.memory_space<vmem>>) target_semaphore(%run_scoped3A : memref<!tpu.dma_semaphore, #tpu.memory_space<semaphore_mem>>)
        tpu.wait_dma2 semaphore(%run_scoped3A : memref<!tpu.dma_semaphore, #tpu.memory_space<semaphore_mem>>) src(%arg21 : memref<18432xf32, #tpu.memory_space<vmem_shared>>) dst(%arg19 : memref<18432xf32, #tpu.memory_space<vmem>>)
        tpu.yield
      }) : () -> ()
      %scan3A_483 = arith.constant 0 : i32
      %scan3A_484 = arith.constant 0 : i32
      %scan3A_485 = arith.constant 72 : i32
      %scan3A_486 = arith.addi %scan3A_484, %scan3A_485 : i32
      %scan3A_487 = arith.constant 1 : i32
      %scan3A_488 = scf.for %scan3A_492 = %scan3A_484 to %scan3A_486 step %scan3A_487 iter_args(%scan3A_493 = %scan3A_483) -> (i32)  : i32 {
        %mul3A_494 = arith.constant 16 : i32
        %mul3A_495 = arith.muli %scan3A_492, %mul3A_494 : i32
        %add3A_496 = arith.constant 0 : i32
        %add3A_497 = arith.addi %add3A_496, %mul3A_495 : i32
        %get3A = arith.index_cast %add3A_497 : i32 to index
        %get3A_498 = tpu.vector_load %arg19[%get3A] {strides = array<i32>} : memref<18432xf32, #tpu.memory_space<vmem>>, vector<16xf32>,
        %add3A_499 = arith.addf %broadcast_in_dim3A_4, %get3A_498 : vector<16xf32>
        %add3A_500 = arith.constant 1152 : i32
        %add3A_501 = arith.addi %add3A_500, %mul3A_495 : i32
        %get3A_502 = arith.index_cast %add3A_501 : i32 to index
        %get3A_503 = tpu.vector_load %arg19[%get3A_502] {strides = array<i32>} : memref<18432xf32, #tpu.memory_space<vmem>>, vector<16xf32>,
        %add3A_504 = arith.addf %add3A_499, %get3A_503 : vector<16xf32>
        %add3A_505 = arith.constant 2304 : i32
        %add3A_506 = arith.addi %add3A_505, %mul3A_495 : i32
        %get3A_507 = arith.index_cast %add3A_506 : i32 to index
        %get3A_508 = tpu.vector_load %arg19[%get3A_507] {strides = array<i32>} : memref<18432xf32, #tpu.memory_space<vmem>>, vector<16xf32>,
        %add3A_509 = arith.addf %add3A_504, %get3A_508 : vector<16xf32>
        %add3A_510 = arith.constant 3456 : i32
        %add3A_511 = arith.addi %add3A_510, %mul3A_495 : i32
        %get3A_512 = arith.index_cast %add3A_511 : i32 to index
        %get3A_513 = tpu.vector_load %arg19[%get3A_512] {strides = array<i32>} : memref<18432xf32, #tpu.memory_space<vmem>>, vector<16xf32>,
        %add3A_514 = arith.addf %add3A_509, %get3A_513 : vector<16xf32>
        %add3A_515 = arith.constant 4608 : i32
        %add3A_516 = arith.addi %add3A_515, %mul3A_495 : i32
        %get3A_517 = arith.index_cast %add3A_516 : i32 to index
        %get3A_518 = tpu.vector_load %arg19[%get3A_517] {strides = array<i32>} : memref<18432xf32, #tpu.memory_space<vmem>>, vector<16xf32>,
        %add3A_519 = arith.addf %add3A_514, %get3A_518 : vector<16xf32>
        %add3A_520 = arith.constant 5760 : i32
        %add3A_521 = arith.addi %add3A_520, %mul3A_495 : i32
        %get3A_522 = arith.index_cast %add3A_521 : i32 to index
        %get3A_523 = tpu.vector_load %arg19[%get3A_522] {strides = array<i32>} : memref<18432xf32, #tpu.memory_space<vmem>>, vector<16xf32>,
        %add3A_524 = arith.addf %add3A_519, %get3A_523 : vector<16xf32>
        %add3A_525 = arith.constant 6912 : i32
        %add3A_526 = arith.addi %add3A_525, %mul3A_495 : i32
        %get3A_527 = arith.index_cast %add3A_526 : i32 to index
        %get3A_528 = tpu.vector_load %arg19[%get3A_527] {strides = array<i32>} : memref<18432xf32, #tpu.memory_space<vmem>>, vector<16xf32>,
        %add3A_529 = arith.addf %add3A_524, %get3A_528 : vector<16xf32>
        %add3A_530 = arith.constant 8064 : i32
        %add3A_531 = arith.addi %add3A_530, %mul3A_495 : i32
        %get3A_532 = arith.index_cast %add3A_531 : i32 to index
        %get3A_533 = tpu.vector_load %arg19[%get3A_532] {strides = array<i32>} : memref<18432xf32, #tpu.memory_space<vmem>>, vector<16xf32>,
        %add3A_534 = arith.addf %add3A_529, %get3A_533 : vector<16xf32>
        %add3A_535 = arith.constant 9216 : i32
        %add3A_536 = arith.addi %add3A_535, %mul3A_495 : i32
        %get3A_537 = arith.index_cast %add3A_536 : i32 to index
        %get3A_538 = tpu.vector_load %arg19[%get3A_537] {strides = array<i32>} : memref<18432xf32, #tpu.memory_space<vmem>>, vector<16xf32>,
        %add3A_539 = arith.addf %add3A_534, %get3A_538 : vector<16xf32>
        %add3A_540 = arith.constant 10368 : i32
        %add3A_541 = arith.addi %add3A_540, %mul3A_495 : i32
        %get3A_542 = arith.index_cast %add3A_541 : i32 to index
        %get3A_543 = tpu.vector_load %arg19[%get3A_542] {strides = array<i32>} : memref<18432xf32, #tpu.memory_space<vmem>>, vector<16xf32>,
        %add3A_544 = arith.addf %add3A_539, %get3A_543 : vector<16xf32>
        %add3A_545 = arith.constant 11520 : i32
        %add3A_546 = arith.addi %add3A_545, %mul3A_495 : i32
        %get3A_547 = arith.index_cast %add3A_546 : i32 to index
        %get3A_548 = tpu.vector_load %arg19[%get3A_547] {strides = array<i32>} : memref<18432xf32, #tpu.memory_space<vmem>>, vector<16xf32>,
        %add3A_549 = arith.addf %add3A_544, %get3A_548 : vector<16xf32>
        %add3A_550 = arith.constant 12672 : i32
        %add3A_551 = arith.addi %add3A_550, %mul3A_495 : i32
        %get3A_552 = arith.index_cast %add3A_551 : i32 to index
        %get3A_553 = tpu.vector_load %arg19[%get3A_552] {strides = array<i32>} : memref<18432xf32, #tpu.memory_space<vmem>>, vector<16xf32>,
        %add3A_554 = arith.addf %add3A_549, %get3A_553 : vector<16xf32>
        %add3A_555 = arith.constant 13824 : i32
        %add3A_556 = arith.addi %add3A_555, %mul3A_495 : i32
        %get3A_557 = arith.index_cast %add3A_556 : i32 to index
        %get3A_558 = tpu.vector_load %arg19[%get3A_557] {strides = array<i32>} : memref<18432xf32, #tpu.memory_space<vmem>>, vector<16xf32>,
        %add3A_559 = arith.addf %add3A_554, %get3A_558 : vector<16xf32>
        %add3A_560 = arith.constant 14976 : i32
        %add3A_561 = arith.addi %add3A_560, %mul3A_495 : i32
        %get3A_562 = arith.index_cast %add3A_561 : i32 to index
        %get3A_563 = tpu.vector_load %arg19[%get3A_562] {strides = array<i32>} : memref<18432xf32, #tpu.memory_space<vmem>>, vector<16xf32>,
        %add3A_564 = arith.addf %add3A_559, %get3A_563 : vector<16xf32>
        %add3A_565 = arith.constant 16128 : i32
        %add3A_566 = arith.addi %add3A_565, %mul3A_495 : i32
        %get3A_567 = arith.index_cast %add3A_566 : i32 to index
        %get3A_568 = tpu.vector_load %arg19[%get3A_567] {strides = array<i32>} : memref<18432xf32, #tpu.memory_space<vmem>>, vector<16xf32>,
        %add3A_569 = arith.addf %add3A_564, %get3A_568 : vector<16xf32>
        %add3A_570 = arith.constant 17280 : i32
        %add3A_571 = arith.addi %add3A_570, %mul3A_495 : i32
        %get3A_572 = arith.index_cast %add3A_571 : i32 to index
        %get3A_573 = tpu.vector_load %arg19[%get3A_572] {strides = array<i32>} : memref<18432xf32, #tpu.memory_space<vmem>>, vector<16xf32>,
        %add3A_574 = arith.addf %add3A_569, %get3A_573 : vector<16xf32>
        %swap3A = arith.index_cast %mul3A_495 : i32 to index
        %swap3A_575 = tpu.vector_load %arg20[%swap3A] {strides = array<i32>} : memref<1152xf32, #tpu.memory_space<vmem>>, vector<16xf32>,
        tpu.vector_store %arg20[%swap3A], %add3A_574 {strides = array<i32>} : memref<1152xf32, #tpu.memory_space<vmem>>, vector<16xf32>,
        %scan3A_576 = arith.constant 0 : i32
        scf.yield %scan3A_576 : i32
      }
      %scan3A_489 = arith.constant 72 : i32
      %mul3A_490 = arith.constant 1152 : i32
      %mul3A_491 = arith.muli %arg0, %mul3A_490 : i32
      "tpu.region"() ({
        %run_scoped3A = tpu.sem_alloc : memref<!tpu.dma_semaphore, #tpu.memory_space<semaphore_mem>>
        %dma_start3A_492 = tpu.memref_slice %arg8[%mul3A_491] : memref<2304xf32, #tpu.memory_space<hbm>> -> memref<1152xf32, #tpu.memory_space<hbm>>
        %dma_start3A_493 = tpu.memref_slice %arg8[%mul3A_491] : memref<2304xf32, #tpu.memory_space<hbm>> -> memref<1152xf32, #tpu.memory_space<hbm>>
        tpu.enqueue_dma source(%arg20 : memref<1152xf32, #tpu.memory_space<vmem>>) target(%dma_start3A_493 : memref<1152xf32, #tpu.memory_space<hbm>>) target_semaphore(%run_scoped3A : memref<!tpu.dma_semaphore, #tpu.memory_space<semaphore_mem>>)
        %dma_wait3A_494 = tpu.memref_slice %arg8[%mul3A_491] : memref<2304xf32, #tpu.memory_space<hbm>> -> memref<1152xf32, #tpu.memory_space<hbm>>
        %dma_wait3A_495 = tpu.memref_slice %arg8[%mul3A_491] : memref<2304xf32, #tpu.memory_space<hbm>> -> memref<1152xf32, #tpu.memory_space<hbm>>
        tpu.wait_dma2 semaphore(%run_scoped3A : memref<!tpu.dma_semaphore, #tpu.memory_space<semaphore_mem>>) src(%arg20 : memref<1152xf32, #tpu.memory_space<vmem>>) dst(%dma_wait3A_495 : memref<1152xf32, #tpu.memory_space<hbm>>)
        tpu.yield
      }) : () -> ()
    } else {
    }
    return
  }
}

module attributes {stable_mosaic.version = 14 : i64} {
  func.func @_fin_body(%arg0: memref<2x3x384xf32, #tpu.memory_space<vmem>>, %arg1: memref<1x1xf32, #tpu.memory_space<smem>>, %arg2: memref<1x1xf32, #tpu.memory_space<smem>>) attributes {dimension_semantics = [], scalar_prefetch = 0 : i64, scratch_operands = 0 : i64, tpu.core_type = #tpu.core_type<tc>} {
    %get3A = arith.constant 0 : index
    %get3A_0 = arith.constant 0 : index
    %get3A_1 = arith.constant 0 : index
    %get3A_2 = vector.load %arg0[%get3A, %get3A_0, %get3A_1] : memref<2x3x384xf32, #tpu.memory_space<vmem>>, vector<2x3x384xf32>
    %slice3A = vector.extract_strided_slice %get3A_2 {offsets = [0, 0, 0], sizes = [1, 3, 384], strides = [1, 1, 1]} : vector<2x3x384xf32> to vector<1x3x384xf32>
    %squeeze3A = vector.shape_cast %slice3A : vector<1x3x384xf32> to vector<3x384xf32>
    %slice3A_3 = vector.extract_strided_slice %get3A_2 {offsets = [1, 0, 0], sizes = [1, 3, 384], strides = [1, 1, 1]} : vector<2x3x384xf32> to vector<1x3x384xf32>
    %squeeze3A_4 = vector.shape_cast %slice3A_3 : vector<1x3x384xf32> to vector<3x384xf32>
    %add3A = arith.addf %squeeze3A, %squeeze3A_4 : vector<3x384xf32>
    %slice3A_5 = vector.extract_strided_slice %add3A {offsets = [0, 0], sizes = [1, 384], strides = [1, 1]} : vector<3x384xf32> to vector<1x384xf32>
    %slice3A_6 = vector.extract_strided_slice %add3A {offsets = [1, 0], sizes = [1, 384], strides = [1, 1]} : vector<3x384xf32> to vector<1x384xf32>
    %slice3A_7 = vector.extract_strided_slice %add3A {offsets = [2, 0], sizes = [1, 384], strides = [1, 1]} : vector<3x384xf32> to vector<1x384xf32>
    %max3A = arith.constant 1.000000e+00 : f32
    %max3A_8 = vector.broadcast %max3A : f32 to vector<1x384xf32>
    %max3A_9 = arith.maximumf %slice3A_6, %max3A_8 : vector<1x384xf32>
    %div3A = arith.divf %slice3A_5, %max3A_9 : vector<1x384xf32>
    %sqrt3A = math.sqrt %div3A : vector<1x384xf32>
    %reduce_sum3A = vector.shape_cast %sqrt3A : vector<1x384xf32> to vector<1x1x384xf32>
    %reduce_sum3A_10 = arith.constant dense<0.000000e+00> : vector<1xf32>
    %reduce_sum3A_11 = vector.multi_reduction <add>, %reduce_sum3A, %reduce_sum3A_10 [1, 2] : vector<1x1x384xf32> to vector<1xf32>
    %reduce_sum3A_12 = vector.shape_cast %reduce_sum3A_11 : vector<1xf32> to vector<1x1x1xf32>
    %reduce_sum3A_13 = vector.extract %reduce_sum3A_12[0, 0, 0] : f32 from vector<1x1x1xf32>
    %mul3A = arith.constant 3.906250e-03 : f32
    %mul3A_14 = arith.mulf %reduce_sum3A_13, %mul3A : f32
    %swap3A = arith.constant 0 : index
    %swap3A_15 = arith.constant 0 : index
    %swap3A_16 = memref.load %arg1[%swap3A, %swap3A_15] : memref<1x1xf32, #tpu.memory_space<smem>>
    memref.store %mul3A_14, %arg1[%swap3A, %swap3A_15] : memref<1x1xf32, #tpu.memory_space<smem>>
    %sqrt3A_17 = math.sqrt %slice3A_7 : vector<1x384xf32>
    %reduce_sum3A_18 = vector.shape_cast %sqrt3A_17 : vector<1x384xf32> to vector<1x1x384xf32>
    %reduce_sum3A_19 = arith.constant dense<0.000000e+00> : vector<1xf32>
    %reduce_sum3A_20 = vector.multi_reduction <add>, %reduce_sum3A_18, %reduce_sum3A_19 [1, 2] : vector<1x1x384xf32> to vector<1xf32>
    %reduce_sum3A_21 = vector.shape_cast %reduce_sum3A_20 : vector<1xf32> to vector<1x1x1xf32>
    %reduce_sum3A_22 = vector.extract %reduce_sum3A_21[0, 0, 0] : f32 from vector<1x1x1xf32>
    %mul3A_23 = arith.constant 3.906250e-03 : f32
    %mul3A_24 = arith.mulf %reduce_sum3A_22, %mul3A_23 : f32
    %swap3A_25 = arith.constant 0 : index
    %swap3A_26 = arith.constant 0 : index
    %swap3A_27 = memref.load %arg2[%swap3A_25, %swap3A_26] : memref<1x1xf32, #tpu.memory_space<smem>>
    memref.store %mul3A_24, %arg2[%swap3A_25, %swap3A_26] : memref<1x1xf32, #tpu.memory_space<smem>>
    return
  }
}

</mosaic_0001>

<sc_bundles>
// kernel: kernel.4.cloned.1.call-start
scs
__scs_entry_jumppad:
0x0: {  	(pc) =	sbr.rel $0x88, $3  }
0x1: {  	(tag) =	ssettag $0x0;
	lr =	simm.s32 $0x1  }
0x2: {  	[smem:$0x3F9B] =	sst lr;
	_ =	strace $0xD0000000  }
0x3: {  	_ = 	snop  }
0x4: {  	_ = 	snop  }
0x5: {  	_ = 	snop  }
0x6: {  	_ = 	snop  }
0x7: {  	_ = 	snop  }
__scs_overlays_trampoline_lowered:
0x8: {  	[smem:$0x3FAA] =	sst s0  }
0x9: {  	[smem:$0x3FAB] =	sst s1  }
0xa: {  	[smem:$0x3FAC] =	sst s2  }
0xb: {  	[smem:$0x3FAD] =	sst s3  }
0xc: {  	[smem:$0x3FAE] =	sst s4  }
0xd: {  	[smem:$0x3FAF] =	sst s5  }
0xe: {  	[smem:$0x3FB0] =	sst s6  }
0xf: {  	[smem:$0x3FB1] =	sst s7  }
0x10: {  	[smem:$0x3FB2] =	sst s8  }
0x11: {  	[smem:$0x3FB3] =	sst s9;
	s0 =	simm.s32 @!p0 $0x0  }
0x12: {  	s1 =	sld [smem:$0x3F99];
	s0 =	simm.s32 @p0 $0x1  }
0x13: {  	[smem:$0x3FB4] =	sst s0;
	s0 =	simm.s32 @!p1 $0x0  }
0x14: {  	s2 =	sld [smem:$0x3F98];
	s0 =	simm.s32 @p1 $0x1  }
0x15: {  	[smem:$0x3FB5] =	sst s0;
	s0 =	simm.s32 @!p2 $0x0  }
0x16: {  	s3 =	sld [smem:$0x3FDB];
	s0 =	simm.s32 @p2 $0x1  }
0x17: {  	s4 =	simm.s32 $0x1BF5;
	[smem:$0x3FB7] =	sst s0  }
0x18: {  	s0 =	sld [smem:$0x3F9A];
	_ =	swait.ge [sflag:s4], $0x0  }
0x19: {  	s7 =	sld [smem:$0x3F9B]  }
0x1a: {  	s8 =	sadd.s32 $0xFFFFE003, lr  }
0x1b: {  	s9 =	sadd.s32 $0xFFFFFEF7, lr;
	s5 =	simm.s32 $0xFFFFFFFF;
	p2 =	slt.u32 s8, $0xFFFFF086  }
0x1c: {  	p1 =	slt.u32 s9, $0xF7A;
	s5 =	simm.s32 @!p2 $0x0  }
0x1d: {  	s5 =	simm.s32 @p1 $0x1;
	p0 =	seq.s32 s7, s2  }
0x1e: {  	s7 =	smul.u32 @!p0 $0xF7A, s2;
	p2 =	seq.s32 @!p0 s5, $0x0  }
0x1f: {  	s9 =	smul.u32 $0xF7A, s1;
	s8 =	simm.s32 @!p0 $0x1BF5;
	p2 =	por !p2, p0  }
0x20: {  	[sflag:s8] =	ssyncset.s32 @!p0 $0xFFFFF086;
	s6 =	sadd.s32 @!p0 s3, s7;
	s7 =	simm.s32 @!p0 $0x108  }
0x21: {  	s3 =	sadd.s32 s3, s9;
	s6 =	sadd.s32 @!p0 $0x88, s6;
	s7 =	simm.s32 @p2 $0x1082  }
0x22: {  	[simem:s7], [sflag:s8] =	dma.local @!p0 [hbm:s6], $0xF7A  }
0x23: {  	s9 =	sor.u32 $0xD0000000, s2;
	s6 =	simm.s32 $0x108;
	_ =	swait.ge @!p0 [sflag:s8], $0x0  }
0x24: {  	s3 =	sadd.s32 $0x88, s3;
	s6 =	simm.s32 @!p1 $0x1082;
	[sflag:s4] =	ssyncset.s32 $0xFFFFF086  }
0x25: {  	[simem:s6], [sflag:s4] =	dma.local [hbm:s3], $0xF7A  }
0x26: {  	[smem:$0x3F9B] =	sst s1;
	(tag) =	ssettag s2;
	_ =	strace s9  }
0x27: {  	s1 =	sld [smem:$0x3FAB]  }
0x28: {  	s2 =	sld [smem:$0x3FAC]  }
0x29: {  	s4 =	sld [smem:$0x3FAE]  }
0x2a: {  	p0 =	seq.s32 s5, $0x0;
	s5 =	sld [smem:$0x3FAF]  }
0x2b: {  	s6 =	sld [smem:$0x3FB0]  }
0x2c: {  	s7 =	sld [smem:$0x3FB1]  }
0x2d: {  	s3 =	simm.s32 $0x108;
	s8 =	sld [smem:$0x3FB2]  }
0x2e: {  	s3 =	simm.s32 @!p0 $0x1082;
	s9 =	sld [smem:$0x3FB3]  }
0x2f: {  	lr =	sadd.s32 s0, s3;
	s0 =	sld [smem:$0x3FAA]  }
0x30: {  	s3 =	sld [smem:$0x3FAD]  }
0x31: {  	[smem:$0x3FB6] =	sst s10  }
0x32: {  	s10 =	sld [smem:$0x3FB4];
	_ =	sdelay $0x3  }
0x33: {  	p0 =	seq.s32 s10, $0x1;
	s10 =	sld [smem:$0x3FB6];
	_ =	sdelay $0x3  }
0x34: {  	[smem:$0x3FB6] =	sst s10  }
0x35: {  	s10 =	sld [smem:$0x3FB5];
	_ =	sdelay $0x3  }
0x36: {  	p1 =	seq.s32 s10, $0x1;
	s10 =	sld [smem:$0x3FB6];
	_ =	sdelay $0x3  }
0x37: {  	[smem:$0x3FB6] =	sst s10  }
0x38: {  	s10 =	sld [smem:$0x3FB7]  }
0x39: {  	_ = 	snop;
	(pc) =	sbr.ind lr, $3  }
0x3a: {  	_ = 	snop  }
0x3b: {  	_ = 	snop  }
0x3c: {  	p2 =	seq.s32 s10, $0x1;
	s10 =	sld [smem:$0x3FB6]  }
0x3d: {  	_ =	shalt  }
0x3e: {  	_ =	shalt  }
0x3f: {  	_ =	shalt  }
0x40: {  	_ =	shalt  }
0x41: {  	_ =	shalt  }
0x42: {  	_ =	shalt  }
0x43: {  	_ =	shalt  }
0x44: {  	_ =	shalt  }
0x45: {  	_ =	shalt  }
0x46: {  	_ =	shalt  }
0x47: {  	_ =	shalt  }
0x48: {  	_ =	shalt  }
0x49: {  	_ =	shalt  }
0x4a: {  	_ =	shalt  }
0x4b: {  	_ =	shalt  }
0x4c: {  	_ =	shalt  }
0x4d: {  	_ =	shalt  }
0x4e: {  	_ =	shalt  }
0x4f: {  	_ =	shalt  }
0x50: {  	_ =	shalt  }
0x51: {  	_ =	shalt  }
0x52: {  	_ =	shalt  }
0x53: {  	_ =	shalt  }
0x54: {  	_ =	shalt  }
0x55: {  	_ =	shalt  }
0x56: {  	_ =	shalt  }
0x57: {  	_ =	shalt  }
0x58: {  	_ =	shalt  }
0x59: {  	_ =	shalt  }
0x5a: {  	_ =	shalt  }
0x5b: {  	_ =	shalt  }
0x5c: {  	_ =	shalt  }
0x5d: {  	_ =	shalt  }
0x5e: {  	_ =	shalt  }
0x5f: {  	_ =	shalt  }
0x60: {  	_ =	shalt  }
0x61: {  	_ =	shalt  }
0x62: {  	_ =	shalt  }
0x63: {  	_ =	shalt  }
0x64: {  	_ =	shalt  }
0x65: {  	_ =	shalt  }
0x66: {  	_ =	shalt  }
0x67: {  	_ =	shalt  }
0x68: {  	_ =	shalt  }
0x69: {  	_ =	shalt  }
0x6a: {  	_ =	shalt  }
0x6b: {  	_ =	shalt  }
0x6c: {  	_ =	shalt  }
0x6d: {  	_ =	shalt  }
0x6e: {  	_ =	shalt  }
0x6f: {  	_ =	shalt  }
0x70: {  	_ =	shalt  }
0x71: {  	_ =	shalt  }
0x72: {  	_ =	shalt  }
0x73: {  	_ =	shalt  }
0x74: {  	_ =	shalt  }
0x75: {  	_ =	shalt  }
0x76: {  	_ =	shalt  }
0x77: {  	_ =	shalt  }
0x78: {  	_ =	shalt  }
0x79: {  	_ =	shalt  }
0x7a: {  	_ =	shalt  }
0x7b: {  	_ =	shalt  }
0x7c: {  	_ =	shalt  }
0x7d: {  	_ =	shalt  }
0x7e: {  	_ =	shalt  }
0x7f: {  	_ =	shalt  }
0x80: {  	_ =	shalt  }
0x81: {  	_ =	shalt  }
0x82: {  	_ =	shalt  }
0x83: {  	_ =	shalt  }
0x84: {  	_ =	shalt  }
0x85: {  	_ =	shalt  }
0x86: {  	_ =	shalt  }
0x87: {  	_ =	shalt  }
.Lfunc_end0:
.L_simem_size_0:
called_computation_lowered:
.L_overlay_start_0:
0x88: {  	s2 =	sld [smem:$0x3FD9]  }
0x89: {  	s3 =	sld [smem:$0x3FFE];
	_ =	sdelay $0x1  }
0x8a: {  	s1 =	srdreg.scid  }
0x8b: {  	s0 =	sand.u32 $0x1, s1  }
0x8c: {  	s17 =	sshll.u32 s0, $0xA;
	s2 =	sadd.s32 s3, s2  }
0x8d: {  	s2 =	sadd.s32 s2, s17  }
0x8e: {  	[smem:$0x3FC2] =	sst s2  }
0x8f: {  	_ = 	snop  }
0x90: {  	s2 =	sld [smem:$0x3FC8]  }
0x91: {  	s18 =	sld [smem:$0x3FC6]  }
0x92: {  	s4 =	sld [smem:$0x3FC5]  }
0x93: {  	s5 =	sld [smem:$0x3FC4];
	(tm) =	ssettm $0x1  }
0x94: {  	s6 =	sld [smem:$0x3FFB];
	_ =	sdelay $0x3  }
0x95: {  	_ =	strace s6  }
0x96: {  	s6 =	sld [smem:$0x3FFC];
	_ =	sdelay $0x3  }
0x97: {  	_ =	strace s6  }
0x98: {  	s6 =	sld [smem:$0x3FFD];
	_ =	sdelay $0x3  }
0x99: {  	_ =	strace s6  }
0x9a: {  	_ =	strace $0x8FFFFFFF  }
0x9b: {  	s19 =	sld [smem:$0x3FDB];
	_ =	sdelay $0x1  }
0x9c: {  	s7 =	simm.s32 $_scs_section_size  }
0x9d: {  	s8 =	simm.s32 $_size__tile_overlayer_lowered;
	s9 =	simm.s32 $_tile_overlayer_lowered  }
0x9e: {  	s22 =	simm.s32 $0x1BFF;
	s21 =	sshll.u32 s9, $0x1;
	s6 =	sadd.s32 s7, s19  }
0x9f: {  	s10 =	simm.s32 $0x0;
	s20 =	sshll.u32 s8, $0x1;
	s8 =	sadd.s32 s21, s6  }
0xa0: {  	[timem:s10], [sflag:s22] =	dma.local [hbm:s8], s20  }
0xa1: {  	_ =	swait.ge [sflag:s22], s20  }
0xa2: {  	s7 =	ssub.s32 $0x0, s20;
	[sflag:s22] =	ssyncset.done $0x0  }
0xa3: {  	[sflag:s22] =	ssyncadd.s32 s7;
	_ =	sdelay $0x1  }
0xa4: {  	s23 =	simm.s32 $0x1B8B  }
0xa5: {  	_ =	swait.ge [sflag:s23], $0x1  }
0xa6: {  	[sflag:s23] =	ssyncset.done $0x0  }
0xa7: {  	s25 =	simm.s32 $0x1B8E;
	s24 =	sld [smem:$0x3FFE];
	[sflag:s23] =	ssyncadd.s32 $0xFFFFFFFF  }
0xa8: {  	s26 =	simm.s32 $execute0_lowered;
	[smem:$0x3FD2] =	sst s25  }
0xa9: {  	s8 =	sshll.u32 s26, $0x1;
	_ =	strace $0x80000046;
	[dreg:$0x1] =	wrdreg $0xFFFFFFFF  }
0xaa: {  	s28 =	simm.s32 $_size_execute0_lowered;
	s6 =	sadd.s32 s6, s8;
	[dreg:$0x0] =	wrdreg $0x0  }
0xab: {  	s8 =	sshll.u32 s28, $0x1;
	[dreg:$0x2] =	wrdreg s6  }
0xac: {  	[dreg:$0x3] =	wrdreg s8  }
0xad: {  	[dreg:$0x4] =	wrdreg $0xC0  }
0xae: {  	_ =	task [dreg:s10], $0x5FFFF  }
0xaf: {  	[dreg:$0x1] =	wrdreg $0xFFFFFFFF  }
0xb0: {  	[dreg:$0x0] =	wrdreg $0x60  }
0xb1: {  	[dreg:$0x2] =	wrdreg s24  }
0xb2: {  	[dreg:$0x3] =	wrdreg s5  }
0xb3: {  	[dreg:$0x4] =	wrdreg s2  }
0xb4: {  	[dreg:$0x5] =	wrdreg s18  }
0xb5: {  	[dreg:$0x6] =	wrdreg s4  }
0xb6: {  	[dreg:$0x7] =	wrdreg $0x1DB100  }
0xb7: {  	[dreg:$0x8] =	wrdreg $0x9  }
0xb8: {  	_ =	task.clear_ibuf [dreg:s10], $0x9FFFF;
	_ =	strace $0x90000046  }
0xb9: {  	s29 =	simm.s32 $0x9;
	_ =	strace $0x80000048  }
0xba: {  	_ =	swait.ge [sflag:s29], $0x1  }
0xbb: {  	[sflag:s29] =	ssyncadd.s32 $0xFFFFFFFF  }
0xbc: {  	_ =	strace $0x90000048  }
0xbd: {  	_ =	sfence  }
0xbe: {  	s30 =	sld [smem:$0x0];
	_ =	sdelay $0x2  }
0xbf: {  	s31 =	sshll.u32 s1, $0xD;
	s1 =	sshrl.u32 s1, $0x2  }
0xc0: {  	s3 =	sand.u32 $0x4000, s31;
	s1 =	sadd.s32 s1, s30  }
0xc1: {  	s0 =	sor.u32 s3, s0;
	s1 =	sshll.u32 s1, $0x11  }
0xc2: {  	s0 =	sor.u32 s1, s0  }
0xc3: {  	s0 =	sadd.s32 $0x8F2B, s0  }
0xc4: {  	[sflag:s0] =	ssyncadd.remote.s32 $0x1  }
0xc5: {  	_ =	sfence.sel $0xFFFF  }
0xc6: {  	[dreg:$0x0] =	wrdreg $0xFFFFFFFF;
	(pc) =	sbr.abs _section_cstart, $3  }
0xc7: {  	[dreg:$0x1] =	wrdreg $0xFFFFFFFF  }
0xc8: {  	_ =	task.clear_ibuf [dreg:s10], $0x2FFFF;
	_ =	strace $0x9FFFFFFF  }
0xc9: {  	(tm) =	ssettm $0x7FFFFFFF  }
tec
execute0_lowered:
.L_overlay_start_1:
0x0: {  	(tag) =	ssettag $0x1  }
0x1: {  	s0 =	srdreg.scid  }
0x2: {  	s3 =	sand.u32 $0x1, s0  }
0x3: {  	s1 =	stileid.u32;
	s0 =	sshll.u32 s3, $0x4  }
0x4: {  	s4 =	sor.u32 s1, s0  }
0x5: {  	s5 =	rddreg [dreg:$0x2];
	s0 =	smul.u32 $0x186A0, s4  }
0x6: {  	s6 =	rddreg [dreg:$0x3]  }
0x7: {  	s7 =	rddreg [dreg:$0x4];
	s8 =	sshrl.u32 s0, $0x3  }
0x8: {  	p1 =	sne.s32 s1, $0x0;
	s0 =	simm.s32 $0x0;
	s10 =	sadd.s32 $0x4E2, s8  }
0x9: {  	s2 =	ssub.s32 $0x2, s3;
	[smem:$0x7FF] =	sst s0;
	s26 =	sadd.s32 s5, s10  }
0xa: {  	s3 =	smul.u32 $0x90, s3;
	s11 =	sadd.s32 s6, s10;
	[dreg:$0x7] =	wrdreg s26  }
0xb: {  	s13 =	sadd.s32 $0x9C4, s8;
	s12 =	sadd.s32 s7, s10;
	[dreg:$0x8] =	wrdreg s11  }
0xc: {  	s9 =	sshrl.u32 s2, $0x1;
	s14 =	sadd.s32 s5, s13;
	[dreg:$0x9] =	wrdreg s12  }
0xd: {  	s2 =	ssub.s32 s2, s9;
	s15 =	sadd.s32 s6, s13;
	[dreg:$0xa] =	wrdreg s14  }
0xe: {  	s16 =	sadd.s32 $0xEA6, s8;
	s9 =	sadd.s32 s7, s13;
	[dreg:$0xb] =	wrdreg s15  }
0xf: {  	s1 =	smul.u32 $0x1200, s1;
	s17 =	sadd.s32 s5, s16;
	[dreg:$0xc] =	wrdreg s9  }
0x10: {  	s18 =	sadd.s32 $0x1388, s8;
	s10 =	sadd.s32 s7, s16;
	[dreg:$0xd] =	wrdreg s17  }
0x11: {  	p0 =	seq.s32 s4, $0x1F;
	s19 =	sadd.s32 s5, s18;
	[dreg:$0xf] =	wrdreg s10  }
0x12: {  	s21 =	sadd.s32 $0x186A, s8;
	s20 =	sadd.s32 s6, s18;
	[dreg:$0x10] =	wrdreg s19  }
0x13: {  	s1 =	sshrl.u32 s1, $0x2;
	s22 =	sadd.s32 s5, s21;
	[dreg:$0x11] =	wrdreg s20  }
0x14: {  	s24 =	sadd.s32 $0x1D4C, s8;
	s23 =	sadd.s32 s6, s21;
	[dreg:$0x13] =	wrdreg s22  }
0x15: {  	s25 =	sadd.s32 s5, s24;
	s11 =	sadd.s32 s6, s16;
	[dreg:$0x14] =	wrdreg s23  }
0x16: {  	s9 =	sadd.s32 s7, s18;
	[dreg:$0x16] =	wrdreg s25;
	s26 =	sadd.s32 $0x222E, s8  }
0x17: {  	s12 =	sadd.s32 s6, s24;
	s10 =	sadd.s32 s7, s24;
	[dreg:$0xe] =	wrdreg s11  }
0x18: {  	s22 =	sadd.s32 s5, s8;
	s23 =	sadd.s32 s6, s8;
	[dreg:$0x12] =	wrdreg s9  }
0x19: {  	s24 =	sadd.s32 s7, s8;
	s15 =	sadd.s32 $0x2710, s8;
	[dreg:$0x17] =	wrdreg s12  }
0x1a: {  	s8 =	sadd.s32 $0x2BF2, s8;
	[dreg:$0x18] =	wrdreg s10;
	s13 =	sadd.s32 s5, s26  }
0x1b: {  	s25 =	sadd.s32 s5, s15;
	s29 =	sadd.s32 s5, s8;
	s5 =	rddreg [dreg:$0x0]  }
0x1c: {  	s2 =	smax.u32 s2, $0x1;
	s9 =	sadd.s32 s7, s21;
	s10 =	rddreg [dreg:$0x5]  }
0x1d: {  	s16 =	smul.u32 $0xC80, s4;
	s14 =	sadd.s32 s6, s26;
	[dreg:$0x15] =	wrdreg s9  }
0x1e: {  	s28 =	sadd.s32 s7, s15;
	s30 =	sadd.s32 s6, s8;
	[dreg:$0x19] =	wrdreg s13  }
0x1f: {  	[dreg:$0x1a] =	wrdreg s14;
	s9 =	sadd.s32 s7, s26;
	s26 =	sadd.s32 s6, s15  }
0x20: {  	s6 =	rddreg [dreg:$0x1];
	s17 =	sshrl.u32 s16, $0x3;
	s18 =	sadd.s32 $0x800, s5  }
0x21: {  	s20 =	sadd.s32 $0x9C00, s5;
	[dreg:$0x1b] =	wrdreg s9;
	s11 =	sadd.s32 s18, s17  }
0x22: {  	s14 =	sadd.s32 s20, s17;
	_ =	strace $0x80000047;
	[dreg:$0x1e] =	wrdreg s11  }
0x23: {  	s31 =	sadd.s32 s7, s8;
	s4 =	sadd.s32 s6, s17;
	[smem:$0x7F4] =	sst s14  }
0x24: {  	s3 =	sadd.s32 s3, s5;
	s15 =	sadd.s32 $0x3870, s5;
	[smem:$0x7F5] =	sst s4  }
0x25: {  	s16 =	sadd.s32 $0xCC70, s5;
	s19 =	sadd.s32 $0x30D4, s17;
	[smem:$0x7F6] =	sst s15  }
0x26: {  	s12 =	sadd.s32 $0x61A8, s17;
	s17 =	sadd.s32 $0x6944, s5;
	[smem:$0x7F7] =	sst s16  }
0x27: {  	s1 =	sadd.s32 s1, s10;
	s3 =	sadd.s32 $0x13000, s3;
	[smem:$0x7F8] =	sst s17  }
0x28: {  	s10 =	simm.s32 $0xC350;
	s21 =	sadd.s32 s18, s19;
	[smem:$0x7FD] =	sst s3  }
0x29: {  	s9 =	simm.s32 $0x7530;
	s8 =	sadd.s32 s20, s19;
	[dreg:$0x1c] =	wrdreg s21  }
0x2a: {  	s7 =	sadd.s32 s18, s12;
	s13 =	sadd.s32 s20, s12;
	[dreg:$0x1d] =	wrdreg s8  }
0x2b: {  	s18 =	sadd.s32 $0xFD44, s5;
	s19 =	sadd.s32 $0x9A18, s5;
	[dreg:$0x1f] =	wrdreg s7  }
0x2c: {  	s20 =	sadd.s32 $0x12E18, s5;
	s3 =	simm.s32 $0x4E20;
	[smem:$0x7F3] =	sst s13  }
.Ltmp0:
0x2d: {  	s4 =	simm.s32 $0x9C40;
	[smem:$0x7F9] =	sst s18;
	(pc) =	sbr.rel .LBB2_1-.Ltmp0, $4  }
0x2e: {  	s5 =	simm.s32 $0x3;
	s11 =	simm.s32 $0x1;
	[smem:$0x7FA] =	sst s19  }
0x2f: {  	s12 =	simm.s32 $0x17200;
	s14 =	simm.s32 $0x0;
	[smem:$0x7FB] =	sst s20  }
0x30: {  	v0 =	vimm.f32 $0.0e+00;
	v1 =	vlaneseq.u32;
	s21 =	sadd.s32 $0x3070, s6;
	s6 =	simm.s32 $0x141E0;
	s7 =	simm.s32 $0x159F0  }
0x31: {  	v3 =	vimm.f32 $1.000000000e+00;
	v2 =	vmul.u32 $0x181, v1;
	v4 =	vand.u32 $0x7, v1;
	s8 =	simm.s32 $0x2710;
	s13 =	simm.s32 $0x2;
	[smem:$0x7FC] =	sst s21  }
.LBB2_35:
0x32: {  	v12 =	vld [tilespmem:s17+$0x18E90]  }
0x33: {  	v13 =	vld [tilespmem:s15+$0x1B710];
	v5 =	vadd.f32 v5, v11  }
0x34: {  	v49 =	vld [tilespmem:s17+$0x19310]  }
0x35: {  	v14 =	vld [tilespmem:s15+$0x1BB90];
	v8 =	vadd.f32 v8, v10;
	v5 =	vadd.f32 v6, v5  }
0x36: {  	v6 =	vld [tilespmem:s17+$0x19790]  }
0x37: {  	v50 =	vld [tilespmem:s15+$0x1C010];
	v8 =	vadd.f32 v9, v8;
	[tilespmem:s16+$0x1D690] =	vst v5;
	v51 =	vadd.f32 $0.0e+00, v12  }
0x38: {  	v5 =	vld [tilespmem:s17+$0x19C10]  }
0x39: {  	v7 =	vadd.f32 v7, v8;
	v52 =	vadd.f32 v49, v51  }
0x3a: {  	v53 =	vld [tilespmem:s17+$0x1A090]  }
0x3b: {  	v54 =	vld [tilespmem:s15+$0x1C490];
	v7 =	vadd.f32 v13, v7;
	v6 =	vadd.f32 v6, v52  }
0x3c: {  	v55 =	vld [tilespmem:s17+$0x1A510]  }
0x3d: {  	v56 =	vld [tilespmem:s15+$0x1C910];
	v7 =	vadd.f32 v14, v7;
	v5 =	vadd.f32 v5, v6  }
0x3e: {  	v6 =	vld [tilespmem:s17+$0x1A990]  }
0x3f: {  	v57 =	vld [tilespmem:s15+$0x1CD90];
	v7 =	vadd.f32 v50, v7;
	v5 =	vadd.f32 v53, v5  }
0x40: {  	v58 =	vld [tilespmem:s17+$0x1AE10]  }
0x41: {  	v59 =	vld [tilespmem:s15+$0x1D210];
	v7 =	vadd.f32 v54, v7;
	v5 =	vadd.f32 v55, v5  }
0x42: {  	v60 =	vld [tilespmem:s17+$0x1B290]  }
0x43: {  	v7 =	vadd.f32 v56, v7;
	v5 =	vadd.f32 v6, v5  }
0x44: {  	v6 =	vld [tilespmem:s17+$0x1B710]  }
0x45: {  	v7 =	vadd.f32 v57, v7;
	v5 =	vadd.f32 v58, v5  }
0x46: {  	v61 =	vld [tilespmem:s17+$0x1BB90]  }
0x47: {  	v7 =	vadd.f32 v59, v7;
	v5 =	vadd.f32 v60, v5  }
0x48: {  	v62 =	vld [tilespmem:s17+$0x1C010]  }
0x49: {  	[tilespmem:s15+$0x1D690] =	vst v7;
	v5 =	vadd.f32 v6, v5  }
0x4a: {  	v6 =	vld [tilespmem:s17+$0x1C490]  }
0x4b: {  	v5 =	vadd.f32 v61, v5  }
0x4c: {  	v7 =	vld [tilespmem:s17+$0x1C910]  }
0x4d: {  	v5 =	vadd.f32 v62, v5  }
0x4e: {  	v63 =	vld [tilespmem:s17+$0x1CD90]  }
0x4f: {  	v5 =	vadd.f32 v6, v5  }
0x50: {  	v6 =	vld [tilespmem:s17+$0x1D210]  }
0x51: {  	v5 =	vadd.f32 v7, v5;
	_ =	sdelay $0x1  }
0x52: {  	v5 =	vadd.f32 v63, v5;
	_ =	sdelay $0x1  }
0x53: {  	s20 =	sld [smem:$0x7FD];
	v5 =	vadd.f32 v6, v5;
	_ =	sdelay $0x1  }
0x54: {  	s21 =	simm.s32 $0x1D690;
	[tilespmem:s17+$0x1D690] =	vst v5  }
0x55: {  	[hbm4b:s20+s0] =	stream.linear.scatter [tilespmem:s21], [sflag:$0x3], $0x480, $0x38;
	[tilespmem:$0x1DF90] =	vst v63  }
0x56: {  	_ =	swait.ge [sflag:s5], $0x480  }
0x57: {  	[sflag:s5] =	ssyncset.done $0x0  }
0x58: {  	[sflag:s5] =	ssyncadd.s32 $0xFFFFFB80  }
.LBB2_36:
0x59: {  	s14 =	sadd.s32 $0x1, s14  }
0x5a: {  	p2 =	sne.s32 s14, s2  }
.Ltmp1:
0x5b: {  	_ = 	snop;
	(pc) =	sbr.rel @!p2 .LBB2_37-.Ltmp1, $1  }
0x5c: {  	_ =	sdelay $0x3  }
.LBB2_1:
0x5d: {  	[tilespmem:s0], [sflag:$0x1] =	stream.linear.gather [hbm4b:s22+s0], $0x2710, $0x38;
	[tilespmem:$0x1DF90] =	vst v63  }
0x5e: {  	_ = 	snop  }
0x5f: {  	[tilespmem:s3], [sflag:$0x1] =	stream.linear.gather [hbm4b:s23+s0], $0x2710, $0x38;
	[tilespmem:$0x1DF90] =	vst v63  }
0x60: {  	s15 =	simm.s32 $0x40;
	s16 =	simm.s32 $0x0  }
0x61: {  	[tilespmem:s4], [sflag:$0x1] =	stream.linear.gather [hbm4b:s24+s0], $0x2710, $0x38;
	[tilespmem:$0x1DF90] =	vst v63  }
.LBB2_2:
0x62: {  	p2 =	sne.s32 s15, $0x6000;
	[tilespmem:s16+$0x17200] =	vst v0;
	s17 =	smov.u32 s15;
	s15 =	sadd.s32 $0x40, s15  }
.Ltmp2:
0x63: {  	[tilespmem:s16+$0x141E0] =	vst v0;
	(pc) =	sbr.rel @p2 .LBB2_2-.Ltmp2, $2  }
0x64: {  	[tilespmem:s16+$0x159F0] =	vst v0;
	_ =	sdelay $0x2  }
0x65: {  	s16 =	sshra.s32 s17, $0x2  }
.Ltmp3:
0x66: {  	(pc) =	sbr.rel @!p0 .LBB2_4-.Ltmp3, $4  }
0x67: {  	_ = 	snop  }
0x68: {  	[tilespmem:s16+$0x17200] =	vst v0  }
0x69: {  	[tilespmem:s16+$0x141E0] =	vst v0  }
0x6a: {  	[tilespmem:s16+$0x159F0] =	vst v0;
	s15 =	simm.s32 $0x0  }
0x6b: {  	s16 =	sld [smem:$0x7F6];
	_ =	sdelay $0x1  }
0x6c: {  	s17 =	simm.s32 $0xEA60  }
0x6d: {  	[tilespmem:s17], [sflag:$0x3] =	stream.linear.gather [hbm4b:s16+s15], $0x320, $0x38;
	[tilespmem:$0x1DF90] =	vst v63  }
0x6e: {  	_ =	swait.ge [sflag:s5], $0x320  }
0x6f: {  	s18 =	sld [smem:$0x7F7]  }
0x70: {  	[sflag:s5] =	ssyncset.done $0x0  }
0x71: {  	s19 =	simm.s32 $0x10FE0;
	[sflag:s5] =	ssyncadd.s32 $0xFFFFFCE0  }
0x72: {  	[tilespmem:s19], [sflag:$0x3] =	stream.linear.gather [hbm4b:s18+s15], $0x320, $0x38;
	[tilespmem:$0x1DF90] =	vst v63  }
0x73: {  	_ =	swait.ge [sflag:s5], $0x320  }
0x74: {  	s20 =	sld [smem:$0x7F8]  }
0x75: {  	[sflag:s5] =	ssyncset.done $0x0  }
0x76: {  	s21 =	simm.s32 $0xF6E0;
	[sflag:s5] =	ssyncadd.s32 $0xFFFFFCE0  }
0x77: {  	[tilespmem:s21], [sflag:$0x3] =	stream.linear.gather [hbm4b:s20+s15], $0x320, $0x38;
	[tilespmem:$0x1DF90] =	vst v63  }
0x78: {  	_ =	swait.ge [sflag:s5], $0x320  }
0x79: {  	s18 =	sld [smem:$0x7F9]  }
0x7a: {  	[sflag:s5] =	ssyncset.done $0x0  }
0x7b: {  	s19 =	simm.s32 $0x11C60;
	[sflag:s5] =	ssyncadd.s32 $0xFFFFFCE0  }
0x7c: {  	[tilespmem:s19], [sflag:$0x3] =	stream.linear.gather [hbm4b:s18+s15], $0x320, $0x38;
	[tilespmem:$0x1DF90] =	vst v63  }
0x7d: {  	_ =	swait.ge [sflag:s5], $0x320  }
0x7e: {  	s20 =	sld [smem:$0x7FA]  }
0x7f: {  	[sflag:s5] =	ssyncset.done $0x0  }
0x80: {  	s21 =	simm.s32 $0x10360;
	[sflag:s5] =	ssyncadd.s32 $0xFFFFFCE0  }
0x81: {  	[tilespmem:s21], [sflag:$0x3] =	stream.linear.gather [hbm4b:s20+s15], $0x320, $0x38;
	[tilespmem:$0x1DF90] =	vst v63  }
0x82: {  	_ =	swait.ge [sflag:s5], $0x320  }
0x83: {  	s18 =	sld [smem:$0x7FB]  }
0x84: {  	[sflag:s5] =	ssyncset.done $0x0  }
0x85: {  	s19 =	simm.s32 $0x128E0;
	[sflag:s5] =	ssyncadd.s32 $0xFFFFFCE0  }
0x86: {  	[tilespmem:s19], [sflag:$0x3] =	stream.linear.gather [hbm4b:s18+s15], $0x320, $0x38;
	[tilespmem:$0x1DF90] =	vst v63  }
0x87: {  	_ =	swait.ge [sflag:s5], $0x320  }
0x88: {  	s20 =	sld [smem:$0x7FC]  }
0x89: {  	[sflag:s5] =	ssyncset.done $0x0  }
0x8a: {  	s21 =	simm.s32 $0x13560;
	[sflag:s5] =	ssyncadd.s32 $0xFFFFFCE0  }
0x8b: {  	[tilespmem:s21], [sflag:$0x3] =	stream.linear.gather [hbm4b:s20+s15], $0x320, $0x38;
	[tilespmem:$0x1DF90] =	vst v63  }
0x8c: {  	_ =	swait.ge [sflag:s5], $0x320  }
0x8d: {  	[sflag:s5] =	ssyncset.done $0x0  }
0x8e: {  	s16 =	simm.s32 $0x0;
	[sflag:s5] =	ssyncadd.s32 $0xFFFFFCE0  }
0x8f: {  	v5 =	vld [tilespmem:s16+$0x10FE0]  }
0x90: {  	v6 =	vld [tilespmem:s16+$0xEA60]  }
0x91: {  	v7 =	vld [tilespmem:s16+$0xF6E0]  }
0x92: {  	s15 =	simm.s32 $0x40;
	v8 =	vld [tilespmem:s16+$0x11C60]  }
.LBB2_8:
0x93: {  	p2 =	sne.s32 s15, $0xC40;
	v9 =	vld [tilespmem:s16+$0x10360]  }
0x94: {  	v10 =	vld [tilespmem:s16+$0x128E0]  }
0x95: {  	v11 =	vld [tilespmem:s16+$0x13560];
	_ =	sdelay $0x1  }
0x96: {  	v5 =	vsub.f32 v6, v5;
	v6 =	vsub.f32 v7, v8;
	_ =	sdelay $0x1  }
0x97: {  	v5 =	vmul.f32 v5, v5;
	v7 =	vsub.f32 v9, v10;
	v6 =	vmul.f32 v6, v6  }
0x98: {  	v8 =	vadd.s32 v2, v11  }
0x99: {  	v5 =	vadd.f32 v6, v5;
	v6 =	vmul.f32 v7, v7;
	_ =	sdelay $0x1  }
0x9a: {  	v5 =	vadd.f32 v6, v5;
	_ =	sdelay $0x1  }
0x9b: {  	[tilespmem:v8+s6+$0x0] =	vst.idx.add.f32.msk $0xffff, v5  }
.Ltmp4:
0x9c: {  	s16 =	sshra.s32 s15, $0x2;
	[tilespmem:v8+s7+$0x0] =	vst.idx.add.f32.msk $0xffff, v3;
	(pc) =	sbr.rel @p2 .LBB2_8-.Ltmp4, $4  }
0x9d: {  	v5 =	vld [tilespmem:s16+$0x10FE0]  }
0x9e: {  	v6 =	vld [tilespmem:s16+$0xEA60]  }
0x9f: {  	v7 =	vld [tilespmem:s16+$0xF6E0]  }
0xa0: {  	s15 =	sadd.s32 $0x40, s15;
	v8 =	vld [tilespmem:s16+$0x11C60]  }
0xa1: {  	v9 =	vld [tilespmem:s16+$0x10360]  }
0xa2: {  	v10 =	vld [tilespmem:s16+$0x128E0]  }
0xa3: {  	v11 =	vld [tilespmem:s16+$0x13560];
	_ =	sdelay $0x1  }
0xa4: {  	v5 =	vsub.f32 v6, v5;
	v6 =	vsub.f32 v7, v8;
	_ =	sdelay $0x1  }
0xa5: {  	v5 =	vmul.f32 v5, v5;
	v7 =	vsub.f32 v9, v10;
	v6 =	vmul.f32 v6, v6  }
0xa6: {  	v63 =	vadd.s32 v2, v11  }
0xa7: {  	v5 =	vadd.f32 v6, v5;
	v6 =	vmul.f32 v7, v7  }
.Ltmp5:
0xa8: {  	_ = 	snop;
	(pc) =	sbr.rel .LBB2_10-.Ltmp5, $3  }
0xa9: {  	v5 =	vadd.f32 v6, v5;
	_ =	sdelay $0x1  }
0xaa: {  	[tilespmem:v63+s6+$0x0] =	vst.idx.add.f32.msk $0xffff, v5  }
0xab: {  	[tilespmem:v63+s7+$0x0] =	vst.idx.add.f32.msk $0xffff, v3  }
.LBB2_4:
0xac: {  	s16 =	rddreg [dreg:$0x1e];
	s17 =	simm.s32 $0xEA60  }
0xad: {  	[tilespmem:s17], [sflag:$0x3] =	stream.linear.gather [hbm4b:s16+s15], $0xC80, $0x38;
	[tilespmem:$0x1DF90] =	vst v63  }
0xae: {  	_ =	swait.ge [sflag:s5], $0xC80  }
0xaf: {  	s18 =	sld [smem:$0x7F4]  }
0xb0: {  	[sflag:s5] =	ssyncset.done $0x0  }
0xb1: {  	s19 =	simm.s32 $0x10FE0;
	[sflag:s5] =	ssyncadd.s32 $0xFFFFF380  }
0xb2: {  	[tilespmem:s19], [sflag:$0x3] =	stream.linear.gather [hbm4b:s18+s15], $0xC80, $0x38;
	[tilespmem:$0x1DF90] =	vst v63  }
0xb3: {  	_ =	swait.ge [sflag:s5], $0xC80  }
0xb4: {  	[sflag:s5] =	ssyncset.done $0x0  }
0xb5: {  	s21 =	simm.s32 $0xF6E0;
	s20 =	rddreg [dreg:$0x1c];
	[sflag:s5] =	ssyncadd.s32 $0xFFFFF380  }
0xb6: {  	[tilespmem:s21], [sflag:$0x3] =	stream.linear.gather [hbm4b:s20+s15], $0xC80, $0x38;
	[tilespmem:$0x1DF90] =	vst v63  }
0xb7: {  	_ =	swait.ge [sflag:s5], $0xC80  }
0xb8: {  	[sflag:s5] =	ssyncset.done $0x0  }
0xb9: {  	s19 =	simm.s32 $0x11C60;
	s18 =	rddreg [dreg:$0x1d];
	[sflag:s5] =	ssyncadd.s32 $0xFFFFF380  }
0xba: {  	[tilespmem:s19], [sflag:$0x3] =	stream.linear.gather [hbm4b:s18+s15], $0xC80, $0x38;
	[tilespmem:$0x1DF90] =	vst v63  }
0xbb: {  	_ =	swait.ge [sflag:s5], $0xC80  }
0xbc: {  	[sflag:s5] =	ssyncset.done $0x0  }
0xbd: {  	s21 =	simm.s32 $0x10360;
	s20 =	rddreg [dreg:$0x1f];
	[sflag:s5] =	ssyncadd.s32 $0xFFFFF380  }
0xbe: {  	[tilespmem:s21], [sflag:$0x3] =	stream.linear.gather [hbm4b:s20+s15], $0xC80, $0x38;
	[tilespmem:$0x1DF90] =	vst v63  }
0xbf: {  	_ =	swait.ge [sflag:s5], $0xC80  }
0xc0: {  	s18 =	sld [smem:$0x7F3]  }
0xc1: {  	[sflag:s5] =	ssyncset.done $0x0  }
0xc2: {  	s19 =	simm.s32 $0x128E0;
	[sflag:s5] =	ssyncadd.s32 $0xFFFFF380  }
0xc3: {  	[tilespmem:s19], [sflag:$0x3] =	stream.linear.gather [hbm4b:s18+s15], $0xC80, $0x38;
	[tilespmem:$0x1DF90] =	vst v63  }
0xc4: {  	_ =	swait.ge [sflag:s5], $0xC80  }
0xc5: {  	s20 =	sld [smem:$0x7F5]  }
0xc6: {  	[sflag:s5] =	ssyncset.done $0x0  }
0xc7: {  	s21 =	simm.s32 $0x13560;
	[sflag:s5] =	ssyncadd.s32 $0xFFFFF380  }
0xc8: {  	[tilespmem:s21], [sflag:$0x3] =	stream.linear.gather [hbm4b:s20+s15], $0xC80, $0x38;
	[tilespmem:$0x1DF90] =	vst v63  }
0xc9: {  	_ =	swait.ge [sflag:s5], $0xC80  }
0xca: {  	[sflag:s5] =	ssyncset.done $0x0  }
0xcb: {  	s16 =	simm.s32 $0x0;
	[sflag:s5] =	ssyncadd.s32 $0xFFFFF380  }
0xcc: {  	v5 =	vld [tilespmem:s16+$0x10FE0]  }
0xcd: {  	v6 =	vld [tilespmem:s16+$0xEA60]  }
0xce: {  	v7 =	vld [tilespmem:s16+$0xF6E0]  }
0xcf: {  	s15 =	simm.s32 $0x40;
	v8 =	vld [tilespmem:s16+$0x11C60]  }
.LBB2_5:
0xd0: {  	p2 =	seq.s32 s15, $0x31C0;
	v9 =	vld [tilespmem:s16+$0x10360]  }
0xd1: {  	v10 =	vld [tilespmem:s16+$0x128E0]  }
0xd2: {  	v11 =	vld [tilespmem:s16+$0x13560];
	_ =	sdelay $0x1  }
0xd3: {  	v5 =	vsub.f32 v6, v5;
	v6 =	vsub.f32 v7, v8;
	_ =	sdelay $0x1  }
0xd4: {  	v5 =	vmul.f32 v5, v5;
	v7 =	vsub.f32 v9, v10;
	v6 =	vmul.f32 v6, v6  }
0xd5: {  	v8 =	vadd.s32 v2, v11  }
0xd6: {  	v5 =	vadd.f32 v6, v5;
	v6 =	vmul.f32 v7, v7;
	_ =	sdelay $0x1  }
0xd7: {  	v5 =	vadd.f32 v6, v5;
	_ =	sdelay $0x1  }
0xd8: {  	[tilespmem:v8+s6+$0x0] =	vst.idx.add.f32.msk $0xffff, v5  }
.Ltmp6:
0xd9: {  	s16 =	sshra.s32 s15, $0x2;
	[tilespmem:v8+s7+$0x0] =	vst.idx.add.f32.msk $0xffff, v3;
	(pc) =	sbr.rel @!p2 .LBB2_5-.Ltmp6, $4  }
0xda: {  	v5 =	vld [tilespmem:s16+$0x10FE0]  }
0xdb: {  	v6 =	vld [tilespmem:s16+$0xEA60]  }
0xdc: {  	v7 =	vld [tilespmem:s16+$0xF6E0]  }
0xdd: {  	s15 =	sadd.s32 $0x40, s15;
	v8 =	vld [tilespmem:s16+$0x11C60]  }
0xde: {  	v9 =	vld [tilespmem:s16+$0x10360]  }
0xdf: {  	v10 =	vld [tilespmem:s16+$0x128E0]  }
0xe0: {  	v11 =	vld [tilespmem:s16+$0x13560];
	_ =	sdelay $0x1  }
0xe1: {  	v5 =	vsub.f32 v6, v5;
	v6 =	vsub.f32 v7, v8;
	_ =	sdelay $0x1  }
0xe2: {  	v5 =	vmul.f32 v5, v5;
	v7 =	vsub.f32 v9, v10;
	v6 =	vmul.f32 v6, v6  }
0xe3: {  	v63 =	vadd.s32 v2, v11  }
0xe4: {  	v5 =	vadd.f32 v6, v5;
	v6 =	vmul.f32 v7, v7;
	_ =	sdelay $0x1  }
0xe5: {  	v5 =	vadd.f32 v6, v5;
	_ =	sdelay $0x1  }
0xe6: {  	[tilespmem:v63+s6+$0x0] =	vst.idx.add.f32.msk $0xffff, v5  }
0xe7: {  	[tilespmem:v63+s7+$0x0] =	vst.idx.add.f32.msk $0xffff, v3  }
.LBB2_10:
0xe8: {  	s15 =	simm.s32 $0x0;
	s16 =	rddreg [dreg:$0x7]  }
0xe9: {  	[tilespmem:s8], [sflag:$0x2] =	stream.linear.gather [hbm4b:s16+s15], $0x2710, $0x38;
	[tilespmem:$0x1DF90] =	vst v63  }
0xea: {  	s20 =	rddreg [dreg:$0x8]  }
0xeb: {  	[tilespmem:s9], [sflag:$0x2] =	stream.linear.gather [hbm4b:s20+s15], $0x2710, $0x38;
	[tilespmem:$0x1DF90] =	vst v63  }
0xec: {  	s21 =	rddreg [dreg:$0x9]  }
0xed: {  	[tilespmem:s10], [sflag:$0x2] =	stream.linear.gather [hbm4b:s21+s15], $0x2710, $0x38;
	[tilespmem:$0x1DF90] =	vst v63  }
0xee: {  	_ =	swait.ge [sflag:s11], $0x2710  }
0xef: {  	[sflag:s11] =	ssyncset.done $0x0  }
0xf0: {  	[sflag:s11] =	ssyncadd.s32 $0xFFFFD8F0  }
0xf1: {  	_ =	swait.ge [sflag:s11], $0x2710  }
0xf2: {  	[sflag:s11] =	ssyncset.done $0x0  }
0xf3: {  	[sflag:s11] =	ssyncadd.s32 $0xFFFFD8F0  }
0xf4: {  	_ =	swait.ge [sflag:s11], $0x2710  }
0xf5: {  	[sflag:s11] =	ssyncset.done $0x0  }
0xf6: {  	s17 =	simm.s32 $0x0;
	[sflag:s11] =	ssyncadd.s32 $0xFFFFD8F0  }
0xf7: {  	v5 =	vld [tilespmem:s17+$0x20]  }
0xf8: {  	v6 =	vld [tilespmem:s17+$0x9C60]  }
0xf9: {  	v7 =	vld [tilespmem:s17+$0x9C50]  }
0xfa: {  	v8 =	vld [tilespmem:s17+$0x4E40]  }
0xfb: {  	v9 =	vld [tilespmem:s17+$0x10]  }
0xfc: {  	v10 =	vld [tilespmem:s17+$0x30]  }
0xfd: {  	v11 =	vld [tilespmem:s17+$0x0]  }
0xfe: {  	v12 =	vld [tilespmem:s17+$0x4E50]  }
0xff: {  	v13 =	vld [tilespmem:s17+$0x4E30]  }
0x100: {  	v15 =	vld [tilespmem:s17+$0x9C40]  }
0x101: {  	v14 =	vld [tilespmem:s17+$0x4E20]  }
0x102: {  	v16 =	vld [tilespmem:s17+$0x9C70]  }
0x103: {  	v17 =	vld [tilespmem:s17+$0x9C80];
	v12 =	vsub.f32 v10, v12  }
0x104: {  	v18 =	vsub.f32 v5, v8;
	v5 =	vadd.s32 v2, v6;
	v8 =	vld [tilespmem:s17+$0x4E60]  }
0x105: {  	v6 =	vadd.s32 v2, v7;
	v10 =	vadd.s32 v2, v15;
	v7 =	vmul.f32 v12, v12;
	v12 =	vld [tilespmem:s17+$0x40]  }
0x106: {  	v11 =	vsub.f32 v11, v14  }
0x107: {  	v14 =	vsub.f32 v9, v13  }
0x108: {  	v9 =	vadd.s32 v2, v16;
	v13 =	vmul.f32 v11, v11  }
0x109: {  	s16 =	simm.s32 $0x280;
	s15 =	simm.s32 $0x50;
	v14 =	vmul.f32 v14, v14;
	v11 =	vadd.s32 v2, v17;
	v15 =	vmul.f32 v18, v18  }
.LBB2_11:
0x10a: {  	p2 =	sne.s32 s16, $0x9B00;
	v8 =	vsub.f32 v12, v8;
	[tilespmem:v10+s12+$0x0] =	vst.idx.add.f32.msk $0xffff, v13;
	s17 =	smov.u32 s16;
	s16 =	sadd.s32 $0x140, s16  }
0x10b: {  	[tilespmem:v6+s12+$0x0] =	vst.idx.add.f32.msk $0xffff, v14  }
0x10c: {  	v6 =	vmul.f32 v8, v8;
	[tilespmem:v5+s12+$0x0] =	vst.idx.add.f32.msk $0xffff, v15  }
0x10d: {  	[tilespmem:v9+s12+$0x0] =	vst.idx.add.f32.msk $0xffff, v7  }
0x10e: {  	[tilespmem:v11+s12+$0x0] =	vst.idx.add.f32.msk $0xffff, v6  }
0x10f: {  	v6 =	vld [tilespmem:s15+$0x20]  }
0x110: {  	v5 =	vld [tilespmem:s15+$0x9C60]  }
0x111: {  	v7 =	vld [tilespmem:s15+$0x9C50]  }
0x112: {  	v8 =	vld [tilespmem:s15+$0x4E40]  }
0x113: {  	s17 =	sshra.s32 s17, $0x2;
	v9 =	vld [tilespmem:s15+$0x10]  }
0x114: {  	v10 =	vld [tilespmem:s15+$0x30]  }
0x115: {  	v11 =	vld [tilespmem:s15+$0x0];
	v5 =	vadd.s32 v2, v5  }
0x116: {  	v12 =	vld [tilespmem:s15+$0x4E50]  }
0x117: {  	v13 =	vld [tilespmem:s15+$0x4E30];
	v15 =	vsub.f32 v6, v8  }
0x118: {  	v14 =	vld [tilespmem:s15+$0x9C40]  }
0x119: {  	v16 =	vld [tilespmem:s15+$0x4E20]  }
0x11a: {  	v6 =	vadd.s32 v2, v7;
	v8 =	vld [tilespmem:s15+$0x4E60]  }
0x11b: {  	v17 =	vld [tilespmem:s15+$0x9C70];
	v7 =	vsub.f32 v10, v12  }
0x11c: {  	v18 =	vld [tilespmem:s15+$0x9C80];
	v19 =	vsub.f32 v9, v13  }
.Ltmp7:
0x11d: {  	v12 =	vld [tilespmem:s15+$0x40];
	v10 =	vadd.s32 v2, v14;
	v7 =	vmul.f32 v7, v7;
	s15 =	smov.u32 s17;
	(pc) =	sbr.rel @p2 .LBB2_11-.Ltmp7, $3  }
0x11e: {  	v11 =	vsub.f32 v11, v16;
	_ =	sdelay $0x1  }
0x11f: {  	v14 =	vmul.f32 v19, v19;
	v9 =	vadd.s32 v2, v17;
	v13 =	vmul.f32 v11, v11  }
0x120: {  	v15 =	vmul.f32 v15, v15;
	v11 =	vadd.s32 v2, v18  }
0x121: {  	_ =	sdelay $0x3  }
0x122: {  	v8 =	vsub.f32 v12, v8;
	[tilespmem:v10+s12+$0x0] =	vst.idx.add.f32.msk $0xffff, v13  }
0x123: {  	[tilespmem:v6+s12+$0x0] =	vst.idx.add.f32.msk $0xffff, v14  }
0x124: {  	v6 =	vmul.f32 v8, v8;
	[tilespmem:v5+s12+$0x0] =	vst.idx.add.f32.msk $0xffff, v15  }
0x125: {  	[tilespmem:v9+s12+$0x0] =	vst.idx.add.f32.msk $0xffff, v7  }
0x126: {  	[tilespmem:v11+s12+$0x0] =	vst.idx.add.f32.msk $0xffff, v6  }
0x127: {  	v5 =	vld [tilespmem:s15+$0x20]  }
0x128: {  	v6 =	vld [tilespmem:s15+$0x9C60]  }
0x129: {  	v7 =	vld [tilespmem:s15+$0x9C50]  }
0x12a: {  	v8 =	vld [tilespmem:s15+$0x4E40]  }
0x12b: {  	v9 =	vld [tilespmem:s15+$0x10]  }
0x12c: {  	v10 =	vld [tilespmem:s15+$0x30]  }
0x12d: {  	v11 =	vld [tilespmem:s15+$0x0]  }
0x12e: {  	v12 =	vld [tilespmem:s15+$0x4E50]  }
0x12f: {  	v13 =	vld [tilespmem:s15+$0x4E30]  }
0x130: {  	v14 =	vld [tilespmem:s15+$0x9C40]  }
0x131: {  	v15 =	vld [tilespmem:s15+$0x4E20]  }
0x132: {  	v16 =	vld [tilespmem:s15+$0x4E60]  }
0x133: {  	v17 =	vld [tilespmem:s15+$0x9C70]  }
0x134: {  	v18 =	vld [tilespmem:s15+$0x9C80]  }
0x135: {  	v19 =	vld [tilespmem:s15+$0x40];
	v14 =	vadd.s32 v2, v14  }
0x136: {  	v11 =	vsub.f32 v11, v15;
	v7 =	vadd.s32 v2, v7  }
0x137: {  	v9 =	vsub.f32 v9, v13;
	v6 =	vadd.s32 v2, v6  }
0x138: {  	v5 =	vsub.f32 v5, v8;
	v8 =	vadd.s32 v2, v17;
	v11 =	vmul.f32 v11, v11  }
0x139: {  	v10 =	vsub.f32 v10, v12;
	v12 =	vadd.s32 v2, v18;
	v9 =	vmul.f32 v9, v9  }
0x13a: {  	v13 =	vsub.f32 v19, v16;
	v5 =	vmul.f32 v5, v5;
	[tilespmem:v14+s12+$0x0] =	vst.idx.add.f32.msk $0xffff, v11  }
0x13b: {  	v10 =	vmul.f32 v10, v10;
	[tilespmem:v7+s12+$0x0] =	vst.idx.add.f32.msk $0xffff, v9  }
0x13c: {  	v7 =	vmul.f32 v13, v13;
	[tilespmem:v6+s12+$0x0] =	vst.idx.add.f32.msk $0xffff, v5  }
0x13d: {  	[tilespmem:v8+s12+$0x0] =	vst.idx.add.f32.msk $0xffff, v10  }
0x13e: {  	s19 =	simm.s32 $0x0;
	s16 =	rddreg [dreg:$0xa];
	[tilespmem:v12+s12+$0x0] =	vst.idx.add.f32.msk $0xffff, v7  }
0x13f: {  	[tilespmem:s19], [sflag:$0x1] =	stream.linear.gather [hbm4b:s16+s19], $0x2710, $0x38;
	[tilespmem:$0x1DF90] =	vst v63  }
0x140: {  	s20 =	rddreg [dreg:$0xb]  }
0x141: {  	[tilespmem:s3], [sflag:$0x1] =	stream.linear.gather [hbm4b:s20+s19], $0x2710, $0x38;
	[tilespmem:$0x1DF90] =	vst v63  }
0x142: {  	s21 =	rddreg [dreg:$0xc]  }
0x143: {  	[tilespmem:s4], [sflag:$0x1] =	stream.linear.gather [hbm4b:s21+s19], $0x2710, $0x38;
	[tilespmem:$0x1DF90] =	vst v63  }
0x144: {  	_ =	swait.ge [sflag:s13], $0x2710  }
0x145: {  	[sflag:s13] =	ssyncset.done $0x0  }
0x146: {  	[sflag:s13] =	ssyncadd.s32 $0xFFFFD8F0  }
0x147: {  	_ =	swait.ge [sflag:s13], $0x2710  }
0x148: {  	[sflag:s13] =	ssyncset.done $0x0  }
0x149: {  	[sflag:s13] =	ssyncadd.s32 $0xFFFFD8F0  }
0x14a: {  	_ =	swait.ge [sflag:s13], $0x2710  }
0x14b: {  	[sflag:s13] =	ssyncset.done $0x0  }
0x14c: {  	s17 =	simm.s32 $0x0;
	[sflag:s13] =	ssyncadd.s32 $0xFFFFD8F0  }
0x14d: {  	v5 =	vld [tilespmem:s17+$0x2730]  }
0x14e: {  	v6 =	vld [tilespmem:s17+$0xC370]  }
0x14f: {  	v7 =	vld [tilespmem:s17+$0xC360]  }
0x150: {  	v8 =	vld [tilespmem:s17+$0x7550]  }
0x151: {  	v9 =	vld [tilespmem:s17+$0x2720]  }
0x152: {  	v10 =	vld [tilespmem:s17+$0x2740]  }
0x153: {  	v11 =	vld [tilespmem:s17+$0x2710]  }
0x154: {  	v12 =	vld [tilespmem:s17+$0x7560]  }
0x155: {  	v13 =	vld [tilespmem:s17+$0x7540]  }
0x156: {  	v15 =	vld [tilespmem:s17+$0xC350]  }
0x157: {  	v14 =	vld [tilespmem:s17+$0x7530]  }
0x158: {  	v16 =	vld [tilespmem:s17+$0xC380]  }
0x159: {  	v17 =	vld [tilespmem:s17+$0xC390];
	v12 =	vsub.f32 v10, v12  }
0x15a: {  	v63 =	vsub.f32 v5, v8;
	v5 =	vadd.s32 v2, v6;
	v8 =	vld [tilespmem:s17+$0x7570]  }
0x15b: {  	v6 =	vadd.s32 v2, v7;
	v10 =	vadd.s32 v2, v15;
	v7 =	vmul.f32 v12, v12;
	v12 =	vld [tilespmem:s17+$0x2750]  }
0x15c: {  	v11 =	vsub.f32 v11, v14  }
0x15d: {  	v14 =	vsub.f32 v9, v13  }
0x15e: {  	v9 =	vadd.s32 v2, v16;
	v13 =	vmul.f32 v11, v11  }
0x15f: {  	s15 =	simm.s32 $0x50;
	s16 =	simm.s32 $0x280;
	v14 =	vmul.f32 v14, v14;
	v11 =	vadd.s32 v2, v17;
	v15 =	vmul.f32 v63, v63  }
.LBB2_13:
0x160: {  	p2 =	sne.s32 s16, $0x9B00;
	v8 =	vsub.f32 v12, v8;
	[tilespmem:v10+s12+$0x0] =	vst.idx.add.f32.msk $0xffff, v13;
	s17 =	smov.u32 s16;
	s16 =	sadd.s32 $0x140, s16  }
0x161: {  	[tilespmem:v6+s12+$0x0] =	vst.idx.add.f32.msk $0xffff, v14  }
0x162: {  	v6 =	vmul.f32 v8, v8;
	[tilespmem:v5+s12+$0x0] =	vst.idx.add.f32.msk $0xffff, v15  }
0x163: {  	[tilespmem:v9+s12+$0x0] =	vst.idx.add.f32.msk $0xffff, v7  }
0x164: {  	[tilespmem:v11+s12+$0x0] =	vst.idx.add.f32.msk $0xffff, v6  }
0x165: {  	v6 =	vld [tilespmem:s15+$0x2730]  }
0x166: {  	v5 =	vld [tilespmem:s15+$0xC370]  }
0x167: {  	v7 =	vld [tilespmem:s15+$0xC360]  }
0x168: {  	v8 =	vld [tilespmem:s15+$0x7550]  }
0x169: {  	s17 =	sshra.s32 s17, $0x2;
	v9 =	vld [tilespmem:s15+$0x2720]  }
0x16a: {  	v10 =	vld [tilespmem:s15+$0x2740]  }
0x16b: {  	v11 =	vld [tilespmem:s15+$0x2710];
	v5 =	vadd.s32 v2, v5  }
0x16c: {  	v12 =	vld [tilespmem:s15+$0x7560]  }
0x16d: {  	v13 =	vld [tilespmem:s15+$0x7540];
	v15 =	vsub.f32 v6, v8  }
0x16e: {  	v14 =	vld [tilespmem:s15+$0xC350]  }
0x16f: {  	v16 =	vld [tilespmem:s15+$0x7530]  }
0x170: {  	v6 =	vadd.s32 v2, v7;
	v8 =	vld [tilespmem:s15+$0x7570]  }
0x171: {  	v17 =	vld [tilespmem:s15+$0xC380];
	v7 =	vsub.f32 v10, v12  }
0x172: {  	v18 =	vld [tilespmem:s15+$0xC390];
	v19 =	vsub.f32 v9, v13  }
.Ltmp8:
0x173: {  	v12 =	vld [tilespmem:s15+$0x2750];
	v10 =	vadd.s32 v2, v14;
	v7 =	vmul.f32 v7, v7;
	s15 =	smov.u32 s17;
	(pc) =	sbr.rel @p2 .LBB2_13-.Ltmp8, $3  }
0x174: {  	v11 =	vsub.f32 v11, v16;
	_ =	sdelay $0x1  }
0x175: {  	v14 =	vmul.f32 v19, v19;
	v9 =	vadd.s32 v2, v17;
	v13 =	vmul.f32 v11, v11  }
0x176: {  	v15 =	vmul.f32 v15, v15;
	v11 =	vadd.s32 v2, v18  }
0x177: {  	_ =	sdelay $0x3  }
0x178: {  	v8 =	vsub.f32 v12, v8;
	[tilespmem:v10+s12+$0x0] =	vst.idx.add.f32.msk $0xffff, v13  }
0x179: {  	[tilespmem:v6+s12+$0x0] =	vst.idx.add.f32.msk $0xffff, v14  }
0x17a: {  	v6 =	vmul.f32 v8, v8;
	[tilespmem:v5+s12+$0x0] =	vst.idx.add.f32.msk $0xffff, v15  }
0x17b: {  	[tilespmem:v9+s12+$0x0] =	vst.idx.add.f32.msk $0xffff, v7  }
0x17c: {  	[tilespmem:v11+s12+$0x0] =	vst.idx.add.f32.msk $0xffff, v6  }
0x17d: {  	v5 =	vld [tilespmem:s15+$0x2730]  }
0x17e: {  	v6 =	vld [tilespmem:s15+$0xC370]  }
0x17f: {  	v7 =	vld [tilespmem:s15+$0xC360]  }
0x180: {  	v8 =	vld [tilespmem:s15+$0x7550]  }
0x181: {  	v9 =	vld [tilespmem:s15+$0x2720]  }
0x182: {  	v10 =	vld [tilespmem:s15+$0x2740]  }
0x183: {  	v11 =	vld [tilespmem:s15+$0x2710]  }
0x184: {  	v12 =	vld [tilespmem:s15+$0x7560]  }
0x185: {  	v13 =	vld [tilespmem:s15+$0x7540]  }
0x186: {  	v14 =	vld [tilespmem:s15+$0xC350]  }
0x187: {  	v15 =	vld [tilespmem:s15+$0x7530]  }
0x188: {  	v16 =	vld [tilespmem:s15+$0x7570]  }
0x189: {  	v17 =	vld [tilespmem:s15+$0xC380]  }
0x18a: {  	v18 =	vld [tilespmem:s15+$0xC390]  }
0x18b: {  	v19 =	vld [tilespmem:s15+$0x2750];
	v14 =	vadd.s32 v2, v14  }
0x18c: {  	v11 =	vsub.f32 v11, v15;
	v7 =	vadd.s32 v2, v7  }
0x18d: {  	v9 =	vsub.f32 v9, v13;
	v6 =	vadd.s32 v2, v6  }
0x18e: {  	v5 =	vsub.f32 v5, v8;
	v8 =	vadd.s32 v2, v17;
	v11 =	vmul.f32 v11, v11  }
0x18f: {  	v10 =	vsub.f32 v10, v12;
	v12 =	vadd.s32 v2, v18;
	v9 =	vmul.f32 v9, v9  }
0x190: {  	v13 =	vsub.f32 v19, v16;
	v5 =	vmul.f32 v5, v5;
	[tilespmem:v14+s12+$0x0] =	vst.idx.add.f32.msk $0xffff, v11  }
0x191: {  	v10 =	vmul.f32 v10, v10;
	[tilespmem:v7+s12+$0x0] =	vst.idx.add.f32.msk $0xffff, v9  }
0x192: {  	v7 =	vmul.f32 v13, v13;
	[tilespmem:v6+s12+$0x0] =	vst.idx.add.f32.msk $0xffff, v5  }
0x193: {  	[tilespmem:v8+s12+$0x0] =	vst.idx.add.f32.msk $0xffff, v10  }
0x194: {  	s19 =	simm.s32 $0x0;
	s16 =	rddreg [dreg:$0xd];
	[tilespmem:v12+s12+$0x0] =	vst.idx.add.f32.msk $0xffff, v7  }
0x195: {  	[tilespmem:s8], [sflag:$0x2] =	stream.linear.gather [hbm4b:s16+s19], $0x2710, $0x38;
	[tilespmem:$0x1DF90] =	vst v63  }
0x196: {  	s20 =	rddreg [dreg:$0xe]  }
0x197: {  	[tilespmem:s9], [sflag:$0x2] =	stream.linear.gather [hbm4b:s20+s19], $0x2710, $0x38;
	[tilespmem:$0x1DF90] =	vst v63  }
0x198: {  	s21 =	rddreg [dreg:$0xf]  }
0x199: {  	[tilespmem:s10], [sflag:$0x2] =	stream.linear.gather [hbm4b:s21+s19], $0x2710, $0x38;
	[tilespmem:$0x1DF90] =	vst v63  }
0x19a: {  	_ =	swait.ge [sflag:s11], $0x2710  }
0x19b: {  	[sflag:s11] =	ssyncset.done $0x0  }
0x19c: {  	[sflag:s11] =	ssyncadd.s32 $0xFFFFD8F0  }
0x19d: {  	_ =	swait.ge [sflag:s11], $0x2710  }
0x19e: {  	[sflag:s11] =	ssyncset.done $0x0  }
0x19f: {  	[sflag:s11] =	ssyncadd.s32 $0xFFFFD8F0  }
0x1a0: {  	_ =	swait.ge [sflag:s11], $0x2710  }
0x1a1: {  	[sflag:s11] =	ssyncset.done $0x0  }
0x1a2: {  	s17 =	simm.s32 $0x0;
	[sflag:s11] =	ssyncadd.s32 $0xFFFFD8F0  }
0x1a3: {  	v5 =	vld [tilespmem:s17+$0x20]  }
0x1a4: {  	v6 =	vld [tilespmem:s17+$0x9C60]  }
0x1a5: {  	v7 =	vld [tilespmem:s17+$0x9C50]  }
0x1a6: {  	v8 =	vld [tilespmem:s17+$0x4E40]  }
0x1a7: {  	v9 =	vld [tilespmem:s17+$0x10]  }
0x1a8: {  	v10 =	vld [tilespmem:s17+$0x30]  }
0x1a9: {  	v11 =	vld [tilespmem:s17+$0x0]  }
0x1aa: {  	v12 =	vld [tilespmem:s17+$0x4E50]  }
0x1ab: {  	v13 =	vld [tilespmem:s17+$0x4E30]  }
0x1ac: {  	v15 =	vld [tilespmem:s17+$0x9C40]  }
0x1ad: {  	v14 =	vld [tilespmem:s17+$0x4E20]  }
0x1ae: {  	v16 =	vld [tilespmem:s17+$0x9C70]  }
0x1af: {  	v17 =	vld [tilespmem:s17+$0x9C80];
	v12 =	vsub.f32 v10, v12  }
0x1b0: {  	v63 =	vsub.f32 v5, v8;
	v5 =	vadd.s32 v2, v6;
	v8 =	vld [tilespmem:s17+$0x4E60]  }
0x1b1: {  	v6 =	vadd.s32 v2, v7;
	v10 =	vadd.s32 v2, v15;
	v7 =	vmul.f32 v12, v12;
	v12 =	vld [tilespmem:s17+$0x40]  }
0x1b2: {  	v11 =	vsub.f32 v11, v14  }
0x1b3: {  	v14 =	vsub.f32 v9, v13  }
0x1b4: {  	v9 =	vadd.s32 v2, v16;
	v13 =	vmul.f32 v11, v11  }
0x1b5: {  	s15 =	simm.s32 $0x50;
	s16 =	simm.s32 $0x280;
	v14 =	vmul.f32 v14, v14;
	v11 =	vadd.s32 v2, v17;
	v15 =	vmul.f32 v63, v63  }
.LBB2_15:
0x1b6: {  	p2 =	sne.s32 s16, $0x9B00;
	v8 =	vsub.f32 v12, v8;
	[tilespmem:v10+s12+$0x0] =	vst.idx.add.f32.msk $0xffff, v13;
	s17 =	smov.u32 s16;
	s16 =	sadd.s32 $0x140, s16  }
0x1b7: {  	[tilespmem:v6+s12+$0x0] =	vst.idx.add.f32.msk $0xffff, v14  }
0x1b8: {  	v6 =	vmul.f32 v8, v8;
	[tilespmem:v5+s12+$0x0] =	vst.idx.add.f32.msk $0xffff, v15  }
0x1b9: {  	[tilespmem:v9+s12+$0x0] =	vst.idx.add.f32.msk $0xffff, v7  }
0x1ba: {  	[tilespmem:v11+s12+$0x0] =	vst.idx.add.f32.msk $0xffff, v6  }
0x1bb: {  	v6 =	vld [tilespmem:s15+$0x20]  }
0x1bc: {  	v5 =	vld [tilespmem:s15+$0x9C60]  }
0x1bd: {  	v7 =	vld [tilespmem:s15+$0x9C50]  }
0x1be: {  	v8 =	vld [tilespmem:s15+$0x4E40]  }
0x1bf: {  	s17 =	sshra.s32 s17, $0x2;
	v9 =	vld [tilespmem:s15+$0x10]  }
0x1c0: {  	v10 =	vld [tilespmem:s15+$0x30]  }
0x1c1: {  	v11 =	vld [tilespmem:s15+$0x0];
	v5 =	vadd.s32 v2, v5  }
0x1c2: {  	v12 =	vld [tilespmem:s15+$0x4E50]  }
0x1c3: {  	v13 =	vld [tilespmem:s15+$0x4E30];
	v15 =	vsub.f32 v6, v8  }
0x1c4: {  	v14 =	vld [tilespmem:s15+$0x9C40]  }
0x1c5: {  	v16 =	vld [tilespmem:s15+$0x4E20]  }
0x1c6: {  	v6 =	vadd.s32 v2, v7;
	v8 =	vld [tilespmem:s15+$0x4E60]  }
0x1c7: {  	v17 =	vld [tilespmem:s15+$0x9C70];
	v7 =	vsub.f32 v10, v12  }
0x1c8: {  	v18 =	vld [tilespmem:s15+$0x9C80];
	v19 =	vsub.f32 v9, v13  }
.Ltmp9:
0x1c9: {  	v12 =	vld [tilespmem:s15+$0x40];
	v10 =	vadd.s32 v2, v14;
	v7 =	vmul.f32 v7, v7;
	s15 =	smov.u32 s17;
	(pc) =	sbr.rel @p2 .LBB2_15-.Ltmp9, $3  }
0x1ca: {  	v11 =	vsub.f32 v11, v16;
	_ =	sdelay $0x1  }
0x1cb: {  	v14 =	vmul.f32 v19, v19;
	v9 =	vadd.s32 v2, v17;
	v13 =	vmul.f32 v11, v11  }
0x1cc: {  	v15 =	vmul.f32 v15, v15;
	v11 =	vadd.s32 v2, v18  }
0x1cd: {  	_ =	sdelay $0x3  }
0x1ce: {  	v8 =	vsub.f32 v12, v8;
	[tilespmem:v10+s12+$0x0] =	vst.idx.add.f32.msk $0xffff, v13  }
0x1cf: {  	[tilespmem:v6+s12+$0x0] =	vst.idx.add.f32.msk $0xffff, v14  }
0x1d0: {  	v6 =	vmul.f32 v8, v8;
	[tilespmem:v5+s12+$0x0] =	vst.idx.add.f32.msk $0xffff, v15  }
0x1d1: {  	[tilespmem:v9+s12+$0x0] =	vst.idx.add.f32.msk $0xffff, v7  }
0x1d2: {  	[tilespmem:v11+s12+$0x0] =	vst.idx.add.f32.msk $0xffff, v6  }
0x1d3: {  	v5 =	vld [tilespmem:s15+$0x20]  }
0x1d4: {  	v6 =	vld [tilespmem:s15+$0x9C60]  }
0x1d5: {  	v7 =	vld [tilespmem:s15+$0x9C50]  }
0x1d6: {  	v8 =	vld [tilespmem:s15+$0x4E40]  }
0x1d7: {  	v9 =	vld [tilespmem:s15+$0x10]  }
0x1d8: {  	v10 =	vld [tilespmem:s15+$0x30]  }
0x1d9: {  	v11 =	vld [tilespmem:s15+$0x0]  }
0x1da: {  	v12 =	vld [tilespmem:s15+$0x4E50]  }
0x1db: {  	v13 =	vld [tilespmem:s15+$0x4E30]  }
0x1dc: {  	v14 =	vld [tilespmem:s15+$0x9C40]  }
0x1dd: {  	v15 =	vld [tilespmem:s15+$0x4E20]  }
0x1de: {  	v16 =	vld [tilespmem:s15+$0x4E60]  }
0x1df: {  	v17 =	vld [tilespmem:s15+$0x9C70]  }
0x1e0: {  	v18 =	vld [tilespmem:s15+$0x9C80]  }
0x1e1: {  	v19 =	vld [tilespmem:s15+$0x40];
	v14 =	vadd.s32 v2, v14  }
0x1e2: {  	v11 =	vsub.f32 v11, v15;
	v7 =	vadd.s32 v2, v7  }
0x1e3: {  	v9 =	vsub.f32 v9, v13;
	v6 =	vadd.s32 v2, v6  }
0x1e4: {  	v5 =	vsub.f32 v5, v8;
	v8 =	vadd.s32 v2, v17;
	v11 =	vmul.f32 v11, v11  }
0x1e5: {  	v10 =	vsub.f32 v10, v12;
	v12 =	vadd.s32 v2, v18;
	v9 =	vmul.f32 v9, v9  }
0x1e6: {  	v13 =	vsub.f32 v19, v16;
	v5 =	vmul.f32 v5, v5;
	[tilespmem:v14+s12+$0x0] =	vst.idx.add.f32.msk $0xffff, v11  }
0x1e7: {  	v10 =	vmul.f32 v10, v10;
	[tilespmem:v7+s12+$0x0] =	vst.idx.add.f32.msk $0xffff, v9  }
0x1e8: {  	v7 =	vmul.f32 v13, v13;
	[tilespmem:v6+s12+$0x0] =	vst.idx.add.f32.msk $0xffff, v5  }
0x1e9: {  	[tilespmem:v8+s12+$0x0] =	vst.idx.add.f32.msk $0xffff, v10  }
0x1ea: {  	s19 =	simm.s32 $0x0;
	s16 =	rddreg [dreg:$0x10];
	[tilespmem:v12+s12+$0x0] =	vst.idx.add.f32.msk $0xffff, v7  }
0x1eb: {  	[tilespmem:s19], [sflag:$0x1] =	stream.linear.gather [hbm4b:s16+s19], $0x2710, $0x38;
	[tilespmem:$0x1DF90] =	vst v63  }
0x1ec: {  	s20 =	rddreg [dreg:$0x11]  }
0x1ed: {  	[tilespmem:s3], [sflag:$0x1] =	stream.linear.gather [hbm4b:s20+s19], $0x2710, $0x38;
	[tilespmem:$0x1DF90] =	vst v63  }
0x1ee: {  	s21 =	rddreg [dreg:$0x12]  }
0x1ef: {  	[tilespmem:s4], [sflag:$0x1] =	stream.linear.gather [hbm4b:s21+s19], $0x2710, $0x38;
	[tilespmem:$0x1DF90] =	vst v63  }
0x1f0: {  	_ =	swait.ge [sflag:s13], $0x2710  }
0x1f1: {  	[sflag:s13] =	ssyncset.done $0x0  }
0x1f2: {  	[sflag:s13] =	ssyncadd.s32 $0xFFFFD8F0  }
0x1f3: {  	_ =	swait.ge [sflag:s13], $0x2710  }
0x1f4: {  	[sflag:s13] =	ssyncset.done $0x0  }
0x1f5: {  	[sflag:s13] =	ssyncadd.s32 $0xFFFFD8F0  }
0x1f6: {  	_ =	swait.ge [sflag:s13], $0x2710  }
0x1f7: {  	[sflag:s13] =	ssyncset.done $0x0  }
0x1f8: {  	s17 =	simm.s32 $0x0;
	[sflag:s13] =	ssyncadd.s32 $0xFFFFD8F0  }
0x1f9: {  	v5 =	vld [tilespmem:s17+$0x2730]  }
0x1fa: {  	v6 =	vld [tilespmem:s17+$0xC370]  }
0x1fb: {  	v7 =	vld [tilespmem:s17+$0xC360]  }
0x1fc: {  	v8 =	vld [tilespmem:s17+$0x7550]  }
0x1fd: {  	v9 =	vld [tilespmem:s17+$0x2720]  }
0x1fe: {  	v10 =	vld [tilespmem:s17+$0x2740]  }
0x1ff: {  	v11 =	vld [tilespmem:s17+$0x2710]  }
0x200: {  	v12 =	vld [tilespmem:s17+$0x7560]  }
0x201: {  	v13 =	vld [tilespmem:s17+$0x7540]  }
0x202: {  	v15 =	vld [tilespmem:s17+$0xC350]  }
0x203: {  	v14 =	vld [tilespmem:s17+$0x7530]  }
0x204: {  	v16 =	vld [tilespmem:s17+$0xC380]  }
0x205: {  	v17 =	vld [tilespmem:s17+$0xC390];
	v12 =	vsub.f32 v10, v12  }
0x206: {  	v63 =	vsub.f32 v5, v8;
	v5 =	vadd.s32 v2, v6;
	v8 =	vld [tilespmem:s17+$0x7570]  }
0x207: {  	v6 =	vadd.s32 v2, v7;
	v10 =	vadd.s32 v2, v15;
	v7 =	vmul.f32 v12, v12;
	v12 =	vld [tilespmem:s17+$0x2750]  }
0x208: {  	v11 =	vsub.f32 v11, v14  }
0x209: {  	v14 =	vsub.f32 v9, v13  }
0x20a: {  	v9 =	vadd.s32 v2, v16;
	v13 =	vmul.f32 v11, v11  }
0x20b: {  	s15 =	simm.s32 $0x50;
	s16 =	simm.s32 $0x280;
	v14 =	vmul.f32 v14, v14;
	v11 =	vadd.s32 v2, v17;
	v15 =	vmul.f32 v63, v63  }
.LBB2_17:
0x20c: {  	p2 =	sne.s32 s16, $0x9B00;
	v8 =	vsub.f32 v12, v8;
	[tilespmem:v10+s12+$0x0] =	vst.idx.add.f32.msk $0xffff, v13;
	s17 =	smov.u32 s16;
	s16 =	sadd.s32 $0x140, s16  }
0x20d: {  	[tilespmem:v6+s12+$0x0] =	vst.idx.add.f32.msk $0xffff, v14  }
0x20e: {  	v6 =	vmul.f32 v8, v8;
	[tilespmem:v5+s12+$0x0] =	vst.idx.add.f32.msk $0xffff, v15  }
0x20f: {  	[tilespmem:v9+s12+$0x0] =	vst.idx.add.f32.msk $0xffff, v7  }
0x210: {  	[tilespmem:v11+s12+$0x0] =	vst.idx.add.f32.msk $0xffff, v6  }
0x211: {  	v6 =	vld [tilespmem:s15+$0x2730]  }
0x212: {  	v5 =	vld [tilespmem:s15+$0xC370]  }
0x213: {  	v7 =	vld [tilespmem:s15+$0xC360]  }
0x214: {  	v8 =	vld [tilespmem:s15+$0x7550]  }
0x215: {  	s17 =	sshra.s32 s17, $0x2;
	v9 =	vld [tilespmem:s15+$0x2720]  }
0x216: {  	v10 =	vld [tilespmem:s15+$0x2740]  }
0x217: {  	v11 =	vld [tilespmem:s15+$0x2710];
	v5 =	vadd.s32 v2, v5  }
0x218: {  	v12 =	vld [tilespmem:s15+$0x7560]  }
0x219: {  	v13 =	vld [tilespmem:s15+$0x7540];
	v15 =	vsub.f32 v6, v8  }
0x21a: {  	v14 =	vld [tilespmem:s15+$0xC350]  }
0x21b: {  	v16 =	vld [tilespmem:s15+$0x7530]  }
0x21c: {  	v6 =	vadd.s32 v2, v7;
	v8 =	vld [tilespmem:s15+$0x7570]  }
0x21d: {  	v17 =	vld [tilespmem:s15+$0xC380];
	v7 =	vsub.f32 v10, v12  }
0x21e: {  	v18 =	vld [tilespmem:s15+$0xC390];
	v19 =	vsub.f32 v9, v13  }
.Ltmp10:
0x21f: {  	v12 =	vld [tilespmem:s15+$0x2750];
	v10 =	vadd.s32 v2, v14;
	v7 =	vmul.f32 v7, v7;
	s15 =	smov.u32 s17;
	(pc) =	sbr.rel @p2 .LBB2_17-.Ltmp10, $3  }
0x220: {  	v11 =	vsub.f32 v11, v16;
	_ =	sdelay $0x1  }
0x221: {  	v14 =	vmul.f32 v19, v19;
	v9 =	vadd.s32 v2, v17;
	v13 =	vmul.f32 v11, v11  }
0x222: {  	v15 =	vmul.f32 v15, v15;
	v11 =	vadd.s32 v2, v18  }
0x223: {  	_ =	sdelay $0x3  }
0x224: {  	v8 =	vsub.f32 v12, v8;
	[tilespmem:v10+s12+$0x0] =	vst.idx.add.f32.msk $0xffff, v13  }
0x225: {  	[tilespmem:v6+s12+$0x0] =	vst.idx.add.f32.msk $0xffff, v14  }
0x226: {  	v6 =	vmul.f32 v8, v8;
	[tilespmem:v5+s12+$0x0] =	vst.idx.add.f32.msk $0xffff, v15  }
0x227: {  	[tilespmem:v9+s12+$0x0] =	vst.idx.add.f32.msk $0xffff, v7  }
0x228: {  	[tilespmem:v11+s12+$0x0] =	vst.idx.add.f32.msk $0xffff, v6  }
0x229: {  	v5 =	vld [tilespmem:s15+$0x2730]  }
0x22a: {  	v6 =	vld [tilespmem:s15+$0xC370]  }
0x22b: {  	v7 =	vld [tilespmem:s15+$0xC360]  }
0x22c: {  	v8 =	vld [tilespmem:s15+$0x7550]  }
0x22d: {  	v9 =	vld [tilespmem:s15+$0x2720]  }
0x22e: {  	v10 =	vld [tilespmem:s15+$0x2740]  }
0x22f: {  	v11 =	vld [tilespmem:s15+$0x2710]  }
0x230: {  	v12 =	vld [tilespmem:s15+$0x7560]  }
0x231: {  	v13 =	vld [tilespmem:s15+$0x7540]  }
0x232: {  	v14 =	vld [tilespmem:s15+$0xC350]  }
0x233: {  	v15 =	vld [tilespmem:s15+$0x7530]  }
0x234: {  	v16 =	vld [tilespmem:s15+$0x7570]  }
0x235: {  	v17 =	vld [tilespmem:s15+$0xC380]  }
0x236: {  	v18 =	vld [tilespmem:s15+$0xC390]  }
0x237: {  	v19 =	vld [tilespmem:s15+$0x2750];
	v14 =	vadd.s32 v2, v14  }
0x238: {  	v11 =	vsub.f32 v11, v15;
	v7 =	vadd.s32 v2, v7  }
0x239: {  	v9 =	vsub.f32 v9, v13;
	v6 =	vadd.s32 v2, v6  }
0x23a: {  	v5 =	vsub.f32 v5, v8;
	v8 =	vadd.s32 v2, v17;
	v11 =	vmul.f32 v11, v11  }
0x23b: {  	v10 =	vsub.f32 v10, v12;
	v12 =	vadd.s32 v2, v18;
	v9 =	vmul.f32 v9, v9  }
0x23c: {  	v13 =	vsub.f32 v19, v16;
	v5 =	vmul.f32 v5, v5;
	[tilespmem:v14+s12+$0x0] =	vst.idx.add.f32.msk $0xffff, v11  }
0x23d: {  	v10 =	vmul.f32 v10, v10;
	[tilespmem:v7+s12+$0x0] =	vst.idx.add.f32.msk $0xffff, v9  }
0x23e: {  	v7 =	vmul.f32 v13, v13;
	[tilespmem:v6+s12+$0x0] =	vst.idx.add.f32.msk $0xffff, v5  }
0x23f: {  	[tilespmem:v8+s12+$0x0] =	vst.idx.add.f32.msk $0xffff, v10  }
0x240: {  	s19 =	simm.s32 $0x0;
	s16 =	rddreg [dreg:$0x13];
	[tilespmem:v12+s12+$0x0] =	vst.idx.add.f32.msk $0xffff, v7  }
0x241: {  	[tilespmem:s8], [sflag:$0x2] =	stream.linear.gather [hbm4b:s16+s19], $0x2710, $0x38;
	[tilespmem:$0x1DF90] =	vst v63  }
0x242: {  	s20 =	rddreg [dreg:$0x14]  }
0x243: {  	[tilespmem:s9], [sflag:$0x2] =	stream.linear.gather [hbm4b:s20+s19], $0x2710, $0x38;
	[tilespmem:$0x1DF90] =	vst v63  }
0x244: {  	s21 =	rddreg [dreg:$0x15]  }
0x245: {  	[tilespmem:s10], [sflag:$0x2] =	stream.linear.gather [hbm4b:s21+s19], $0x2710, $0x38;
	[tilespmem:$0x1DF90] =	vst v63  }
0x246: {  	_ =	swait.ge [sflag:s11], $0x2710  }
0x247: {  	[sflag:s11] =	ssyncset.done $0x0  }
0x248: {  	[sflag:s11] =	ssyncadd.s32 $0xFFFFD8F0  }
0x249: {  	_ =	swait.ge [sflag:s11], $0x2710  }
0x24a: {  	[sflag:s11] =	ssyncset.done $0x0  }
0x24b: {  	[sflag:s11] =	ssyncadd.s32 $0xFFFFD8F0  }
0x24c: {  	_ =	swait.ge [sflag:s11], $0x2710  }
0x24d: {  	[sflag:s11] =	ssyncset.done $0x0  }
0x24e: {  	s17 =	simm.s32 $0x0;
	[sflag:s11] =	ssyncadd.s32 $0xFFFFD8F0  }
0x24f: {  	v5 =	vld [tilespmem:s17+$0x20]  }
0x250: {  	v6 =	vld [tilespmem:s17+$0x9C60]  }
0x251: {  	v7 =	vld [tilespmem:s17+$0x9C50]  }
0x252: {  	v8 =	vld [tilespmem:s17+$0x4E40]  }
0x253: {  	v9 =	vld [tilespmem:s17+$0x10]  }
0x254: {  	v10 =	vld [tilespmem:s17+$0x30]  }
0x255: {  	v11 =	vld [tilespmem:s17+$0x0]  }
0x256: {  	v12 =	vld [tilespmem:s17+$0x4E50]  }
0x257: {  	v13 =	vld [tilespmem:s17+$0x4E30]  }
0x258: {  	v15 =	vld [tilespmem:s17+$0x9C40]  }
0x259: {  	v14 =	vld [tilespmem:s17+$0x4E20]  }
0x25a: {  	v16 =	vld [tilespmem:s17+$0x9C70]  }
0x25b: {  	v17 =	vld [tilespmem:s17+$0x9C80];
	v12 =	vsub.f32 v10, v12  }
0x25c: {  	v63 =	vsub.f32 v5, v8;
	v5 =	vadd.s32 v2, v6;
	v8 =	vld [tilespmem:s17+$0x4E60]  }
0x25d: {  	v6 =	vadd.s32 v2, v7;
	v10 =	vadd.s32 v2, v15;
	v7 =	vmul.f32 v12, v12;
	v12 =	vld [tilespmem:s17+$0x40]  }
0x25e: {  	v11 =	vsub.f32 v11, v14  }
0x25f: {  	v14 =	vsub.f32 v9, v13  }
0x260: {  	v9 =	vadd.s32 v2, v16;
	v13 =	vmul.f32 v11, v11  }
0x261: {  	s15 =	simm.s32 $0x50;
	s16 =	simm.s32 $0x280;
	v14 =	vmul.f32 v14, v14;
	v11 =	vadd.s32 v2, v17;
	v15 =	vmul.f32 v63, v63  }
.LBB2_19:
0x262: {  	p2 =	sne.s32 s16, $0x9B00;
	v8 =	vsub.f32 v12, v8;
	[tilespmem:v10+s12+$0x0] =	vst.idx.add.f32.msk $0xffff, v13;
	s17 =	smov.u32 s16;
	s16 =	sadd.s32 $0x140, s16  }
0x263: {  	[tilespmem:v6+s12+$0x0] =	vst.idx.add.f32.msk $0xffff, v14  }
0x264: {  	v6 =	vmul.f32 v8, v8;
	[tilespmem:v5+s12+$0x0] =	vst.idx.add.f32.msk $0xffff, v15  }
0x265: {  	[tilespmem:v9+s12+$0x0] =	vst.idx.add.f32.msk $0xffff, v7  }
0x266: {  	[tilespmem:v11+s12+$0x0] =	vst.idx.add.f32.msk $0xffff, v6  }
0x267: {  	v6 =	vld [tilespmem:s15+$0x20]  }
0x268: {  	v5 =	vld [tilespmem:s15+$0x9C60]  }
0x269: {  	v7 =	vld [tilespmem:s15+$0x9C50]  }
0x26a: {  	v8 =	vld [tilespmem:s15+$0x4E40]  }
0x26b: {  	s17 =	sshra.s32 s17, $0x2;
	v9 =	vld [tilespmem:s15+$0x10]  }
0x26c: {  	v10 =	vld [tilespmem:s15+$0x30]  }
0x26d: {  	v11 =	vld [tilespmem:s15+$0x0];
	v5 =	vadd.s32 v2, v5  }
0x26e: {  	v12 =	vld [tilespmem:s15+$0x4E50]  }
0x26f: {  	v13 =	vld [tilespmem:s15+$0x4E30];
	v15 =	vsub.f32 v6, v8  }
0x270: {  	v14 =	vld [tilespmem:s15+$0x9C40]  }
0x271: {  	v16 =	vld [tilespmem:s15+$0x4E20]  }
0x272: {  	v6 =	vadd.s32 v2, v7;
	v8 =	vld [tilespmem:s15+$0x4E60]  }
0x273: {  	v17 =	vld [tilespmem:s15+$0x9C70];
	v7 =	vsub.f32 v10, v12  }
0x274: {  	v18 =	vld [tilespmem:s15+$0x9C80];
	v19 =	vsub.f32 v9, v13  }
.Ltmp11:
0x275: {  	v12 =	vld [tilespmem:s15+$0x40];
	v10 =	vadd.s32 v2, v14;
	v7 =	vmul.f32 v7, v7;
	s15 =	smov.u32 s17;
	(pc) =	sbr.rel @p2 .LBB2_19-.Ltmp11, $3  }
0x276: {  	v11 =	vsub.f32 v11, v16;
	_ =	sdelay $0x1  }
0x277: {  	v14 =	vmul.f32 v19, v19;
	v9 =	vadd.s32 v2, v17;
	v13 =	vmul.f32 v11, v11  }
0x278: {  	v15 =	vmul.f32 v15, v15;
	v11 =	vadd.s32 v2, v18  }
0x279: {  	_ =	sdelay $0x3  }
0x27a: {  	v8 =	vsub.f32 v12, v8;
	[tilespmem:v10+s12+$0x0] =	vst.idx.add.f32.msk $0xffff, v13  }
0x27b: {  	[tilespmem:v6+s12+$0x0] =	vst.idx.add.f32.msk $0xffff, v14  }
0x27c: {  	v6 =	vmul.f32 v8, v8;
	[tilespmem:v5+s12+$0x0] =	vst.idx.add.f32.msk $0xffff, v15  }
0x27d: {  	[tilespmem:v9+s12+$0x0] =	vst.idx.add.f32.msk $0xffff, v7  }
0x27e: {  	[tilespmem:v11+s12+$0x0] =	vst.idx.add.f32.msk $0xffff, v6  }
0x27f: {  	v5 =	vld [tilespmem:s15+$0x20]  }
0x280: {  	v6 =	vld [tilespmem:s15+$0x9C60]  }
0x281: {  	v7 =	vld [tilespmem:s15+$0x9C50]  }
0x282: {  	v8 =	vld [tilespmem:s15+$0x4E40]  }
0x283: {  	v9 =	vld [tilespmem:s15+$0x10]  }
0x284: {  	v10 =	vld [tilespmem:s15+$0x30]  }
0x285: {  	v11 =	vld [tilespmem:s15+$0x0]  }
0x286: {  	v12 =	vld [tilespmem:s15+$0x4E50]  }
0x287: {  	v13 =	vld [tilespmem:s15+$0x4E30]  }
0x288: {  	v14 =	vld [tilespmem:s15+$0x9C40]  }
0x289: {  	v15 =	vld [tilespmem:s15+$0x4E20]  }
0x28a: {  	v16 =	vld [tilespmem:s15+$0x4E60]  }
0x28b: {  	v17 =	vld [tilespmem:s15+$0x9C70]  }
0x28c: {  	v18 =	vld [tilespmem:s15+$0x9C80]  }
0x28d: {  	v19 =	vld [tilespmem:s15+$0x40];
	v14 =	vadd.s32 v2, v14  }
0x28e: {  	v11 =	vsub.f32 v11, v15;
	v7 =	vadd.s32 v2, v7  }
0x28f: {  	v9 =	vsub.f32 v9, v13;
	v6 =	vadd.s32 v2, v6  }
0x290: {  	v5 =	vsub.f32 v5, v8;
	v8 =	vadd.s32 v2, v17;
	v11 =	vmul.f32 v11, v11  }
0x291: {  	v10 =	vsub.f32 v10, v12;
	v12 =	vadd.s32 v2, v18;
	v9 =	vmul.f32 v9, v9  }
0x292: {  	v13 =	vsub.f32 v19, v16;
	v5 =	vmul.f32 v5, v5;
	[tilespmem:v14+s12+$0x0] =	vst.idx.add.f32.msk $0xffff, v11  }
0x293: {  	v10 =	vmul.f32 v10, v10;
	[tilespmem:v7+s12+$0x0] =	vst.idx.add.f32.msk $0xffff, v9  }
0x294: {  	v7 =	vmul.f32 v13, v13;
	[tilespmem:v6+s12+$0x0] =	vst.idx.add.f32.msk $0xffff, v5  }
0x295: {  	[tilespmem:v8+s12+$0x0] =	vst.idx.add.f32.msk $0xffff, v10  }
0x296: {  	s19 =	simm.s32 $0x0;
	s16 =	rddreg [dreg:$0x16];
	[tilespmem:v12+s12+$0x0] =	vst.idx.add.f32.msk $0xffff, v7  }
0x297: {  	[tilespmem:s19], [sflag:$0x1] =	stream.linear.gather [hbm4b:s16+s19], $0x2710, $0x38;
	[tilespmem:$0x1DF90] =	vst v63  }
0x298: {  	s20 =	rddreg [dreg:$0x17]  }
0x299: {  	[tilespmem:s3], [sflag:$0x1] =	stream.linear.gather [hbm4b:s20+s19], $0x2710, $0x38;
	[tilespmem:$0x1DF90] =	vst v63  }
0x29a: {  	s21 =	rddreg [dreg:$0x18]  }
0x29b: {  	[tilespmem:s4], [sflag:$0x1] =	stream.linear.gather [hbm4b:s21+s19], $0x2710, $0x38;
	[tilespmem:$0x1DF90] =	vst v63  }
0x29c: {  	_ =	swait.ge [sflag:s13], $0x2710  }
0x29d: {  	[sflag:s13] =	ssyncset.done $0x0  }
0x29e: {  	[sflag:s13] =	ssyncadd.s32 $0xFFFFD8F0  }
0x29f: {  	_ =	swait.ge [sflag:s13], $0x2710  }
0x2a0: {  	[sflag:s13] =	ssyncset.done $0x0  }
0x2a1: {  	[sflag:s13] =	ssyncadd.s32 $0xFFFFD8F0  }
0x2a2: {  	_ =	swait.ge [sflag:s13], $0x2710  }
0x2a3: {  	[sflag:s13] =	ssyncset.done $0x0  }
0x2a4: {  	s17 =	simm.s32 $0x0;
	[sflag:s13] =	ssyncadd.s32 $0xFFFFD8F0  }
0x2a5: {  	v5 =	vld [tilespmem:s17+$0x2730]  }
0x2a6: {  	v6 =	vld [tilespmem:s17+$0xC370]  }
0x2a7: {  	v7 =	vld [tilespmem:s17+$0xC360]  }
0x2a8: {  	v8 =	vld [tilespmem:s17+$0x7550]  }
0x2a9: {  	v9 =	vld [tilespmem:s17+$0x2720]  }
0x2aa: {  	v10 =	vld [tilespmem:s17+$0x2740]  }
0x2ab: {  	v11 =	vld [tilespmem:s17+$0x2710]  }
0x2ac: {  	v12 =	vld [tilespmem:s17+$0x7560]  }
0x2ad: {  	v13 =	vld [tilespmem:s17+$0x7540]  }
0x2ae: {  	v15 =	vld [tilespmem:s17+$0xC350]  }
0x2af: {  	v14 =	vld [tilespmem:s17+$0x7530]  }
0x2b0: {  	v16 =	vld [tilespmem:s17+$0xC380]  }
0x2b1: {  	v17 =	vld [tilespmem:s17+$0xC390];
	v12 =	vsub.f32 v10, v12  }
0x2b2: {  	v63 =	vsub.f32 v5, v8;
	v5 =	vadd.s32 v2, v6;
	v8 =	vld [tilespmem:s17+$0x7570]  }
0x2b3: {  	v6 =	vadd.s32 v2, v7;
	v10 =	vadd.s32 v2, v15;
	v7 =	vmul.f32 v12, v12;
	v12 =	vld [tilespmem:s17+$0x2750]  }
0x2b4: {  	v11 =	vsub.f32 v11, v14  }
0x2b5: {  	v14 =	vsub.f32 v9, v13  }
0x2b6: {  	v9 =	vadd.s32 v2, v16;
	v13 =	vmul.f32 v11, v11  }
0x2b7: {  	s15 =	simm.s32 $0x50;
	s16 =	simm.s32 $0x280;
	v14 =	vmul.f32 v14, v14;
	v11 =	vadd.s32 v2, v17;
	v15 =	vmul.f32 v63, v63  }
.LBB2_21:
0x2b8: {  	p2 =	sne.s32 s16, $0x9B00;
	v8 =	vsub.f32 v12, v8;
	[tilespmem:v10+s12+$0x0] =	vst.idx.add.f32.msk $0xffff, v13;
	s17 =	smov.u32 s16;
	s16 =	sadd.s32 $0x140, s16  }
0x2b9: {  	[tilespmem:v6+s12+$0x0] =	vst.idx.add.f32.msk $0xffff, v14  }
0x2ba: {  	v6 =	vmul.f32 v8, v8;
	[tilespmem:v5+s12+$0x0] =	vst.idx.add.f32.msk $0xffff, v15  }
0x2bb: {  	[tilespmem:v9+s12+$0x0] =	vst.idx.add.f32.msk $0xffff, v7  }
0x2bc: {  	[tilespmem:v11+s12+$0x0] =	vst.idx.add.f32.msk $0xffff, v6  }
0x2bd: {  	v6 =	vld [tilespmem:s15+$0x2730]  }
0x2be: {  	v5 =	vld [tilespmem:s15+$0xC370]  }
0x2bf: {  	v7 =	vld [tilespmem:s15+$0xC360]  }
0x2c0: {  	v8 =	vld [tilespmem:s15+$0x7550]  }
0x2c1: {  	s17 =	sshra.s32 s17, $0x2;
	v9 =	vld [tilespmem:s15+$0x2720]  }
0x2c2: {  	v10 =	vld [tilespmem:s15+$0x2740]  }
0x2c3: {  	v11 =	vld [tilespmem:s15+$0x2710];
	v5 =	vadd.s32 v2, v5  }
0x2c4: {  	v12 =	vld [tilespmem:s15+$0x7560]  }
0x2c5: {  	v13 =	vld [tilespmem:s15+$0x7540];
	v15 =	vsub.f32 v6, v8  }
0x2c6: {  	v14 =	vld [tilespmem:s15+$0xC350]  }
0x2c7: {  	v16 =	vld [tilespmem:s15+$0x7530]  }
0x2c8: {  	v6 =	vadd.s32 v2, v7;
	v8 =	vld [tilespmem:s15+$0x7570]  }
0x2c9: {  	v17 =	vld [tilespmem:s15+$0xC380];
	v7 =	vsub.f32 v10, v12  }
0x2ca: {  	v18 =	vld [tilespmem:s15+$0xC390];
	v19 =	vsub.f32 v9, v13  }
.Ltmp12:
0x2cb: {  	v12 =	vld [tilespmem:s15+$0x2750];
	v10 =	vadd.s32 v2, v14;
	v7 =	vmul.f32 v7, v7;
	s15 =	smov.u32 s17;
	(pc) =	sbr.rel @p2 .LBB2_21-.Ltmp12, $3  }
0x2cc: {  	v11 =	vsub.f32 v11, v16;
	_ =	sdelay $0x1  }
0x2cd: {  	v14 =	vmul.f32 v19, v19;
	v9 =	vadd.s32 v2, v17;
	v13 =	vmul.f32 v11, v11  }
0x2ce: {  	v15 =	vmul.f32 v15, v15;
	v11 =	vadd.s32 v2, v18  }
0x2cf: {  	_ =	sdelay $0x3  }
0x2d0: {  	v8 =	vsub.f32 v12, v8;
	[tilespmem:v10+s12+$0x0] =	vst.idx.add.f32.msk $0xffff, v13  }
0x2d1: {  	[tilespmem:v6+s12+$0x0] =	vst.idx.add.f32.msk $0xffff, v14  }
0x2d2: {  	v6 =	vmul.f32 v8, v8;
	[tilespmem:v5+s12+$0x0] =	vst.idx.add.f32.msk $0xffff, v15  }
0x2d3: {  	[tilespmem:v9+s12+$0x0] =	vst.idx.add.f32.msk $0xffff, v7  }
0x2d4: {  	[tilespmem:v11+s12+$0x0] =	vst.idx.add.f32.msk $0xffff, v6  }
0x2d5: {  	v5 =	vld [tilespmem:s15+$0x2730]  }
0x2d6: {  	v6 =	vld [tilespmem:s15+$0xC370]  }
0x2d7: {  	v7 =	vld [tilespmem:s15+$0xC360]  }
0x2d8: {  	v8 =	vld [tilespmem:s15+$0x7550]  }
0x2d9: {  	v9 =	vld [tilespmem:s15+$0x2720]  }
0x2da: {  	v10 =	vld [tilespmem:s15+$0x2740]  }
0x2db: {  	v11 =	vld [tilespmem:s15+$0x2710]  }
0x2dc: {  	v12 =	vld [tilespmem:s15+$0x7560]  }
0x2dd: {  	v13 =	vld [tilespmem:s15+$0x7540]  }
0x2de: {  	v14 =	vld [tilespmem:s15+$0xC350]  }
0x2df: {  	v15 =	vld [tilespmem:s15+$0x7530]  }
0x2e0: {  	v16 =	vld [tilespmem:s15+$0x7570]  }
0x2e1: {  	v17 =	vld [tilespmem:s15+$0xC380]  }
0x2e2: {  	v18 =	vld [tilespmem:s15+$0xC390]  }
0x2e3: {  	v19 =	vld [tilespmem:s15+$0x2750];
	v14 =	vadd.s32 v2, v14  }
0x2e4: {  	v11 =	vsub.f32 v11, v15;
	v7 =	vadd.s32 v2, v7  }
0x2e5: {  	v9 =	vsub.f32 v9, v13;
	v6 =	vadd.s32 v2, v6  }
0x2e6: {  	v5 =	vsub.f32 v5, v8;
	v8 =	vadd.s32 v2, v17;
	v11 =	vmul.f32 v11, v11  }
0x2e7: {  	v10 =	vsub.f32 v10, v12;
	v12 =	vadd.s32 v2, v18;
	v9 =	vmul.f32 v9, v9  }
0x2e8: {  	v13 =	vsub.f32 v19, v16;
	v5 =	vmul.f32 v5, v5;
	[tilespmem:v14+s12+$0x0] =	vst.idx.add.f32.msk $0xffff, v11  }
0x2e9: {  	v10 =	vmul.f32 v10, v10;
	[tilespmem:v7+s12+$0x0] =	vst.idx.add.f32.msk $0xffff, v9  }
0x2ea: {  	v7 =	vmul.f32 v13, v13;
	[tilespmem:v6+s12+$0x0] =	vst.idx.add.f32.msk $0xffff, v5  }
0x2eb: {  	[tilespmem:v8+s12+$0x0] =	vst.idx.add.f32.msk $0xffff, v10  }
0x2ec: {  	s19 =	simm.s32 $0x0;
	s16 =	rddreg [dreg:$0x19];
	[tilespmem:v12+s12+$0x0] =	vst.idx.add.f32.msk $0xffff, v7  }
0x2ed: {  	[tilespmem:s8], [sflag:$0x2] =	stream.linear.gather [hbm4b:s16+s19], $0x2710, $0x38;
	[tilespmem:$0x1DF90] =	vst v63  }
0x2ee: {  	s20 =	rddreg [dreg:$0x1a]  }
0x2ef: {  	[tilespmem:s9], [sflag:$0x2] =	stream.linear.gather [hbm4b:s20+s19], $0x2710, $0x38;
	[tilespmem:$0x1DF90] =	vst v63  }
0x2f0: {  	s21 =	rddreg [dreg:$0x1b]  }
0x2f1: {  	[tilespmem:s10], [sflag:$0x2] =	stream.linear.gather [hbm4b:s21+s19], $0x2710, $0x38;
	[tilespmem:$0x1DF90] =	vst v63  }
0x2f2: {  	_ =	swait.ge [sflag:s11], $0x2710  }
0x2f3: {  	[sflag:s11] =	ssyncset.done $0x0  }
0x2f4: {  	[sflag:s11] =	ssyncadd.s32 $0xFFFFD8F0  }
0x2f5: {  	_ =	swait.ge [sflag:s11], $0x2710  }
0x2f6: {  	[sflag:s11] =	ssyncset.done $0x0  }
0x2f7: {  	[sflag:s11] =	ssyncadd.s32 $0xFFFFD8F0  }
0x2f8: {  	_ =	swait.ge [sflag:s11], $0x2710  }
0x2f9: {  	[sflag:s11] =	ssyncset.done $0x0  }
0x2fa: {  	s17 =	simm.s32 $0x0;
	[sflag:s11] =	ssyncadd.s32 $0xFFFFD8F0  }
0x2fb: {  	v5 =	vld [tilespmem:s17+$0x20]  }
0x2fc: {  	v6 =	vld [tilespmem:s17+$0x9C60]  }
0x2fd: {  	v7 =	vld [tilespmem:s17+$0x9C50]  }
0x2fe: {  	v8 =	vld [tilespmem:s17+$0x4E40]  }
0x2ff: {  	v9 =	vld [tilespmem:s17+$0x10]  }
0x300: {  	v10 =	vld [tilespmem:s17+$0x30]  }
0x301: {  	v11 =	vld [tilespmem:s17+$0x0]  }
0x302: {  	v12 =	vld [tilespmem:s17+$0x4E50]  }
0x303: {  	v13 =	vld [tilespmem:s17+$0x4E30]  }
0x304: {  	v15 =	vld [tilespmem:s17+$0x9C40]  }
0x305: {  	v14 =	vld [tilespmem:s17+$0x4E20]  }
0x306: {  	v16 =	vld [tilespmem:s17+$0x9C70]  }
0x307: {  	v17 =	vld [tilespmem:s17+$0x9C80];
	v12 =	vsub.f32 v10, v12  }
0x308: {  	v63 =	vsub.f32 v5, v8;
	v5 =	vadd.s32 v2, v6;
	v8 =	vld [tilespmem:s17+$0x4E60]  }
0x309: {  	v6 =	vadd.s32 v2, v7;
	v10 =	vadd.s32 v2, v15;
	v7 =	vmul.f32 v12, v12;
	v12 =	vld [tilespmem:s17+$0x40]  }
0x30a: {  	v11 =	vsub.f32 v11, v14  }
0x30b: {  	v14 =	vsub.f32 v9, v13  }
0x30c: {  	v9 =	vadd.s32 v2, v16;
	v13 =	vmul.f32 v11, v11  }
0x30d: {  	s15 =	simm.s32 $0x50;
	s16 =	simm.s32 $0x280;
	v14 =	vmul.f32 v14, v14;
	v11 =	vadd.s32 v2, v17;
	v15 =	vmul.f32 v63, v63  }
.LBB2_23:
0x30e: {  	p2 =	sne.s32 s16, $0x9B00;
	v8 =	vsub.f32 v12, v8;
	[tilespmem:v10+s12+$0x0] =	vst.idx.add.f32.msk $0xffff, v13;
	s17 =	smov.u32 s16;
	s16 =	sadd.s32 $0x140, s16  }
0x30f: {  	[tilespmem:v6+s12+$0x0] =	vst.idx.add.f32.msk $0xffff, v14  }
0x310: {  	v6 =	vmul.f32 v8, v8;
	[tilespmem:v5+s12+$0x0] =	vst.idx.add.f32.msk $0xffff, v15  }
0x311: {  	[tilespmem:v9+s12+$0x0] =	vst.idx.add.f32.msk $0xffff, v7  }
0x312: {  	[tilespmem:v11+s12+$0x0] =	vst.idx.add.f32.msk $0xffff, v6  }
0x313: {  	v6 =	vld [tilespmem:s15+$0x20]  }
0x314: {  	v5 =	vld [tilespmem:s15+$0x9C60]  }
0x315: {  	v7 =	vld [tilespmem:s15+$0x9C50]  }
0x316: {  	v8 =	vld [tilespmem:s15+$0x4E40]  }
0x317: {  	s17 =	sshra.s32 s17, $0x2;
	v9 =	vld [tilespmem:s15+$0x10]  }
0x318: {  	v10 =	vld [tilespmem:s15+$0x30]  }
0x319: {  	v11 =	vld [tilespmem:s15+$0x0];
	v5 =	vadd.s32 v2, v5  }
0x31a: {  	v12 =	vld [tilespmem:s15+$0x4E50]  }
0x31b: {  	v13 =	vld [tilespmem:s15+$0x4E30];
	v15 =	vsub.f32 v6, v8  }
0x31c: {  	v14 =	vld [tilespmem:s15+$0x9C40]  }
0x31d: {  	v16 =	vld [tilespmem:s15+$0x4E20]  }
0x31e: {  	v6 =	vadd.s32 v2, v7;
	v8 =	vld [tilespmem:s15+$0x4E60]  }
0x31f: {  	v17 =	vld [tilespmem:s15+$0x9C70];
	v7 =	vsub.f32 v10, v12  }
0x320: {  	v18 =	vld [tilespmem:s15+$0x9C80];
	v19 =	vsub.f32 v9, v13  }
.Ltmp13:
0x321: {  	v12 =	vld [tilespmem:s15+$0x40];
	v10 =	vadd.s32 v2, v14;
	v7 =	vmul.f32 v7, v7;
	s15 =	smov.u32 s17;
	(pc) =	sbr.rel @p2 .LBB2_23-.Ltmp13, $3  }
0x322: {  	v11 =	vsub.f32 v11, v16;
	_ =	sdelay $0x1  }
0x323: {  	v14 =	vmul.f32 v19, v19;
	v9 =	vadd.s32 v2, v17;
	v13 =	vmul.f32 v11, v11  }
0x324: {  	v15 =	vmul.f32 v15, v15;
	v11 =	vadd.s32 v2, v18  }
0x325: {  	_ =	sdelay $0x3  }
0x326: {  	v8 =	vsub.f32 v12, v8;
	[tilespmem:v10+s12+$0x0] =	vst.idx.add.f32.msk $0xffff, v13  }
0x327: {  	[tilespmem:v6+s12+$0x0] =	vst.idx.add.f32.msk $0xffff, v14  }
0x328: {  	v6 =	vmul.f32 v8, v8;
	[tilespmem:v5+s12+$0x0] =	vst.idx.add.f32.msk $0xffff, v15  }
0x329: {  	[tilespmem:v9+s12+$0x0] =	vst.idx.add.f32.msk $0xffff, v7  }
0x32a: {  	[tilespmem:v11+s12+$0x0] =	vst.idx.add.f32.msk $0xffff, v6  }
0x32b: {  	v5 =	vld [tilespmem:s15+$0x20]  }
0x32c: {  	v6 =	vld [tilespmem:s15+$0x9C60]  }
0x32d: {  	v7 =	vld [tilespmem:s15+$0x9C50]  }
0x32e: {  	v8 =	vld [tilespmem:s15+$0x4E40]  }
0x32f: {  	v9 =	vld [tilespmem:s15+$0x10]  }
0x330: {  	v10 =	vld [tilespmem:s15+$0x30]  }
0x331: {  	v11 =	vld [tilespmem:s15+$0x0]  }
0x332: {  	v12 =	vld [tilespmem:s15+$0x4E50]  }
0x333: {  	v13 =	vld [tilespmem:s15+$0x4E30]  }
0x334: {  	v14 =	vld [tilespmem:s15+$0x9C40]  }
0x335: {  	v15 =	vld [tilespmem:s15+$0x4E20]  }
0x336: {  	v16 =	vld [tilespmem:s15+$0x4E60]  }
0x337: {  	v17 =	vld [tilespmem:s15+$0x9C70]  }
0x338: {  	v18 =	vld [tilespmem:s15+$0x9C80]  }
0x339: {  	v19 =	vld [tilespmem:s15+$0x40];
	v14 =	vadd.s32 v2, v14  }
0x33a: {  	v11 =	vsub.f32 v11, v15;
	v7 =	vadd.s32 v2, v7  }
0x33b: {  	v9 =	vsub.f32 v9, v13;
	v6 =	vadd.s32 v2, v6  }
0x33c: {  	v5 =	vsub.f32 v5, v8;
	v8 =	vadd.s32 v2, v17;
	v11 =	vmul.f32 v11, v11  }
0x33d: {  	v10 =	vsub.f32 v10, v12;
	v12 =	vadd.s32 v2, v18;
	v9 =	vmul.f32 v9, v9  }
0x33e: {  	v13 =	vsub.f32 v19, v16;
	v5 =	vmul.f32 v5, v5;
	[tilespmem:v14+s12+$0x0] =	vst.idx.add.f32.msk $0xffff, v11  }
0x33f: {  	v10 =	vmul.f32 v10, v10;
	[tilespmem:v7+s12+$0x0] =	vst.idx.add.f32.msk $0xffff, v9  }
0x340: {  	v7 =	vmul.f32 v13, v13;
	[tilespmem:v6+s12+$0x0] =	vst.idx.add.f32.msk $0xffff, v5  }
0x341: {  	[tilespmem:v8+s12+$0x0] =	vst.idx.add.f32.msk $0xffff, v10  }
0x342: {  	s21 =	simm.s32 $0x0;
	[tilespmem:v12+s12+$0x0] =	vst.idx.add.f32.msk $0xffff, v7  }
0x343: {  	[tilespmem:s21], [sflag:$0x1] =	stream.linear.gather [hbm4b:s25+s21], $0x2710, $0x38;
	[tilespmem:$0x1DF90] =	vst v63  }
0x344: {  	_ = 	snop  }
0x345: {  	[tilespmem:s3], [sflag:$0x1] =	stream.linear.gather [hbm4b:s26+s21], $0x2710, $0x38;
	[tilespmem:$0x1DF90] =	vst v63  }
0x346: {  	_ = 	snop  }
0x347: {  	[tilespmem:s4], [sflag:$0x1] =	stream.linear.gather [hbm4b:s28+s21], $0x2710, $0x38;
	[tilespmem:$0x1DF90] =	vst v63  }
0x348: {  	_ =	swait.ge [sflag:s13], $0x2710  }
0x349: {  	[sflag:s13] =	ssyncset.done $0x0  }
0x34a: {  	[sflag:s13] =	ssyncadd.s32 $0xFFFFD8F0  }
0x34b: {  	_ =	swait.ge [sflag:s13], $0x2710  }
0x34c: {  	[sflag:s13] =	ssyncset.done $0x0  }
0x34d: {  	[sflag:s13] =	ssyncadd.s32 $0xFFFFD8F0  }
0x34e: {  	_ =	swait.ge [sflag:s13], $0x2710  }
0x34f: {  	[sflag:s13] =	ssyncset.done $0x0  }
0x350: {  	s17 =	simm.s32 $0x0;
	[sflag:s13] =	ssyncadd.s32 $0xFFFFD8F0  }
0x351: {  	v5 =	vld [tilespmem:s17+$0x2730]  }
0x352: {  	v6 =	vld [tilespmem:s17+$0xC370]  }
0x353: {  	v7 =	vld [tilespmem:s17+$0xC360]  }
0x354: {  	v8 =	vld [tilespmem:s17+$0x7550]  }
0x355: {  	v9 =	vld [tilespmem:s17+$0x2720]  }
0x356: {  	v10 =	vld [tilespmem:s17+$0x2740]  }
0x357: {  	v11 =	vld [tilespmem:s17+$0x2710]  }
0x358: {  	v12 =	vld [tilespmem:s17+$0x7560]  }
0x359: {  	v13 =	vld [tilespmem:s17+$0x7540]  }
0x35a: {  	v15 =	vld [tilespmem:s17+$0xC350]  }
0x35b: {  	v14 =	vld [tilespmem:s17+$0x7530]  }
0x35c: {  	v16 =	vld [tilespmem:s17+$0xC380]  }
0x35d: {  	v17 =	vld [tilespmem:s17+$0xC390];
	v12 =	vsub.f32 v10, v12  }
0x35e: {  	v63 =	vsub.f32 v5, v8;
	v5 =	vadd.s32 v2, v6;
	v8 =	vld [tilespmem:s17+$0x7570]  }
0x35f: {  	v6 =	vadd.s32 v2, v7;
	v10 =	vadd.s32 v2, v15;
	v7 =	vmul.f32 v12, v12;
	v12 =	vld [tilespmem:s17+$0x2750]  }
0x360: {  	v11 =	vsub.f32 v11, v14  }
0x361: {  	v14 =	vsub.f32 v9, v13  }
0x362: {  	v9 =	vadd.s32 v2, v16;
	v13 =	vmul.f32 v11, v11  }
0x363: {  	s16 =	simm.s32 $0x280;
	s15 =	simm.s32 $0x50;
	v14 =	vmul.f32 v14, v14;
	v11 =	vadd.s32 v2, v17;
	v15 =	vmul.f32 v63, v63  }
.LBB2_25:
0x364: {  	p2 =	sne.s32 s16, $0x9B00;
	v8 =	vsub.f32 v12, v8;
	[tilespmem:v10+s12+$0x0] =	vst.idx.add.f32.msk $0xffff, v13;
	s17 =	smov.u32 s16;
	s16 =	sadd.s32 $0x140, s16  }
0x365: {  	[tilespmem:v6+s12+$0x0] =	vst.idx.add.f32.msk $0xffff, v14  }
0x366: {  	v6 =	vmul.f32 v8, v8;
	[tilespmem:v5+s12+$0x0] =	vst.idx.add.f32.msk $0xffff, v15  }
0x367: {  	[tilespmem:v9+s12+$0x0] =	vst.idx.add.f32.msk $0xffff, v7  }
0x368: {  	[tilespmem:v11+s12+$0x0] =	vst.idx.add.f32.msk $0xffff, v6  }
0x369: {  	v6 =	vld [tilespmem:s15+$0x2730]  }
0x36a: {  	v5 =	vld [tilespmem:s15+$0xC370]  }
0x36b: {  	v7 =	vld [tilespmem:s15+$0xC360]  }
0x36c: {  	v8 =	vld [tilespmem:s15+$0x7550]  }
0x36d: {  	s17 =	sshra.s32 s17, $0x2;
	v9 =	vld [tilespmem:s15+$0x2720]  }
0x36e: {  	v10 =	vld [tilespmem:s15+$0x2740]  }
0x36f: {  	v11 =	vld [tilespmem:s15+$0x2710];
	v5 =	vadd.s32 v2, v5  }
0x370: {  	v12 =	vld [tilespmem:s15+$0x7560]  }
0x371: {  	v13 =	vld [tilespmem:s15+$0x7540];
	v15 =	vsub.f32 v6, v8  }
0x372: {  	v14 =	vld [tilespmem:s15+$0xC350]  }
0x373: {  	v16 =	vld [tilespmem:s15+$0x7530]  }
0x374: {  	v6 =	vadd.s32 v2, v7;
	v8 =	vld [tilespmem:s15+$0x7570]  }
0x375: {  	v17 =	vld [tilespmem:s15+$0xC380];
	v7 =	vsub.f32 v10, v12  }
0x376: {  	v18 =	vld [tilespmem:s15+$0xC390];
	v19 =	vsub.f32 v9, v13  }
.Ltmp14:
0x377: {  	v12 =	vld [tilespmem:s15+$0x2750];
	v10 =	vadd.s32 v2, v14;
	v7 =	vmul.f32 v7, v7;
	s15 =	smov.u32 s17;
	(pc) =	sbr.rel @p2 .LBB2_25-.Ltmp14, $3  }
0x378: {  	v11 =	vsub.f32 v11, v16;
	_ =	sdelay $0x1  }
0x379: {  	v14 =	vmul.f32 v19, v19;
	v9 =	vadd.s32 v2, v17;
	v13 =	vmul.f32 v11, v11  }
0x37a: {  	v15 =	vmul.f32 v15, v15;
	v11 =	vadd.s32 v2, v18  }
0x37b: {  	_ =	sdelay $0x3  }
0x37c: {  	v8 =	vsub.f32 v12, v8;
	[tilespmem:v10+s12+$0x0] =	vst.idx.add.f32.msk $0xffff, v13  }
0x37d: {  	[tilespmem:v6+s12+$0x0] =	vst.idx.add.f32.msk $0xffff, v14  }
0x37e: {  	v6 =	vmul.f32 v8, v8;
	[tilespmem:v5+s12+$0x0] =	vst.idx.add.f32.msk $0xffff, v15  }
0x37f: {  	[tilespmem:v9+s12+$0x0] =	vst.idx.add.f32.msk $0xffff, v7  }
0x380: {  	[tilespmem:v11+s12+$0x0] =	vst.idx.add.f32.msk $0xffff, v6  }
0x381: {  	v5 =	vld [tilespmem:s15+$0x2730]  }
0x382: {  	v6 =	vld [tilespmem:s15+$0xC370]  }
0x383: {  	v7 =	vld [tilespmem:s15+$0xC360]  }
0x384: {  	v8 =	vld [tilespmem:s15+$0x7550]  }
0x385: {  	v9 =	vld [tilespmem:s15+$0x2720]  }
0x386: {  	v10 =	vld [tilespmem:s15+$0x2740]  }
0x387: {  	v11 =	vld [tilespmem:s15+$0x2710]  }
0x388: {  	v12 =	vld [tilespmem:s15+$0x7560]  }
0x389: {  	v13 =	vld [tilespmem:s15+$0x7540]  }
0x38a: {  	v14 =	vld [tilespmem:s15+$0xC350]  }
0x38b: {  	v15 =	vld [tilespmem:s15+$0x7530]  }
0x38c: {  	v16 =	vld [tilespmem:s15+$0x7570]  }
0x38d: {  	v17 =	vld [tilespmem:s15+$0xC380]  }
0x38e: {  	v18 =	vld [tilespmem:s15+$0xC390]  }
0x38f: {  	v19 =	vld [tilespmem:s15+$0x2750];
	v14 =	vadd.s32 v2, v14  }
0x390: {  	v11 =	vsub.f32 v11, v15;
	v7 =	vadd.s32 v2, v7  }
0x391: {  	v9 =	vsub.f32 v9, v13;
	v6 =	vadd.s32 v2, v6  }
0x392: {  	v5 =	vsub.f32 v5, v8;
	v8 =	vadd.s32 v2, v17;
	v11 =	vmul.f32 v11, v11  }
0x393: {  	v10 =	vsub.f32 v10, v12;
	v12 =	vadd.s32 v2, v18;
	v9 =	vmul.f32 v9, v9  }
0x394: {  	v13 =	vsub.f32 v19, v16;
	v5 =	vmul.f32 v5, v5;
	[tilespmem:v14+s12+$0x0] =	vst.idx.add.f32.msk $0xffff, v11  }
0x395: {  	v10 =	vmul.f32 v10, v10;
	[tilespmem:v7+s12+$0x0] =	vst.idx.add.f32.msk $0xffff, v9  }
0x396: {  	v7 =	vmul.f32 v13, v13;
	[tilespmem:v6+s12+$0x0] =	vst.idx.add.f32.msk $0xffff, v5  }
0x397: {  	[tilespmem:v8+s12+$0x0] =	vst.idx.add.f32.msk $0xffff, v10  }
0x398: {  	s21 =	simm.s32 $0x0;
	[tilespmem:v12+s12+$0x0] =	vst.idx.add.f32.msk $0xffff, v7  }
0x399: {  	[tilespmem:s8], [sflag:$0x2] =	stream.linear.gather [hbm4b:s29+s21], $0x2710, $0x38;
	[tilespmem:$0x1DF90] =	vst v63  }
0x39a: {  	_ = 	snop  }
0x39b: {  	[tilespmem:s9], [sflag:$0x2] =	stream.linear.gather [hbm4b:s30+s21], $0x2710, $0x38;
	[tilespmem:$0x1DF90] =	vst v63  }
0x39c: {  	_ = 	snop  }
0x39d: {  	[tilespmem:s10], [sflag:$0x2] =	stream.linear.gather [hbm4b:s31+s21], $0x2710, $0x38;
	[tilespmem:$0x1DF90] =	vst v63  }
0x39e: {  	_ =	swait.ge [sflag:s11], $0x2710  }
0x39f: {  	[sflag:s11] =	ssyncset.done $0x0  }
0x3a0: {  	[sflag:s11] =	ssyncadd.s32 $0xFFFFD8F0  }
0x3a1: {  	_ =	swait.ge [sflag:s11], $0x2710  }
0x3a2: {  	[sflag:s11] =	ssyncset.done $0x0  }
0x3a3: {  	[sflag:s11] =	ssyncadd.s32 $0xFFFFD8F0  }
0x3a4: {  	_ =	swait.ge [sflag:s11], $0x2710  }
0x3a5: {  	[sflag:s11] =	ssyncset.done $0x0  }
0x3a6: {  	s17 =	simm.s32 $0x0;
	[sflag:s11] =	ssyncadd.s32 $0xFFFFD8F0  }
0x3a7: {  	v5 =	vld [tilespmem:s17+$0x20]  }
0x3a8: {  	v6 =	vld [tilespmem:s17+$0x9C60]  }
0x3a9: {  	v7 =	vld [tilespmem:s17+$0x9C50]  }
0x3aa: {  	v8 =	vld [tilespmem:s17+$0x4E40]  }
0x3ab: {  	v9 =	vld [tilespmem:s17+$0x10]  }
0x3ac: {  	v10 =	vld [tilespmem:s17+$0x30]  }
0x3ad: {  	v11 =	vld [tilespmem:s17+$0x0]  }
0x3ae: {  	v12 =	vld [tilespmem:s17+$0x4E50]  }
0x3af: {  	v13 =	vld [tilespmem:s17+$0x4E30]  }
0x3b0: {  	v15 =	vld [tilespmem:s17+$0x9C40]  }
0x3b1: {  	v14 =	vld [tilespmem:s17+$0x4E20]  }
0x3b2: {  	v16 =	vld [tilespmem:s17+$0x9C70]  }
0x3b3: {  	v17 =	vld [tilespmem:s17+$0x9C80];
	v12 =	vsub.f32 v10, v12  }
0x3b4: {  	v63 =	vsub.f32 v5, v8;
	v5 =	vadd.s32 v2, v6;
	v8 =	vld [tilespmem:s17+$0x4E60]  }
0x3b5: {  	v6 =	vadd.s32 v2, v7;
	v10 =	vadd.s32 v2, v15;
	v7 =	vmul.f32 v12, v12;
	v12 =	vld [tilespmem:s17+$0x40]  }
0x3b6: {  	v11 =	vsub.f32 v11, v14  }
0x3b7: {  	v14 =	vsub.f32 v9, v13  }
0x3b8: {  	v9 =	vadd.s32 v2, v16;
	v13 =	vmul.f32 v11, v11  }
0x3b9: {  	s16 =	simm.s32 $0x280;
	s15 =	simm.s32 $0x50;
	v14 =	vmul.f32 v14, v14;
	v11 =	vadd.s32 v2, v17;
	v15 =	vmul.f32 v63, v63  }
.LBB2_27:
0x3ba: {  	p2 =	sne.s32 s16, $0x9B00;
	v8 =	vsub.f32 v12, v8;
	[tilespmem:v10+s12+$0x0] =	vst.idx.add.f32.msk $0xffff, v13;
	s17 =	smov.u32 s16;
	s16 =	sadd.s32 $0x140, s16  }
0x3bb: {  	[tilespmem:v6+s12+$0x0] =	vst.idx.add.f32.msk $0xffff, v14  }
0x3bc: {  	v6 =	vmul.f32 v8, v8;
	[tilespmem:v5+s12+$0x0] =	vst.idx.add.f32.msk $0xffff, v15  }
0x3bd: {  	[tilespmem:v9+s12+$0x0] =	vst.idx.add.f32.msk $0xffff, v7  }
0x3be: {  	[tilespmem:v11+s12+$0x0] =	vst.idx.add.f32.msk $0xffff, v6  }
0x3bf: {  	v6 =	vld [tilespmem:s15+$0x20]  }
0x3c0: {  	v5 =	vld [tilespmem:s15+$0x9C60]  }
0x3c1: {  	v7 =	vld [tilespmem:s15+$0x9C50]  }
0x3c2: {  	v8 =	vld [tilespmem:s15+$0x4E40]  }
0x3c3: {  	s17 =	sshra.s32 s17, $0x2;
	v9 =	vld [tilespmem:s15+$0x10]  }
0x3c4: {  	v10 =	vld [tilespmem:s15+$0x30]  }
0x3c5: {  	v11 =	vld [tilespmem:s15+$0x0];
	v5 =	vadd.s32 v2, v5  }
0x3c6: {  	v12 =	vld [tilespmem:s15+$0x4E50]  }
0x3c7: {  	v13 =	vld [tilespmem:s15+$0x4E30];
	v15 =	vsub.f32 v6, v8  }
0x3c8: {  	v14 =	vld [tilespmem:s15+$0x9C40]  }
0x3c9: {  	v16 =	vld [tilespmem:s15+$0x4E20]  }
0x3ca: {  	v6 =	vadd.s32 v2, v7;
	v8 =	vld [tilespmem:s15+$0x4E60]  }
0x3cb: {  	v17 =	vld [tilespmem:s15+$0x9C70];
	v7 =	vsub.f32 v10, v12  }
0x3cc: {  	v18 =	vld [tilespmem:s15+$0x9C80];
	v19 =	vsub.f32 v9, v13  }
.Ltmp15:
0x3cd: {  	v12 =	vld [tilespmem:s15+$0x40];
	v10 =	vadd.s32 v2, v14;
	v7 =	vmul.f32 v7, v7;
	s15 =	smov.u32 s17;
	(pc) =	sbr.rel @p2 .LBB2_27-.Ltmp15, $3  }
0x3ce: {  	v11 =	vsub.f32 v11, v16;
	_ =	sdelay $0x1  }
0x3cf: {  	v14 =	vmul.f32 v19, v19;
	v9 =	vadd.s32 v2, v17;
	v13 =	vmul.f32 v11, v11  }
0x3d0: {  	v15 =	vmul.f32 v15, v15;
	v11 =	vadd.s32 v2, v18  }
0x3d1: {  	_ =	sdelay $0x3  }
0x3d2: {  	v8 =	vsub.f32 v12, v8;
	[tilespmem:v10+s12+$0x0] =	vst.idx.add.f32.msk $0xffff, v13  }
0x3d3: {  	[tilespmem:v6+s12+$0x0] =	vst.idx.add.f32.msk $0xffff, v14  }
0x3d4: {  	v6 =	vmul.f32 v8, v8;
	[tilespmem:v5+s12+$0x0] =	vst.idx.add.f32.msk $0xffff, v15  }
0x3d5: {  	[tilespmem:v9+s12+$0x0] =	vst.idx.add.f32.msk $0xffff, v7  }
0x3d6: {  	[tilespmem:v11+s12+$0x0] =	vst.idx.add.f32.msk $0xffff, v6  }
0x3d7: {  	v5 =	vld [tilespmem:s15+$0x20]  }
0x3d8: {  	v6 =	vld [tilespmem:s15+$0x9C60]  }
0x3d9: {  	v7 =	vld [tilespmem:s15+$0x9C50]  }
0x3da: {  	v59 =	vld [tilespmem:s15+$0x4E40]  }
0x3db: {  	v9 =	vld [tilespmem:s15+$0x10]  }
0x3dc: {  	v10 =	vld [tilespmem:s15+$0x30]  }
0x3dd: {  	v11 =	vld [tilespmem:s15+$0x0]  }
0x3de: {  	v60 =	vld [tilespmem:s15+$0x4E50]  }
0x3df: {  	v13 =	vld [tilespmem:s15+$0x4E30]  }
0x3e0: {  	v14 =	vld [tilespmem:s15+$0x9C40]  }
0x3e1: {  	v15 =	vld [tilespmem:s15+$0x4E20]  }
0x3e2: {  	v16 =	vld [tilespmem:s15+$0x4E60]  }
0x3e3: {  	v17 =	vld [tilespmem:s15+$0x9C70]  }
0x3e4: {  	v18 =	vld [tilespmem:s15+$0x9C80]  }
0x3e5: {  	v19 =	vld [tilespmem:s15+$0x40];
	v14 =	vadd.s32 v2, v14  }
0x3e6: {  	v11 =	vsub.f32 v11, v15;
	v7 =	vadd.s32 v2, v7  }
0x3e7: {  	v9 =	vsub.f32 v9, v13;
	v6 =	vadd.s32 v2, v6  }
0x3e8: {  	v5 =	vsub.f32 v5, v59;
	v61 =	vadd.s32 v2, v17;
	v11 =	vmul.f32 v11, v11  }
0x3e9: {  	v10 =	vsub.f32 v10, v60;
	v62 =	vadd.s32 v2, v18;
	v9 =	vmul.f32 v9, v9  }
0x3ea: {  	v63 =	vsub.f32 v19, v16;
	v5 =	vmul.f32 v5, v5;
	[tilespmem:v14+s12+$0x0] =	vst.idx.add.f32.msk $0xffff, v11  }
0x3eb: {  	v10 =	vmul.f32 v10, v10;
	[tilespmem:v7+s12+$0x0] =	vst.idx.add.f32.msk $0xffff, v9  }
0x3ec: {  	v7 =	vmul.f32 v63, v63;
	[tilespmem:v6+s12+$0x0] =	vst.idx.add.f32.msk $0xffff, v5  }
0x3ed: {  	[tilespmem:v61+s12+$0x0] =	vst.idx.add.f32.msk $0xffff, v10  }
0x3ee: {  	[tilespmem:v62+s12+$0x0] =	vst.idx.add.f32.msk $0xffff, v7  }
0x3ef: {  	_ =	swait.ge [sflag:s13], $0x2710  }
0x3f0: {  	[sflag:s13] =	ssyncset.done $0x0  }
0x3f1: {  	[sflag:s13] =	ssyncadd.s32 $0xFFFFD8F0  }
0x3f2: {  	_ =	swait.ge [sflag:s13], $0x2710  }
0x3f3: {  	[sflag:s13] =	ssyncset.done $0x0  }
0x3f4: {  	[sflag:s13] =	ssyncadd.s32 $0xFFFFD8F0  }
0x3f5: {  	_ =	swait.ge [sflag:s13], $0x2710  }
0x3f6: {  	[sflag:s13] =	ssyncset.done $0x0  }
0x3f7: {  	s16 =	simm.s32 $0x0;
	s15 =	simm.s32 $0x0;
	[sflag:s13] =	ssyncadd.s32 $0xFFFFD8F0  }
.LBB2_29:
0x3f8: {  	s17 =	sshra.s32 s16, $0x2  }
0x3f9: {  	v5 =	vld [tilespmem:s17+$0x2710]  }
0x3fa: {  	v6 =	vld [tilespmem:s17+$0x2720]  }
0x3fb: {  	v7 =	vld [tilespmem:s17+$0x2730]  }
0x3fc: {  	v8 =	vld [tilespmem:s17+$0x2740]  }
0x3fd: {  	v9 =	vld [tilespmem:s17+$0x2750]  }
0x3fe: {  	v10 =	vld [tilespmem:s17+$0x7530]  }
0x3ff: {  	v11 =	vld [tilespmem:s17+$0x7540]  }
0x400: {  	v12 =	vld [tilespmem:s17+$0x7550]  }
0x401: {  	v13 =	vld [tilespmem:s17+$0x7560]  }
0x402: {  	v14 =	vld [tilespmem:s17+$0xC350]  }
0x403: {  	v15 =	vld [tilespmem:s17+$0xC360]  }
0x404: {  	v16 =	vld [tilespmem:s17+$0xC370]  }
0x405: {  	v17 =	vld [tilespmem:s17+$0xC380]  }
0x406: {  	v18 =	vld [tilespmem:s17+$0xC390]  }
0x407: {  	v19 =	vld [tilespmem:s17+$0x7570];
	v14 =	vadd.s32 v2, v14  }
0x408: {  	v15 =	vadd.s32 v2, v15;
	v5 =	vsub.f32 v5, v10  }
0x409: {  	v61 =	vadd.s32 v2, v16;
	v6 =	vsub.f32 v6, v11  }
0x40a: {  	v62 =	vadd.s32 v2, v17;
	v7 =	vsub.f32 v7, v12;
	v5 =	vmul.f32 v5, v5  }
0x40b: {  	p2 =	sne.s32 s16, $0x9B00;
	v63 =	vadd.s32 v2, v18;
	v8 =	vsub.f32 v8, v13;
	v6 =	vmul.f32 v6, v6  }
.Ltmp16:
0x40c: {  	v9 =	vsub.f32 v9, v19;
	v7 =	vmul.f32 v7, v7;
	[tilespmem:v14+s12+$0x0] =	vst.idx.add.f32.msk $0xffff, v5;
	(pc) =	sbr.rel @p2 .LBB2_29-.Ltmp16, $4  }
0x40d: {  	v5 =	vmul.f32 v8, v8;
	[tilespmem:v15+s12+$0x0] =	vst.idx.add.f32.msk $0xffff, v6  }
0x40e: {  	v6 =	vmul.f32 v9, v9;
	[tilespmem:v61+s12+$0x0] =	vst.idx.add.f32.msk $0xffff, v7  }
0x40f: {  	[tilespmem:v62+s12+$0x0] =	vst.idx.add.f32.msk $0xffff, v5  }
0x410: {  	s16 =	sadd.s32 $0x140, s16;
	[tilespmem:v63+s12+$0x0] =	vst.idx.add.f32.msk $0xffff, v6  }
0x411: {  	v20 =	vor.u32 s15, v1;
	_ =	sdelay $0x1  }
0x412: {  	s16 =	simm.s32 $0x168F  }
0x413: {  	s17 =	simm.s32 $0x150E;
	v6 =	vadd.s32 s16, v1  }
0x414: {  	s18 =	simm.s32 $0x138D;
	v7 =	vadd.s32 s17, v1  }
0x415: {  	s19 =	simm.s32 $0x120C;
	v8 =	vadd.s32 s18, v1;
	v27 =	vld.idx.msk [tilespmem:v20+s12+$0x0], $0xffff  }
0x416: {  	s20 =	simm.s32 $0x108B;
	v9 =	vadd.s32 s19, v1;
	v29 =	vld.idx.msk [tilespmem:v20+s6+$0x0], $0xffff  }
0x417: {  	v10 =	vadd.s32 s20, v1;
	v20 =	vld.idx.msk [tilespmem:v20+s7+$0x0], $0xffff  }
0x418: {  	s18 =	simm.s32 $0xF0A;
	v5 =	vld.idx.msk [tilespmem:v6+s12+$0x0], $0xffff  }
0x419: {  	s19 =	simm.s32 $0xD89;
	v12 =	vadd.s32 s18, v1;
	v15 =	vld.idx.msk [tilespmem:v7+s12+$0x0], $0xffff  }
0x41a: {  	s21 =	simm.s32 $0xC08;
	s20 =	simm.s32 $0xA87;
	v13 =	vadd.s32 s19, v1;
	v14 =	vld.idx.msk [tilespmem:v8+s12+$0x0], $0xffff  }
0x41b: {  	v11 =	vadd.s32 s21, v1;
	s21 =	simm.s32 $0x906;
	v16 =	vadd.s32 s20, v1;
	v17 =	vld.idx.msk [tilespmem:v9+s12+$0x0], $0xffff  }
0x41c: {  	s17 =	simm.s32 $0x181;
	v18 =	vadd.s32 s21, v1;
	v19 =	vld.idx.msk [tilespmem:v10+s12+$0x0], $0xffff  }
0x41d: {  	v23 =	vadd.s32 s17, v1;
	v62 =	vld.idx.msk [tilespmem:v10+s6+$0x0], $0xffff  }
0x41e: {  	v21 =	vld.idx.msk [tilespmem:v12+s12+$0x0], $0xffff  }
0x41f: {  	v22 =	vld.idx.msk [tilespmem:v13+s12+$0x0], $0xffff  }
0x420: {  	s18 =	simm.s32 $0x302;
	v25 =	vld.idx.msk [tilespmem:v16+s12+$0x0], $0xffff  }
0x421: {  	v28 =	vadd.s32 s18, v1;
	v26 =	vld.idx.msk [tilespmem:v18+s12+$0x0], $0xffff  }
0x422: {  	s19 =	simm.s32 $0x483;
	v30 =	vld.idx.msk [tilespmem:v23+s7+$0x0], $0xffff  }
0x423: {  	s20 =	simm.s32 $0x604;
	v32 =	vadd.s32 s19, v1;
	v31 =	vld.idx.msk [tilespmem:v23+s6+$0x0], $0xffff  }
0x424: {  	v33 =	vadd.s32 s20, v1;
	v23 =	vld.idx.msk [tilespmem:v23+s12+$0x0], $0xffff  }
0x425: {  	s21 =	simm.s32 $0x785;
	v52 =	vld.idx.msk [tilespmem:v18+s6+$0x0], $0xffff  }
0x426: {  	v35 =	vadd.s32 s21, v1;
	v34 =	vld.idx.msk [tilespmem:v28+s12+$0x0], $0xffff  }
0x427: {  	v36 =	vld.idx.msk [tilespmem:v28+s7+$0x0], $0xffff  }
0x428: {  	v37 =	vld.idx.msk [tilespmem:v32+s12+$0x0], $0xffff;
	v27 =	vadd.f32 $0.0e+00, v27  }
0x429: {  	v38 =	vld.idx.msk [tilespmem:v33+s12+$0x0], $0xffff  }
0x42a: {  	v28 =	vld.idx.msk [tilespmem:v28+s6+$0x0], $0xffff;
	v23 =	vadd.f32 v23, v27  }
0x42b: {  	v47 =	vld.idx.msk [tilespmem:v35+s12+$0x0], $0xffff;
	v29 =	vadd.f32 $0.0e+00, v29  }
0x42c: {  	v39 =	vld.idx.msk [tilespmem:v32+s6+$0x0], $0xffff;
	v20 =	vadd.f32 $0.0e+00, v20;
	v23 =	vadd.f32 v34, v23  }
0x42d: {  	v11 =	vand.u32 $0xFF8, v11;
	v32 =	vld.idx.msk [tilespmem:v32+s7+$0x0], $0xffff;
	v29 =	vadd.f32 v31, v29  }
0x42e: {  	v11 =	vor.u32 v4, v11;
	v48 =	vld.idx.msk [tilespmem:v33+s6+$0x0], $0xffff;
	v20 =	vadd.f32 v30, v20;
	v23 =	vadd.f32 v37, v23  }
0x42f: {  	v49 =	vld.idx.msk [tilespmem:v33+s7+$0x0], $0xffff;
	v28 =	vadd.f32 v28, v29  }
0x430: {  	v50 =	vld.idx.msk [tilespmem:v35+s6+$0x0], $0xffff;
	v20 =	vadd.f32 v36, v20;
	v23 =	vadd.f32 v38, v23  }
0x431: {  	v51 =	vld.idx.msk [tilespmem:v35+s7+$0x0], $0xffff;
	v28 =	vadd.f32 v39, v28  }
0x432: {  	v18 =	vld.idx.msk [tilespmem:v18+s7+$0x0], $0xffff;
	v20 =	vadd.f32 v32, v20;
	v23 =	vadd.f32 v47, v23  }
0x433: {  	v24 =	vld.idx.msk [tilespmem:v11+s12+$0x0], $0xffff;
	v53 =	vadd.f32 v48, v28  }
0x434: {  	v54 =	vld.idx.msk [tilespmem:v16+s6+$0x0], $0xffff;
	v20 =	vadd.f32 v49, v20;
	v23 =	vadd.f32 v26, v23  }
0x435: {  	v16 =	vld.idx.msk [tilespmem:v16+s7+$0x0], $0xffff;
	v55 =	vadd.f32 v50, v53  }
0x436: {  	v56 =	vld.idx.msk [tilespmem:v11+s6+$0x0], $0xffff;
	v20 =	vadd.f32 v51, v20;
	v23 =	vadd.f32 v25, v23  }
0x437: {  	v11 =	vld.idx.msk [tilespmem:v11+s7+$0x0], $0xffff;
	v57 =	vadd.f32 v52, v55  }
0x438: {  	v58 =	vld.idx.msk [tilespmem:v13+s6+$0x0], $0xffff;
	v18 =	vadd.f32 v18, v20;
	v23 =	vadd.f32 v24, v23  }
0x439: {  	v13 =	vld.idx.msk [tilespmem:v13+s7+$0x0], $0xffff;
	v59 =	vadd.f32 v54, v57  }
0x43a: {  	v60 =	vld.idx.msk [tilespmem:v12+s6+$0x0], $0xffff;
	v16 =	vadd.f32 v16, v18;
	v22 =	vadd.f32 v22, v23  }
0x43b: {  	v12 =	vld.idx.msk [tilespmem:v12+s7+$0x0], $0xffff;
	v61 =	vadd.f32 v56, v59  }
0x43c: {  	v63 =	vld.idx.msk [tilespmem:v9+s6+$0x0], $0xffff;
	v11 =	vadd.f32 v11, v16;
	v21 =	vadd.f32 v21, v22  }
0x43d: {  	v16 =	vld.idx.msk [tilespmem:v10+s7+$0x0], $0xffff;
	v10 =	vadd.f32 v58, v61  }
0x43e: {  	v11 =	vadd.f32 v13, v11;
	v13 =	vld.idx.msk [tilespmem:v9+s7+$0x0], $0xffff;
	v19 =	vadd.f32 v19, v21  }
0x43f: {  	v9 =	vadd.f32 v60, v10;
	v10 =	vld.idx.msk [tilespmem:v8+s6+$0x0], $0xffff  }
0x440: {  	v12 =	vadd.f32 v12, v11;
	v8 =	vld.idx.msk [tilespmem:v8+s7+$0x0], $0xffff;
	v17 =	vadd.f32 v17, v19  }
0x441: {  	v11 =	vld.idx.msk [tilespmem:v7+s6+$0x0], $0xffff;
	v9 =	vadd.f32 v62, v9  }
0x442: {  	v7 =	vld.idx.msk [tilespmem:v7+s7+$0x0], $0xffff;
	v16 =	vadd.f32 v16, v12;
	v17 =	vadd.f32 v14, v17  }
0x443: {  	v12 =	vld.idx.msk [tilespmem:v6+s6+$0x0], $0xffff;
	v14 =	vadd.f32 v63, v9  }
0x444: {  	s15 =	simm.s32 $0x18B90;
	s16 =	simm.s32 $0x18B90;
	s17 =	simm.s32 $0x10;
	v9 =	vadd.f32 v15, v17;
	v15 =	vadd.f32 v13, v16;
	v13 =	vld.idx.msk [tilespmem:v6+s7+$0x0], $0xffff  }
.LBB2_31:
0x445: {  	p2 =	sne.s32 s17, $0x170  }
0x446: {  	v6 =	vadd.f32 v10, v14;
	s16 =	sadd.s32 $0x10, s16;
	s18 =	smov.u32 s17;
	s17 =	sadd.s32 $0x10, s17  }
0x447: {  	v8 =	vadd.f32 v8, v15  }
0x448: {  	v10 =	vadd.f32 v11, v6  }
0x449: {  	s19 =	sadd.s32 $0x168F, s18;
	v8 =	vadd.f32 v7, v8  }
0x44a: {  	s20 =	sadd.s32 $0x150E, s18;
	v6 =	vadd.s32 s19, v1;
	v10 =	vadd.f32 v12, v10  }
0x44b: {  	v5 =	vadd.f32 v5, v9;
	s19 =	sadd.s32 $0x138D, s18;
	v7 =	vadd.s32 s20, v1;
	v11 =	vadd.f32 v13, v8  }
0x44c: {  	s20 =	sadd.s32 $0x120C, s18;
	v8 =	vadd.s32 s19, v1;
	[tilespmem:s15+$0xFFFFFE80] =	vst v10  }
0x44d: {  	s19 =	sadd.s32 $0x108B, s18;
	v10 =	vadd.s32 s20, v1;
	[tilespmem:s15+$0x0] =	vst v11  }
0x44e: {  	s21 =	sadd.s32 $0xF0A, s18;
	s20 =	sadd.s32 $0xC08, s18;
	v12 =	vadd.s32 s19, v1;
	[tilespmem:s15+$0x180] =	vst v5;
	s15 =	smov.u32 s16  }
0x44f: {  	v13 =	vadd.s32 s21, v1;
	s19 =	sadd.s32 $0xD89, s18;
	v9 =	vadd.s32 s20, v1;
	v5 =	vld.idx.msk [tilespmem:v6+s12+$0x0], $0xffff  }
0x450: {  	v14 =	vadd.s32 s19, v1;
	v11 =	vand.u32 $0xFF8, v9;
	v9 =	vld.idx.msk [tilespmem:v7+s12+$0x0], $0xffff  }
0x451: {  	s19 =	sadd.s32 $0xA87, s18;
	v15 =	vor.u32 v4, v11;
	v11 =	vld.idx.msk [tilespmem:v8+s12+$0x0], $0xffff  }
0x452: {  	s20 =	sadd.s32 $0x906, s18;
	v16 =	vadd.s32 s19, v1;
	v17 =	vld.idx.msk [tilespmem:v10+s12+$0x0], $0xffff  }
0x453: {  	v18 =	vadd.s32 s20, v1;
	v19 =	vld.idx.msk [tilespmem:v12+s12+$0x0], $0xffff  }
0x454: {  	v20 =	vor.u32 s18, v1;
	v21 =	vld.idx.msk [tilespmem:v13+s12+$0x0], $0xffff  }
0x455: {  	s19 =	sadd.s32 $0x181, s18;
	v22 =	vld.idx.msk [tilespmem:v14+s12+$0x0], $0xffff  }
0x456: {  	v23 =	vadd.s32 s19, v1;
	v24 =	vld.idx.msk [tilespmem:v15+s12+$0x0], $0xffff  }
0x457: {  	v25 =	vld.idx.msk [tilespmem:v16+s12+$0x0], $0xffff  }
0x458: {  	s19 =	sadd.s32 $0x302, s18;
	v26 =	vld.idx.msk [tilespmem:v18+s12+$0x0], $0xffff  }
0x459: {  	v28 =	vadd.s32 s19, v1;
	v27 =	vld.idx.msk [tilespmem:v20+s12+$0x0], $0xffff  }
0x45a: {  	v29 =	vld.idx.msk [tilespmem:v20+s6+$0x0], $0xffff  }
0x45b: {  	s19 =	sadd.s32 $0x483, s18;
	v30 =	vld.idx.msk [tilespmem:v23+s7+$0x0], $0xffff  }
0x45c: {  	v32 =	vadd.s32 s19, v1;
	s19 =	sadd.s32 $0x604, s18;
	v31 =	vld.idx.msk [tilespmem:v23+s6+$0x0], $0xffff  }
0x45d: {  	v33 =	vadd.s32 s19, v1;
	v23 =	vld.idx.msk [tilespmem:v23+s12+$0x0], $0xffff  }
0x45e: {  	s18 =	sadd.s32 $0x785, s18;
	v34 =	vld.idx.msk [tilespmem:v28+s12+$0x0], $0xffff  }
0x45f: {  	v35 =	vadd.s32 s18, v1;
	v27 =	vadd.f32 $0.0e+00, v27;
	v20 =	vld.idx.msk [tilespmem:v20+s7+$0x0], $0xffff  }
0x460: {  	v29 =	vadd.f32 $0.0e+00, v29;
	v36 =	vld.idx.msk [tilespmem:v28+s7+$0x0], $0xffff  }
0x461: {  	v37 =	vld.idx.msk [tilespmem:v32+s12+$0x0], $0xffff  }
0x462: {  	v29 =	vadd.f32 v31, v29;
	v31 =	vld.idx.msk [tilespmem:v33+s12+$0x0], $0xffff  }
0x463: {  	v23 =	vadd.f32 v23, v27;
	v27 =	vld.idx.msk [tilespmem:v28+s6+$0x0], $0xffff  }
0x464: {  	v28 =	vld.idx.msk [tilespmem:v35+s12+$0x0], $0xffff  }
0x465: {  	v20 =	vadd.f32 $0.0e+00, v20;
	v23 =	vadd.f32 v34, v23;
	v34 =	vld.idx.msk [tilespmem:v32+s6+$0x0], $0xffff  }
0x466: {  	v32 =	vld.idx.msk [tilespmem:v32+s7+$0x0], $0xffff  }
0x467: {  	v20 =	vadd.f32 v30, v20;
	v23 =	vadd.f32 v37, v23;
	v30 =	vld.idx.msk [tilespmem:v33+s6+$0x0], $0xffff  }
0x468: {  	v33 =	vld.idx.msk [tilespmem:v33+s7+$0x0], $0xffff  }
0x469: {  	v27 =	vadd.f32 v27, v29;
	v23 =	vadd.f32 v31, v23;
	v29 =	vld.idx.msk [tilespmem:v35+s6+$0x0], $0xffff  }
0x46a: {  	v20 =	vadd.f32 v36, v20;
	v31 =	vld.idx.msk [tilespmem:v35+s7+$0x0], $0xffff  }
0x46b: {  	v27 =	vadd.f32 v34, v27;
	v23 =	vadd.f32 v28, v23;
	v28 =	vld.idx.msk [tilespmem:v18+s6+$0x0], $0xffff  }
0x46c: {  	v20 =	vadd.f32 v32, v20;
	v18 =	vld.idx.msk [tilespmem:v18+s7+$0x0], $0xffff  }
0x46d: {  	v27 =	vadd.f32 v30, v27;
	v23 =	vadd.f32 v26, v23;
	v26 =	vld.idx.msk [tilespmem:v16+s6+$0x0], $0xffff  }
0x46e: {  	v20 =	vadd.f32 v33, v20;
	v16 =	vld.idx.msk [tilespmem:v16+s7+$0x0], $0xffff  }
0x46f: {  	v27 =	vadd.f32 v29, v27;
	v23 =	vadd.f32 v25, v23;
	v25 =	vld.idx.msk [tilespmem:v15+s6+$0x0], $0xffff  }
0x470: {  	v20 =	vadd.f32 v31, v20;
	v15 =	vld.idx.msk [tilespmem:v15+s7+$0x0], $0xffff  }
0x471: {  	v27 =	vadd.f32 v28, v27;
	v23 =	vadd.f32 v24, v23;
	v24 =	vld.idx.msk [tilespmem:v14+s6+$0x0], $0xffff  }
0x472: {  	v18 =	vadd.f32 v18, v20;
	v14 =	vld.idx.msk [tilespmem:v14+s7+$0x0], $0xffff  }
0x473: {  	v20 =	vadd.f32 v26, v27;
	v22 =	vadd.f32 v22, v23;
	v23 =	vld.idx.msk [tilespmem:v13+s6+$0x0], $0xffff  }
0x474: {  	v16 =	vadd.f32 v16, v18;
	v13 =	vld.idx.msk [tilespmem:v13+s7+$0x0], $0xffff  }
0x475: {  	v18 =	vadd.f32 v25, v20;
	v20 =	vadd.f32 v21, v22;
	v21 =	vld.idx.msk [tilespmem:v12+s6+$0x0], $0xffff  }
0x476: {  	v15 =	vadd.f32 v15, v16;
	v12 =	vld.idx.msk [tilespmem:v12+s7+$0x0], $0xffff  }
0x477: {  	v16 =	vadd.f32 v24, v18;
	v18 =	vadd.f32 v19, v20;
	v19 =	vld.idx.msk [tilespmem:v10+s6+$0x0], $0xffff  }
0x478: {  	v14 =	vadd.f32 v14, v15;
	v15 =	vld.idx.msk [tilespmem:v10+s7+$0x0], $0xffff  }
0x479: {  	v16 =	vadd.f32 v23, v16;
	v17 =	vadd.f32 v17, v18;
	v10 =	vld.idx.msk [tilespmem:v8+s6+$0x0], $0xffff  }
.Ltmp17:
0x47a: {  	v13 =	vadd.f32 v13, v14;
	v8 =	vld.idx.msk [tilespmem:v8+s7+$0x0], $0xffff;
	(pc) =	sbr.rel @p2 .LBB2_31-.Ltmp17, $4  }
0x47b: {  	v14 =	vadd.f32 v21, v16;
	v16 =	vadd.f32 v11, v17;
	v11 =	vld.idx.msk [tilespmem:v7+s6+$0x0], $0xffff  }
0x47c: {  	v13 =	vadd.f32 v12, v13;
	v7 =	vld.idx.msk [tilespmem:v7+s7+$0x0], $0xffff  }
0x47d: {  	v14 =	vadd.f32 v19, v14;
	v9 =	vadd.f32 v9, v16;
	v12 =	vld.idx.msk [tilespmem:v6+s6+$0x0], $0xffff  }
0x47e: {  	v15 =	vadd.f32 v15, v13;
	v13 =	vld.idx.msk [tilespmem:v6+s7+$0x0], $0xffff  }
0x47f: {  	v6 =	vadd.f32 v10, v14  }
0x480: {  	v8 =	vadd.f32 v8, v15  }
0x481: {  	v6 =	vadd.f32 v11, v6  }
0x482: {  	v5 =	vadd.f32 v5, v9;
	v7 =	vadd.f32 v7, v8  }
0x483: {  	v6 =	vadd.f32 v12, v6  }
0x484: {  	[tilespmem:s15+$0x180] =	vst v5;
	v7 =	vadd.f32 v13, v7  }
0x485: {  	[tilespmem:s15+$0xFFFFFE80] =	vst v6  }
0x486: {  	s21 =	simm.s32 $0x18A10;
	[tilespmem:s15+$0x0] =	vst v7  }
0x487: {  	[spmem:s1] =	stream.linear.scatter [tilespmem:s21], [sflag:$0x3], $0x480, $0x38;
	[tilespmem:$0x1DF90] =	vst v63  }
.Ltmp18:
0x488: {  	_ =	swait.ge [sflag:s5], $0x480;
	(pc) =	sbr.rel @p1 .LBB2_36-.Ltmp18, $3  }
0x489: {  	[sflag:s5] =	ssyncset.done $0x0  }
0x48a: {  	[sflag:s5] =	ssyncadd.s32 $0xFFFFFB80  }
0x48b: {  	[bflag:$0x0] =	sbarrier.arrive $0xFFFF;
	_ =	sdelay $0x1  }
0x48c: {  	s15 =	rddreg [dreg:$0x5];
	s16 =	simm.s32 $0x18E90  }
0x48d: {  	[tilespmem:s16], [sflag:$0x3] =	stream.linear.gather [spmem:s15], $0x4800, $0x38;
	[tilespmem:$0x1DF90] =	vst v63  }
0x48e: {  	_ =	swait.ge [sflag:s5], $0x4800  }
0x48f: {  	[sflag:s5] =	ssyncset.done $0x0  }
0x490: {  	s16 =	simm.s32 $0x0;
	[sflag:s5] =	ssyncadd.s32 $0xFFFFB800  }
0x491: {  	v5 =	vld [tilespmem:s16+$0x18E90];
	_ =	sdelay $0x1  }
0x492: {  	v6 =	vld [tilespmem:s16+$0x19310];
	_ =	sdelay $0x1  }
0x493: {  	v7 =	vld [tilespmem:s16+$0x19790]  }
0x494: {  	v5 =	vadd.f32 $0.0e+00, v5  }
0x495: {  	v8 =	vld [tilespmem:s16+$0x19C10]  }
0x496: {  	v5 =	vadd.f32 v6, v5  }
0x497: {  	v6 =	vld [tilespmem:s16+$0x1A090]  }
0x498: {  	v5 =	vadd.f32 v7, v5  }
0x499: {  	v7 =	vld [tilespmem:s16+$0x1A510]  }
0x49a: {  	v5 =	vadd.f32 v8, v5  }
0x49b: {  	v8 =	vld [tilespmem:s16+$0x1A990]  }
0x49c: {  	v5 =	vadd.f32 v6, v5  }
0x49d: {  	s15 =	simm.s32 $0x10;
	v6 =	vld [tilespmem:s16+$0x1AE10]  }
0x49e: {  	v9 =	vld [tilespmem:s15+$0x18E90];
	v5 =	vadd.f32 v7, v5  }
0x49f: {  	v7 =	vld [tilespmem:s16+$0x1B290]  }
0x4a0: {  	v10 =	vld [tilespmem:s15+$0x19310];
	v5 =	vadd.f32 v8, v5  }
0x4a1: {  	v8 =	vld [tilespmem:s16+$0x1B710]  }
0x4a2: {  	v11 =	vld [tilespmem:s15+$0x19790];
	v5 =	vadd.f32 v6, v5  }
0x4a3: {  	v6 =	vld [tilespmem:s16+$0x1BB90]  }
0x4a4: {  	v12 =	vld [tilespmem:s15+$0x19C10];
	v9 =	vadd.f32 $0.0e+00, v9;
	v5 =	vadd.f32 v7, v5  }
0x4a5: {  	v7 =	vld [tilespmem:s16+$0x1C010]  }
0x4a6: {  	v13 =	vld [tilespmem:s15+$0x1A090];
	v9 =	vadd.f32 v10, v9;
	v5 =	vadd.f32 v8, v5  }
0x4a7: {  	v10 =	vld [tilespmem:s16+$0x1C490]  }
0x4a8: {  	v14 =	vld [tilespmem:s15+$0x1A510];
	v8 =	vadd.f32 v11, v9;
	v5 =	vadd.f32 v6, v5  }
0x4a9: {  	v11 =	vld [tilespmem:s16+$0x1C910]  }
0x4aa: {  	v6 =	vadd.f32 v12, v8;
	v8 =	vld [tilespmem:s15+$0x1A990];
	v7 =	vadd.f32 v7, v5  }
0x4ab: {  	v5 =	vld [tilespmem:s16+$0x1CD90]  }
0x4ac: {  	v9 =	vld [tilespmem:s15+$0x1AE10];
	v12 =	vadd.f32 v13, v6;
	v63 =	vadd.f32 v10, v7  }
0x4ad: {  	v6 =	vld [tilespmem:s16+$0x1D210]  }
0x4ae: {  	s17 =	simm.s32 $0x20;
	s18 =	simm.s32 $0xC0;
	v10 =	vadd.f32 v14, v12;
	v7 =	vld [tilespmem:s15+$0x1B290];
	v11 =	vadd.f32 v11, v63  }
.LBB2_34:
0x4af: {  	p2 =	sne.s32 s18, $0x11C0;
	v12 =	vld [tilespmem:s17+$0x18E90]  }
0x4b0: {  	v8 =	vadd.f32 v8, v10;
	v5 =	vadd.f32 v5, v11;
	v10 =	vld [tilespmem:s15+$0x1B710]  }
0x4b1: {  	v11 =	vld [tilespmem:s17+$0x19310]  }
0x4b2: {  	v8 =	vadd.f32 v9, v8;
	v5 =	vadd.f32 v6, v5;
	v9 =	vld [tilespmem:s15+$0x1BB90]  }
0x4b3: {  	v6 =	vld [tilespmem:s17+$0x19790]  }
0x4b4: {  	v7 =	vadd.f32 v7, v8;
	v12 =	vadd.f32 $0.0e+00, v12;
	v8 =	vld [tilespmem:s15+$0x1C010];
	[tilespmem:s16+$0x1D690] =	vst v5;
	s16 =	smov.u32 s15;
	s15 =	smov.u32 s17  }
0x4b5: {  	v5 =	vld [tilespmem:s15+$0x19C10]  }
0x4b6: {  	v7 =	vadd.f32 v10, v7;
	v11 =	vadd.f32 v11, v12;
	v10 =	vld [tilespmem:s16+$0x1C490]  }
0x4b7: {  	v12 =	vld [tilespmem:s15+$0x1A090]  }
0x4b8: {  	v7 =	vadd.f32 v9, v7;
	v6 =	vadd.f32 v6, v11;
	v11 =	vld [tilespmem:s16+$0x1C910]  }
0x4b9: {  	v13 =	vld [tilespmem:s15+$0x1A510]  }
.Ltmp19:
0x4ba: {  	v7 =	vadd.f32 v8, v7;
	v6 =	vadd.f32 v5, v6;
	v5 =	vld [tilespmem:s16+$0x1CD90];
	(pc) =	sbr.rel @p2 .LBB2_34-.Ltmp19, $4  }
0x4bb: {  	v8 =	vld [tilespmem:s15+$0x1A990]  }
0x4bc: {  	v14 =	vadd.f32 v10, v7;
	v12 =	vadd.f32 v12, v6;
	v6 =	vld [tilespmem:s16+$0x1D210]  }
0x4bd: {  	v9 =	vld [tilespmem:s15+$0x1AE10]  }
0x4be: {  	s17 =	sshra.s32 s18, $0x2;
	s18 =	sadd.s32 $0x40, s18;
	v11 =	vadd.f32 v11, v14;
	v10 =	vadd.f32 v13, v12;
	v7 =	vld [tilespmem:s15+$0x1B290]  }
.Ltmp20:
0x4bf: {  	_ = 	snop;
	(pc) =	sbr.rel .LBB2_35-.Ltmp20, $1  }
0x4c0: {  	_ =	sdelay $0x3  }
.LBB2_37:
0x4c1: {  	_ =	sfence.sel $0x180000  }
0x4c2: {  	[bflag:$0x0] =	sbarrier.arrive $0xFFFF  }
0x4c3: {  	_ =	strace $0x90000047  }
0x4c4: {  	[bflag:$0x2] =	sbarrier.arrive $0xFFFF  }
0x4c5: {  	s0 =	rddreg [dreg:$0x6]  }
0x4c6: {  	s0 =	sadd.s32 @!p1 $0x100000, s0  }
0x4c7: {  	[sflag:s0] =	ssyncadd.tile.s32 @!p1 $0x1;
	_ =	shalt  }
.Lfunc_end2:
_tile_overlayer_lowered:
.L_overlay_start_2:
0x4c8: {  	(tag) =	ssettag $0x2  }
0x4c9: {  	s0 =	rddreg [dreg:$0x0];
	s2 =	stileid.u32  }
0x4ca: {  	s1 =	rddreg [dreg:$0x1];
	p0 =	sne.s32 s2, $0x0  }
0x4cb: {  	s3 =	rddreg [dreg:$0x2];
	[bflag:$0x3] =	sbarrier.arrive $0xFFFF;
	s2 =	simm.s32 @!p0 $0x1C03  }
0x4cc: {  	[timem:s3], [sflag:s2] =	dma.local @!p0 [hbm:s0], s1  }
0x4cd: {  	s0 =	simm.s32 @!p0 $0x3  }
0x4ce: {  	_ =	swait.ge @!p0 [sflag:s0], s1  }
0x4cf: {  	s1 =	ssub.s32 @!p0 $0x0, s1;
	[sflag:s0] =	ssyncset.done @!p0 $0x0  }
0x4d0: {  	[sflag:s0] =	ssyncadd.s32 @!p0 s1  }
0x4d1: {  	[bflag:$0x3] =	sbarrier.arrive $0xFFFF  }
0x4d2: {  	_ =	shalt  }

</sc_bundles>
